<compile_context>
chip_gen: v7x
topology: tpu7x:2x2x1
jax: 0.10.2.dev20260603
libtpu: 0.0.44.dev20260713+nightly
codegen_flags: <defaults>
</compile_context>

<pallas_src>
import functools

import jax
import jax.numpy as jnp
from jax import lax
from jax.experimental import pallas as pl
from jax.experimental.pallas import tpu as pltpu
from jax.experimental.pallas import tpu_sc as plsc

N_NODES = 10000
N_EDGES = 320000
D_FEAT = 128

NC = 2
NS = 16
NW = NC * NS
EW = N_EDGES // NW

C = 80
NCHUNK = EW // C
NPAIR = NCHUNK // 2


def _dot_kernel(src_idx, dst_idx, xsrc, xdst, out,
                siv, div, ra0, rb0, ra1, rb1, ov0, ov1,
                sem0, sem1, semo0, semo1):
    wid = lax.axis_index("s") * NC + lax.axis_index("c")
    base = wid * EW

    pltpu.sync_copy(src_idx.at[wid], siv)
    pltpu.sync_copy(dst_idx.at[wid], div)

    def fire(chunk, ra, rb, sem):
        pltpu.async_copy(xsrc.at[siv.at[chunk]], ra, sem)
        pltpu.async_copy(xdst.at[div.at[chunk]], rb, sem)

    def drain(ra, rb, sem):
        pltpu.make_async_copy(xsrc.at[siv.at[0]], ra, sem).wait()
        pltpu.make_async_copy(xdst.at[div.at[0]], rb, sem).wait()

    zero16 = jnp.zeros((16,), jnp.float32)

    def compute(ra, rb, ov):
        for k in range(C // 16):
            ov[pl.ds(k * 16, 16)] = zero16

        def group_body(g, gcarry):
            for u in range(16):
                e = g * 16 + u
                acc0 = ra[e, pl.ds(0, 16)] * rb[e, pl.ds(0, 16)]
                acc1 = ra[e, pl.ds(16, 16)] * rb[e, pl.ds(16, 16)]
                acc2 = ra[e, pl.ds(32, 16)] * rb[e, pl.ds(32, 16)]
                acc3 = ra[e, pl.ds(48, 16)] * rb[e, pl.ds(48, 16)]
                acc0 = acc0 + ra[e, pl.ds(64, 16)] * rb[e, pl.ds(64, 16)]
                acc1 = acc1 + ra[e, pl.ds(80, 16)] * rb[e, pl.ds(80, 16)]
                acc2 = acc2 + ra[e, pl.ds(96, 16)] * rb[e, pl.ds(96, 16)]
                acc3 = acc3 + ra[e, pl.ds(112, 16)] * rb[e, pl.ds(112, 16)]
                acc = (acc0 + acc1) + (acc2 + acc3)
                plsc.addupdate_scatter(ov, [jnp.full((16,), e, jnp.int32)],
                                       acc)
            return gcarry

        lax.fori_loop(0, C // 16, group_body, 0)

    def wait_out(ov, semo):
        pltpu.make_async_copy(ov, out.at[pl.ds(base, C)], semo).wait()

    fire(0, ra0, rb0, sem0)
    fire(1, ra1, rb1, sem1)

    def pair_body(p, carry):
        drain(ra0, rb0, sem0)

        @pl.when(p > 0)
        def _():
            wait_out(ov0, semo0)

        compute(ra0, rb0, ov0)
        fire(2 * p + 2, ra0, rb0, sem0)
        pltpu.async_copy(ov0, out.at[pl.ds(base + (2 * p) * C, C)], semo0)

        drain(ra1, rb1, sem1)

        @pl.when(p > 0)
        def _():
            wait_out(ov1, semo1)

        compute(ra1, rb1, ov1)

        @pl.when(p < NPAIR - 1)
        def _():
            fire(2 * p + 3, ra1, rb1, sem1)

        pltpu.async_copy(ov1, out.at[pl.ds(base + (2 * p + 1) * C, C)], semo1)
        return carry

    lax.fori_loop(0, NPAIR, pair_body, 0)

    drain(ra0, rb0, sem0)
    wait_out(ov0, semo0)
    compute(ra0, rb0, ov0)
    pltpu.async_copy(ov0, out.at[pl.ds(base + (NCHUNK - 1) * C, C)], semo0)
    wait_out(ov0, semo0)
    wait_out(ov1, semo1)


_mesh = plsc.VectorSubcoreMesh(core_axis_name="c", subcore_axis_name="s")

_kernel_call = functools.partial(
    pl.kernel,
    mesh=_mesh,
    compiler_params=pltpu.CompilerParams(needs_layout_passes=False),
    out_type=jax.ShapeDtypeStruct((N_EDGES,), jnp.float32),
    scratch_types=[
        pltpu.VMEM((NCHUNK, C), jnp.int32),
        pltpu.VMEM((NCHUNK, C), jnp.int32),
        pltpu.VMEM((C, D_FEAT), jnp.float32),
        pltpu.VMEM((C, D_FEAT), jnp.float32),
        pltpu.VMEM((C, D_FEAT), jnp.float32),
        pltpu.VMEM((C, D_FEAT), jnp.float32),
        pltpu.VMEM((C,), jnp.float32),
        pltpu.VMEM((C,), jnp.float32),
        pltpu.SemaphoreType.DMA,
        pltpu.SemaphoreType.DMA,
        pltpu.SemaphoreType.DMA,
        pltpu.SemaphoreType.DMA,
    ],
)(_dot_kernel)


@jax.jit
def kernel(x_src, x_dst, edge_label_index):
    eli = edge_label_index.astype(jnp.int32)
    src3 = eli[0].reshape(NW, NCHUNK, C)
    dst3 = eli[1].reshape(NW, NCHUNK, C)
    return _kernel_call(src3, dst3, x_src, x_dst)

# --- scband reference (transcript-rebuilt; emitter-appended) ---
"""Pipeline reference for scband-dot-product-edge-decoder-25821343384060 (READ-ONLY COPY).

The authoritative reference and input builder live on the scoring server;
editing this copy changes nothing except your own understanding.
"""

import jax, jax.numpy as jnp
import numpy as np

N_NODES = 10000
N_EDGES = 320000
D_FEAT = 128

def setup_inputs(seed: int = 0) -> dict:
    key = jax.random.key(seed)
    k1, k2, k3 = jax.random.split(key, 3)
    x_src = jax.random.normal(k1, (N_NODES, D_FEAT), dtype=jnp.float32)
    x_dst = jax.random.normal(k2, (N_NODES, D_FEAT), dtype=jnp.float32)
    edge_label_index = jax.random.randint(k3, (2, N_EDGES), 0, N_NODES, dtype=jnp.int64)
    return {"x_src": x_src, "x_dst": x_dst, "edge_label_index": edge_label_index}

def reference(x_src, x_dst, edge_label_index):
    # x_dict[self.rel_src][edge_label_index[0]] -> gather of source node embeddings
    A = jnp.take(x_src, edge_label_index[0], axis=0)
    # x_dict[self.rel_dst][edge_label_index[1]] -> gather of destination node embeddings
    B = jnp.take(x_dst, edge_label_index[1], axis=0)
    # torch.bmm(A.unsqueeze(1), B.unsqueeze(2)).squeeze() == per-edge dot product -> [E]
    out = jnp.sum(A * B, axis=-1)
    return out

if __name__ == "__main__":
    import jax
    _d = setup_inputs()
    print(jax.jit(kernel)(*tuple(_d.values())))

</pallas_src>

<mosaic_0001>
#map = affine_map<(d0, d1) -> (0, 0, 0)>
#map1 = affine_map<(d0, d1) -> (0, 0)>
#map2 = affine_map<(d0, d1) -> (0)>
module attributes {stable_mosaic.version = 14 : i64} {
  func.func @_dot_kernel(%arg0: i32, %arg1: i32, %arg2: memref<32x125x80xi32, #tpu.memory_space<hbm>>, %arg3: memref<32x125x80xi32, #tpu.memory_space<hbm>>, %arg4: memref<10000x128xf32, #tpu.memory_space<hbm>>, %arg5: memref<10000x128xf32, #tpu.memory_space<hbm>>, %arg6: memref<320000xf32, #tpu.memory_space<hbm>>, %arg7: memref<125x80xi32, #tpu.memory_space<vmem>>, %arg8: memref<125x80xi32, #tpu.memory_space<vmem>>, %arg9: memref<80x128xf32, #tpu.memory_space<vmem>>, %arg10: memref<80x128xf32, #tpu.memory_space<vmem>>, %arg11: memref<80x128xf32, #tpu.memory_space<vmem>>, %arg12: memref<80x128xf32, #tpu.memory_space<vmem>>, %arg13: memref<80xf32, #tpu.memory_space<vmem>>, %arg14: memref<80xf32, #tpu.memory_space<vmem>>, %arg15: memref<!tpu.dma_semaphore, #tpu.memory_space<semaphore_mem>>, %arg16: memref<!tpu.dma_semaphore, #tpu.memory_space<semaphore_mem>>, %arg17: memref<!tpu.dma_semaphore, #tpu.memory_space<semaphore_mem>>, %arg18: memref<!tpu.dma_semaphore, #tpu.memory_space<semaphore_mem>>) attributes {dimension_semantics = [#tpu.dimension_semantics<core_parallel>, #tpu.dimension_semantics<subcore_parallel>], iteration_bounds = array<i64: 2, 16>, scalar_prefetch = 0 : i64, scratch_operands = 12 : i64, tpu.core_type = #tpu.core_type<sc_vector_subcore>, window_params = [{transform_indices = #map}, {transform_indices = #map}, {transform_indices = #map1}, {transform_indices = #map1}, {transform_indices = #map2}]} {
    %mul3A = arith.constant 2 : i32
    %mul3A_0 = arith.muli %arg1, %mul3A : i32
    %add3A = arith.addi %mul3A_0, %arg0 : i32
    %mul3A_1 = arith.constant 10000 : i32
    %mul3A_2 = arith.muli %add3A, %mul3A_1 : i32
    "tpu.region"() ({
      %run_scoped3A = tpu.sem_alloc : memref<!tpu.dma_semaphore, #tpu.memory_space<semaphore_mem>>
      %dma_start3A_74 = arith.constant 0 : i32
      %dma_start3A_75 = arith.constant 0 : i32
      %dma_start3A_76 = tpu.memref_slice %arg2[%add3A, %dma_start3A_74, %dma_start3A_75] : memref<32x125x80xi32, #tpu.memory_space<hbm>> -> memref<1x125x80xi32, #tpu.memory_space<hbm>>
      %dma_start3A_77 = tpu.memref_squeeze %dma_start3A_76 : memref<1x125x80xi32, #tpu.memory_space<hbm>> -> memref<125x80xi32, #tpu.memory_space<hbm>>
      %dma_start3A_78 = arith.constant 0 : i32
      %dma_start3A_79 = arith.constant 0 : i32
      %dma_start3A_80 = tpu.memref_slice %arg2[%add3A, %dma_start3A_78, %dma_start3A_79] : memref<32x125x80xi32, #tpu.memory_space<hbm>> -> memref<1x125x80xi32, #tpu.memory_space<hbm>>
      %dma_start3A_81 = tpu.memref_squeeze %dma_start3A_80 : memref<1x125x80xi32, #tpu.memory_space<hbm>> -> memref<125x80xi32, #tpu.memory_space<hbm>>
      tpu.enqueue_dma source(%dma_start3A_81 : memref<125x80xi32, #tpu.memory_space<hbm>>) target(%arg7 : memref<125x80xi32, #tpu.memory_space<vmem>>) target_semaphore(%run_scoped3A : memref<!tpu.dma_semaphore, #tpu.memory_space<semaphore_mem>>)
      %dma_wait3A_82 = arith.constant 0 : i32
      %dma_wait3A_83 = arith.constant 0 : i32
      %dma_wait3A_84 = tpu.memref_slice %arg2[%add3A, %dma_wait3A_82, %dma_wait3A_83] : memref<32x125x80xi32, #tpu.memory_space<hbm>> -> memref<1x125x80xi32, #tpu.memory_space<hbm>>
      %dma_wait3A_85 = tpu.memref_squeeze %dma_wait3A_84 : memref<1x125x80xi32, #tpu.memory_space<hbm>> -> memref<125x80xi32, #tpu.memory_space<hbm>>
      %dma_wait3A_86 = arith.constant 0 : i32
      %dma_wait3A_87 = arith.constant 0 : i32
      %dma_wait3A_88 = tpu.memref_slice %arg2[%add3A, %dma_wait3A_86, %dma_wait3A_87] : memref<32x125x80xi32, #tpu.memory_space<hbm>> -> memref<1x125x80xi32, #tpu.memory_space<hbm>>
      %dma_wait3A_89 = tpu.memref_squeeze %dma_wait3A_88 : memref<1x125x80xi32, #tpu.memory_space<hbm>> -> memref<125x80xi32, #tpu.memory_space<hbm>>
      tpu.wait_dma2 semaphore(%run_scoped3A : memref<!tpu.dma_semaphore, #tpu.memory_space<semaphore_mem>>) src(%dma_wait3A_89 : memref<125x80xi32, #tpu.memory_space<hbm>>) dst(%arg7 : memref<125x80xi32, #tpu.memory_space<vmem>>)
      tpu.yield
    }) : () -> ()
    "tpu.region"() ({
      %run_scoped3A = tpu.sem_alloc : memref<!tpu.dma_semaphore, #tpu.memory_space<semaphore_mem>>
      %dma_start3A_74 = arith.constant 0 : i32
      %dma_start3A_75 = arith.constant 0 : i32
      %dma_start3A_76 = tpu.memref_slice %arg3[%add3A, %dma_start3A_74, %dma_start3A_75] : memref<32x125x80xi32, #tpu.memory_space<hbm>> -> memref<1x125x80xi32, #tpu.memory_space<hbm>>
      %dma_start3A_77 = tpu.memref_squeeze %dma_start3A_76 : memref<1x125x80xi32, #tpu.memory_space<hbm>> -> memref<125x80xi32, #tpu.memory_space<hbm>>
      %dma_start3A_78 = arith.constant 0 : i32
      %dma_start3A_79 = arith.constant 0 : i32
      %dma_start3A_80 = tpu.memref_slice %arg3[%add3A, %dma_start3A_78, %dma_start3A_79] : memref<32x125x80xi32, #tpu.memory_space<hbm>> -> memref<1x125x80xi32, #tpu.memory_space<hbm>>
      %dma_start3A_81 = tpu.memref_squeeze %dma_start3A_80 : memref<1x125x80xi32, #tpu.memory_space<hbm>> -> memref<125x80xi32, #tpu.memory_space<hbm>>
      tpu.enqueue_dma source(%dma_start3A_81 : memref<125x80xi32, #tpu.memory_space<hbm>>) target(%arg8 : memref<125x80xi32, #tpu.memory_space<vmem>>) target_semaphore(%run_scoped3A : memref<!tpu.dma_semaphore, #tpu.memory_space<semaphore_mem>>)
      %dma_wait3A_82 = arith.constant 0 : i32
      %dma_wait3A_83 = arith.constant 0 : i32
      %dma_wait3A_84 = tpu.memref_slice %arg3[%add3A, %dma_wait3A_82, %dma_wait3A_83] : memref<32x125x80xi32, #tpu.memory_space<hbm>> -> memref<1x125x80xi32, #tpu.memory_space<hbm>>
      %dma_wait3A_85 = tpu.memref_squeeze %dma_wait3A_84 : memref<1x125x80xi32, #tpu.memory_space<hbm>> -> memref<125x80xi32, #tpu.memory_space<hbm>>
      %dma_wait3A_86 = arith.constant 0 : i32
      %dma_wait3A_87 = arith.constant 0 : i32
      %dma_wait3A_88 = tpu.memref_slice %arg3[%add3A, %dma_wait3A_86, %dma_wait3A_87] : memref<32x125x80xi32, #tpu.memory_space<hbm>> -> memref<1x125x80xi32, #tpu.memory_space<hbm>>
      %dma_wait3A_89 = tpu.memref_squeeze %dma_wait3A_88 : memref<1x125x80xi32, #tpu.memory_space<hbm>> -> memref<125x80xi32, #tpu.memory_space<hbm>>
      tpu.wait_dma2 semaphore(%run_scoped3A : memref<!tpu.dma_semaphore, #tpu.memory_space<semaphore_mem>>) src(%dma_wait3A_89 : memref<125x80xi32, #tpu.memory_space<hbm>>) dst(%arg8 : memref<125x80xi32, #tpu.memory_space<vmem>>)
      tpu.yield
    }) : () -> ()
    %broadcast_in_dim3A = arith.constant 0.000000e+00 : f32
    %broadcast_in_dim3A_3 = vector.broadcast %broadcast_in_dim3A : f32 to vector<16xf32>
    %dma_start3A = arith.constant 0 : i32
    %dma_start3A_4 = arith.constant 0 : i32
    %dma_start3A_5 = tpu.memref_slice %arg7[%dma_start3A, %dma_start3A_4] : memref<125x80xi32, #tpu.memory_space<vmem>> -> memref<1x80xi32, #tpu.memory_space<vmem>>
    %dma_start3A_6 = tpu.memref_squeeze %dma_start3A_5 : memref<1x80xi32, #tpu.memory_space<vmem>> -> memref<80xi32, #tpu.memory_space<vmem>>
    %dma_start3A_7 = arith.constant 0 : i32
    %dma_start3A_8 = arith.constant 0 : i32
    %dma_start3A_9 = tpu.memref_slice %arg4[%dma_start3A_7, %dma_start3A_8] : memref<10000x128xf32, #tpu.memory_space<hbm>> -> memref<10000x128xf32, #tpu.memory_space<hbm>>
    tpu.enqueue_indirect_dma source(%dma_start3A_9 : memref<10000x128xf32, #tpu.memory_space<hbm>>) target(%arg9 : memref<80x128xf32, #tpu.memory_space<vmem>>) offsets(%dma_start3A_6 : memref<80xi32, #tpu.memory_space<vmem>>) semaphore(%arg15 : memref<!tpu.dma_semaphore, #tpu.memory_space<semaphore_mem>>)
    %dma_start3A_10 = arith.constant 0 : i32
    %dma_start3A_11 = arith.constant 0 : i32
    %dma_start3A_12 = tpu.memref_slice %arg8[%dma_start3A_10, %dma_start3A_11] : memref<125x80xi32, #tpu.memory_space<vmem>> -> memref<1x80xi32, #tpu.memory_space<vmem>>
    %dma_start3A_13 = tpu.memref_squeeze %dma_start3A_12 : memref<1x80xi32, #tpu.memory_space<vmem>> -> memref<80xi32, #tpu.memory_space<vmem>>
    %dma_start3A_14 = arith.constant 0 : i32
    %dma_start3A_15 = arith.constant 0 : i32
    %dma_start3A_16 = tpu.memref_slice %arg5[%dma_start3A_14, %dma_start3A_15] : memref<10000x128xf32, #tpu.memory_space<hbm>> -> memref<10000x128xf32, #tpu.memory_space<hbm>>
    tpu.enqueue_indirect_dma source(%dma_start3A_16 : memref<10000x128xf32, #tpu.memory_space<hbm>>) target(%arg10 : memref<80x128xf32, #tpu.memory_space<vmem>>) offsets(%dma_start3A_13 : memref<80xi32, #tpu.memory_space<vmem>>) semaphore(%arg15 : memref<!tpu.dma_semaphore, #tpu.memory_space<semaphore_mem>>)
    %dma_start3A_17 = arith.constant 1 : i32
    %dma_start3A_18 = arith.constant 0 : i32
    %dma_start3A_19 = tpu.memref_slice %arg7[%dma_start3A_17, %dma_start3A_18] : memref<125x80xi32, #tpu.memory_space<vmem>> -> memref<1x80xi32, #tpu.memory_space<vmem>>
    %dma_start3A_20 = tpu.memref_squeeze %dma_start3A_19 : memref<1x80xi32, #tpu.memory_space<vmem>> -> memref<80xi32, #tpu.memory_space<vmem>>
    %dma_start3A_21 = arith.constant 0 : i32
    %dma_start3A_22 = arith.constant 0 : i32
    %dma_start3A_23 = tpu.memref_slice %arg4[%dma_start3A_21, %dma_start3A_22] : memref<10000x128xf32, #tpu.memory_space<hbm>> -> memref<10000x128xf32, #tpu.memory_space<hbm>>
    tpu.enqueue_indirect_dma source(%dma_start3A_23 : memref<10000x128xf32, #tpu.memory_space<hbm>>) target(%arg11 : memref<80x128xf32, #tpu.memory_space<vmem>>) offsets(%dma_start3A_20 : memref<80xi32, #tpu.memory_space<vmem>>) semaphore(%arg16 : memref<!tpu.dma_semaphore, #tpu.memory_space<semaphore_mem>>)
    %dma_start3A_24 = arith.constant 1 : i32
    %dma_start3A_25 = arith.constant 0 : i32
    %dma_start3A_26 = tpu.memref_slice %arg8[%dma_start3A_24, %dma_start3A_25] : memref<125x80xi32, #tpu.memory_space<vmem>> -> memref<1x80xi32, #tpu.memory_space<vmem>>
    %dma_start3A_27 = tpu.memref_squeeze %dma_start3A_26 : memref<1x80xi32, #tpu.memory_space<vmem>> -> memref<80xi32, #tpu.memory_space<vmem>>
    %dma_start3A_28 = arith.constant 0 : i32
    %dma_start3A_29 = arith.constant 0 : i32
    %dma_start3A_30 = tpu.memref_slice %arg5[%dma_start3A_28, %dma_start3A_29] : memref<10000x128xf32, #tpu.memory_space<hbm>> -> memref<10000x128xf32, #tpu.memory_space<hbm>>
    tpu.enqueue_indirect_dma source(%dma_start3A_30 : memref<10000x128xf32, #tpu.memory_space<hbm>>) target(%arg12 : memref<80x128xf32, #tpu.memory_space<vmem>>) offsets(%dma_start3A_27 : memref<80xi32, #tpu.memory_space<vmem>>) semaphore(%arg16 : memref<!tpu.dma_semaphore, #tpu.memory_space<semaphore_mem>>)
    %scan3A = arith.constant 0 : i32
    %scan3A_31 = arith.constant 0 : i32
    %scan3A_32 = arith.constant 62 : i32
    %scan3A_33 = arith.addi %scan3A_31, %scan3A_32 : i32
    %scan3A_34 = arith.constant 1 : i32
    scf.for %scan3A_74 = %scan3A_31 to %scan3A_33 step %scan3A_34  : i32 {
      %dma_wait3A_75 = arith.constant 0 : i32
      %dma_wait3A_76 = arith.constant 0 : i32
      %dma_wait3A_77 = tpu.memref_slice %arg7[%dma_wait3A_75, %dma_wait3A_76] : memref<125x80xi32, #tpu.memory_space<vmem>> -> memref<1x80xi32, #tpu.memory_space<vmem>>
      %dma_wait3A_78 = tpu.memref_squeeze %dma_wait3A_77 : memref<1x80xi32, #tpu.memory_space<vmem>> -> memref<80xi32, #tpu.memory_space<vmem>>
      %dma_wait3A_79 = arith.constant 0 : i32
      %dma_wait3A_80 = arith.constant 0 : i32
      %dma_wait3A_81 = tpu.memref_slice %arg4[%dma_wait3A_79, %dma_wait3A_80] : memref<10000x128xf32, #tpu.memory_space<hbm>> -> memref<10000x128xf32, #tpu.memory_space<hbm>>
      tpu.wait_indirect_dma semaphore(%arg15 : memref<!tpu.dma_semaphore, #tpu.memory_space<semaphore_mem>>) src(%dma_wait3A_81 : memref<10000x128xf32, #tpu.memory_space<hbm>>) dst(%arg9 : memref<80x128xf32, #tpu.memory_space<vmem>>)
      %dma_wait3A_82 = arith.constant 0 : i32
      %dma_wait3A_83 = arith.constant 0 : i32
      %dma_wait3A_84 = tpu.memref_slice %arg8[%dma_wait3A_82, %dma_wait3A_83] : memref<125x80xi32, #tpu.memory_space<vmem>> -> memref<1x80xi32, #tpu.memory_space<vmem>>
      %dma_wait3A_85 = tpu.memref_squeeze %dma_wait3A_84 : memref<1x80xi32, #tpu.memory_space<vmem>> -> memref<80xi32, #tpu.memory_space<vmem>>
      %dma_wait3A_86 = arith.constant 0 : i32
      %dma_wait3A_87 = arith.constant 0 : i32
      %dma_wait3A_88 = tpu.memref_slice %arg5[%dma_wait3A_86, %dma_wait3A_87] : memref<10000x128xf32, #tpu.memory_space<hbm>> -> memref<10000x128xf32, #tpu.memory_space<hbm>>
      tpu.wait_indirect_dma semaphore(%arg15 : memref<!tpu.dma_semaphore, #tpu.memory_space<semaphore_mem>>) src(%dma_wait3A_88 : memref<10000x128xf32, #tpu.memory_space<hbm>>) dst(%arg10 : memref<80x128xf32, #tpu.memory_space<vmem>>)
      %gt3A = arith.constant 0 : i32
      %gt3A_89 = arith.cmpi sgt, %scan3A_74, %gt3A : i32
      %convert_element_type3A = arith.extui %gt3A_89 : i1 to i32
      %cond3A = arith.constant 0 : i32
      %cond3A_90 = arith.cmpi ne, %convert_element_type3A, %cond3A : i32
      scf.if %cond3A_90 {
        %dma_wait3A_178 = tpu.memref_slice %arg6[%mul3A_2] : memref<320000xf32, #tpu.memory_space<hbm>> -> memref<80xf32, #tpu.memory_space<hbm>>
        %dma_wait3A_179 = tpu.memref_slice %arg6[%mul3A_2] : memref<320000xf32, #tpu.memory_space<hbm>> -> memref<80xf32, #tpu.memory_space<hbm>>
        tpu.wait_dma2 semaphore(%arg17 : memref<!tpu.dma_semaphore, #tpu.memory_space<semaphore_mem>>) src(%arg13 : memref<80xf32, #tpu.memory_space<vmem>>) dst(%dma_wait3A_179 : memref<80xf32, #tpu.memory_space<hbm>>)
      } else {
      }
      %swap3A_91 = arith.constant 0 : index
      %swap3A_92 = tpu.vector_load %arg13[%swap3A_91] {strides = array<i32>} : memref<80xf32, #tpu.memory_space<vmem>>, vector<16xf32>,
      tpu.vector_store %arg13[%swap3A_91], %broadcast_in_dim3A_3 {strides = array<i32>} : memref<80xf32, #tpu.memory_space<vmem>>, vector<16xf32>,
      %swap3A_93 = arith.constant 16 : index
      %swap3A_94 = tpu.vector_load %arg13[%swap3A_93] {strides = array<i32>} : memref<80xf32, #tpu.memory_space<vmem>>, vector<16xf32>,
      tpu.vector_store %arg13[%swap3A_93], %broadcast_in_dim3A_3 {strides = array<i32>} : memref<80xf32, #tpu.memory_space<vmem>>, vector<16xf32>,
      %swap3A_95 = arith.constant 32 : index
      %swap3A_96 = tpu.vector_load %arg13[%swap3A_95] {strides = array<i32>} : memref<80xf32, #tpu.memory_space<vmem>>, vector<16xf32>,
      tpu.vector_store %arg13[%swap3A_95], %broadcast_in_dim3A_3 {strides = array<i32>} : memref<80xf32, #tpu.memory_space<vmem>>, vector<16xf32>,
      %swap3A_97 = arith.constant 48 : index
      %swap3A_98 = tpu.vector_load %arg13[%swap3A_97] {strides = array<i32>} : memref<80xf32, #tpu.memory_space<vmem>>, vector<16xf32>,
      tpu.vector_store %arg13[%swap3A_97], %broadcast_in_dim3A_3 {strides = array<i32>} : memref<80xf32, #tpu.memory_space<vmem>>, vector<16xf32>,
      %swap3A_99 = arith.constant 64 : index
      %swap3A_100 = tpu.vector_load %arg13[%swap3A_99] {strides = array<i32>} : memref<80xf32, #tpu.memory_space<vmem>>, vector<16xf32>,
      tpu.vector_store %arg13[%swap3A_99], %broadcast_in_dim3A_3 {strides = array<i32>} : memref<80xf32, #tpu.memory_space<vmem>>, vector<16xf32>,
      %scan3A_101 = arith.constant 0 : i32
      %scan3A_102 = arith.constant 0 : i32
      %scan3A_103 = arith.constant 5 : i32
      %scan3A_104 = arith.addi %scan3A_102, %scan3A_103 : i32
      %scan3A_105 = arith.constant 1 : i32
      scf.for %scan3A_178 = %scan3A_102 to %scan3A_104 step %scan3A_105  : i32 {
        %mul3A_179 = arith.constant 16 : i32
        %mul3A_180 = arith.muli %scan3A_178, %mul3A_179 : i32
        %add3A_181 = arith.constant 0 : i32
        %add3A_182 = arith.addi %mul3A_180, %add3A_181 : i32
        %get3A = arith.index_cast %add3A_182 : i32 to index
        %get3A_183 = arith.constant 0 : index
        %get3A_184 = tpu.vector_load %arg9[%get3A, %get3A_183] {strides = array<i32>} : memref<80x128xf32, #tpu.memory_space<vmem>>, vector<16xf32>,
        %get3A_185 = arith.index_cast %add3A_182 : i32 to index
        %get3A_186 = arith.constant 0 : index
        %get3A_187 = tpu.vector_load %arg10[%get3A_185, %get3A_186] {strides = array<i32>} : memref<80x128xf32, #tpu.memory_space<vmem>>, vector<16xf32>,
        %mul3A_188 = arith.mulf %get3A_184, %get3A_187 : vector<16xf32>
        %get3A_189 = arith.index_cast %add3A_182 : i32 to index
        %get3A_190 = arith.constant 16 : index
        %get3A_191 = tpu.vector_load %arg9[%get3A_189, %get3A_190] {strides = array<i32>} : memref<80x128xf32, #tpu.memory_space<vmem>>, vector<16xf32>,
        %get3A_192 = arith.index_cast %add3A_182 : i32 to index
        %get3A_193 = arith.constant 16 : index
        %get3A_194 = tpu.vector_load %arg10[%get3A_192, %get3A_193] {strides = array<i32>} : memref<80x128xf32, #tpu.memory_space<vmem>>, vector<16xf32>,
        %mul3A_195 = arith.mulf %get3A_191, %get3A_194 : vector<16xf32>
        %get3A_196 = arith.index_cast %add3A_182 : i32 to index
        %get3A_197 = arith.constant 32 : index
        %get3A_198 = tpu.vector_load %arg9[%get3A_196, %get3A_197] {strides = array<i32>} : memref<80x128xf32, #tpu.memory_space<vmem>>, vector<16xf32>,
        %get3A_199 = arith.index_cast %add3A_182 : i32 to index
        %get3A_200 = arith.constant 32 : index
        %get3A_201 = tpu.vector_load %arg10[%get3A_199, %get3A_200] {strides = array<i32>} : memref<80x128xf32, #tpu.memory_space<vmem>>, vector<16xf32>,
        %mul3A_202 = arith.mulf %get3A_198, %get3A_201 : vector<16xf32>
        %get3A_203 = arith.index_cast %add3A_182 : i32 to index
        %get3A_204 = arith.constant 48 : index
        %get3A_205 = tpu.vector_load %arg9[%get3A_203, %get3A_204] {strides = array<i32>} : memref<80x128xf32, #tpu.memory_space<vmem>>, vector<16xf32>,
        %get3A_206 = arith.index_cast %add3A_182 : i32 to index
        %get3A_207 = arith.constant 48 : index
        %get3A_208 = tpu.vector_load %arg10[%get3A_206, %get3A_207] {strides = array<i32>} : memref<80x128xf32, #tpu.memory_space<vmem>>, vector<16xf32>,
        %mul3A_209 = arith.mulf %get3A_205, %get3A_208 : vector<16xf32>
        %get3A_210 = arith.index_cast %add3A_182 : i32 to index
        %get3A_211 = arith.constant 64 : index
        %get3A_212 = tpu.vector_load %arg9[%get3A_210, %get3A_211] {strides = array<i32>} : memref<80x128xf32, #tpu.memory_space<vmem>>, vector<16xf32>,
        %get3A_213 = arith.index_cast %add3A_182 : i32 to index
        %get3A_214 = arith.constant 64 : index
        %get3A_215 = tpu.vector_load %arg10[%get3A_213, %get3A_214] {strides = array<i32>} : memref<80x128xf32, #tpu.memory_space<vmem>>, vector<16xf32>,
        %mul3A_216 = arith.mulf %get3A_212, %get3A_215 : vector<16xf32>
        %add3A_217 = arith.addf %mul3A_188, %mul3A_216 : vector<16xf32>
        %get3A_218 = arith.index_cast %add3A_182 : i32 to index
        %get3A_219 = arith.constant 80 : index
        %get3A_220 = tpu.vector_load %arg9[%get3A_218, %get3A_219] {strides = array<i32>} : memref<80x128xf32, #tpu.memory_space<vmem>>, vector<16xf32>,
        %get3A_221 = arith.index_cast %add3A_182 : i32 to index
        %get3A_222 = arith.constant 80 : index
        %get3A_223 = tpu.vector_load %arg10[%get3A_221, %get3A_222] {strides = array<i32>} : memref<80x128xf32, #tpu.memory_space<vmem>>, vector<16xf32>,
        %mul3A_224 = arith.mulf %get3A_220, %get3A_223 : vector<16xf32>
        %add3A_225 = arith.addf %mul3A_195, %mul3A_224 : vector<16xf32>
        %get3A_226 = arith.index_cast %add3A_182 : i32 to index
        %get3A_227 = arith.constant 96 : index
        %get3A_228 = tpu.vector_load %arg9[%get3A_226, %get3A_227] {strides = array<i32>} : memref<80x128xf32, #tpu.memory_space<vmem>>, vector<16xf32>,
        %get3A_229 = arith.index_cast %add3A_182 : i32 to index
        %get3A_230 = arith.constant 96 : index
        %get3A_231 = tpu.vector_load %arg10[%get3A_229, %get3A_230] {strides = array<i32>} : memref<80x128xf32, #tpu.memory_space<vmem>>, vector<16xf32>,
        %mul3A_232 = arith.mulf %get3A_228, %get3A_231 : vector<16xf32>
        %add3A_233 = arith.addf %mul3A_202, %mul3A_232 : vector<16xf32>
        %get3A_234 = arith.index_cast %add3A_182 : i32 to index
        %get3A_235 = arith.constant 112 : index
        %get3A_236 = tpu.vector_load %arg9[%get3A_234, %get3A_235] {strides = array<i32>} : memref<80x128xf32, #tpu.memory_space<vmem>>, vector<16xf32>,
        %get3A_237 = arith.index_cast %add3A_182 : i32 to index
        %get3A_238 = arith.constant 112 : index
        %get3A_239 = tpu.vector_load %arg10[%get3A_237, %get3A_238] {strides = array<i32>} : memref<80x128xf32, #tpu.memory_space<vmem>>, vector<16xf32>,
        %mul3A_240 = arith.mulf %get3A_236, %get3A_239 : vector<16xf32>
        %add3A_241 = arith.addf %mul3A_209, %mul3A_240 : vector<16xf32>
        %add3A_242 = arith.addf %add3A_217, %add3A_225 : vector<16xf32>
        %add3A_243 = arith.addf %add3A_233, %add3A_241 : vector<16xf32>
        %add3A_244 = arith.addf %add3A_242, %add3A_243 : vector<16xf32>
        %broadcast_in_dim3A_245 = vector.broadcast %add3A_182 : i32 to vector<16xi32>
        tpu.vector_store_idx %arg13[%broadcast_in_dim3A_245], %add3A_244 {add = true} : memref<80xf32, #tpu.memory_space<vmem>>[vector<16xi32>], vector<16xf32>,
        %mul3A_246 = arith.constant 16 : i32
        %mul3A_247 = arith.muli %scan3A_178, %mul3A_246 : i32
        %add3A_248 = arith.constant 1 : i32
        %add3A_249 = arith.addi %mul3A_247, %add3A_248 : i32
        %get3A_250 = arith.index_cast %add3A_249 : i32 to index
        %get3A_251 = arith.constant 0 : index
        %get3A_252 = tpu.vector_load %arg9[%get3A_250, %get3A_251] {strides = array<i32>} : memref<80x128xf32, #tpu.memory_space<vmem>>, vector<16xf32>,
        %get3A_253 = arith.index_cast %add3A_249 : i32 to index
        %get3A_254 = arith.constant 0 : index
        %get3A_255 = tpu.vector_load %arg10[%get3A_253, %get3A_254] {strides = array<i32>} : memref<80x128xf32, #tpu.memory_space<vmem>>, vector<16xf32>,
        %mul3A_256 = arith.mulf %get3A_252, %get3A_255 : vector<16xf32>
        %get3A_257 = arith.index_cast %add3A_249 : i32 to index
        %get3A_258 = arith.constant 16 : index
        %get3A_259 = tpu.vector_load %arg9[%get3A_257, %get3A_258] {strides = array<i32>} : memref<80x128xf32, #tpu.memory_space<vmem>>, vector<16xf32>,
        %get3A_260 = arith.index_cast %add3A_249 : i32 to index
        %get3A_261 = arith.constant 16 : index
        %get3A_262 = tpu.vector_load %arg10[%get3A_260, %get3A_261] {strides = array<i32>} : memref<80x128xf32, #tpu.memory_space<vmem>>, vector<16xf32>,
        %mul3A_263 = arith.mulf %get3A_259, %get3A_262 : vector<16xf32>
        %get3A_264 = arith.index_cast %add3A_249 : i32 to index
        %get3A_265 = arith.constant 32 : index
        %get3A_266 = tpu.vector_load %arg9[%get3A_264, %get3A_265] {strides = array<i32>} : memref<80x128xf32, #tpu.memory_space<vmem>>, vector<16xf32>,
        %get3A_267 = arith.index_cast %add3A_249 : i32 to index
        %get3A_268 = arith.constant 32 : index
        %get3A_269 = tpu.vector_load %arg10[%get3A_267, %get3A_268] {strides = array<i32>} : memref<80x128xf32, #tpu.memory_space<vmem>>, vector<16xf32>,
        %mul3A_270 = arith.mulf %get3A_266, %get3A_269 : vector<16xf32>
        %get3A_271 = arith.index_cast %add3A_249 : i32 to index
        %get3A_272 = arith.constant 48 : index
        %get3A_273 = tpu.vector_load %arg9[%get3A_271, %get3A_272] {strides = array<i32>} : memref<80x128xf32, #tpu.memory_space<vmem>>, vector<16xf32>,
        %get3A_274 = arith.index_cast %add3A_249 : i32 to index
        %get3A_275 = arith.constant 48 : index
        %get3A_276 = tpu.vector_load %arg10[%get3A_274, %get3A_275] {strides = array<i32>} : memref<80x128xf32, #tpu.memory_space<vmem>>, vector<16xf32>,
        %mul3A_277 = arith.mulf %get3A_273, %get3A_276 : vector<16xf32>
        %get3A_278 = arith.index_cast %add3A_249 : i32 to index
        %get3A_279 = arith.constant 64 : index
        %get3A_280 = tpu.vector_load %arg9[%get3A_278, %get3A_279] {strides = array<i32>} : memref<80x128xf32, #tpu.memory_space<vmem>>, vector<16xf32>,
        %get3A_281 = arith.index_cast %add3A_249 : i32 to index
        %get3A_282 = arith.constant 64 : index
        %get3A_283 = tpu.vector_load %arg10[%get3A_281, %get3A_282] {strides = array<i32>} : memref<80x128xf32, #tpu.memory_space<vmem>>, vector<16xf32>,
        %mul3A_284 = arith.mulf %get3A_280, %get3A_283 : vector<16xf32>
        %add3A_285 = arith.addf %mul3A_256, %mul3A_284 : vector<16xf32>
        %get3A_286 = arith.index_cast %add3A_249 : i32 to index
        %get3A_287 = arith.constant 80 : index
        %get3A_288 = tpu.vector_load %arg9[%get3A_286, %get3A_287] {strides = array<i32>} : memref<80x128xf32, #tpu.memory_space<vmem>>, vector<16xf32>,
        %get3A_289 = arith.index_cast %add3A_249 : i32 to index
        %get3A_290 = arith.constant 80 : index
        %get3A_291 = tpu.vector_load %arg10[%get3A_289, %get3A_290] {strides = array<i32>} : memref<80x128xf32, #tpu.memory_space<vmem>>, vector<16xf32>,
        %mul3A_292 = arith.mulf %get3A_288, %get3A_291 : vector<16xf32>
        %add3A_293 = arith.addf %mul3A_263, %mul3A_292 : vector<16xf32>
        %get3A_294 = arith.index_cast %add3A_249 : i32 to index
        %get3A_295 = arith.constant 96 : index
        %get3A_296 = tpu.vector_load %arg9[%get3A_294, %get3A_295] {strides = array<i32>} : memref<80x128xf32, #tpu.memory_space<vmem>>, vector<16xf32>,
        %get3A_297 = arith.index_cast %add3A_249 : i32 to index
        %get3A_298 = arith.constant 96 : index
        %get3A_299 = tpu.vector_load %arg10[%get3A_297, %get3A_298] {strides = array<i32>} : memref<80x128xf32, #tpu.memory_space<vmem>>, vector<16xf32>,
        %mul3A_300 = arith.mulf %get3A_296, %get3A_299 : vector<16xf32>
        %add3A_301 = arith.addf %mul3A_270, %mul3A_300 : vector<16xf32>
        %get3A_302 = arith.index_cast %add3A_249 : i32 to index
        %get3A_303 = arith.constant 112 : index
        %get3A_304 = tpu.vector_load %arg9[%get3A_302, %get3A_303] {strides = array<i32>} : memref<80x128xf32, #tpu.memory_space<vmem>>, vector<16xf32>,
        %get3A_305 = arith.index_cast %add3A_249 : i32 to index
        %get3A_306 = arith.constant 112 : index
        %get3A_307 = tpu.vector_load %arg10[%get3A_305, %get3A_306] {strides = array<i32>} : memref<80x128xf32, #tpu.memory_space<vmem>>, vector<16xf32>,
        %mul3A_308 = arith.mulf %get3A_304, %get3A_307 : vector<16xf32>
        %add3A_309 = arith.addf %mul3A_277, %mul3A_308 : vector<16xf32>
        %add3A_310 = arith.addf %add3A_285, %add3A_293 : vector<16xf32>
        %add3A_311 = arith.addf %add3A_301, %add3A_309 : vector<16xf32>
        %add3A_312 = arith.addf %add3A_310, %add3A_311 : vector<16xf32>
        %broadcast_in_dim3A_313 = vector.broadcast %add3A_249 : i32 to vector<16xi32>
        tpu.vector_store_idx %arg13[%broadcast_in_dim3A_313], %add3A_312 {add = true} : memref<80xf32, #tpu.memory_space<vmem>>[vector<16xi32>], vector<16xf32>,
        %mul3A_314 = arith.constant 16 : i32
        %mul3A_315 = arith.muli %scan3A_178, %mul3A_314 : i32
        %add3A_316 = arith.constant 2 : i32
        %add3A_317 = arith.addi %mul3A_315, %add3A_316 : i32
        %get3A_318 = arith.index_cast %add3A_317 : i32 to index
        %get3A_319 = arith.constant 0 : index
        %get3A_320 = tpu.vector_load %arg9[%get3A_318, %get3A_319] {strides = array<i32>} : memref<80x128xf32, #tpu.memory_space<vmem>>, vector<16xf32>,
        %get3A_321 = arith.index_cast %add3A_317 : i32 to index
        %get3A_322 = arith.constant 0 : index
        %get3A_323 = tpu.vector_load %arg10[%get3A_321, %get3A_322] {strides = array<i32>} : memref<80x128xf32, #tpu.memory_space<vmem>>, vector<16xf32>,
        %mul3A_324 = arith.mulf %get3A_320, %get3A_323 : vector<16xf32>
        %get3A_325 = arith.index_cast %add3A_317 : i32 to index
        %get3A_326 = arith.constant 16 : index
        %get3A_327 = tpu.vector_load %arg9[%get3A_325, %get3A_326] {strides = array<i32>} : memref<80x128xf32, #tpu.memory_space<vmem>>, vector<16xf32>,
        %get3A_328 = arith.index_cast %add3A_317 : i32 to index
        %get3A_329 = arith.constant 16 : index
        %get3A_330 = tpu.vector_load %arg10[%get3A_328, %get3A_329] {strides = array<i32>} : memref<80x128xf32, #tpu.memory_space<vmem>>, vector<16xf32>,
        %mul3A_331 = arith.mulf %get3A_327, %get3A_330 : vector<16xf32>
        %get3A_332 = arith.index_cast %add3A_317 : i32 to index
        %get3A_333 = arith.constant 32 : index
        %get3A_334 = tpu.vector_load %arg9[%get3A_332, %get3A_333] {strides = array<i32>} : memref<80x128xf32, #tpu.memory_space<vmem>>, vector<16xf32>,
        %get3A_335 = arith.index_cast %add3A_317 : i32 to index
        %get3A_336 = arith.constant 32 : index
        %get3A_337 = tpu.vector_load %arg10[%get3A_335, %get3A_336] {strides = array<i32>} : memref<80x128xf32, #tpu.memory_space<vmem>>, vector<16xf32>,
        %mul3A_338 = arith.mulf %get3A_334, %get3A_337 : vector<16xf32>
        %get3A_339 = arith.index_cast %add3A_317 : i32 to index
        %get3A_340 = arith.constant 48 : index
        %get3A_341 = tpu.vector_load %arg9[%get3A_339, %get3A_340] {strides = array<i32>} : memref<80x128xf32, #tpu.memory_space<vmem>>, vector<16xf32>,
        %get3A_342 = arith.index_cast %add3A_317 : i32 to index
        %get3A_343 = arith.constant 48 : index
        %get3A_344 = tpu.vector_load %arg10[%get3A_342, %get3A_343] {strides = array<i32>} : memref<80x128xf32, #tpu.memory_space<vmem>>, vector<16xf32>,
        %mul3A_345 = arith.mulf %get3A_341, %get3A_344 : vector<16xf32>
        %get3A_346 = arith.index_cast %add3A_317 : i32 to index
        %get3A_347 = arith.constant 64 : index
        %get3A_348 = tpu.vector_load %arg9[%get3A_346, %get3A_347] {strides = array<i32>} : memref<80x128xf32, #tpu.memory_space<vmem>>, vector<16xf32>,
        %get3A_349 = arith.index_cast %add3A_317 : i32 to index
        %get3A_350 = arith.constant 64 : index
        %get3A_351 = tpu.vector_load %arg10[%get3A_349, %get3A_350] {strides = array<i32>} : memref<80x128xf32, #tpu.memory_space<vmem>>, vector<16xf32>,
        %mul3A_352 = arith.mulf %get3A_348, %get3A_351 : vector<16xf32>
        %add3A_353 = arith.addf %mul3A_324, %mul3A_352 : vector<16xf32>
        %get3A_354 = arith.index_cast %add3A_317 : i32 to index
        %get3A_355 = arith.constant 80 : index
        %get3A_356 = tpu.vector_load %arg9[%get3A_354, %get3A_355] {strides = array<i32>} : memref<80x128xf32, #tpu.memory_space<vmem>>, vector<16xf32>,
        %get3A_357 = arith.index_cast %add3A_317 : i32 to index
        %get3A_358 = arith.constant 80 : index
        %get3A_359 = tpu.vector_load %arg10[%get3A_357, %get3A_358] {strides = array<i32>} : memref<80x128xf32, #tpu.memory_space<vmem>>, vector<16xf32>,
        %mul3A_360 = arith.mulf %get3A_356, %get3A_359 : vector<16xf32>
        %add3A_361 = arith.addf %mul3A_331, %mul3A_360 : vector<16xf32>
        %get3A_362 = arith.index_cast %add3A_317 : i32 to index
        %get3A_363 = arith.constant 96 : index
        %get3A_364 = tpu.vector_load %arg9[%get3A_362, %get3A_363] {strides = array<i32>} : memref<80x128xf32, #tpu.memory_space<vmem>>, vector<16xf32>,
        %get3A_365 = arith.index_cast %add3A_317 : i32 to index
        %get3A_366 = arith.constant 96 : index
        %get3A_367 = tpu.vector_load %arg10[%get3A_365, %get3A_366] {strides = array<i32>} : memref<80x128xf32, #tpu.memory_space<vmem>>, vector<16xf32>,
        %mul3A_368 = arith.mulf %get3A_364, %get3A_367 : vector<16xf32>
        %add3A_369 = arith.addf %mul3A_338, %mul3A_368 : vector<16xf32>
        %get3A_370 = arith.index_cast %add3A_317 : i32 to index
        %get3A_371 = arith.constant 112 : index
        %get3A_372 = tpu.vector_load %arg9[%get3A_370, %get3A_371] {strides = array<i32>} : memref<80x128xf32, #tpu.memory_space<vmem>>, vector<16xf32>,
        %get3A_373 = arith.index_cast %add3A_317 : i32 to index
        %get3A_374 = arith.constant 112 : index
        %get3A_375 = tpu.vector_load %arg10[%get3A_373, %get3A_374] {strides = array<i32>} : memref<80x128xf32, #tpu.memory_space<vmem>>, vector<16xf32>,
        %mul3A_376 = arith.mulf %get3A_372, %get3A_375 : vector<16xf32>
        %add3A_377 = arith.addf %mul3A_345, %mul3A_376 : vector<16xf32>
        %add3A_378 = arith.addf %add3A_353, %add3A_361 : vector<16xf32>
        %add3A_379 = arith.addf %add3A_369, %add3A_377 : vector<16xf32>
        %add3A_380 = arith.addf %add3A_378, %add3A_379 : vector<16xf32>
        %broadcast_in_dim3A_381 = vector.broadcast %add3A_317 : i32 to vector<16xi32>
        tpu.vector_store_idx %arg13[%broadcast_in_dim3A_381], %add3A_380 {add = true} : memref<80xf32, #tpu.memory_space<vmem>>[vector<16xi32>], vector<16xf32>,
        %mul3A_382 = arith.constant 16 : i32
        %mul3A_383 = arith.muli %scan3A_178, %mul3A_382 : i32
        %add3A_384 = arith.constant 3 : i32
        %add3A_385 = arith.addi %mul3A_383, %add3A_384 : i32
        %get3A_386 = arith.index_cast %add3A_385 : i32 to index
        %get3A_387 = arith.constant 0 : index
        %get3A_388 = tpu.vector_load %arg9[%get3A_386, %get3A_387] {strides = array<i32>} : memref<80x128xf32, #tpu.memory_space<vmem>>, vector<16xf32>,
        %get3A_389 = arith.index_cast %add3A_385 : i32 to index
        %get3A_390 = arith.constant 0 : index
        %get3A_391 = tpu.vector_load %arg10[%get3A_389, %get3A_390] {strides = array<i32>} : memref<80x128xf32, #tpu.memory_space<vmem>>, vector<16xf32>,
        %mul3A_392 = arith.mulf %get3A_388, %get3A_391 : vector<16xf32>
        %get3A_393 = arith.index_cast %add3A_385 : i32 to index
        %get3A_394 = arith.constant 16 : index
        %get3A_395 = tpu.vector_load %arg9[%get3A_393, %get3A_394] {strides = array<i32>} : memref<80x128xf32, #tpu.memory_space<vmem>>, vector<16xf32>,
        %get3A_396 = arith.index_cast %add3A_385 : i32 to index
        %get3A_397 = arith.constant 16 : index
        %get3A_398 = tpu.vector_load %arg10[%get3A_396, %get3A_397] {strides = array<i32>} : memref<80x128xf32, #tpu.memory_space<vmem>>, vector<16xf32>,
        %mul3A_399 = arith.mulf %get3A_395, %get3A_398 : vector<16xf32>
        %get3A_400 = arith.index_cast %add3A_385 : i32 to index
        %get3A_401 = arith.constant 32 : index
        %get3A_402 = tpu.vector_load %arg9[%get3A_400, %get3A_401] {strides = array<i32>} : memref<80x128xf32, #tpu.memory_space<vmem>>, vector<16xf32>,
        %get3A_403 = arith.index_cast %add3A_385 : i32 to index
        %get3A_404 = arith.constant 32 : index
        %get3A_405 = tpu.vector_load %arg10[%get3A_403, %get3A_404] {strides = array<i32>} : memref<80x128xf32, #tpu.memory_space<vmem>>, vector<16xf32>,
        %mul3A_406 = arith.mulf %get3A_402, %get3A_405 : vector<16xf32>
        %get3A_407 = arith.index_cast %add3A_385 : i32 to index
        %get3A_408 = arith.constant 48 : index
        %get3A_409 = tpu.vector_load %arg9[%get3A_407, %get3A_408] {strides = array<i32>} : memref<80x128xf32, #tpu.memory_space<vmem>>, vector<16xf32>,
        %get3A_410 = arith.index_cast %add3A_385 : i32 to index
        %get3A_411 = arith.constant 48 : index
        %get3A_412 = tpu.vector_load %arg10[%get3A_410, %get3A_411] {strides = array<i32>} : memref<80x128xf32, #tpu.memory_space<vmem>>, vector<16xf32>,
        %mul3A_413 = arith.mulf %get3A_409, %get3A_412 : vector<16xf32>
        %get3A_414 = arith.index_cast %add3A_385 : i32 to index
        %get3A_415 = arith.constant 64 : index
        %get3A_416 = tpu.vector_load %arg9[%get3A_414, %get3A_415] {strides = array<i32>} : memref<80x128xf32, #tpu.memory_space<vmem>>, vector<16xf32>,
        %get3A_417 = arith.index_cast %add3A_385 : i32 to index
        %get3A_418 = arith.constant 64 : index
        %get3A_419 = tpu.vector_load %arg10[%get3A_417, %get3A_418] {strides = array<i32>} : memref<80x128xf32, #tpu.memory_space<vmem>>, vector<16xf32>,
        %mul3A_420 = arith.mulf %get3A_416, %get3A_419 : vector<16xf32>
        %add3A_421 = arith.addf %mul3A_392, %mul3A_420 : vector<16xf32>
        %get3A_422 = arith.index_cast %add3A_385 : i32 to index
        %get3A_423 = arith.constant 80 : index
        %get3A_424 = tpu.vector_load %arg9[%get3A_422, %get3A_423] {strides = array<i32>} : memref<80x128xf32, #tpu.memory_space<vmem>>, vector<16xf32>,
        %get3A_425 = arith.index_cast %add3A_385 : i32 to index
        %get3A_426 = arith.constant 80 : index
        %get3A_427 = tpu.vector_load %arg10[%get3A_425, %get3A_426] {strides = array<i32>} : memref<80x128xf32, #tpu.memory_space<vmem>>, vector<16xf32>,
        %mul3A_428 = arith.mulf %get3A_424, %get3A_427 : vector<16xf32>
        %add3A_429 = arith.addf %mul3A_399, %mul3A_428 : vector<16xf32>
        %get3A_430 = arith.index_cast %add3A_385 : i32 to index
        %get3A_431 = arith.constant 96 : index
        %get3A_432 = tpu.vector_load %arg9[%get3A_430, %get3A_431] {strides = array<i32>} : memref<80x128xf32, #tpu.memory_space<vmem>>, vector<16xf32>,
        %get3A_433 = arith.index_cast %add3A_385 : i32 to index
        %get3A_434 = arith.constant 96 : index
        %get3A_435 = tpu.vector_load %arg10[%get3A_433, %get3A_434] {strides = array<i32>} : memref<80x128xf32, #tpu.memory_space<vmem>>, vector<16xf32>,
        %mul3A_436 = arith.mulf %get3A_432, %get3A_435 : vector<16xf32>
        %add3A_437 = arith.addf %mul3A_406, %mul3A_436 : vector<16xf32>
        %get3A_438 = arith.index_cast %add3A_385 : i32 to index
        %get3A_439 = arith.constant 112 : index
        %get3A_440 = tpu.vector_load %arg9[%get3A_438, %get3A_439] {strides = array<i32>} : memref<80x128xf32, #tpu.memory_space<vmem>>, vector<16xf32>,
        %get3A_441 = arith.index_cast %add3A_385 : i32 to index
        %get3A_442 = arith.constant 112 : index
        %get3A_443 = tpu.vector_load %arg10[%get3A_441, %get3A_442] {strides = array<i32>} : memref<80x128xf32, #tpu.memory_space<vmem>>, vector<16xf32>,
        %mul3A_444 = arith.mulf %get3A_440, %get3A_443 : vector<16xf32>
        %add3A_445 = arith.addf %mul3A_413, %mul3A_444 : vector<16xf32>
        %add3A_446 = arith.addf %add3A_421, %add3A_429 : vector<16xf32>
        %add3A_447 = arith.addf %add3A_437, %add3A_445 : vector<16xf32>
        %add3A_448 = arith.addf %add3A_446, %add3A_447 : vector<16xf32>
        %broadcast_in_dim3A_449 = vector.broadcast %add3A_385 : i32 to vector<16xi32>
        tpu.vector_store_idx %arg13[%broadcast_in_dim3A_449], %add3A_448 {add = true} : memref<80xf32, #tpu.memory_space<vmem>>[vector<16xi32>], vector<16xf32>,
        %mul3A_450 = arith.constant 16 : i32
        %mul3A_451 = arith.muli %scan3A_178, %mul3A_450 : i32
        %add3A_452 = arith.constant 4 : i32
        %add3A_453 = arith.addi %mul3A_451, %add3A_452 : i32
        %get3A_454 = arith.index_cast %add3A_453 : i32 to index
        %get3A_455 = arith.constant 0 : index
        %get3A_456 = tpu.vector_load %arg9[%get3A_454, %get3A_455] {strides = array<i32>} : memref<80x128xf32, #tpu.memory_space<vmem>>, vector<16xf32>,
        %get3A_457 = arith.index_cast %add3A_453 : i32 to index
        %get3A_458 = arith.constant 0 : index
        %get3A_459 = tpu.vector_load %arg10[%get3A_457, %get3A_458] {strides = array<i32>} : memref<80x128xf32, #tpu.memory_space<vmem>>, vector<16xf32>,
        %mul3A_460 = arith.mulf %get3A_456, %get3A_459 : vector<16xf32>
        %get3A_461 = arith.index_cast %add3A_453 : i32 to index
        %get3A_462 = arith.constant 16 : index
        %get3A_463 = tpu.vector_load %arg9[%get3A_461, %get3A_462] {strides = array<i32>} : memref<80x128xf32, #tpu.memory_space<vmem>>, vector<16xf32>,
        %get3A_464 = arith.index_cast %add3A_453 : i32 to index
        %get3A_465 = arith.constant 16 : index
        %get3A_466 = tpu.vector_load %arg10[%get3A_464, %get3A_465] {strides = array<i32>} : memref<80x128xf32, #tpu.memory_space<vmem>>, vector<16xf32>,
        %mul3A_467 = arith.mulf %get3A_463, %get3A_466 : vector<16xf32>
        %get3A_468 = arith.index_cast %add3A_453 : i32 to index
        %get3A_469 = arith.constant 32 : index
        %get3A_470 = tpu.vector_load %arg9[%get3A_468, %get3A_469] {strides = array<i32>} : memref<80x128xf32, #tpu.memory_space<vmem>>, vector<16xf32>,
        %get3A_471 = arith.index_cast %add3A_453 : i32 to index
        %get3A_472 = arith.constant 32 : index
        %get3A_473 = tpu.vector_load %arg10[%get3A_471, %get3A_472] {strides = array<i32>} : memref<80x128xf32, #tpu.memory_space<vmem>>, vector<16xf32>,
        %mul3A_474 = arith.mulf %get3A_470, %get3A_473 : vector<16xf32>
        %get3A_475 = arith.index_cast %add3A_453 : i32 to index
        %get3A_476 = arith.constant 48 : index
        %get3A_477 = tpu.vector_load %arg9[%get3A_475, %get3A_476] {strides = array<i32>} : memref<80x128xf32, #tpu.memory_space<vmem>>, vector<16xf32>,
        %get3A_478 = arith.index_cast %add3A_453 : i32 to index
        %get3A_479 = arith.constant 48 : index
        %get3A_480 = tpu.vector_load %arg10[%get3A_478, %get3A_479] {strides = array<i32>} : memref<80x128xf32, #tpu.memory_space<vmem>>, vector<16xf32>,
        %mul3A_481 = arith.mulf %get3A_477, %get3A_480 : vector<16xf32>
        %get3A_482 = arith.index_cast %add3A_453 : i32 to index
        %get3A_483 = arith.constant 64 : index
        %get3A_484 = tpu.vector_load %arg9[%get3A_482, %get3A_483] {strides = array<i32>} : memref<80x128xf32, #tpu.memory_space<vmem>>, vector<16xf32>,
        %get3A_485 = arith.index_cast %add3A_453 : i32 to index
        %get3A_486 = arith.constant 64 : index
        %get3A_487 = tpu.vector_load %arg10[%get3A_485, %get3A_486] {strides = array<i32>} : memref<80x128xf32, #tpu.memory_space<vmem>>, vector<16xf32>,
        %mul3A_488 = arith.mulf %get3A_484, %get3A_487 : vector<16xf32>
        %add3A_489 = arith.addf %mul3A_460, %mul3A_488 : vector<16xf32>
        %get3A_490 = arith.index_cast %add3A_453 : i32 to index
        %get3A_491 = arith.constant 80 : index
        %get3A_492 = tpu.vector_load %arg9[%get3A_490, %get3A_491] {strides = array<i32>} : memref<80x128xf32, #tpu.memory_space<vmem>>, vector<16xf32>,
        %get3A_493 = arith.index_cast %add3A_453 : i32 to index
        %get3A_494 = arith.constant 80 : index
        %get3A_495 = tpu.vector_load %arg10[%get3A_493, %get3A_494] {strides = array<i32>} : memref<80x128xf32, #tpu.memory_space<vmem>>, vector<16xf32>,
        %mul3A_496 = arith.mulf %get3A_492, %get3A_495 : vector<16xf32>
        %add3A_497 = arith.addf %mul3A_467, %mul3A_496 : vector<16xf32>
        %get3A_498 = arith.index_cast %add3A_453 : i32 to index
        %get3A_499 = arith.constant 96 : index
        %get3A_500 = tpu.vector_load %arg9[%get3A_498, %get3A_499] {strides = array<i32>} : memref<80x128xf32, #tpu.memory_space<vmem>>, vector<16xf32>,
        %get3A_501 = arith.index_cast %add3A_453 : i32 to index
        %get3A_502 = arith.constant 96 : index
        %get3A_503 = tpu.vector_load %arg10[%get3A_501, %get3A_502] {strides = array<i32>} : memref<80x128xf32, #tpu.memory_space<vmem>>, vector<16xf32>,
        %mul3A_504 = arith.mulf %get3A_500, %get3A_503 : vector<16xf32>
        %add3A_505 = arith.addf %mul3A_474, %mul3A_504 : vector<16xf32>
        %get3A_506 = arith.index_cast %add3A_453 : i32 to index
        %get3A_507 = arith.constant 112 : index
        %get3A_508 = tpu.vector_load %arg9[%get3A_506, %get3A_507] {strides = array<i32>} : memref<80x128xf32, #tpu.memory_space<vmem>>, vector<16xf32>,
        %get3A_509 = arith.index_cast %add3A_453 : i32 to index
        %get3A_510 = arith.constant 112 : index
        %get3A_511 = tpu.vector_load %arg10[%get3A_509, %get3A_510] {strides = array<i32>} : memref<80x128xf32, #tpu.memory_space<vmem>>, vector<16xf32>,
        %mul3A_512 = arith.mulf %get3A_508, %get3A_511 : vector<16xf32>
        %add3A_513 = arith.addf %mul3A_481, %mul3A_512 : vector<16xf32>
        %add3A_514 = arith.addf %add3A_489, %add3A_497 : vector<16xf32>
        %add3A_515 = arith.addf %add3A_505, %add3A_513 : vector<16xf32>
        %add3A_516 = arith.addf %add3A_514, %add3A_515 : vector<16xf32>
        %broadcast_in_dim3A_517 = vector.broadcast %add3A_453 : i32 to vector<16xi32>
        tpu.vector_store_idx %arg13[%broadcast_in_dim3A_517], %add3A_516 {add = true} : memref<80xf32, #tpu.memory_space<vmem>>[vector<16xi32>], vector<16xf32>,
        %mul3A_518 = arith.constant 16 : i32
        %mul3A_519 = arith.muli %scan3A_178, %mul3A_518 : i32
        %add3A_520 = arith.constant 5 : i32
        %add3A_521 = arith.addi %mul3A_519, %add3A_520 : i32
        %get3A_522 = arith.index_cast %add3A_521 : i32 to index
        %get3A_523 = arith.constant 0 : index
        %get3A_524 = tpu.vector_load %arg9[%get3A_522, %get3A_523] {strides = array<i32>} : memref<80x128xf32, #tpu.memory_space<vmem>>, vector<16xf32>,
        %get3A_525 = arith.index_cast %add3A_521 : i32 to index
        %get3A_526 = arith.constant 0 : index
        %get3A_527 = tpu.vector_load %arg10[%get3A_525, %get3A_526] {strides = array<i32>} : memref<80x128xf32, #tpu.memory_space<vmem>>, vector<16xf32>,
        %mul3A_528 = arith.mulf %get3A_524, %get3A_527 : vector<16xf32>
        %get3A_529 = arith.index_cast %add3A_521 : i32 to index
        %get3A_530 = arith.constant 16 : index
        %get3A_531 = tpu.vector_load %arg9[%get3A_529, %get3A_530] {strides = array<i32>} : memref<80x128xf32, #tpu.memory_space<vmem>>, vector<16xf32>,
        %get3A_532 = arith.index_cast %add3A_521 : i32 to index
        %get3A_533 = arith.constant 16 : index
        %get3A_534 = tpu.vector_load %arg10[%get3A_532, %get3A_533] {strides = array<i32>} : memref<80x128xf32, #tpu.memory_space<vmem>>, vector<16xf32>,
        %mul3A_535 = arith.mulf %get3A_531, %get3A_534 : vector<16xf32>
        %get3A_536 = arith.index_cast %add3A_521 : i32 to index
        %get3A_537 = arith.constant 32 : index
        %get3A_538 = tpu.vector_load %arg9[%get3A_536, %get3A_537] {strides = array<i32>} : memref<80x128xf32, #tpu.memory_space<vmem>>, vector<16xf32>,
        %get3A_539 = arith.index_cast %add3A_521 : i32 to index
        %get3A_540 = arith.constant 32 : index
        %get3A_541 = tpu.vector_load %arg10[%get3A_539, %get3A_540] {strides = array<i32>} : memref<80x128xf32, #tpu.memory_space<vmem>>, vector<16xf32>,
        %mul3A_542 = arith.mulf %get3A_538, %get3A_541 : vector<16xf32>
        %get3A_543 = arith.index_cast %add3A_521 : i32 to index
        %get3A_544 = arith.constant 48 : index
        %get3A_545 = tpu.vector_load %arg9[%get3A_543, %get3A_544] {strides = array<i32>} : memref<80x128xf32, #tpu.memory_space<vmem>>, vector<16xf32>,
        %get3A_546 = arith.index_cast %add3A_521 : i32 to index
        %get3A_547 = arith.constant 48 : index
        %get3A_548 = tpu.vector_load %arg10[%get3A_546, %get3A_547] {strides = array<i32>} : memref<80x128xf32, #tpu.memory_space<vmem>>, vector<16xf32>,
        %mul3A_549 = arith.mulf %get3A_545, %get3A_548 : vector<16xf32>
        %get3A_550 = arith.index_cast %add3A_521 : i32 to index
        %get3A_551 = arith.constant 64 : index
        %get3A_552 = tpu.vector_load %arg9[%get3A_550, %get3A_551] {strides = array<i32>} : memref<80x128xf32, #tpu.memory_space<vmem>>, vector<16xf32>,
        %get3A_553 = arith.index_cast %add3A_521 : i32 to index
        %get3A_554 = arith.constant 64 : index
        %get3A_555 = tpu.vector_load %arg10[%get3A_553, %get3A_554] {strides = array<i32>} : memref<80x128xf32, #tpu.memory_space<vmem>>, vector<16xf32>,
        %mul3A_556 = arith.mulf %get3A_552, %get3A_555 : vector<16xf32>
        %add3A_557 = arith.addf %mul3A_528, %mul3A_556 : vector<16xf32>
        %get3A_558 = arith.index_cast %add3A_521 : i32 to index
        %get3A_559 = arith.constant 80 : index
        %get3A_560 = tpu.vector_load %arg9[%get3A_558, %get3A_559] {strides = array<i32>} : memref<80x128xf32, #tpu.memory_space<vmem>>, vector<16xf32>,
        %get3A_561 = arith.index_cast %add3A_521 : i32 to index
        %get3A_562 = arith.constant 80 : index
        %get3A_563 = tpu.vector_load %arg10[%get3A_561, %get3A_562] {strides = array<i32>} : memref<80x128xf32, #tpu.memory_space<vmem>>, vector<16xf32>,
        %mul3A_564 = arith.mulf %get3A_560, %get3A_563 : vector<16xf32>
        %add3A_565 = arith.addf %mul3A_535, %mul3A_564 : vector<16xf32>
        %get3A_566 = arith.index_cast %add3A_521 : i32 to index
        %get3A_567 = arith.constant 96 : index
        %get3A_568 = tpu.vector_load %arg9[%get3A_566, %get3A_567] {strides = array<i32>} : memref<80x128xf32, #tpu.memory_space<vmem>>, vector<16xf32>,
        %get3A_569 = arith.index_cast %add3A_521 : i32 to index
        %get3A_570 = arith.constant 96 : index
        %get3A_571 = tpu.vector_load %arg10[%get3A_569, %get3A_570] {strides = array<i32>} : memref<80x128xf32, #tpu.memory_space<vmem>>, vector<16xf32>,
        %mul3A_572 = arith.mulf %get3A_568, %get3A_571 : vector<16xf32>
        %add3A_573 = arith.addf %mul3A_542, %mul3A_572 : vector<16xf32>
        %get3A_574 = arith.index_cast %add3A_521 : i32 to index
        %get3A_575 = arith.constant 112 : index
        %get3A_576 = tpu.vector_load %arg9[%get3A_574, %get3A_575] {strides = array<i32>} : memref<80x128xf32, #tpu.memory_space<vmem>>, vector<16xf32>,
        %get3A_577 = arith.index_cast %add3A_521 : i32 to index
        %get3A_578 = arith.constant 112 : index
        %get3A_579 = tpu.vector_load %arg10[%get3A_577, %get3A_578] {strides = array<i32>} : memref<80x128xf32, #tpu.memory_space<vmem>>, vector<16xf32>,
        %mul3A_580 = arith.mulf %get3A_576, %get3A_579 : vector<16xf32>
        %add3A_581 = arith.addf %mul3A_549, %mul3A_580 : vector<16xf32>
        %add3A_582 = arith.addf %add3A_557, %add3A_565 : vector<16xf32>
        %add3A_583 = arith.addf %add3A_573, %add3A_581 : vector<16xf32>
        %add3A_584 = arith.addf %add3A_582, %add3A_583 : vector<16xf32>
        %broadcast_in_dim3A_585 = vector.broadcast %add3A_521 : i32 to vector<16xi32>
        tpu.vector_store_idx %arg13[%broadcast_in_dim3A_585], %add3A_584 {add = true} : memref<80xf32, #tpu.memory_space<vmem>>[vector<16xi32>], vector<16xf32>,
        %mul3A_586 = arith.constant 16 : i32
        %mul3A_587 = arith.muli %scan3A_178, %mul3A_586 : i32
        %add3A_588 = arith.constant 6 : i32
        %add3A_589 = arith.addi %mul3A_587, %add3A_588 : i32
        %get3A_590 = arith.index_cast %add3A_589 : i32 to index
        %get3A_591 = arith.constant 0 : index
        %get3A_592 = tpu.vector_load %arg9[%get3A_590, %get3A_591] {strides = array<i32>} : memref<80x128xf32, #tpu.memory_space<vmem>>, vector<16xf32>,
        %get3A_593 = arith.index_cast %add3A_589 : i32 to index
        %get3A_594 = arith.constant 0 : index
        %get3A_595 = tpu.vector_load %arg10[%get3A_593, %get3A_594] {strides = array<i32>} : memref<80x128xf32, #tpu.memory_space<vmem>>, vector<16xf32>,
        %mul3A_596 = arith.mulf %get3A_592, %get3A_595 : vector<16xf32>
        %get3A_597 = arith.index_cast %add3A_589 : i32 to index
        %get3A_598 = arith.constant 16 : index
        %get3A_599 = tpu.vector_load %arg9[%get3A_597, %get3A_598] {strides = array<i32>} : memref<80x128xf32, #tpu.memory_space<vmem>>, vector<16xf32>,
        %get3A_600 = arith.index_cast %add3A_589 : i32 to index
        %get3A_601 = arith.constant 16 : index
        %get3A_602 = tpu.vector_load %arg10[%get3A_600, %get3A_601] {strides = array<i32>} : memref<80x128xf32, #tpu.memory_space<vmem>>, vector<16xf32>,
        %mul3A_603 = arith.mulf %get3A_599, %get3A_602 : vector<16xf32>
        %get3A_604 = arith.index_cast %add3A_589 : i32 to index
        %get3A_605 = arith.constant 32 : index
        %get3A_606 = tpu.vector_load %arg9[%get3A_604, %get3A_605] {strides = array<i32>} : memref<80x128xf32, #tpu.memory_space<vmem>>, vector<16xf32>,
        %get3A_607 = arith.index_cast %add3A_589 : i32 to index
        %get3A_608 = arith.constant 32 : index
        %get3A_609 = tpu.vector_load %arg10[%get3A_607, %get3A_608] {strides = array<i32>} : memref<80x128xf32, #tpu.memory_space<vmem>>, vector<16xf32>,
        %mul3A_610 = arith.mulf %get3A_606, %get3A_609 : vector<16xf32>
        %get3A_611 = arith.index_cast %add3A_589 : i32 to index
        %get3A_612 = arith.constant 48 : index
        %get3A_613 = tpu.vector_load %arg9[%get3A_611, %get3A_612] {strides = array<i32>} : memref<80x128xf32, #tpu.memory_space<vmem>>, vector<16xf32>,
        %get3A_614 = arith.index_cast %add3A_589 : i32 to index
        %get3A_615 = arith.constant 48 : index
        %get3A_616 = tpu.vector_load %arg10[%get3A_614, %get3A_615] {strides = array<i32>} : memref<80x128xf32, #tpu.memory_space<vmem>>, vector<16xf32>,
        %mul3A_617 = arith.mulf %get3A_613, %get3A_616 : vector<16xf32>
        %get3A_618 = arith.index_cast %add3A_589 : i32 to index
        %get3A_619 = arith.constant 64 : index
        %get3A_620 = tpu.vector_load %arg9[%get3A_618, %get3A_619] {strides = array<i32>} : memref<80x128xf32, #tpu.memory_space<vmem>>, vector<16xf32>,
        %get3A_621 = arith.index_cast %add3A_589 : i32 to index
        %get3A_622 = arith.constant 64 : index
        %get3A_623 = tpu.vector_load %arg10[%get3A_621, %get3A_622] {strides = array<i32>} : memref<80x128xf32, #tpu.memory_space<vmem>>, vector<16xf32>,
        %mul3A_624 = arith.mulf %get3A_620, %get3A_623 : vector<16xf32>
        %add3A_625 = arith.addf %mul3A_596, %mul3A_624 : vector<16xf32>
        %get3A_626 = arith.index_cast %add3A_589 : i32 to index
        %get3A_627 = arith.constant 80 : index
        %get3A_628 = tpu.vector_load %arg9[%get3A_626, %get3A_627] {strides = array<i32>} : memref<80x128xf32, #tpu.memory_space<vmem>>, vector<16xf32>,
        %get3A_629 = arith.index_cast %add3A_589 : i32 to index
        %get3A_630 = arith.constant 80 : index
        %get3A_631 = tpu.vector_load %arg10[%get3A_629, %get3A_630] {strides = array<i32>} : memref<80x128xf32, #tpu.memory_space<vmem>>, vector<16xf32>,
        %mul3A_632 = arith.mulf %get3A_628, %get3A_631 : vector<16xf32>
        %add3A_633 = arith.addf %mul3A_603, %mul3A_632 : vector<16xf32>
        %get3A_634 = arith.index_cast %add3A_589 : i32 to index
        %get3A_635 = arith.constant 96 : index
        %get3A_636 = tpu.vector_load %arg9[%get3A_634, %get3A_635] {strides = array<i32>} : memref<80x128xf32, #tpu.memory_space<vmem>>, vector<16xf32>,
        %get3A_637 = arith.index_cast %add3A_589 : i32 to index
        %get3A_638 = arith.constant 96 : index
        %get3A_639 = tpu.vector_load %arg10[%get3A_637, %get3A_638] {strides = array<i32>} : memref<80x128xf32, #tpu.memory_space<vmem>>, vector<16xf32>,
        %mul3A_640 = arith.mulf %get3A_636, %get3A_639 : vector<16xf32>
        %add3A_641 = arith.addf %mul3A_610, %mul3A_640 : vector<16xf32>
        %get3A_642 = arith.index_cast %add3A_589 : i32 to index
        %get3A_643 = arith.constant 112 : index
        %get3A_644 = tpu.vector_load %arg9[%get3A_642, %get3A_643] {strides = array<i32>} : memref<80x128xf32, #tpu.memory_space<vmem>>, vector<16xf32>,
        %get3A_645 = arith.index_cast %add3A_589 : i32 to index
        %get3A_646 = arith.constant 112 : index
        %get3A_647 = tpu.vector_load %arg10[%get3A_645, %get3A_646] {strides = array<i32>} : memref<80x128xf32, #tpu.memory_space<vmem>>, vector<16xf32>,
        %mul3A_648 = arith.mulf %get3A_644, %get3A_647 : vector<16xf32>
        %add3A_649 = arith.addf %mul3A_617, %mul3A_648 : vector<16xf32>
        %add3A_650 = arith.addf %add3A_625, %add3A_633 : vector<16xf32>
        %add3A_651 = arith.addf %add3A_641, %add3A_649 : vector<16xf32>
        %add3A_652 = arith.addf %add3A_650, %add3A_651 : vector<16xf32>
        %broadcast_in_dim3A_653 = vector.broadcast %add3A_589 : i32 to vector<16xi32>
        tpu.vector_store_idx %arg13[%broadcast_in_dim3A_653], %add3A_652 {add = true} : memref<80xf32, #tpu.memory_space<vmem>>[vector<16xi32>], vector<16xf32>,
        %mul3A_654 = arith.constant 16 : i32
        %mul3A_655 = arith.muli %scan3A_178, %mul3A_654 : i32
        %add3A_656 = arith.constant 7 : i32
        %add3A_657 = arith.addi %mul3A_655, %add3A_656 : i32
        %get3A_658 = arith.index_cast %add3A_657 : i32 to index
        %get3A_659 = arith.constant 0 : index
        %get3A_660 = tpu.vector_load %arg9[%get3A_658, %get3A_659] {strides = array<i32>} : memref<80x128xf32, #tpu.memory_space<vmem>>, vector<16xf32>,
        %get3A_661 = arith.index_cast %add3A_657 : i32 to index
        %get3A_662 = arith.constant 0 : index
        %get3A_663 = tpu.vector_load %arg10[%get3A_661, %get3A_662] {strides = array<i32>} : memref<80x128xf32, #tpu.memory_space<vmem>>, vector<16xf32>,
        %mul3A_664 = arith.mulf %get3A_660, %get3A_663 : vector<16xf32>
        %get3A_665 = arith.index_cast %add3A_657 : i32 to index
        %get3A_666 = arith.constant 16 : index
        %get3A_667 = tpu.vector_load %arg9[%get3A_665, %get3A_666] {strides = array<i32>} : memref<80x128xf32, #tpu.memory_space<vmem>>, vector<16xf32>,
        %get3A_668 = arith.index_cast %add3A_657 : i32 to index
        %get3A_669 = arith.constant 16 : index
        %get3A_670 = tpu.vector_load %arg10[%get3A_668, %get3A_669] {strides = array<i32>} : memref<80x128xf32, #tpu.memory_space<vmem>>, vector<16xf32>,
        %mul3A_671 = arith.mulf %get3A_667, %get3A_670 : vector<16xf32>
        %get3A_672 = arith.index_cast %add3A_657 : i32 to index
        %get3A_673 = arith.constant 32 : index
        %get3A_674 = tpu.vector_load %arg9[%get3A_672, %get3A_673] {strides = array<i32>} : memref<80x128xf32, #tpu.memory_space<vmem>>, vector<16xf32>,
        %get3A_675 = arith.index_cast %add3A_657 : i32 to index
        %get3A_676 = arith.constant 32 : index
        %get3A_677 = tpu.vector_load %arg10[%get3A_675, %get3A_676] {strides = array<i32>} : memref<80x128xf32, #tpu.memory_space<vmem>>, vector<16xf32>,
        %mul3A_678 = arith.mulf %get3A_674, %get3A_677 : vector<16xf32>
        %get3A_679 = arith.index_cast %add3A_657 : i32 to index
        %get3A_680 = arith.constant 48 : index
        %get3A_681 = tpu.vector_load %arg9[%get3A_679, %get3A_680] {strides = array<i32>} : memref<80x128xf32, #tpu.memory_space<vmem>>, vector<16xf32>,
        %get3A_682 = arith.index_cast %add3A_657 : i32 to index
        %get3A_683 = arith.constant 48 : index
        %get3A_684 = tpu.vector_load %arg10[%get3A_682, %get3A_683] {strides = array<i32>} : memref<80x128xf32, #tpu.memory_space<vmem>>, vector<16xf32>,
        %mul3A_685 = arith.mulf %get3A_681, %get3A_684 : vector<16xf32>
        %get3A_686 = arith.index_cast %add3A_657 : i32 to index
        %get3A_687 = arith.constant 64 : index
        %get3A_688 = tpu.vector_load %arg9[%get3A_686, %get3A_687] {strides = array<i32>} : memref<80x128xf32, #tpu.memory_space<vmem>>, vector<16xf32>,
        %get3A_689 = arith.index_cast %add3A_657 : i32 to index
        %get3A_690 = arith.constant 64 : index
        %get3A_691 = tpu.vector_load %arg10[%get3A_689, %get3A_690] {strides = array<i32>} : memref<80x128xf32, #tpu.memory_space<vmem>>, vector<16xf32>,
        %mul3A_692 = arith.mulf %get3A_688, %get3A_691 : vector<16xf32>
        %add3A_693 = arith.addf %mul3A_664, %mul3A_692 : vector<16xf32>
        %get3A_694 = arith.index_cast %add3A_657 : i32 to index
        %get3A_695 = arith.constant 80 : index
        %get3A_696 = tpu.vector_load %arg9[%get3A_694, %get3A_695] {strides = array<i32>} : memref<80x128xf32, #tpu.memory_space<vmem>>, vector<16xf32>,
        %get3A_697 = arith.index_cast %add3A_657 : i32 to index
        %get3A_698 = arith.constant 80 : index
        %get3A_699 = tpu.vector_load %arg10[%get3A_697, %get3A_698] {strides = array<i32>} : memref<80x128xf32, #tpu.memory_space<vmem>>, vector<16xf32>,
        %mul3A_700 = arith.mulf %get3A_696, %get3A_699 : vector<16xf32>
        %add3A_701 = arith.addf %mul3A_671, %mul3A_700 : vector<16xf32>
        %get3A_702 = arith.index_cast %add3A_657 : i32 to index
        %get3A_703 = arith.constant 96 : index
        %get3A_704 = tpu.vector_load %arg9[%get3A_702, %get3A_703] {strides = array<i32>} : memref<80x128xf32, #tpu.memory_space<vmem>>, vector<16xf32>,
        %get3A_705 = arith.index_cast %add3A_657 : i32 to index
        %get3A_706 = arith.constant 96 : index
        %get3A_707 = tpu.vector_load %arg10[%get3A_705, %get3A_706] {strides = array<i32>} : memref<80x128xf32, #tpu.memory_space<vmem>>, vector<16xf32>,
        %mul3A_708 = arith.mulf %get3A_704, %get3A_707 : vector<16xf32>
        %add3A_709 = arith.addf %mul3A_678, %mul3A_708 : vector<16xf32>
        %get3A_710 = arith.index_cast %add3A_657 : i32 to index
        %get3A_711 = arith.constant 112 : index
        %get3A_712 = tpu.vector_load %arg9[%get3A_710, %get3A_711] {strides = array<i32>} : memref<80x128xf32, #tpu.memory_space<vmem>>, vector<16xf32>,
        %get3A_713 = arith.index_cast %add3A_657 : i32 to index
        %get3A_714 = arith.constant 112 : index
        %get3A_715 = tpu.vector_load %arg10[%get3A_713, %get3A_714] {strides = array<i32>} : memref<80x128xf32, #tpu.memory_space<vmem>>, vector<16xf32>,
        %mul3A_716 = arith.mulf %get3A_712, %get3A_715 : vector<16xf32>
        %add3A_717 = arith.addf %mul3A_685, %mul3A_716 : vector<16xf32>
        %add3A_718 = arith.addf %add3A_693, %add3A_701 : vector<16xf32>
        %add3A_719 = arith.addf %add3A_709, %add3A_717 : vector<16xf32>
        %add3A_720 = arith.addf %add3A_718, %add3A_719 : vector<16xf32>
        %broadcast_in_dim3A_721 = vector.broadcast %add3A_657 : i32 to vector<16xi32>
        tpu.vector_store_idx %arg13[%broadcast_in_dim3A_721], %add3A_720 {add = true} : memref<80xf32, #tpu.memory_space<vmem>>[vector<16xi32>], vector<16xf32>,
        %mul3A_722 = arith.constant 16 : i32
        %mul3A_723 = arith.muli %scan3A_178, %mul3A_722 : i32
        %add3A_724 = arith.constant 8 : i32
        %add3A_725 = arith.addi %mul3A_723, %add3A_724 : i32
        %get3A_726 = arith.index_cast %add3A_725 : i32 to index
        %get3A_727 = arith.constant 0 : index
        %get3A_728 = tpu.vector_load %arg9[%get3A_726, %get3A_727] {strides = array<i32>} : memref<80x128xf32, #tpu.memory_space<vmem>>, vector<16xf32>,
        %get3A_729 = arith.index_cast %add3A_725 : i32 to index
        %get3A_730 = arith.constant 0 : index
        %get3A_731 = tpu.vector_load %arg10[%get3A_729, %get3A_730] {strides = array<i32>} : memref<80x128xf32, #tpu.memory_space<vmem>>, vector<16xf32>,
        %mul3A_732 = arith.mulf %get3A_728, %get3A_731 : vector<16xf32>
        %get3A_733 = arith.index_cast %add3A_725 : i32 to index
        %get3A_734 = arith.constant 16 : index
        %get3A_735 = tpu.vector_load %arg9[%get3A_733, %get3A_734] {strides = array<i32>} : memref<80x128xf32, #tpu.memory_space<vmem>>, vector<16xf32>,
        %get3A_736 = arith.index_cast %add3A_725 : i32 to index
        %get3A_737 = arith.constant 16 : index
        %get3A_738 = tpu.vector_load %arg10[%get3A_736, %get3A_737] {strides = array<i32>} : memref<80x128xf32, #tpu.memory_space<vmem>>, vector<16xf32>,
        %mul3A_739 = arith.mulf %get3A_735, %get3A_738 : vector<16xf32>
        %get3A_740 = arith.index_cast %add3A_725 : i32 to index
        %get3A_741 = arith.constant 32 : index
        %get3A_742 = tpu.vector_load %arg9[%get3A_740, %get3A_741] {strides = array<i32>} : memref<80x128xf32, #tpu.memory_space<vmem>>, vector<16xf32>,
        %get3A_743 = arith.index_cast %add3A_725 : i32 to index
        %get3A_744 = arith.constant 32 : index
        %get3A_745 = tpu.vector_load %arg10[%get3A_743, %get3A_744] {strides = array<i32>} : memref<80x128xf32, #tpu.memory_space<vmem>>, vector<16xf32>,
        %mul3A_746 = arith.mulf %get3A_742, %get3A_745 : vector<16xf32>
        %get3A_747 = arith.index_cast %add3A_725 : i32 to index
        %get3A_748 = arith.constant 48 : index
        %get3A_749 = tpu.vector_load %arg9[%get3A_747, %get3A_748] {strides = array<i32>} : memref<80x128xf32, #tpu.memory_space<vmem>>, vector<16xf32>,
        %get3A_750 = arith.index_cast %add3A_725 : i32 to index
        %get3A_751 = arith.constant 48 : index
        %get3A_752 = tpu.vector_load %arg10[%get3A_750, %get3A_751] {strides = array<i32>} : memref<80x128xf32, #tpu.memory_space<vmem>>, vector<16xf32>,
        %mul3A_753 = arith.mulf %get3A_749, %get3A_752 : vector<16xf32>
        %get3A_754 = arith.index_cast %add3A_725 : i32 to index
        %get3A_755 = arith.constant 64 : index
        %get3A_756 = tpu.vector_load %arg9[%get3A_754, %get3A_755] {strides = array<i32>} : memref<80x128xf32, #tpu.memory_space<vmem>>, vector<16xf32>,
        %get3A_757 = arith.index_cast %add3A_725 : i32 to index
        %get3A_758 = arith.constant 64 : index
        %get3A_759 = tpu.vector_load %arg10[%get3A_757, %get3A_758] {strides = array<i32>} : memref<80x128xf32, #tpu.memory_space<vmem>>, vector<16xf32>,
        %mul3A_760 = arith.mulf %get3A_756, %get3A_759 : vector<16xf32>
        %add3A_761 = arith.addf %mul3A_732, %mul3A_760 : vector<16xf32>
        %get3A_762 = arith.index_cast %add3A_725 : i32 to index
        %get3A_763 = arith.constant 80 : index
        %get3A_764 = tpu.vector_load %arg9[%get3A_762, %get3A_763] {strides = array<i32>} : memref<80x128xf32, #tpu.memory_space<vmem>>, vector<16xf32>,
        %get3A_765 = arith.index_cast %add3A_725 : i32 to index
        %get3A_766 = arith.constant 80 : index
        %get3A_767 = tpu.vector_load %arg10[%get3A_765, %get3A_766] {strides = array<i32>} : memref<80x128xf32, #tpu.memory_space<vmem>>, vector<16xf32>,
        %mul3A_768 = arith.mulf %get3A_764, %get3A_767 : vector<16xf32>
        %add3A_769 = arith.addf %mul3A_739, %mul3A_768 : vector<16xf32>
        %get3A_770 = arith.index_cast %add3A_725 : i32 to index
        %get3A_771 = arith.constant 96 : index
        %get3A_772 = tpu.vector_load %arg9[%get3A_770, %get3A_771] {strides = array<i32>} : memref<80x128xf32, #tpu.memory_space<vmem>>, vector<16xf32>,
        %get3A_773 = arith.index_cast %add3A_725 : i32 to index
        %get3A_774 = arith.constant 96 : index
        %get3A_775 = tpu.vector_load %arg10[%get3A_773, %get3A_774] {strides = array<i32>} : memref<80x128xf32, #tpu.memory_space<vmem>>, vector<16xf32>,
        %mul3A_776 = arith.mulf %get3A_772, %get3A_775 : vector<16xf32>
        %add3A_777 = arith.addf %mul3A_746, %mul3A_776 : vector<16xf32>
        %get3A_778 = arith.index_cast %add3A_725 : i32 to index
        %get3A_779 = arith.constant 112 : index
        %get3A_780 = tpu.vector_load %arg9[%get3A_778, %get3A_779] {strides = array<i32>} : memref<80x128xf32, #tpu.memory_space<vmem>>, vector<16xf32>,
        %get3A_781 = arith.index_cast %add3A_725 : i32 to index
        %get3A_782 = arith.constant 112 : index
        %get3A_783 = tpu.vector_load %arg10[%get3A_781, %get3A_782] {strides = array<i32>} : memref<80x128xf32, #tpu.memory_space<vmem>>, vector<16xf32>,
        %mul3A_784 = arith.mulf %get3A_780, %get3A_783 : vector<16xf32>
        %add3A_785 = arith.addf %mul3A_753, %mul3A_784 : vector<16xf32>
        %add3A_786 = arith.addf %add3A_761, %add3A_769 : vector<16xf32>
        %add3A_787 = arith.addf %add3A_777, %add3A_785 : vector<16xf32>
        %add3A_788 = arith.addf %add3A_786, %add3A_787 : vector<16xf32>
        %broadcast_in_dim3A_789 = vector.broadcast %add3A_725 : i32 to vector<16xi32>
        tpu.vector_store_idx %arg13[%broadcast_in_dim3A_789], %add3A_788 {add = true} : memref<80xf32, #tpu.memory_space<vmem>>[vector<16xi32>], vector<16xf32>,
        %mul3A_790 = arith.constant 16 : i32
        %mul3A_791 = arith.muli %scan3A_178, %mul3A_790 : i32
        %add3A_792 = arith.constant 9 : i32
        %add3A_793 = arith.addi %mul3A_791, %add3A_792 : i32
        %get3A_794 = arith.index_cast %add3A_793 : i32 to index
        %get3A_795 = arith.constant 0 : index
        %get3A_796 = tpu.vector_load %arg9[%get3A_794, %get3A_795] {strides = array<i32>} : memref<80x128xf32, #tpu.memory_space<vmem>>, vector<16xf32>,
        %get3A_797 = arith.index_cast %add3A_793 : i32 to index
        %get3A_798 = arith.constant 0 : index
        %get3A_799 = tpu.vector_load %arg10[%get3A_797, %get3A_798] {strides = array<i32>} : memref<80x128xf32, #tpu.memory_space<vmem>>, vector<16xf32>,
        %mul3A_800 = arith.mulf %get3A_796, %get3A_799 : vector<16xf32>
        %get3A_801 = arith.index_cast %add3A_793 : i32 to index
        %get3A_802 = arith.constant 16 : index
        %get3A_803 = tpu.vector_load %arg9[%get3A_801, %get3A_802] {strides = array<i32>} : memref<80x128xf32, #tpu.memory_space<vmem>>, vector<16xf32>,
        %get3A_804 = arith.index_cast %add3A_793 : i32 to index
        %get3A_805 = arith.constant 16 : index
        %get3A_806 = tpu.vector_load %arg10[%get3A_804, %get3A_805] {strides = array<i32>} : memref<80x128xf32, #tpu.memory_space<vmem>>, vector<16xf32>,
        %mul3A_807 = arith.mulf %get3A_803, %get3A_806 : vector<16xf32>
        %get3A_808 = arith.index_cast %add3A_793 : i32 to index
        %get3A_809 = arith.constant 32 : index
        %get3A_810 = tpu.vector_load %arg9[%get3A_808, %get3A_809] {strides = array<i32>} : memref<80x128xf32, #tpu.memory_space<vmem>>, vector<16xf32>,
        %get3A_811 = arith.index_cast %add3A_793 : i32 to index
        %get3A_812 = arith.constant 32 : index
        %get3A_813 = tpu.vector_load %arg10[%get3A_811, %get3A_812] {strides = array<i32>} : memref<80x128xf32, #tpu.memory_space<vmem>>, vector<16xf32>,
        %mul3A_814 = arith.mulf %get3A_810, %get3A_813 : vector<16xf32>
        %get3A_815 = arith.index_cast %add3A_793 : i32 to index
        %get3A_816 = arith.constant 48 : index
        %get3A_817 = tpu.vector_load %arg9[%get3A_815, %get3A_816] {strides = array<i32>} : memref<80x128xf32, #tpu.memory_space<vmem>>, vector<16xf32>,
        %get3A_818 = arith.index_cast %add3A_793 : i32 to index
        %get3A_819 = arith.constant 48 : index
        %get3A_820 = tpu.vector_load %arg10[%get3A_818, %get3A_819] {strides = array<i32>} : memref<80x128xf32, #tpu.memory_space<vmem>>, vector<16xf32>,
        %mul3A_821 = arith.mulf %get3A_817, %get3A_820 : vector<16xf32>
        %get3A_822 = arith.index_cast %add3A_793 : i32 to index
        %get3A_823 = arith.constant 64 : index
        %get3A_824 = tpu.vector_load %arg9[%get3A_822, %get3A_823] {strides = array<i32>} : memref<80x128xf32, #tpu.memory_space<vmem>>, vector<16xf32>,
        %get3A_825 = arith.index_cast %add3A_793 : i32 to index
        %get3A_826 = arith.constant 64 : index
        %get3A_827 = tpu.vector_load %arg10[%get3A_825, %get3A_826] {strides = array<i32>} : memref<80x128xf32, #tpu.memory_space<vmem>>, vector<16xf32>,
        %mul3A_828 = arith.mulf %get3A_824, %get3A_827 : vector<16xf32>
        %add3A_829 = arith.addf %mul3A_800, %mul3A_828 : vector<16xf32>
        %get3A_830 = arith.index_cast %add3A_793 : i32 to index
        %get3A_831 = arith.constant 80 : index
        %get3A_832 = tpu.vector_load %arg9[%get3A_830, %get3A_831] {strides = array<i32>} : memref<80x128xf32, #tpu.memory_space<vmem>>, vector<16xf32>,
        %get3A_833 = arith.index_cast %add3A_793 : i32 to index
        %get3A_834 = arith.constant 80 : index
        %get3A_835 = tpu.vector_load %arg10[%get3A_833, %get3A_834] {strides = array<i32>} : memref<80x128xf32, #tpu.memory_space<vmem>>, vector<16xf32>,
        %mul3A_836 = arith.mulf %get3A_832, %get3A_835 : vector<16xf32>
        %add3A_837 = arith.addf %mul3A_807, %mul3A_836 : vector<16xf32>
        %get3A_838 = arith.index_cast %add3A_793 : i32 to index
        %get3A_839 = arith.constant 96 : index
        %get3A_840 = tpu.vector_load %arg9[%get3A_838, %get3A_839] {strides = array<i32>} : memref<80x128xf32, #tpu.memory_space<vmem>>, vector<16xf32>,
        %get3A_841 = arith.index_cast %add3A_793 : i32 to index
        %get3A_842 = arith.constant 96 : index
        %get3A_843 = tpu.vector_load %arg10[%get3A_841, %get3A_842] {strides = array<i32>} : memref<80x128xf32, #tpu.memory_space<vmem>>, vector<16xf32>,
        %mul3A_844 = arith.mulf %get3A_840, %get3A_843 : vector<16xf32>
        %add3A_845 = arith.addf %mul3A_814, %mul3A_844 : vector<16xf32>
        %get3A_846 = arith.index_cast %add3A_793 : i32 to index
        %get3A_847 = arith.constant 112 : index
        %get3A_848 = tpu.vector_load %arg9[%get3A_846, %get3A_847] {strides = array<i32>} : memref<80x128xf32, #tpu.memory_space<vmem>>, vector<16xf32>,
        %get3A_849 = arith.index_cast %add3A_793 : i32 to index
        %get3A_850 = arith.constant 112 : index
        %get3A_851 = tpu.vector_load %arg10[%get3A_849, %get3A_850] {strides = array<i32>} : memref<80x128xf32, #tpu.memory_space<vmem>>, vector<16xf32>,
        %mul3A_852 = arith.mulf %get3A_848, %get3A_851 : vector<16xf32>
        %add3A_853 = arith.addf %mul3A_821, %mul3A_852 : vector<16xf32>
        %add3A_854 = arith.addf %add3A_829, %add3A_837 : vector<16xf32>
        %add3A_855 = arith.addf %add3A_845, %add3A_853 : vector<16xf32>
        %add3A_856 = arith.addf %add3A_854, %add3A_855 : vector<16xf32>
        %broadcast_in_dim3A_857 = vector.broadcast %add3A_793 : i32 to vector<16xi32>
        tpu.vector_store_idx %arg13[%broadcast_in_dim3A_857], %add3A_856 {add = true} : memref<80xf32, #tpu.memory_space<vmem>>[vector<16xi32>], vector<16xf32>,
        %mul3A_858 = arith.constant 16 : i32
        %mul3A_859 = arith.muli %scan3A_178, %mul3A_858 : i32
        %add3A_860 = arith.constant 10 : i32
        %add3A_861 = arith.addi %mul3A_859, %add3A_860 : i32
        %get3A_862 = arith.index_cast %add3A_861 : i32 to index
        %get3A_863 = arith.constant 0 : index
        %get3A_864 = tpu.vector_load %arg9[%get3A_862, %get3A_863] {strides = array<i32>} : memref<80x128xf32, #tpu.memory_space<vmem>>, vector<16xf32>,
        %get3A_865 = arith.index_cast %add3A_861 : i32 to index
        %get3A_866 = arith.constant 0 : index
        %get3A_867 = tpu.vector_load %arg10[%get3A_865, %get3A_866] {strides = array<i32>} : memref<80x128xf32, #tpu.memory_space<vmem>>, vector<16xf32>,
        %mul3A_868 = arith.mulf %get3A_864, %get3A_867 : vector<16xf32>
        %get3A_869 = arith.index_cast %add3A_861 : i32 to index
        %get3A_870 = arith.constant 16 : index
        %get3A_871 = tpu.vector_load %arg9[%get3A_869, %get3A_870] {strides = array<i32>} : memref<80x128xf32, #tpu.memory_space<vmem>>, vector<16xf32>,
        %get3A_872 = arith.index_cast %add3A_861 : i32 to index
        %get3A_873 = arith.constant 16 : index
        %get3A_874 = tpu.vector_load %arg10[%get3A_872, %get3A_873] {strides = array<i32>} : memref<80x128xf32, #tpu.memory_space<vmem>>, vector<16xf32>,
        %mul3A_875 = arith.mulf %get3A_871, %get3A_874 : vector<16xf32>
        %get3A_876 = arith.index_cast %add3A_861 : i32 to index
        %get3A_877 = arith.constant 32 : index
        %get3A_878 = tpu.vector_load %arg9[%get3A_876, %get3A_877] {strides = array<i32>} : memref<80x128xf32, #tpu.memory_space<vmem>>, vector<16xf32>,
        %get3A_879 = arith.index_cast %add3A_861 : i32 to index
        %get3A_880 = arith.constant 32 : index
        %get3A_881 = tpu.vector_load %arg10[%get3A_879, %get3A_880] {strides = array<i32>} : memref<80x128xf32, #tpu.memory_space<vmem>>, vector<16xf32>,
        %mul3A_882 = arith.mulf %get3A_878, %get3A_881 : vector<16xf32>
        %get3A_883 = arith.index_cast %add3A_861 : i32 to index
        %get3A_884 = arith.constant 48 : index
        %get3A_885 = tpu.vector_load %arg9[%get3A_883, %get3A_884] {strides = array<i32>} : memref<80x128xf32, #tpu.memory_space<vmem>>, vector<16xf32>,
        %get3A_886 = arith.index_cast %add3A_861 : i32 to index
        %get3A_887 = arith.constant 48 : index
        %get3A_888 = tpu.vector_load %arg10[%get3A_886, %get3A_887] {strides = array<i32>} : memref<80x128xf32, #tpu.memory_space<vmem>>, vector<16xf32>,
        %mul3A_889 = arith.mulf %get3A_885, %get3A_888 : vector<16xf32>
        %get3A_890 = arith.index_cast %add3A_861 : i32 to index
        %get3A_891 = arith.constant 64 : index
        %get3A_892 = tpu.vector_load %arg9[%get3A_890, %get3A_891] {strides = array<i32>} : memref<80x128xf32, #tpu.memory_space<vmem>>, vector<16xf32>,
        %get3A_893 = arith.index_cast %add3A_861 : i32 to index
        %get3A_894 = arith.constant 64 : index
        %get3A_895 = tpu.vector_load %arg10[%get3A_893, %get3A_894] {strides = array<i32>} : memref<80x128xf32, #tpu.memory_space<vmem>>, vector<16xf32>,
        %mul3A_896 = arith.mulf %get3A_892, %get3A_895 : vector<16xf32>
        %add3A_897 = arith.addf %mul3A_868, %mul3A_896 : vector<16xf32>
        %get3A_898 = arith.index_cast %add3A_861 : i32 to index
        %get3A_899 = arith.constant 80 : index
        %get3A_900 = tpu.vector_load %arg9[%get3A_898, %get3A_899] {strides = array<i32>} : memref<80x128xf32, #tpu.memory_space<vmem>>, vector<16xf32>,
        %get3A_901 = arith.index_cast %add3A_861 : i32 to index
        %get3A_902 = arith.constant 80 : index
        %get3A_903 = tpu.vector_load %arg10[%get3A_901, %get3A_902] {strides = array<i32>} : memref<80x128xf32, #tpu.memory_space<vmem>>, vector<16xf32>,
        %mul3A_904 = arith.mulf %get3A_900, %get3A_903 : vector<16xf32>
        %add3A_905 = arith.addf %mul3A_875, %mul3A_904 : vector<16xf32>
        %get3A_906 = arith.index_cast %add3A_861 : i32 to index
        %get3A_907 = arith.constant 96 : index
        %get3A_908 = tpu.vector_load %arg9[%get3A_906, %get3A_907] {strides = array<i32>} : memref<80x128xf32, #tpu.memory_space<vmem>>, vector<16xf32>,
        %get3A_909 = arith.index_cast %add3A_861 : i32 to index
        %get3A_910 = arith.constant 96 : index
        %get3A_911 = tpu.vector_load %arg10[%get3A_909, %get3A_910] {strides = array<i32>} : memref<80x128xf32, #tpu.memory_space<vmem>>, vector<16xf32>,
        %mul3A_912 = arith.mulf %get3A_908, %get3A_911 : vector<16xf32>
        %add3A_913 = arith.addf %mul3A_882, %mul3A_912 : vector<16xf32>
        %get3A_914 = arith.index_cast %add3A_861 : i32 to index
        %get3A_915 = arith.constant 112 : index
        %get3A_916 = tpu.vector_load %arg9[%get3A_914, %get3A_915] {strides = array<i32>} : memref<80x128xf32, #tpu.memory_space<vmem>>, vector<16xf32>,
        %get3A_917 = arith.index_cast %add3A_861 : i32 to index
        %get3A_918 = arith.constant 112 : index
        %get3A_919 = tpu.vector_load %arg10[%get3A_917, %get3A_918] {strides = array<i32>} : memref<80x128xf32, #tpu.memory_space<vmem>>, vector<16xf32>,
        %mul3A_920 = arith.mulf %get3A_916, %get3A_919 : vector<16xf32>
        %add3A_921 = arith.addf %mul3A_889, %mul3A_920 : vector<16xf32>
        %add3A_922 = arith.addf %add3A_897, %add3A_905 : vector<16xf32>
        %add3A_923 = arith.addf %add3A_913, %add3A_921 : vector<16xf32>
        %add3A_924 = arith.addf %add3A_922, %add3A_923 : vector<16xf32>
        %broadcast_in_dim3A_925 = vector.broadcast %add3A_861 : i32 to vector<16xi32>
        tpu.vector_store_idx %arg13[%broadcast_in_dim3A_925], %add3A_924 {add = true} : memref<80xf32, #tpu.memory_space<vmem>>[vector<16xi32>], vector<16xf32>,
        %mul3A_926 = arith.constant 16 : i32
        %mul3A_927 = arith.muli %scan3A_178, %mul3A_926 : i32
        %add3A_928 = arith.constant 11 : i32
        %add3A_929 = arith.addi %mul3A_927, %add3A_928 : i32
        %get3A_930 = arith.index_cast %add3A_929 : i32 to index
        %get3A_931 = arith.constant 0 : index
        %get3A_932 = tpu.vector_load %arg9[%get3A_930, %get3A_931] {strides = array<i32>} : memref<80x128xf32, #tpu.memory_space<vmem>>, vector<16xf32>,
        %get3A_933 = arith.index_cast %add3A_929 : i32 to index
        %get3A_934 = arith.constant 0 : index
        %get3A_935 = tpu.vector_load %arg10[%get3A_933, %get3A_934] {strides = array<i32>} : memref<80x128xf32, #tpu.memory_space<vmem>>, vector<16xf32>,
        %mul3A_936 = arith.mulf %get3A_932, %get3A_935 : vector<16xf32>
        %get3A_937 = arith.index_cast %add3A_929 : i32 to index
        %get3A_938 = arith.constant 16 : index
        %get3A_939 = tpu.vector_load %arg9[%get3A_937, %get3A_938] {strides = array<i32>} : memref<80x128xf32, #tpu.memory_space<vmem>>, vector<16xf32>,
        %get3A_940 = arith.index_cast %add3A_929 : i32 to index
        %get3A_941 = arith.constant 16 : index
        %get3A_942 = tpu.vector_load %arg10[%get3A_940, %get3A_941] {strides = array<i32>} : memref<80x128xf32, #tpu.memory_space<vmem>>, vector<16xf32>,
        %mul3A_943 = arith.mulf %get3A_939, %get3A_942 : vector<16xf32>
        %get3A_944 = arith.index_cast %add3A_929 : i32 to index
        %get3A_945 = arith.constant 32 : index
        %get3A_946 = tpu.vector_load %arg9[%get3A_944, %get3A_945] {strides = array<i32>} : memref<80x128xf32, #tpu.memory_space<vmem>>, vector<16xf32>,
        %get3A_947 = arith.index_cast %add3A_929 : i32 to index
        %get3A_948 = arith.constant 32 : index
        %get3A_949 = tpu.vector_load %arg10[%get3A_947, %get3A_948] {strides = array<i32>} : memref<80x128xf32, #tpu.memory_space<vmem>>, vector<16xf32>,
        %mul3A_950 = arith.mulf %get3A_946, %get3A_949 : vector<16xf32>
        %get3A_951 = arith.index_cast %add3A_929 : i32 to index
        %get3A_952 = arith.constant 48 : index
        %get3A_953 = tpu.vector_load %arg9[%get3A_951, %get3A_952] {strides = array<i32>} : memref<80x128xf32, #tpu.memory_space<vmem>>, vector<16xf32>,
        %get3A_954 = arith.index_cast %add3A_929 : i32 to index
        %get3A_955 = arith.constant 48 : index
        %get3A_956 = tpu.vector_load %arg10[%get3A_954, %get3A_955] {strides = array<i32>} : memref<80x128xf32, #tpu.memory_space<vmem>>, vector<16xf32>,
        %mul3A_957 = arith.mulf %get3A_953, %get3A_956 : vector<16xf32>
        %get3A_958 = arith.index_cast %add3A_929 : i32 to index
        %get3A_959 = arith.constant 64 : index
        %get3A_960 = tpu.vector_load %arg9[%get3A_958, %get3A_959] {strides = array<i32>} : memref<80x128xf32, #tpu.memory_space<vmem>>, vector<16xf32>,
        %get3A_961 = arith.index_cast %add3A_929 : i32 to index
        %get3A_962 = arith.constant 64 : index
        %get3A_963 = tpu.vector_load %arg10[%get3A_961, %get3A_962] {strides = array<i32>} : memref<80x128xf32, #tpu.memory_space<vmem>>, vector<16xf32>,
        %mul3A_964 = arith.mulf %get3A_960, %get3A_963 : vector<16xf32>
        %add3A_965 = arith.addf %mul3A_936, %mul3A_964 : vector<16xf32>
        %get3A_966 = arith.index_cast %add3A_929 : i32 to index
        %get3A_967 = arith.constant 80 : index
        %get3A_968 = tpu.vector_load %arg9[%get3A_966, %get3A_967] {strides = array<i32>} : memref<80x128xf32, #tpu.memory_space<vmem>>, vector<16xf32>,
        %get3A_969 = arith.index_cast %add3A_929 : i32 to index
        %get3A_970 = arith.constant 80 : index
        %get3A_971 = tpu.vector_load %arg10[%get3A_969, %get3A_970] {strides = array<i32>} : memref<80x128xf32, #tpu.memory_space<vmem>>, vector<16xf32>,
        %mul3A_972 = arith.mulf %get3A_968, %get3A_971 : vector<16xf32>
        %add3A_973 = arith.addf %mul3A_943, %mul3A_972 : vector<16xf32>
        %get3A_974 = arith.index_cast %add3A_929 : i32 to index
        %get3A_975 = arith.constant 96 : index
        %get3A_976 = tpu.vector_load %arg9[%get3A_974, %get3A_975] {strides = array<i32>} : memref<80x128xf32, #tpu.memory_space<vmem>>, vector<16xf32>,
        %get3A_977 = arith.index_cast %add3A_929 : i32 to index
        %get3A_978 = arith.constant 96 : index
        %get3A_979 = tpu.vector_load %arg10[%get3A_977, %get3A_978] {strides = array<i32>} : memref<80x128xf32, #tpu.memory_space<vmem>>, vector<16xf32>,
        %mul3A_980 = arith.mulf %get3A_976, %get3A_979 : vector<16xf32>
        %add3A_981 = arith.addf %mul3A_950, %mul3A_980 : vector<16xf32>
        %get3A_982 = arith.index_cast %add3A_929 : i32 to index
        %get3A_983 = arith.constant 112 : index
        %get3A_984 = tpu.vector_load %arg9[%get3A_982, %get3A_983] {strides = array<i32>} : memref<80x128xf32, #tpu.memory_space<vmem>>, vector<16xf32>,
        %get3A_985 = arith.index_cast %add3A_929 : i32 to index
        %get3A_986 = arith.constant 112 : index
        %get3A_987 = tpu.vector_load %arg10[%get3A_985, %get3A_986] {strides = array<i32>} : memref<80x128xf32, #tpu.memory_space<vmem>>, vector<16xf32>,
        %mul3A_988 = arith.mulf %get3A_984, %get3A_987 : vector<16xf32>
        %add3A_989 = arith.addf %mul3A_957, %mul3A_988 : vector<16xf32>
        %add3A_990 = arith.addf %add3A_965, %add3A_973 : vector<16xf32>
        %add3A_991 = arith.addf %add3A_981, %add3A_989 : vector<16xf32>
        %add3A_992 = arith.addf %add3A_990, %add3A_991 : vector<16xf32>
        %broadcast_in_dim3A_993 = vector.broadcast %add3A_929 : i32 to vector<16xi32>
        tpu.vector_store_idx %arg13[%broadcast_in_dim3A_993], %add3A_992 {add = true} : memref<80xf32, #tpu.memory_space<vmem>>[vector<16xi32>], vector<16xf32>,
        %mul3A_994 = arith.constant 16 : i32
        %mul3A_995 = arith.muli %scan3A_178, %mul3A_994 : i32
        %add3A_996 = arith.constant 12 : i32
        %add3A_997 = arith.addi %mul3A_995, %add3A_996 : i32
        %get3A_998 = arith.index_cast %add3A_997 : i32 to index
        %get3A_999 = arith.constant 0 : index
        %get3A_1000 = tpu.vector_load %arg9[%get3A_998, %get3A_999] {strides = array<i32>} : memref<80x128xf32, #tpu.memory_space<vmem>>, vector<16xf32>,
        %get3A_1001 = arith.index_cast %add3A_997 : i32 to index
        %get3A_1002 = arith.constant 0 : index
        %get3A_1003 = tpu.vector_load %arg10[%get3A_1001, %get3A_1002] {strides = array<i32>} : memref<80x128xf32, #tpu.memory_space<vmem>>, vector<16xf32>,
        %mul3A_1004 = arith.mulf %get3A_1000, %get3A_1003 : vector<16xf32>
        %get3A_1005 = arith.index_cast %add3A_997 : i32 to index
        %get3A_1006 = arith.constant 16 : index
        %get3A_1007 = tpu.vector_load %arg9[%get3A_1005, %get3A_1006] {strides = array<i32>} : memref<80x128xf32, #tpu.memory_space<vmem>>, vector<16xf32>,
        %get3A_1008 = arith.index_cast %add3A_997 : i32 to index
        %get3A_1009 = arith.constant 16 : index
        %get3A_1010 = tpu.vector_load %arg10[%get3A_1008, %get3A_1009] {strides = array<i32>} : memref<80x128xf32, #tpu.memory_space<vmem>>, vector<16xf32>,
        %mul3A_1011 = arith.mulf %get3A_1007, %get3A_1010 : vector<16xf32>
        %get3A_1012 = arith.index_cast %add3A_997 : i32 to index
        %get3A_1013 = arith.constant 32 : index
        %get3A_1014 = tpu.vector_load %arg9[%get3A_1012, %get3A_1013] {strides = array<i32>} : memref<80x128xf32, #tpu.memory_space<vmem>>, vector<16xf32>,
        %get3A_1015 = arith.index_cast %add3A_997 : i32 to index
        %get3A_1016 = arith.constant 32 : index
        %get3A_1017 = tpu.vector_load %arg10[%get3A_1015, %get3A_1016] {strides = array<i32>} : memref<80x128xf32, #tpu.memory_space<vmem>>, vector<16xf32>,
        %mul3A_1018 = arith.mulf %get3A_1014, %get3A_1017 : vector<16xf32>
        %get3A_1019 = arith.index_cast %add3A_997 : i32 to index
        %get3A_1020 = arith.constant 48 : index
        %get3A_1021 = tpu.vector_load %arg9[%get3A_1019, %get3A_1020] {strides = array<i32>} : memref<80x128xf32, #tpu.memory_space<vmem>>, vector<16xf32>,
        %get3A_1022 = arith.index_cast %add3A_997 : i32 to index
        %get3A_1023 = arith.constant 48 : index
        %get3A_1024 = tpu.vector_load %arg10[%get3A_1022, %get3A_1023] {strides = array<i32>} : memref<80x128xf32, #tpu.memory_space<vmem>>, vector<16xf32>,
        %mul3A_1025 = arith.mulf %get3A_1021, %get3A_1024 : vector<16xf32>
        %get3A_1026 = arith.index_cast %add3A_997 : i32 to index
        %get3A_1027 = arith.constant 64 : index
        %get3A_1028 = tpu.vector_load %arg9[%get3A_1026, %get3A_1027] {strides = array<i32>} : memref<80x128xf32, #tpu.memory_space<vmem>>, vector<16xf32>,
        %get3A_1029 = arith.index_cast %add3A_997 : i32 to index
        %get3A_1030 = arith.constant 64 : index
        %get3A_1031 = tpu.vector_load %arg10[%get3A_1029, %get3A_1030] {strides = array<i32>} : memref<80x128xf32, #tpu.memory_space<vmem>>, vector<16xf32>,
        %mul3A_1032 = arith.mulf %get3A_1028, %get3A_1031 : vector<16xf32>
        %add3A_1033 = arith.addf %mul3A_1004, %mul3A_1032 : vector<16xf32>
        %get3A_1034 = arith.index_cast %add3A_997 : i32 to index
        %get3A_1035 = arith.constant 80 : index
        %get3A_1036 = tpu.vector_load %arg9[%get3A_1034, %get3A_1035] {strides = array<i32>} : memref<80x128xf32, #tpu.memory_space<vmem>>, vector<16xf32>,
        %get3A_1037 = arith.index_cast %add3A_997 : i32 to index
        %get3A_1038 = arith.constant 80 : index
        %get3A_1039 = tpu.vector_load %arg10[%get3A_1037, %get3A_1038] {strides = array<i32>} : memref<80x128xf32, #tpu.memory_space<vmem>>, vector<16xf32>,
        %mul3A_1040 = arith.mulf %get3A_1036, %get3A_1039 : vector<16xf32>
        %add3A_1041 = arith.addf %mul3A_1011, %mul3A_1040 : vector<16xf32>
        %get3A_1042 = arith.index_cast %add3A_997 : i32 to index
        %get3A_1043 = arith.constant 96 : index
        %get3A_1044 = tpu.vector_load %arg9[%get3A_1042, %get3A_1043] {strides = array<i32>} : memref<80x128xf32, #tpu.memory_space<vmem>>, vector<16xf32>,
        %get3A_1045 = arith.index_cast %add3A_997 : i32 to index
        %get3A_1046 = arith.constant 96 : index
        %get3A_1047 = tpu.vector_load %arg10[%get3A_1045, %get3A_1046] {strides = array<i32>} : memref<80x128xf32, #tpu.memory_space<vmem>>, vector<16xf32>,
        %mul3A_1048 = arith.mulf %get3A_1044, %get3A_1047 : vector<16xf32>
        %add3A_1049 = arith.addf %mul3A_1018, %mul3A_1048 : vector<16xf32>
        %get3A_1050 = arith.index_cast %add3A_997 : i32 to index
        %get3A_1051 = arith.constant 112 : index
        %get3A_1052 = tpu.vector_load %arg9[%get3A_1050, %get3A_1051] {strides = array<i32>} : memref<80x128xf32, #tpu.memory_space<vmem>>, vector<16xf32>,
        %get3A_1053 = arith.index_cast %add3A_997 : i32 to index
        %get3A_1054 = arith.constant 112 : index
        %get3A_1055 = tpu.vector_load %arg10[%get3A_1053, %get3A_1054] {strides = array<i32>} : memref<80x128xf32, #tpu.memory_space<vmem>>, vector<16xf32>,
        %mul3A_1056 = arith.mulf %get3A_1052, %get3A_1055 : vector<16xf32>
        %add3A_1057 = arith.addf %mul3A_1025, %mul3A_1056 : vector<16xf32>
        %add3A_1058 = arith.addf %add3A_1033, %add3A_1041 : vector<16xf32>
        %add3A_1059 = arith.addf %add3A_1049, %add3A_1057 : vector<16xf32>
        %add3A_1060 = arith.addf %add3A_1058, %add3A_1059 : vector<16xf32>
        %broadcast_in_dim3A_1061 = vector.broadcast %add3A_997 : i32 to vector<16xi32>
        tpu.vector_store_idx %arg13[%broadcast_in_dim3A_1061], %add3A_1060 {add = true} : memref<80xf32, #tpu.memory_space<vmem>>[vector<16xi32>], vector<16xf32>,
        %mul3A_1062 = arith.constant 16 : i32
        %mul3A_1063 = arith.muli %scan3A_178, %mul3A_1062 : i32
        %add3A_1064 = arith.constant 13 : i32
        %add3A_1065 = arith.addi %mul3A_1063, %add3A_1064 : i32
        %get3A_1066 = arith.index_cast %add3A_1065 : i32 to index
        %get3A_1067 = arith.constant 0 : index
        %get3A_1068 = tpu.vector_load %arg9[%get3A_1066, %get3A_1067] {strides = array<i32>} : memref<80x128xf32, #tpu.memory_space<vmem>>, vector<16xf32>,
        %get3A_1069 = arith.index_cast %add3A_1065 : i32 to index
        %get3A_1070 = arith.constant 0 : index
        %get3A_1071 = tpu.vector_load %arg10[%get3A_1069, %get3A_1070] {strides = array<i32>} : memref<80x128xf32, #tpu.memory_space<vmem>>, vector<16xf32>,
        %mul3A_1072 = arith.mulf %get3A_1068, %get3A_1071 : vector<16xf32>
        %get3A_1073 = arith.index_cast %add3A_1065 : i32 to index
        %get3A_1074 = arith.constant 16 : index
        %get3A_1075 = tpu.vector_load %arg9[%get3A_1073, %get3A_1074] {strides = array<i32>} : memref<80x128xf32, #tpu.memory_space<vmem>>, vector<16xf32>,
        %get3A_1076 = arith.index_cast %add3A_1065 : i32 to index
        %get3A_1077 = arith.constant 16 : index
        %get3A_1078 = tpu.vector_load %arg10[%get3A_1076, %get3A_1077] {strides = array<i32>} : memref<80x128xf32, #tpu.memory_space<vmem>>, vector<16xf32>,
        %mul3A_1079 = arith.mulf %get3A_1075, %get3A_1078 : vector<16xf32>
        %get3A_1080 = arith.index_cast %add3A_1065 : i32 to index
        %get3A_1081 = arith.constant 32 : index
        %get3A_1082 = tpu.vector_load %arg9[%get3A_1080, %get3A_1081] {strides = array<i32>} : memref<80x128xf32, #tpu.memory_space<vmem>>, vector<16xf32>,
        %get3A_1083 = arith.index_cast %add3A_1065 : i32 to index
        %get3A_1084 = arith.constant 32 : index
        %get3A_1085 = tpu.vector_load %arg10[%get3A_1083, %get3A_1084] {strides = array<i32>} : memref<80x128xf32, #tpu.memory_space<vmem>>, vector<16xf32>,
        %mul3A_1086 = arith.mulf %get3A_1082, %get3A_1085 : vector<16xf32>
        %get3A_1087 = arith.index_cast %add3A_1065 : i32 to index
        %get3A_1088 = arith.constant 48 : index
        %get3A_1089 = tpu.vector_load %arg9[%get3A_1087, %get3A_1088] {strides = array<i32>} : memref<80x128xf32, #tpu.memory_space<vmem>>, vector<16xf32>,
        %get3A_1090 = arith.index_cast %add3A_1065 : i32 to index
        %get3A_1091 = arith.constant 48 : index
        %get3A_1092 = tpu.vector_load %arg10[%get3A_1090, %get3A_1091] {strides = array<i32>} : memref<80x128xf32, #tpu.memory_space<vmem>>, vector<16xf32>,
        %mul3A_1093 = arith.mulf %get3A_1089, %get3A_1092 : vector<16xf32>
        %get3A_1094 = arith.index_cast %add3A_1065 : i32 to index
        %get3A_1095 = arith.constant 64 : index
        %get3A_1096 = tpu.vector_load %arg9[%get3A_1094, %get3A_1095] {strides = array<i32>} : memref<80x128xf32, #tpu.memory_space<vmem>>, vector<16xf32>,
        %get3A_1097 = arith.index_cast %add3A_1065 : i32 to index
        %get3A_1098 = arith.constant 64 : index
        %get3A_1099 = tpu.vector_load %arg10[%get3A_1097, %get3A_1098] {strides = array<i32>} : memref<80x128xf32, #tpu.memory_space<vmem>>, vector<16xf32>,
        %mul3A_1100 = arith.mulf %get3A_1096, %get3A_1099 : vector<16xf32>
        %add3A_1101 = arith.addf %mul3A_1072, %mul3A_1100 : vector<16xf32>
        %get3A_1102 = arith.index_cast %add3A_1065 : i32 to index
        %get3A_1103 = arith.constant 80 : index
        %get3A_1104 = tpu.vector_load %arg9[%get3A_1102, %get3A_1103] {strides = array<i32>} : memref<80x128xf32, #tpu.memory_space<vmem>>, vector<16xf32>,
        %get3A_1105 = arith.index_cast %add3A_1065 : i32 to index
        %get3A_1106 = arith.constant 80 : index
        %get3A_1107 = tpu.vector_load %arg10[%get3A_1105, %get3A_1106] {strides = array<i32>} : memref<80x128xf32, #tpu.memory_space<vmem>>, vector<16xf32>,
        %mul3A_1108 = arith.mulf %get3A_1104, %get3A_1107 : vector<16xf32>
        %add3A_1109 = arith.addf %mul3A_1079, %mul3A_1108 : vector<16xf32>
        %get3A_1110 = arith.index_cast %add3A_1065 : i32 to index
        %get3A_1111 = arith.constant 96 : index
        %get3A_1112 = tpu.vector_load %arg9[%get3A_1110, %get3A_1111] {strides = array<i32>} : memref<80x128xf32, #tpu.memory_space<vmem>>, vector<16xf32>,
        %get3A_1113 = arith.index_cast %add3A_1065 : i32 to index
        %get3A_1114 = arith.constant 96 : index
        %get3A_1115 = tpu.vector_load %arg10[%get3A_1113, %get3A_1114] {strides = array<i32>} : memref<80x128xf32, #tpu.memory_space<vmem>>, vector<16xf32>,
        %mul3A_1116 = arith.mulf %get3A_1112, %get3A_1115 : vector<16xf32>
        %add3A_1117 = arith.addf %mul3A_1086, %mul3A_1116 : vector<16xf32>
        %get3A_1118 = arith.index_cast %add3A_1065 : i32 to index
        %get3A_1119 = arith.constant 112 : index
        %get3A_1120 = tpu.vector_load %arg9[%get3A_1118, %get3A_1119] {strides = array<i32>} : memref<80x128xf32, #tpu.memory_space<vmem>>, vector<16xf32>,
        %get3A_1121 = arith.index_cast %add3A_1065 : i32 to index
        %get3A_1122 = arith.constant 112 : index
        %get3A_1123 = tpu.vector_load %arg10[%get3A_1121, %get3A_1122] {strides = array<i32>} : memref<80x128xf32, #tpu.memory_space<vmem>>, vector<16xf32>,
        %mul3A_1124 = arith.mulf %get3A_1120, %get3A_1123 : vector<16xf32>
        %add3A_1125 = arith.addf %mul3A_1093, %mul3A_1124 : vector<16xf32>
        %add3A_1126 = arith.addf %add3A_1101, %add3A_1109 : vector<16xf32>
        %add3A_1127 = arith.addf %add3A_1117, %add3A_1125 : vector<16xf32>
        %add3A_1128 = arith.addf %add3A_1126, %add3A_1127 : vector<16xf32>
        %broadcast_in_dim3A_1129 = vector.broadcast %add3A_1065 : i32 to vector<16xi32>
        tpu.vector_store_idx %arg13[%broadcast_in_dim3A_1129], %add3A_1128 {add = true} : memref<80xf32, #tpu.memory_space<vmem>>[vector<16xi32>], vector<16xf32>,
        %mul3A_1130 = arith.constant 16 : i32
        %mul3A_1131 = arith.muli %scan3A_178, %mul3A_1130 : i32
        %add3A_1132 = arith.constant 14 : i32
        %add3A_1133 = arith.addi %mul3A_1131, %add3A_1132 : i32
        %get3A_1134 = arith.index_cast %add3A_1133 : i32 to index
        %get3A_1135 = arith.constant 0 : index
        %get3A_1136 = tpu.vector_load %arg9[%get3A_1134, %get3A_1135] {strides = array<i32>} : memref<80x128xf32, #tpu.memory_space<vmem>>, vector<16xf32>,
        %get3A_1137 = arith.index_cast %add3A_1133 : i32 to index
        %get3A_1138 = arith.constant 0 : index
        %get3A_1139 = tpu.vector_load %arg10[%get3A_1137, %get3A_1138] {strides = array<i32>} : memref<80x128xf32, #tpu.memory_space<vmem>>, vector<16xf32>,
        %mul3A_1140 = arith.mulf %get3A_1136, %get3A_1139 : vector<16xf32>
        %get3A_1141 = arith.index_cast %add3A_1133 : i32 to index
        %get3A_1142 = arith.constant 16 : index
        %get3A_1143 = tpu.vector_load %arg9[%get3A_1141, %get3A_1142] {strides = array<i32>} : memref<80x128xf32, #tpu.memory_space<vmem>>, vector<16xf32>,
        %get3A_1144 = arith.index_cast %add3A_1133 : i32 to index
        %get3A_1145 = arith.constant 16 : index
        %get3A_1146 = tpu.vector_load %arg10[%get3A_1144, %get3A_1145] {strides = array<i32>} : memref<80x128xf32, #tpu.memory_space<vmem>>, vector<16xf32>,
        %mul3A_1147 = arith.mulf %get3A_1143, %get3A_1146 : vector<16xf32>
        %get3A_1148 = arith.index_cast %add3A_1133 : i32 to index
        %get3A_1149 = arith.constant 32 : index
        %get3A_1150 = tpu.vector_load %arg9[%get3A_1148, %get3A_1149] {strides = array<i32>} : memref<80x128xf32, #tpu.memory_space<vmem>>, vector<16xf32>,
        %get3A_1151 = arith.index_cast %add3A_1133 : i32 to index
        %get3A_1152 = arith.constant 32 : index
        %get3A_1153 = tpu.vector_load %arg10[%get3A_1151, %get3A_1152] {strides = array<i32>} : memref<80x128xf32, #tpu.memory_space<vmem>>, vector<16xf32>,
        %mul3A_1154 = arith.mulf %get3A_1150, %get3A_1153 : vector<16xf32>
        %get3A_1155 = arith.index_cast %add3A_1133 : i32 to index
        %get3A_1156 = arith.constant 48 : index
        %get3A_1157 = tpu.vector_load %arg9[%get3A_1155, %get3A_1156] {strides = array<i32>} : memref<80x128xf32, #tpu.memory_space<vmem>>, vector<16xf32>,
        %get3A_1158 = arith.index_cast %add3A_1133 : i32 to index
        %get3A_1159 = arith.constant 48 : index
        %get3A_1160 = tpu.vector_load %arg10[%get3A_1158, %get3A_1159] {strides = array<i32>} : memref<80x128xf32, #tpu.memory_space<vmem>>, vector<16xf32>,
        %mul3A_1161 = arith.mulf %get3A_1157, %get3A_1160 : vector<16xf32>
        %get3A_1162 = arith.index_cast %add3A_1133 : i32 to index
        %get3A_1163 = arith.constant 64 : index
        %get3A_1164 = tpu.vector_load %arg9[%get3A_1162, %get3A_1163] {strides = array<i32>} : memref<80x128xf32, #tpu.memory_space<vmem>>, vector<16xf32>,
        %get3A_1165 = arith.index_cast %add3A_1133 : i32 to index
        %get3A_1166 = arith.constant 64 : index
        %get3A_1167 = tpu.vector_load %arg10[%get3A_1165, %get3A_1166] {strides = array<i32>} : memref<80x128xf32, #tpu.memory_space<vmem>>, vector<16xf32>,
        %mul3A_1168 = arith.mulf %get3A_1164, %get3A_1167 : vector<16xf32>
        %add3A_1169 = arith.addf %mul3A_1140, %mul3A_1168 : vector<16xf32>
        %get3A_1170 = arith.index_cast %add3A_1133 : i32 to index
        %get3A_1171 = arith.constant 80 : index
        %get3A_1172 = tpu.vector_load %arg9[%get3A_1170, %get3A_1171] {strides = array<i32>} : memref<80x128xf32, #tpu.memory_space<vmem>>, vector<16xf32>,
        %get3A_1173 = arith.index_cast %add3A_1133 : i32 to index
        %get3A_1174 = arith.constant 80 : index
        %get3A_1175 = tpu.vector_load %arg10[%get3A_1173, %get3A_1174] {strides = array<i32>} : memref<80x128xf32, #tpu.memory_space<vmem>>, vector<16xf32>,
        %mul3A_1176 = arith.mulf %get3A_1172, %get3A_1175 : vector<16xf32>
        %add3A_1177 = arith.addf %mul3A_1147, %mul3A_1176 : vector<16xf32>
        %get3A_1178 = arith.index_cast %add3A_1133 : i32 to index
        %get3A_1179 = arith.constant 96 : index
        %get3A_1180 = tpu.vector_load %arg9[%get3A_1178, %get3A_1179] {strides = array<i32>} : memref<80x128xf32, #tpu.memory_space<vmem>>, vector<16xf32>,
        %get3A_1181 = arith.index_cast %add3A_1133 : i32 to index
        %get3A_1182 = arith.constant 96 : index
        %get3A_1183 = tpu.vector_load %arg10[%get3A_1181, %get3A_1182] {strides = array<i32>} : memref<80x128xf32, #tpu.memory_space<vmem>>, vector<16xf32>,
        %mul3A_1184 = arith.mulf %get3A_1180, %get3A_1183 : vector<16xf32>
        %add3A_1185 = arith.addf %mul3A_1154, %mul3A_1184 : vector<16xf32>
        %get3A_1186 = arith.index_cast %add3A_1133 : i32 to index
        %get3A_1187 = arith.constant 112 : index
        %get3A_1188 = tpu.vector_load %arg9[%get3A_1186, %get3A_1187] {strides = array<i32>} : memref<80x128xf32, #tpu.memory_space<vmem>>, vector<16xf32>,
        %get3A_1189 = arith.index_cast %add3A_1133 : i32 to index
        %get3A_1190 = arith.constant 112 : index
        %get3A_1191 = tpu.vector_load %arg10[%get3A_1189, %get3A_1190] {strides = array<i32>} : memref<80x128xf32, #tpu.memory_space<vmem>>, vector<16xf32>,
        %mul3A_1192 = arith.mulf %get3A_1188, %get3A_1191 : vector<16xf32>
        %add3A_1193 = arith.addf %mul3A_1161, %mul3A_1192 : vector<16xf32>
        %add3A_1194 = arith.addf %add3A_1169, %add3A_1177 : vector<16xf32>
        %add3A_1195 = arith.addf %add3A_1185, %add3A_1193 : vector<16xf32>
        %add3A_1196 = arith.addf %add3A_1194, %add3A_1195 : vector<16xf32>
        %broadcast_in_dim3A_1197 = vector.broadcast %add3A_1133 : i32 to vector<16xi32>
        tpu.vector_store_idx %arg13[%broadcast_in_dim3A_1197], %add3A_1196 {add = true} : memref<80xf32, #tpu.memory_space<vmem>>[vector<16xi32>], vector<16xf32>,
        %mul3A_1198 = arith.constant 16 : i32
        %mul3A_1199 = arith.muli %scan3A_178, %mul3A_1198 : i32
        %add3A_1200 = arith.constant 15 : i32
        %add3A_1201 = arith.addi %mul3A_1199, %add3A_1200 : i32
        %get3A_1202 = arith.index_cast %add3A_1201 : i32 to index
        %get3A_1203 = arith.constant 0 : index
        %get3A_1204 = tpu.vector_load %arg9[%get3A_1202, %get3A_1203] {strides = array<i32>} : memref<80x128xf32, #tpu.memory_space<vmem>>, vector<16xf32>,
        %get3A_1205 = arith.index_cast %add3A_1201 : i32 to index
        %get3A_1206 = arith.constant 0 : index
        %get3A_1207 = tpu.vector_load %arg10[%get3A_1205, %get3A_1206] {strides = array<i32>} : memref<80x128xf32, #tpu.memory_space<vmem>>, vector<16xf32>,
        %mul3A_1208 = arith.mulf %get3A_1204, %get3A_1207 : vector<16xf32>
        %get3A_1209 = arith.index_cast %add3A_1201 : i32 to index
        %get3A_1210 = arith.constant 16 : index
        %get3A_1211 = tpu.vector_load %arg9[%get3A_1209, %get3A_1210] {strides = array<i32>} : memref<80x128xf32, #tpu.memory_space<vmem>>, vector<16xf32>,
        %get3A_1212 = arith.index_cast %add3A_1201 : i32 to index
        %get3A_1213 = arith.constant 16 : index
        %get3A_1214 = tpu.vector_load %arg10[%get3A_1212, %get3A_1213] {strides = array<i32>} : memref<80x128xf32, #tpu.memory_space<vmem>>, vector<16xf32>,
        %mul3A_1215 = arith.mulf %get3A_1211, %get3A_1214 : vector<16xf32>
        %get3A_1216 = arith.index_cast %add3A_1201 : i32 to index
        %get3A_1217 = arith.constant 32 : index
        %get3A_1218 = tpu.vector_load %arg9[%get3A_1216, %get3A_1217] {strides = array<i32>} : memref<80x128xf32, #tpu.memory_space<vmem>>, vector<16xf32>,
        %get3A_1219 = arith.index_cast %add3A_1201 : i32 to index
        %get3A_1220 = arith.constant 32 : index
        %get3A_1221 = tpu.vector_load %arg10[%get3A_1219, %get3A_1220] {strides = array<i32>} : memref<80x128xf32, #tpu.memory_space<vmem>>, vector<16xf32>,
        %mul3A_1222 = arith.mulf %get3A_1218, %get3A_1221 : vector<16xf32>
        %get3A_1223 = arith.index_cast %add3A_1201 : i32 to index
        %get3A_1224 = arith.constant 48 : index
        %get3A_1225 = tpu.vector_load %arg9[%get3A_1223, %get3A_1224] {strides = array<i32>} : memref<80x128xf32, #tpu.memory_space<vmem>>, vector<16xf32>,
        %get3A_1226 = arith.index_cast %add3A_1201 : i32 to index
        %get3A_1227 = arith.constant 48 : index
        %get3A_1228 = tpu.vector_load %arg10[%get3A_1226, %get3A_1227] {strides = array<i32>} : memref<80x128xf32, #tpu.memory_space<vmem>>, vector<16xf32>,
        %mul3A_1229 = arith.mulf %get3A_1225, %get3A_1228 : vector<16xf32>
        %get3A_1230 = arith.index_cast %add3A_1201 : i32 to index
        %get3A_1231 = arith.constant 64 : index
        %get3A_1232 = tpu.vector_load %arg9[%get3A_1230, %get3A_1231] {strides = array<i32>} : memref<80x128xf32, #tpu.memory_space<vmem>>, vector<16xf32>,
        %get3A_1233 = arith.index_cast %add3A_1201 : i32 to index
        %get3A_1234 = arith.constant 64 : index
        %get3A_1235 = tpu.vector_load %arg10[%get3A_1233, %get3A_1234] {strides = array<i32>} : memref<80x128xf32, #tpu.memory_space<vmem>>, vector<16xf32>,
        %mul3A_1236 = arith.mulf %get3A_1232, %get3A_1235 : vector<16xf32>
        %add3A_1237 = arith.addf %mul3A_1208, %mul3A_1236 : vector<16xf32>
        %get3A_1238 = arith.index_cast %add3A_1201 : i32 to index
        %get3A_1239 = arith.constant 80 : index
        %get3A_1240 = tpu.vector_load %arg9[%get3A_1238, %get3A_1239] {strides = array<i32>} : memref<80x128xf32, #tpu.memory_space<vmem>>, vector<16xf32>,
        %get3A_1241 = arith.index_cast %add3A_1201 : i32 to index
        %get3A_1242 = arith.constant 80 : index
        %get3A_1243 = tpu.vector_load %arg10[%get3A_1241, %get3A_1242] {strides = array<i32>} : memref<80x128xf32, #tpu.memory_space<vmem>>, vector<16xf32>,
        %mul3A_1244 = arith.mulf %get3A_1240, %get3A_1243 : vector<16xf32>
        %add3A_1245 = arith.addf %mul3A_1215, %mul3A_1244 : vector<16xf32>
        %get3A_1246 = arith.index_cast %add3A_1201 : i32 to index
        %get3A_1247 = arith.constant 96 : index
        %get3A_1248 = tpu.vector_load %arg9[%get3A_1246, %get3A_1247] {strides = array<i32>} : memref<80x128xf32, #tpu.memory_space<vmem>>, vector<16xf32>,
        %get3A_1249 = arith.index_cast %add3A_1201 : i32 to index
        %get3A_1250 = arith.constant 96 : index
        %get3A_1251 = tpu.vector_load %arg10[%get3A_1249, %get3A_1250] {strides = array<i32>} : memref<80x128xf32, #tpu.memory_space<vmem>>, vector<16xf32>,
        %mul3A_1252 = arith.mulf %get3A_1248, %get3A_1251 : vector<16xf32>
        %add3A_1253 = arith.addf %mul3A_1222, %mul3A_1252 : vector<16xf32>
        %get3A_1254 = arith.index_cast %add3A_1201 : i32 to index
        %get3A_1255 = arith.constant 112 : index
        %get3A_1256 = tpu.vector_load %arg9[%get3A_1254, %get3A_1255] {strides = array<i32>} : memref<80x128xf32, #tpu.memory_space<vmem>>, vector<16xf32>,
        %get3A_1257 = arith.index_cast %add3A_1201 : i32 to index
        %get3A_1258 = arith.constant 112 : index
        %get3A_1259 = tpu.vector_load %arg10[%get3A_1257, %get3A_1258] {strides = array<i32>} : memref<80x128xf32, #tpu.memory_space<vmem>>, vector<16xf32>,
        %mul3A_1260 = arith.mulf %get3A_1256, %get3A_1259 : vector<16xf32>
        %add3A_1261 = arith.addf %mul3A_1229, %mul3A_1260 : vector<16xf32>
        %add3A_1262 = arith.addf %add3A_1237, %add3A_1245 : vector<16xf32>
        %add3A_1263 = arith.addf %add3A_1253, %add3A_1261 : vector<16xf32>
        %add3A_1264 = arith.addf %add3A_1262, %add3A_1263 : vector<16xf32>
        %broadcast_in_dim3A_1265 = vector.broadcast %add3A_1201 : i32 to vector<16xi32>
        tpu.vector_store_idx %arg13[%broadcast_in_dim3A_1265], %add3A_1264 {add = true} : memref<80xf32, #tpu.memory_space<vmem>>[vector<16xi32>], vector<16xf32>,
      }
      %scan3A_106 = arith.constant 5 : i32
      %mul3A_107 = arith.constant 2 : i32
      %mul3A_108 = arith.muli %mul3A_107, %scan3A_74 : i32
      %add3A_109 = arith.constant 2 : i32
      %add3A_110 = arith.addi %mul3A_108, %add3A_109 : i32
      %dma_start3A_111 = arith.constant 0 : i32
      %dma_start3A_112 = tpu.memref_slice %arg7[%add3A_110, %dma_start3A_111] : memref<125x80xi32, #tpu.memory_space<vmem>> -> memref<1x80xi32, #tpu.memory_space<vmem>>
      %dma_start3A_113 = tpu.memref_squeeze %dma_start3A_112 : memref<1x80xi32, #tpu.memory_space<vmem>> -> memref<80xi32, #tpu.memory_space<vmem>>
      %dma_start3A_114 = arith.constant 0 : i32
      %dma_start3A_115 = arith.constant 0 : i32
      %dma_start3A_116 = tpu.memref_slice %arg4[%dma_start3A_114, %dma_start3A_115] : memref<10000x128xf32, #tpu.memory_space<hbm>> -> memref<10000x128xf32, #tpu.memory_space<hbm>>
      tpu.enqueue_indirect_dma source(%dma_start3A_116 : memref<10000x128xf32, #tpu.memory_space<hbm>>) target(%arg9 : memref<80x128xf32, #tpu.memory_space<vmem>>) offsets(%dma_start3A_113 : memref<80xi32, #tpu.memory_space<vmem>>) semaphore(%arg15 : memref<!tpu.dma_semaphore, #tpu.memory_space<semaphore_mem>>)
      %dma_start3A_117 = arith.constant 0 : i32
      %dma_start3A_118 = tpu.memref_slice %arg8[%add3A_110, %dma_start3A_117] : memref<125x80xi32, #tpu.memory_space<vmem>> -> memref<1x80xi32, #tpu.memory_space<vmem>>
      %dma_start3A_119 = tpu.memref_squeeze %dma_start3A_118 : memref<1x80xi32, #tpu.memory_space<vmem>> -> memref<80xi32, #tpu.memory_space<vmem>>
      %dma_start3A_120 = arith.constant 0 : i32
      %dma_start3A_121 = arith.constant 0 : i32
      %dma_start3A_122 = tpu.memref_slice %arg5[%dma_start3A_120, %dma_start3A_121] : memref<10000x128xf32, #tpu.memory_space<hbm>> -> memref<10000x128xf32, #tpu.memory_space<hbm>>
      tpu.enqueue_indirect_dma source(%dma_start3A_122 : memref<10000x128xf32, #tpu.memory_space<hbm>>) target(%arg10 : memref<80x128xf32, #tpu.memory_space<vmem>>) offsets(%dma_start3A_119 : memref<80xi32, #tpu.memory_space<vmem>>) semaphore(%arg15 : memref<!tpu.dma_semaphore, #tpu.memory_space<semaphore_mem>>)
      %mul3A_123 = arith.constant 2 : i32
      %mul3A_124 = arith.muli %mul3A_123, %scan3A_74 : i32
      %mul3A_125 = arith.constant 80 : i32
      %mul3A_126 = arith.muli %mul3A_124, %mul3A_125 : i32
      %add3A_127 = arith.addi %mul3A_2, %mul3A_126 : i32
      %dma_start3A_128 = tpu.memref_slice %arg6[%add3A_127] : memref<320000xf32, #tpu.memory_space<hbm>> -> memref<80xf32, #tpu.memory_space<hbm>>
      %dma_start3A_129 = tpu.memref_slice %arg6[%add3A_127] : memref<320000xf32, #tpu.memory_space<hbm>> -> memref<80xf32, #tpu.memory_space<hbm>>
      tpu.enqueue_dma source(%arg13 : memref<80xf32, #tpu.memory_space<vmem>>) target(%dma_start3A_129 : memref<80xf32, #tpu.memory_space<hbm>>) target_semaphore(%arg17 : memref<!tpu.dma_semaphore, #tpu.memory_space<semaphore_mem>>)
      %dma_wait3A_130 = arith.constant 0 : i32
      %dma_wait3A_131 = arith.constant 0 : i32
      %dma_wait3A_132 = tpu.memref_slice %arg7[%dma_wait3A_130, %dma_wait3A_131] : memref<125x80xi32, #tpu.memory_space<vmem>> -> memref<1x80xi32, #tpu.memory_space<vmem>>
      %dma_wait3A_133 = tpu.memref_squeeze %dma_wait3A_132 : memref<1x80xi32, #tpu.memory_space<vmem>> -> memref<80xi32, #tpu.memory_space<vmem>>
      %dma_wait3A_134 = arith.constant 0 : i32
      %dma_wait3A_135 = arith.constant 0 : i32
      %dma_wait3A_136 = tpu.memref_slice %arg4[%dma_wait3A_134, %dma_wait3A_135] : memref<10000x128xf32, #tpu.memory_space<hbm>> -> memref<10000x128xf32, #tpu.memory_space<hbm>>
      tpu.wait_indirect_dma semaphore(%arg16 : memref<!tpu.dma_semaphore, #tpu.memory_space<semaphore_mem>>) src(%dma_wait3A_136 : memref<10000x128xf32, #tpu.memory_space<hbm>>) dst(%arg11 : memref<80x128xf32, #tpu.memory_space<vmem>>)
      %dma_wait3A_137 = arith.constant 0 : i32
      %dma_wait3A_138 = arith.constant 0 : i32
      %dma_wait3A_139 = tpu.memref_slice %arg8[%dma_wait3A_137, %dma_wait3A_138] : memref<125x80xi32, #tpu.memory_space<vmem>> -> memref<1x80xi32, #tpu.memory_space<vmem>>
      %dma_wait3A_140 = tpu.memref_squeeze %dma_wait3A_139 : memref<1x80xi32, #tpu.memory_space<vmem>> -> memref<80xi32, #tpu.memory_space<vmem>>
      %dma_wait3A_141 = arith.constant 0 : i32
      %dma_wait3A_142 = arith.constant 0 : i32
      %dma_wait3A_143 = tpu.memref_slice %arg5[%dma_wait3A_141, %dma_wait3A_142] : memref<10000x128xf32, #tpu.memory_space<hbm>> -> memref<10000x128xf32, #tpu.memory_space<hbm>>
      tpu.wait_indirect_dma semaphore(%arg16 : memref<!tpu.dma_semaphore, #tpu.memory_space<semaphore_mem>>) src(%dma_wait3A_143 : memref<10000x128xf32, #tpu.memory_space<hbm>>) dst(%arg12 : memref<80x128xf32, #tpu.memory_space<vmem>>)
      %gt3A_144 = arith.constant 0 : i32
      %gt3A_145 = arith.cmpi sgt, %scan3A_74, %gt3A_144 : i32
      %convert_element_type3A_146 = arith.extui %gt3A_145 : i1 to i32
      %cond3A_147 = arith.constant 0 : i32
      %cond3A_148 = arith.cmpi ne, %convert_element_type3A_146, %cond3A_147 : i32
      scf.if %cond3A_148 {
        %dma_wait3A_178 = tpu.memref_slice %arg6[%mul3A_2] : memref<320000xf32, #tpu.memory_space<hbm>> -> memref<80xf32, #tpu.memory_space<hbm>>
        %dma_wait3A_179 = tpu.memref_slice %arg6[%mul3A_2] : memref<320000xf32, #tpu.memory_space<hbm>> -> memref<80xf32, #tpu.memory_space<hbm>>
        tpu.wait_dma2 semaphore(%arg18 : memref<!tpu.dma_semaphore, #tpu.memory_space<semaphore_mem>>) src(%arg14 : memref<80xf32, #tpu.memory_space<vmem>>) dst(%dma_wait3A_179 : memref<80xf32, #tpu.memory_space<hbm>>)
      } else {
      }
      %swap3A_149 = arith.constant 0 : index
      %swap3A_150 = tpu.vector_load %arg14[%swap3A_149] {strides = array<i32>} : memref<80xf32, #tpu.memory_space<vmem>>, vector<16xf32>,
      tpu.vector_store %arg14[%swap3A_149], %broadcast_in_dim3A_3 {strides = array<i32>} : memref<80xf32, #tpu.memory_space<vmem>>, vector<16xf32>,
      %swap3A_151 = arith.constant 16 : index
      %swap3A_152 = tpu.vector_load %arg14[%swap3A_151] {strides = array<i32>} : memref<80xf32, #tpu.memory_space<vmem>>, vector<16xf32>,
      tpu.vector_store %arg14[%swap3A_151], %broadcast_in_dim3A_3 {strides = array<i32>} : memref<80xf32, #tpu.memory_space<vmem>>, vector<16xf32>,
      %swap3A_153 = arith.constant 32 : index
      %swap3A_154 = tpu.vector_load %arg14[%swap3A_153] {strides = array<i32>} : memref<80xf32, #tpu.memory_space<vmem>>, vector<16xf32>,
      tpu.vector_store %arg14[%swap3A_153], %broadcast_in_dim3A_3 {strides = array<i32>} : memref<80xf32, #tpu.memory_space<vmem>>, vector<16xf32>,
      %swap3A_155 = arith.constant 48 : index
      %swap3A_156 = tpu.vector_load %arg14[%swap3A_155] {strides = array<i32>} : memref<80xf32, #tpu.memory_space<vmem>>, vector<16xf32>,
      tpu.vector_store %arg14[%swap3A_155], %broadcast_in_dim3A_3 {strides = array<i32>} : memref<80xf32, #tpu.memory_space<vmem>>, vector<16xf32>,
      %swap3A_157 = arith.constant 64 : index
      %swap3A_158 = tpu.vector_load %arg14[%swap3A_157] {strides = array<i32>} : memref<80xf32, #tpu.memory_space<vmem>>, vector<16xf32>,
      tpu.vector_store %arg14[%swap3A_157], %broadcast_in_dim3A_3 {strides = array<i32>} : memref<80xf32, #tpu.memory_space<vmem>>, vector<16xf32>,
      %scan3A_159 = arith.constant 0 : i32
      %scan3A_160 = arith.constant 0 : i32
      %scan3A_161 = arith.constant 5 : i32
      %scan3A_162 = arith.addi %scan3A_160, %scan3A_161 : i32
      %scan3A_163 = arith.constant 1 : i32
      scf.for %scan3A_178 = %scan3A_160 to %scan3A_162 step %scan3A_163  : i32 {
        %mul3A_179 = arith.constant 16 : i32
        %mul3A_180 = arith.muli %scan3A_178, %mul3A_179 : i32
        %add3A_181 = arith.constant 0 : i32
        %add3A_182 = arith.addi %mul3A_180, %add3A_181 : i32
        %get3A = arith.index_cast %add3A_182 : i32 to index
        %get3A_183 = arith.constant 0 : index
        %get3A_184 = tpu.vector_load %arg11[%get3A, %get3A_183] {strides = array<i32>} : memref<80x128xf32, #tpu.memory_space<vmem>>, vector<16xf32>,
        %get3A_185 = arith.index_cast %add3A_182 : i32 to index
        %get3A_186 = arith.constant 0 : index
        %get3A_187 = tpu.vector_load %arg12[%get3A_185, %get3A_186] {strides = array<i32>} : memref<80x128xf32, #tpu.memory_space<vmem>>, vector<16xf32>,
        %mul3A_188 = arith.mulf %get3A_184, %get3A_187 : vector<16xf32>
        %get3A_189 = arith.index_cast %add3A_182 : i32 to index
        %get3A_190 = arith.constant 16 : index
        %get3A_191 = tpu.vector_load %arg11[%get3A_189, %get3A_190] {strides = array<i32>} : memref<80x128xf32, #tpu.memory_space<vmem>>, vector<16xf32>,
        %get3A_192 = arith.index_cast %add3A_182 : i32 to index
        %get3A_193 = arith.constant 16 : index
        %get3A_194 = tpu.vector_load %arg12[%get3A_192, %get3A_193] {strides = array<i32>} : memref<80x128xf32, #tpu.memory_space<vmem>>, vector<16xf32>,
        %mul3A_195 = arith.mulf %get3A_191, %get3A_194 : vector<16xf32>
        %get3A_196 = arith.index_cast %add3A_182 : i32 to index
        %get3A_197 = arith.constant 32 : index
        %get3A_198 = tpu.vector_load %arg11[%get3A_196, %get3A_197] {strides = array<i32>} : memref<80x128xf32, #tpu.memory_space<vmem>>, vector<16xf32>,
        %get3A_199 = arith.index_cast %add3A_182 : i32 to index
        %get3A_200 = arith.constant 32 : index
        %get3A_201 = tpu.vector_load %arg12[%get3A_199, %get3A_200] {strides = array<i32>} : memref<80x128xf32, #tpu.memory_space<vmem>>, vector<16xf32>,
        %mul3A_202 = arith.mulf %get3A_198, %get3A_201 : vector<16xf32>
        %get3A_203 = arith.index_cast %add3A_182 : i32 to index
        %get3A_204 = arith.constant 48 : index
        %get3A_205 = tpu.vector_load %arg11[%get3A_203, %get3A_204] {strides = array<i32>} : memref<80x128xf32, #tpu.memory_space<vmem>>, vector<16xf32>,
        %get3A_206 = arith.index_cast %add3A_182 : i32 to index
        %get3A_207 = arith.constant 48 : index
        %get3A_208 = tpu.vector_load %arg12[%get3A_206, %get3A_207] {strides = array<i32>} : memref<80x128xf32, #tpu.memory_space<vmem>>, vector<16xf32>,
        %mul3A_209 = arith.mulf %get3A_205, %get3A_208 : vector<16xf32>
        %get3A_210 = arith.index_cast %add3A_182 : i32 to index
        %get3A_211 = arith.constant 64 : index
        %get3A_212 = tpu.vector_load %arg11[%get3A_210, %get3A_211] {strides = array<i32>} : memref<80x128xf32, #tpu.memory_space<vmem>>, vector<16xf32>,
        %get3A_213 = arith.index_cast %add3A_182 : i32 to index
        %get3A_214 = arith.constant 64 : index
        %get3A_215 = tpu.vector_load %arg12[%get3A_213, %get3A_214] {strides = array<i32>} : memref<80x128xf32, #tpu.memory_space<vmem>>, vector<16xf32>,
        %mul3A_216 = arith.mulf %get3A_212, %get3A_215 : vector<16xf32>
        %add3A_217 = arith.addf %mul3A_188, %mul3A_216 : vector<16xf32>
        %get3A_218 = arith.index_cast %add3A_182 : i32 to index
        %get3A_219 = arith.constant 80 : index
        %get3A_220 = tpu.vector_load %arg11[%get3A_218, %get3A_219] {strides = array<i32>} : memref<80x128xf32, #tpu.memory_space<vmem>>, vector<16xf32>,
        %get3A_221 = arith.index_cast %add3A_182 : i32 to index
        %get3A_222 = arith.constant 80 : index
        %get3A_223 = tpu.vector_load %arg12[%get3A_221, %get3A_222] {strides = array<i32>} : memref<80x128xf32, #tpu.memory_space<vmem>>, vector<16xf32>,
        %mul3A_224 = arith.mulf %get3A_220, %get3A_223 : vector<16xf32>
        %add3A_225 = arith.addf %mul3A_195, %mul3A_224 : vector<16xf32>
        %get3A_226 = arith.index_cast %add3A_182 : i32 to index
        %get3A_227 = arith.constant 96 : index
        %get3A_228 = tpu.vector_load %arg11[%get3A_226, %get3A_227] {strides = array<i32>} : memref<80x128xf32, #tpu.memory_space<vmem>>, vector<16xf32>,
        %get3A_229 = arith.index_cast %add3A_182 : i32 to index
        %get3A_230 = arith.constant 96 : index
        %get3A_231 = tpu.vector_load %arg12[%get3A_229, %get3A_230] {strides = array<i32>} : memref<80x128xf32, #tpu.memory_space<vmem>>, vector<16xf32>,
        %mul3A_232 = arith.mulf %get3A_228, %get3A_231 : vector<16xf32>
        %add3A_233 = arith.addf %mul3A_202, %mul3A_232 : vector<16xf32>
        %get3A_234 = arith.index_cast %add3A_182 : i32 to index
        %get3A_235 = arith.constant 112 : index
        %get3A_236 = tpu.vector_load %arg11[%get3A_234, %get3A_235] {strides = array<i32>} : memref<80x128xf32, #tpu.memory_space<vmem>>, vector<16xf32>,
        %get3A_237 = arith.index_cast %add3A_182 : i32 to index
        %get3A_238 = arith.constant 112 : index
        %get3A_239 = tpu.vector_load %arg12[%get3A_237, %get3A_238] {strides = array<i32>} : memref<80x128xf32, #tpu.memory_space<vmem>>, vector<16xf32>,
        %mul3A_240 = arith.mulf %get3A_236, %get3A_239 : vector<16xf32>
        %add3A_241 = arith.addf %mul3A_209, %mul3A_240 : vector<16xf32>
        %add3A_242 = arith.addf %add3A_217, %add3A_225 : vector<16xf32>
        %add3A_243 = arith.addf %add3A_233, %add3A_241 : vector<16xf32>
        %add3A_244 = arith.addf %add3A_242, %add3A_243 : vector<16xf32>
        %broadcast_in_dim3A_245 = vector.broadcast %add3A_182 : i32 to vector<16xi32>
        tpu.vector_store_idx %arg14[%broadcast_in_dim3A_245], %add3A_244 {add = true} : memref<80xf32, #tpu.memory_space<vmem>>[vector<16xi32>], vector<16xf32>,
        %mul3A_246 = arith.constant 16 : i32
        %mul3A_247 = arith.muli %scan3A_178, %mul3A_246 : i32
        %add3A_248 = arith.constant 1 : i32
        %add3A_249 = arith.addi %mul3A_247, %add3A_248 : i32
        %get3A_250 = arith.index_cast %add3A_249 : i32 to index
        %get3A_251 = arith.constant 0 : index
        %get3A_252 = tpu.vector_load %arg11[%get3A_250, %get3A_251] {strides = array<i32>} : memref<80x128xf32, #tpu.memory_space<vmem>>, vector<16xf32>,
        %get3A_253 = arith.index_cast %add3A_249 : i32 to index
        %get3A_254 = arith.constant 0 : index
        %get3A_255 = tpu.vector_load %arg12[%get3A_253, %get3A_254] {strides = array<i32>} : memref<80x128xf32, #tpu.memory_space<vmem>>, vector<16xf32>,
        %mul3A_256 = arith.mulf %get3A_252, %get3A_255 : vector<16xf32>
        %get3A_257 = arith.index_cast %add3A_249 : i32 to index
        %get3A_258 = arith.constant 16 : index
        %get3A_259 = tpu.vector_load %arg11[%get3A_257, %get3A_258] {strides = array<i32>} : memref<80x128xf32, #tpu.memory_space<vmem>>, vector<16xf32>,
        %get3A_260 = arith.index_cast %add3A_249 : i32 to index
        %get3A_261 = arith.constant 16 : index
        %get3A_262 = tpu.vector_load %arg12[%get3A_260, %get3A_261] {strides = array<i32>} : memref<80x128xf32, #tpu.memory_space<vmem>>, vector<16xf32>,
        %mul3A_263 = arith.mulf %get3A_259, %get3A_262 : vector<16xf32>
        %get3A_264 = arith.index_cast %add3A_249 : i32 to index
        %get3A_265 = arith.constant 32 : index
        %get3A_266 = tpu.vector_load %arg11[%get3A_264, %get3A_265] {strides = array<i32>} : memref<80x128xf32, #tpu.memory_space<vmem>>, vector<16xf32>,
        %get3A_267 = arith.index_cast %add3A_249 : i32 to index
        %get3A_268 = arith.constant 32 : index
        %get3A_269 = tpu.vector_load %arg12[%get3A_267, %get3A_268] {strides = array<i32>} : memref<80x128xf32, #tpu.memory_space<vmem>>, vector<16xf32>,
        %mul3A_270 = arith.mulf %get3A_266, %get3A_269 : vector<16xf32>
        %get3A_271 = arith.index_cast %add3A_249 : i32 to index
        %get3A_272 = arith.constant 48 : index
        %get3A_273 = tpu.vector_load %arg11[%get3A_271, %get3A_272] {strides = array<i32>} : memref<80x128xf32, #tpu.memory_space<vmem>>, vector<16xf32>,
        %get3A_274 = arith.index_cast %add3A_249 : i32 to index
        %get3A_275 = arith.constant 48 : index
        %get3A_276 = tpu.vector_load %arg12[%get3A_274, %get3A_275] {strides = array<i32>} : memref<80x128xf32, #tpu.memory_space<vmem>>, vector<16xf32>,
        %mul3A_277 = arith.mulf %get3A_273, %get3A_276 : vector<16xf32>
        %get3A_278 = arith.index_cast %add3A_249 : i32 to index
        %get3A_279 = arith.constant 64 : index
        %get3A_280 = tpu.vector_load %arg11[%get3A_278, %get3A_279] {strides = array<i32>} : memref<80x128xf32, #tpu.memory_space<vmem>>, vector<16xf32>,
        %get3A_281 = arith.index_cast %add3A_249 : i32 to index
        %get3A_282 = arith.constant 64 : index
        %get3A_283 = tpu.vector_load %arg12[%get3A_281, %get3A_282] {strides = array<i32>} : memref<80x128xf32, #tpu.memory_space<vmem>>, vector<16xf32>,
        %mul3A_284 = arith.mulf %get3A_280, %get3A_283 : vector<16xf32>
        %add3A_285 = arith.addf %mul3A_256, %mul3A_284 : vector<16xf32>
        %get3A_286 = arith.index_cast %add3A_249 : i32 to index
        %get3A_287 = arith.constant 80 : index
        %get3A_288 = tpu.vector_load %arg11[%get3A_286, %get3A_287] {strides = array<i32>} : memref<80x128xf32, #tpu.memory_space<vmem>>, vector<16xf32>,
        %get3A_289 = arith.index_cast %add3A_249 : i32 to index
        %get3A_290 = arith.constant 80 : index
        %get3A_291 = tpu.vector_load %arg12[%get3A_289, %get3A_290] {strides = array<i32>} : memref<80x128xf32, #tpu.memory_space<vmem>>, vector<16xf32>,
        %mul3A_292 = arith.mulf %get3A_288, %get3A_291 : vector<16xf32>
        %add3A_293 = arith.addf %mul3A_263, %mul3A_292 : vector<16xf32>
        %get3A_294 = arith.index_cast %add3A_249 : i32 to index
        %get3A_295 = arith.constant 96 : index
        %get3A_296 = tpu.vector_load %arg11[%get3A_294, %get3A_295] {strides = array<i32>} : memref<80x128xf32, #tpu.memory_space<vmem>>, vector<16xf32>,
        %get3A_297 = arith.index_cast %add3A_249 : i32 to index
        %get3A_298 = arith.constant 96 : index
        %get3A_299 = tpu.vector_load %arg12[%get3A_297, %get3A_298] {strides = array<i32>} : memref<80x128xf32, #tpu.memory_space<vmem>>, vector<16xf32>,
        %mul3A_300 = arith.mulf %get3A_296, %get3A_299 : vector<16xf32>
        %add3A_301 = arith.addf %mul3A_270, %mul3A_300 : vector<16xf32>
        %get3A_302 = arith.index_cast %add3A_249 : i32 to index
        %get3A_303 = arith.constant 112 : index
        %get3A_304 = tpu.vector_load %arg11[%get3A_302, %get3A_303] {strides = array<i32>} : memref<80x128xf32, #tpu.memory_space<vmem>>, vector<16xf32>,
        %get3A_305 = arith.index_cast %add3A_249 : i32 to index
        %get3A_306 = arith.constant 112 : index
        %get3A_307 = tpu.vector_load %arg12[%get3A_305, %get3A_306] {strides = array<i32>} : memref<80x128xf32, #tpu.memory_space<vmem>>, vector<16xf32>,
        %mul3A_308 = arith.mulf %get3A_304, %get3A_307 : vector<16xf32>
        %add3A_309 = arith.addf %mul3A_277, %mul3A_308 : vector<16xf32>
        %add3A_310 = arith.addf %add3A_285, %add3A_293 : vector<16xf32>
        %add3A_311 = arith.addf %add3A_301, %add3A_309 : vector<16xf32>
        %add3A_312 = arith.addf %add3A_310, %add3A_311 : vector<16xf32>
        %broadcast_in_dim3A_313 = vector.broadcast %add3A_249 : i32 to vector<16xi32>
        tpu.vector_store_idx %arg14[%broadcast_in_dim3A_313], %add3A_312 {add = true} : memref<80xf32, #tpu.memory_space<vmem>>[vector<16xi32>], vector<16xf32>,
        %mul3A_314 = arith.constant 16 : i32
        %mul3A_315 = arith.muli %scan3A_178, %mul3A_314 : i32
        %add3A_316 = arith.constant 2 : i32
        %add3A_317 = arith.addi %mul3A_315, %add3A_316 : i32
        %get3A_318 = arith.index_cast %add3A_317 : i32 to index
        %get3A_319 = arith.constant 0 : index
        %get3A_320 = tpu.vector_load %arg11[%get3A_318, %get3A_319] {strides = array<i32>} : memref<80x128xf32, #tpu.memory_space<vmem>>, vector<16xf32>,
        %get3A_321 = arith.index_cast %add3A_317 : i32 to index
        %get3A_322 = arith.constant 0 : index
        %get3A_323 = tpu.vector_load %arg12[%get3A_321, %get3A_322] {strides = array<i32>} : memref<80x128xf32, #tpu.memory_space<vmem>>, vector<16xf32>,
        %mul3A_324 = arith.mulf %get3A_320, %get3A_323 : vector<16xf32>
        %get3A_325 = arith.index_cast %add3A_317 : i32 to index
        %get3A_326 = arith.constant 16 : index
        %get3A_327 = tpu.vector_load %arg11[%get3A_325, %get3A_326] {strides = array<i32>} : memref<80x128xf32, #tpu.memory_space<vmem>>, vector<16xf32>,
        %get3A_328 = arith.index_cast %add3A_317 : i32 to index
        %get3A_329 = arith.constant 16 : index
        %get3A_330 = tpu.vector_load %arg12[%get3A_328, %get3A_329] {strides = array<i32>} : memref<80x128xf32, #tpu.memory_space<vmem>>, vector<16xf32>,
        %mul3A_331 = arith.mulf %get3A_327, %get3A_330 : vector<16xf32>
        %get3A_332 = arith.index_cast %add3A_317 : i32 to index
        %get3A_333 = arith.constant 32 : index
        %get3A_334 = tpu.vector_load %arg11[%get3A_332, %get3A_333] {strides = array<i32>} : memref<80x128xf32, #tpu.memory_space<vmem>>, vector<16xf32>,
        %get3A_335 = arith.index_cast %add3A_317 : i32 to index
        %get3A_336 = arith.constant 32 : index
        %get3A_337 = tpu.vector_load %arg12[%get3A_335, %get3A_336] {strides = array<i32>} : memref<80x128xf32, #tpu.memory_space<vmem>>, vector<16xf32>,
        %mul3A_338 = arith.mulf %get3A_334, %get3A_337 : vector<16xf32>
        %get3A_339 = arith.index_cast %add3A_317 : i32 to index
        %get3A_340 = arith.constant 48 : index
        %get3A_341 = tpu.vector_load %arg11[%get3A_339, %get3A_340] {strides = array<i32>} : memref<80x128xf32, #tpu.memory_space<vmem>>, vector<16xf32>,
        %get3A_342 = arith.index_cast %add3A_317 : i32 to index
        %get3A_343 = arith.constant 48 : index
        %get3A_344 = tpu.vector_load %arg12[%get3A_342, %get3A_343] {strides = array<i32>} : memref<80x128xf32, #tpu.memory_space<vmem>>, vector<16xf32>,
        %mul3A_345 = arith.mulf %get3A_341, %get3A_344 : vector<16xf32>
        %get3A_346 = arith.index_cast %add3A_317 : i32 to index
        %get3A_347 = arith.constant 64 : index
        %get3A_348 = tpu.vector_load %arg11[%get3A_346, %get3A_347] {strides = array<i32>} : memref<80x128xf32, #tpu.memory_space<vmem>>, vector<16xf32>,
        %get3A_349 = arith.index_cast %add3A_317 : i32 to index
        %get3A_350 = arith.constant 64 : index
        %get3A_351 = tpu.vector_load %arg12[%get3A_349, %get3A_350] {strides = array<i32>} : memref<80x128xf32, #tpu.memory_space<vmem>>, vector<16xf32>,
        %mul3A_352 = arith.mulf %get3A_348, %get3A_351 : vector<16xf32>
        %add3A_353 = arith.addf %mul3A_324, %mul3A_352 : vector<16xf32>
        %get3A_354 = arith.index_cast %add3A_317 : i32 to index
        %get3A_355 = arith.constant 80 : index
        %get3A_356 = tpu.vector_load %arg11[%get3A_354, %get3A_355] {strides = array<i32>} : memref<80x128xf32, #tpu.memory_space<vmem>>, vector<16xf32>,
        %get3A_357 = arith.index_cast %add3A_317 : i32 to index
        %get3A_358 = arith.constant 80 : index
        %get3A_359 = tpu.vector_load %arg12[%get3A_357, %get3A_358] {strides = array<i32>} : memref<80x128xf32, #tpu.memory_space<vmem>>, vector<16xf32>,
        %mul3A_360 = arith.mulf %get3A_356, %get3A_359 : vector<16xf32>
        %add3A_361 = arith.addf %mul3A_331, %mul3A_360 : vector<16xf32>
        %get3A_362 = arith.index_cast %add3A_317 : i32 to index
        %get3A_363 = arith.constant 96 : index
        %get3A_364 = tpu.vector_load %arg11[%get3A_362, %get3A_363] {strides = array<i32>} : memref<80x128xf32, #tpu.memory_space<vmem>>, vector<16xf32>,
        %get3A_365 = arith.index_cast %add3A_317 : i32 to index
        %get3A_366 = arith.constant 96 : index
        %get3A_367 = tpu.vector_load %arg12[%get3A_365, %get3A_366] {strides = array<i32>} : memref<80x128xf32, #tpu.memory_space<vmem>>, vector<16xf32>,
        %mul3A_368 = arith.mulf %get3A_364, %get3A_367 : vector<16xf32>
        %add3A_369 = arith.addf %mul3A_338, %mul3A_368 : vector<16xf32>
        %get3A_370 = arith.index_cast %add3A_317 : i32 to index
        %get3A_371 = arith.constant 112 : index
        %get3A_372 = tpu.vector_load %arg11[%get3A_370, %get3A_371] {strides = array<i32>} : memref<80x128xf32, #tpu.memory_space<vmem>>, vector<16xf32>,
        %get3A_373 = arith.index_cast %add3A_317 : i32 to index
        %get3A_374 = arith.constant 112 : index
        %get3A_375 = tpu.vector_load %arg12[%get3A_373, %get3A_374] {strides = array<i32>} : memref<80x128xf32, #tpu.memory_space<vmem>>, vector<16xf32>,
        %mul3A_376 = arith.mulf %get3A_372, %get3A_375 : vector<16xf32>
        %add3A_377 = arith.addf %mul3A_345, %mul3A_376 : vector<16xf32>
        %add3A_378 = arith.addf %add3A_353, %add3A_361 : vector<16xf32>
        %add3A_379 = arith.addf %add3A_369, %add3A_377 : vector<16xf32>
        %add3A_380 = arith.addf %add3A_378, %add3A_379 : vector<16xf32>
        %broadcast_in_dim3A_381 = vector.broadcast %add3A_317 : i32 to vector<16xi32>
        tpu.vector_store_idx %arg14[%broadcast_in_dim3A_381], %add3A_380 {add = true} : memref<80xf32, #tpu.memory_space<vmem>>[vector<16xi32>], vector<16xf32>,
        %mul3A_382 = arith.constant 16 : i32
        %mul3A_383 = arith.muli %scan3A_178, %mul3A_382 : i32
        %add3A_384 = arith.constant 3 : i32
        %add3A_385 = arith.addi %mul3A_383, %add3A_384 : i32
        %get3A_386 = arith.index_cast %add3A_385 : i32 to index
        %get3A_387 = arith.constant 0 : index
        %get3A_388 = tpu.vector_load %arg11[%get3A_386, %get3A_387] {strides = array<i32>} : memref<80x128xf32, #tpu.memory_space<vmem>>, vector<16xf32>,
        %get3A_389 = arith.index_cast %add3A_385 : i32 to index
        %get3A_390 = arith.constant 0 : index
        %get3A_391 = tpu.vector_load %arg12[%get3A_389, %get3A_390] {strides = array<i32>} : memref<80x128xf32, #tpu.memory_space<vmem>>, vector<16xf32>,
        %mul3A_392 = arith.mulf %get3A_388, %get3A_391 : vector<16xf32>
        %get3A_393 = arith.index_cast %add3A_385 : i32 to index
        %get3A_394 = arith.constant 16 : index
        %get3A_395 = tpu.vector_load %arg11[%get3A_393, %get3A_394] {strides = array<i32>} : memref<80x128xf32, #tpu.memory_space<vmem>>, vector<16xf32>,
        %get3A_396 = arith.index_cast %add3A_385 : i32 to index
        %get3A_397 = arith.constant 16 : index
        %get3A_398 = tpu.vector_load %arg12[%get3A_396, %get3A_397] {strides = array<i32>} : memref<80x128xf32, #tpu.memory_space<vmem>>, vector<16xf32>,
        %mul3A_399 = arith.mulf %get3A_395, %get3A_398 : vector<16xf32>
        %get3A_400 = arith.index_cast %add3A_385 : i32 to index
        %get3A_401 = arith.constant 32 : index
        %get3A_402 = tpu.vector_load %arg11[%get3A_400, %get3A_401] {strides = array<i32>} : memref<80x128xf32, #tpu.memory_space<vmem>>, vector<16xf32>,
        %get3A_403 = arith.index_cast %add3A_385 : i32 to index
        %get3A_404 = arith.constant 32 : index
        %get3A_405 = tpu.vector_load %arg12[%get3A_403, %get3A_404] {strides = array<i32>} : memref<80x128xf32, #tpu.memory_space<vmem>>, vector<16xf32>,
        %mul3A_406 = arith.mulf %get3A_402, %get3A_405 : vector<16xf32>
        %get3A_407 = arith.index_cast %add3A_385 : i32 to index
        %get3A_408 = arith.constant 48 : index
        %get3A_409 = tpu.vector_load %arg11[%get3A_407, %get3A_408] {strides = array<i32>} : memref<80x128xf32, #tpu.memory_space<vmem>>, vector<16xf32>,
        %get3A_410 = arith.index_cast %add3A_385 : i32 to index
        %get3A_411 = arith.constant 48 : index
        %get3A_412 = tpu.vector_load %arg12[%get3A_410, %get3A_411] {strides = array<i32>} : memref<80x128xf32, #tpu.memory_space<vmem>>, vector<16xf32>,
        %mul3A_413 = arith.mulf %get3A_409, %get3A_412 : vector<16xf32>
        %get3A_414 = arith.index_cast %add3A_385 : i32 to index
        %get3A_415 = arith.constant 64 : index
        %get3A_416 = tpu.vector_load %arg11[%get3A_414, %get3A_415] {strides = array<i32>} : memref<80x128xf32, #tpu.memory_space<vmem>>, vector<16xf32>,
        %get3A_417 = arith.index_cast %add3A_385 : i32 to index
        %get3A_418 = arith.constant 64 : index
        %get3A_419 = tpu.vector_load %arg12[%get3A_417, %get3A_418] {strides = array<i32>} : memref<80x128xf32, #tpu.memory_space<vmem>>, vector<16xf32>,
        %mul3A_420 = arith.mulf %get3A_416, %get3A_419 : vector<16xf32>
        %add3A_421 = arith.addf %mul3A_392, %mul3A_420 : vector<16xf32>
        %get3A_422 = arith.index_cast %add3A_385 : i32 to index
        %get3A_423 = arith.constant 80 : index
        %get3A_424 = tpu.vector_load %arg11[%get3A_422, %get3A_423] {strides = array<i32>} : memref<80x128xf32, #tpu.memory_space<vmem>>, vector<16xf32>,
        %get3A_425 = arith.index_cast %add3A_385 : i32 to index
        %get3A_426 = arith.constant 80 : index
        %get3A_427 = tpu.vector_load %arg12[%get3A_425, %get3A_426] {strides = array<i32>} : memref<80x128xf32, #tpu.memory_space<vmem>>, vector<16xf32>,
        %mul3A_428 = arith.mulf %get3A_424, %get3A_427 : vector<16xf32>
        %add3A_429 = arith.addf %mul3A_399, %mul3A_428 : vector<16xf32>
        %get3A_430 = arith.index_cast %add3A_385 : i32 to index
        %get3A_431 = arith.constant 96 : index
        %get3A_432 = tpu.vector_load %arg11[%get3A_430, %get3A_431] {strides = array<i32>} : memref<80x128xf32, #tpu.memory_space<vmem>>, vector<16xf32>,
        %get3A_433 = arith.index_cast %add3A_385 : i32 to index
        %get3A_434 = arith.constant 96 : index
        %get3A_435 = tpu.vector_load %arg12[%get3A_433, %get3A_434] {strides = array<i32>} : memref<80x128xf32, #tpu.memory_space<vmem>>, vector<16xf32>,
        %mul3A_436 = arith.mulf %get3A_432, %get3A_435 : vector<16xf32>
        %add3A_437 = arith.addf %mul3A_406, %mul3A_436 : vector<16xf32>
        %get3A_438 = arith.index_cast %add3A_385 : i32 to index
        %get3A_439 = arith.constant 112 : index
        %get3A_440 = tpu.vector_load %arg11[%get3A_438, %get3A_439] {strides = array<i32>} : memref<80x128xf32, #tpu.memory_space<vmem>>, vector<16xf32>,
        %get3A_441 = arith.index_cast %add3A_385 : i32 to index
        %get3A_442 = arith.constant 112 : index
        %get3A_443 = tpu.vector_load %arg12[%get3A_441, %get3A_442] {strides = array<i32>} : memref<80x128xf32, #tpu.memory_space<vmem>>, vector<16xf32>,
        %mul3A_444 = arith.mulf %get3A_440, %get3A_443 : vector<16xf32>
        %add3A_445 = arith.addf %mul3A_413, %mul3A_444 : vector<16xf32>
        %add3A_446 = arith.addf %add3A_421, %add3A_429 : vector<16xf32>
        %add3A_447 = arith.addf %add3A_437, %add3A_445 : vector<16xf32>
        %add3A_448 = arith.addf %add3A_446, %add3A_447 : vector<16xf32>
        %broadcast_in_dim3A_449 = vector.broadcast %add3A_385 : i32 to vector<16xi32>
        tpu.vector_store_idx %arg14[%broadcast_in_dim3A_449], %add3A_448 {add = true} : memref<80xf32, #tpu.memory_space<vmem>>[vector<16xi32>], vector<16xf32>,
        %mul3A_450 = arith.constant 16 : i32
        %mul3A_451 = arith.muli %scan3A_178, %mul3A_450 : i32
        %add3A_452 = arith.constant 4 : i32
        %add3A_453 = arith.addi %mul3A_451, %add3A_452 : i32
        %get3A_454 = arith.index_cast %add3A_453 : i32 to index
        %get3A_455 = arith.constant 0 : index
        %get3A_456 = tpu.vector_load %arg11[%get3A_454, %get3A_455] {strides = array<i32>} : memref<80x128xf32, #tpu.memory_space<vmem>>, vector<16xf32>,
        %get3A_457 = arith.index_cast %add3A_453 : i32 to index
        %get3A_458 = arith.constant 0 : index
        %get3A_459 = tpu.vector_load %arg12[%get3A_457, %get3A_458] {strides = array<i32>} : memref<80x128xf32, #tpu.memory_space<vmem>>, vector<16xf32>,
        %mul3A_460 = arith.mulf %get3A_456, %get3A_459 : vector<16xf32>
        %get3A_461 = arith.index_cast %add3A_453 : i32 to index
        %get3A_462 = arith.constant 16 : index
        %get3A_463 = tpu.vector_load %arg11[%get3A_461, %get3A_462] {strides = array<i32>} : memref<80x128xf32, #tpu.memory_space<vmem>>, vector<16xf32>,
        %get3A_464 = arith.index_cast %add3A_453 : i32 to index
        %get3A_465 = arith.constant 16 : index
        %get3A_466 = tpu.vector_load %arg12[%get3A_464, %get3A_465] {strides = array<i32>} : memref<80x128xf32, #tpu.memory_space<vmem>>, vector<16xf32>,
        %mul3A_467 = arith.mulf %get3A_463, %get3A_466 : vector<16xf32>
        %get3A_468 = arith.index_cast %add3A_453 : i32 to index
        %get3A_469 = arith.constant 32 : index
        %get3A_470 = tpu.vector_load %arg11[%get3A_468, %get3A_469] {strides = array<i32>} : memref<80x128xf32, #tpu.memory_space<vmem>>, vector<16xf32>,
        %get3A_471 = arith.index_cast %add3A_453 : i32 to index
        %get3A_472 = arith.constant 32 : index
        %get3A_473 = tpu.vector_load %arg12[%get3A_471, %get3A_472] {strides = array<i32>} : memref<80x128xf32, #tpu.memory_space<vmem>>, vector<16xf32>,
        %mul3A_474 = arith.mulf %get3A_470, %get3A_473 : vector<16xf32>
        %get3A_475 = arith.index_cast %add3A_453 : i32 to index
        %get3A_476 = arith.constant 48 : index
        %get3A_477 = tpu.vector_load %arg11[%get3A_475, %get3A_476] {strides = array<i32>} : memref<80x128xf32, #tpu.memory_space<vmem>>, vector<16xf32>,
        %get3A_478 = arith.index_cast %add3A_453 : i32 to index
        %get3A_479 = arith.constant 48 : index
        %get3A_480 = tpu.vector_load %arg12[%get3A_478, %get3A_479] {strides = array<i32>} : memref<80x128xf32, #tpu.memory_space<vmem>>, vector<16xf32>,
        %mul3A_481 = arith.mulf %get3A_477, %get3A_480 : vector<16xf32>
        %get3A_482 = arith.index_cast %add3A_453 : i32 to index
        %get3A_483 = arith.constant 64 : index
        %get3A_484 = tpu.vector_load %arg11[%get3A_482, %get3A_483] {strides = array<i32>} : memref<80x128xf32, #tpu.memory_space<vmem>>, vector<16xf32>,
        %get3A_485 = arith.index_cast %add3A_453 : i32 to index
        %get3A_486 = arith.constant 64 : index
        %get3A_487 = tpu.vector_load %arg12[%get3A_485, %get3A_486] {strides = array<i32>} : memref<80x128xf32, #tpu.memory_space<vmem>>, vector<16xf32>,
        %mul3A_488 = arith.mulf %get3A_484, %get3A_487 : vector<16xf32>
        %add3A_489 = arith.addf %mul3A_460, %mul3A_488 : vector<16xf32>
        %get3A_490 = arith.index_cast %add3A_453 : i32 to index
        %get3A_491 = arith.constant 80 : index
        %get3A_492 = tpu.vector_load %arg11[%get3A_490, %get3A_491] {strides = array<i32>} : memref<80x128xf32, #tpu.memory_space<vmem>>, vector<16xf32>,
        %get3A_493 = arith.index_cast %add3A_453 : i32 to index
        %get3A_494 = arith.constant 80 : index
        %get3A_495 = tpu.vector_load %arg12[%get3A_493, %get3A_494] {strides = array<i32>} : memref<80x128xf32, #tpu.memory_space<vmem>>, vector<16xf32>,
        %mul3A_496 = arith.mulf %get3A_492, %get3A_495 : vector<16xf32>
        %add3A_497 = arith.addf %mul3A_467, %mul3A_496 : vector<16xf32>
        %get3A_498 = arith.index_cast %add3A_453 : i32 to index
        %get3A_499 = arith.constant 96 : index
        %get3A_500 = tpu.vector_load %arg11[%get3A_498, %get3A_499] {strides = array<i32>} : memref<80x128xf32, #tpu.memory_space<vmem>>, vector<16xf32>,
        %get3A_501 = arith.index_cast %add3A_453 : i32 to index
        %get3A_502 = arith.constant 96 : index
        %get3A_503 = tpu.vector_load %arg12[%get3A_501, %get3A_502] {strides = array<i32>} : memref<80x128xf32, #tpu.memory_space<vmem>>, vector<16xf32>,
        %mul3A_504 = arith.mulf %get3A_500, %get3A_503 : vector<16xf32>
        %add3A_505 = arith.addf %mul3A_474, %mul3A_504 : vector<16xf32>
        %get3A_506 = arith.index_cast %add3A_453 : i32 to index
        %get3A_507 = arith.constant 112 : index
        %get3A_508 = tpu.vector_load %arg11[%get3A_506, %get3A_507] {strides = array<i32>} : memref<80x128xf32, #tpu.memory_space<vmem>>, vector<16xf32>,
        %get3A_509 = arith.index_cast %add3A_453 : i32 to index
        %get3A_510 = arith.constant 112 : index
        %get3A_511 = tpu.vector_load %arg12[%get3A_509, %get3A_510] {strides = array<i32>} : memref<80x128xf32, #tpu.memory_space<vmem>>, vector<16xf32>,
        %mul3A_512 = arith.mulf %get3A_508, %get3A_511 : vector<16xf32>
        %add3A_513 = arith.addf %mul3A_481, %mul3A_512 : vector<16xf32>
        %add3A_514 = arith.addf %add3A_489, %add3A_497 : vector<16xf32>
        %add3A_515 = arith.addf %add3A_505, %add3A_513 : vector<16xf32>
        %add3A_516 = arith.addf %add3A_514, %add3A_515 : vector<16xf32>
        %broadcast_in_dim3A_517 = vector.broadcast %add3A_453 : i32 to vector<16xi32>
        tpu.vector_store_idx %arg14[%broadcast_in_dim3A_517], %add3A_516 {add = true} : memref<80xf32, #tpu.memory_space<vmem>>[vector<16xi32>], vector<16xf32>,
        %mul3A_518 = arith.constant 16 : i32
        %mul3A_519 = arith.muli %scan3A_178, %mul3A_518 : i32
        %add3A_520 = arith.constant 5 : i32
        %add3A_521 = arith.addi %mul3A_519, %add3A_520 : i32
        %get3A_522 = arith.index_cast %add3A_521 : i32 to index
        %get3A_523 = arith.constant 0 : index
        %get3A_524 = tpu.vector_load %arg11[%get3A_522, %get3A_523] {strides = array<i32>} : memref<80x128xf32, #tpu.memory_space<vmem>>, vector<16xf32>,
        %get3A_525 = arith.index_cast %add3A_521 : i32 to index
        %get3A_526 = arith.constant 0 : index
        %get3A_527 = tpu.vector_load %arg12[%get3A_525, %get3A_526] {strides = array<i32>} : memref<80x128xf32, #tpu.memory_space<vmem>>, vector<16xf32>,
        %mul3A_528 = arith.mulf %get3A_524, %get3A_527 : vector<16xf32>
        %get3A_529 = arith.index_cast %add3A_521 : i32 to index
        %get3A_530 = arith.constant 16 : index
        %get3A_531 = tpu.vector_load %arg11[%get3A_529, %get3A_530] {strides = array<i32>} : memref<80x128xf32, #tpu.memory_space<vmem>>, vector<16xf32>,
        %get3A_532 = arith.index_cast %add3A_521 : i32 to index
        %get3A_533 = arith.constant 16 : index
        %get3A_534 = tpu.vector_load %arg12[%get3A_532, %get3A_533] {strides = array<i32>} : memref<80x128xf32, #tpu.memory_space<vmem>>, vector<16xf32>,
        %mul3A_535 = arith.mulf %get3A_531, %get3A_534 : vector<16xf32>
        %get3A_536 = arith.index_cast %add3A_521 : i32 to index
        %get3A_537 = arith.constant 32 : index
        %get3A_538 = tpu.vector_load %arg11[%get3A_536, %get3A_537] {strides = array<i32>} : memref<80x128xf32, #tpu.memory_space<vmem>>, vector<16xf32>,
        %get3A_539 = arith.index_cast %add3A_521 : i32 to index
        %get3A_540 = arith.constant 32 : index
        %get3A_541 = tpu.vector_load %arg12[%get3A_539, %get3A_540] {strides = array<i32>} : memref<80x128xf32, #tpu.memory_space<vmem>>, vector<16xf32>,
        %mul3A_542 = arith.mulf %get3A_538, %get3A_541 : vector<16xf32>
        %get3A_543 = arith.index_cast %add3A_521 : i32 to index
        %get3A_544 = arith.constant 48 : index
        %get3A_545 = tpu.vector_load %arg11[%get3A_543, %get3A_544] {strides = array<i32>} : memref<80x128xf32, #tpu.memory_space<vmem>>, vector<16xf32>,
        %get3A_546 = arith.index_cast %add3A_521 : i32 to index
        %get3A_547 = arith.constant 48 : index
        %get3A_548 = tpu.vector_load %arg12[%get3A_546, %get3A_547] {strides = array<i32>} : memref<80x128xf32, #tpu.memory_space<vmem>>, vector<16xf32>,
        %mul3A_549 = arith.mulf %get3A_545, %get3A_548 : vector<16xf32>
        %get3A_550 = arith.index_cast %add3A_521 : i32 to index
        %get3A_551 = arith.constant 64 : index
        %get3A_552 = tpu.vector_load %arg11[%get3A_550, %get3A_551] {strides = array<i32>} : memref<80x128xf32, #tpu.memory_space<vmem>>, vector<16xf32>,
        %get3A_553 = arith.index_cast %add3A_521 : i32 to index
        %get3A_554 = arith.constant 64 : index
        %get3A_555 = tpu.vector_load %arg12[%get3A_553, %get3A_554] {strides = array<i32>} : memref<80x128xf32, #tpu.memory_space<vmem>>, vector<16xf32>,
        %mul3A_556 = arith.mulf %get3A_552, %get3A_555 : vector<16xf32>
        %add3A_557 = arith.addf %mul3A_528, %mul3A_556 : vector<16xf32>
        %get3A_558 = arith.index_cast %add3A_521 : i32 to index
        %get3A_559 = arith.constant 80 : index
        %get3A_560 = tpu.vector_load %arg11[%get3A_558, %get3A_559] {strides = array<i32>} : memref<80x128xf32, #tpu.memory_space<vmem>>, vector<16xf32>,
        %get3A_561 = arith.index_cast %add3A_521 : i32 to index
        %get3A_562 = arith.constant 80 : index
        %get3A_563 = tpu.vector_load %arg12[%get3A_561, %get3A_562] {strides = array<i32>} : memref<80x128xf32, #tpu.memory_space<vmem>>, vector<16xf32>,
        %mul3A_564 = arith.mulf %get3A_560, %get3A_563 : vector<16xf32>
        %add3A_565 = arith.addf %mul3A_535, %mul3A_564 : vector<16xf32>
        %get3A_566 = arith.index_cast %add3A_521 : i32 to index
        %get3A_567 = arith.constant 96 : index
        %get3A_568 = tpu.vector_load %arg11[%get3A_566, %get3A_567] {strides = array<i32>} : memref<80x128xf32, #tpu.memory_space<vmem>>, vector<16xf32>,
        %get3A_569 = arith.index_cast %add3A_521 : i32 to index
        %get3A_570 = arith.constant 96 : index
        %get3A_571 = tpu.vector_load %arg12[%get3A_569, %get3A_570] {strides = array<i32>} : memref<80x128xf32, #tpu.memory_space<vmem>>, vector<16xf32>,
        %mul3A_572 = arith.mulf %get3A_568, %get3A_571 : vector<16xf32>
        %add3A_573 = arith.addf %mul3A_542, %mul3A_572 : vector<16xf32>
        %get3A_574 = arith.index_cast %add3A_521 : i32 to index
        %get3A_575 = arith.constant 112 : index
        %get3A_576 = tpu.vector_load %arg11[%get3A_574, %get3A_575] {strides = array<i32>} : memref<80x128xf32, #tpu.memory_space<vmem>>, vector<16xf32>,
        %get3A_577 = arith.index_cast %add3A_521 : i32 to index
        %get3A_578 = arith.constant 112 : index
        %get3A_579 = tpu.vector_load %arg12[%get3A_577, %get3A_578] {strides = array<i32>} : memref<80x128xf32, #tpu.memory_space<vmem>>, vector<16xf32>,
        %mul3A_580 = arith.mulf %get3A_576, %get3A_579 : vector<16xf32>
        %add3A_581 = arith.addf %mul3A_549, %mul3A_580 : vector<16xf32>
        %add3A_582 = arith.addf %add3A_557, %add3A_565 : vector<16xf32>
        %add3A_583 = arith.addf %add3A_573, %add3A_581 : vector<16xf32>
        %add3A_584 = arith.addf %add3A_582, %add3A_583 : vector<16xf32>
        %broadcast_in_dim3A_585 = vector.broadcast %add3A_521 : i32 to vector<16xi32>
        tpu.vector_store_idx %arg14[%broadcast_in_dim3A_585], %add3A_584 {add = true} : memref<80xf32, #tpu.memory_space<vmem>>[vector<16xi32>], vector<16xf32>,
        %mul3A_586 = arith.constant 16 : i32
        %mul3A_587 = arith.muli %scan3A_178, %mul3A_586 : i32
        %add3A_588 = arith.constant 6 : i32
        %add3A_589 = arith.addi %mul3A_587, %add3A_588 : i32
        %get3A_590 = arith.index_cast %add3A_589 : i32 to index
        %get3A_591 = arith.constant 0 : index
        %get3A_592 = tpu.vector_load %arg11[%get3A_590, %get3A_591] {strides = array<i32>} : memref<80x128xf32, #tpu.memory_space<vmem>>, vector<16xf32>,
        %get3A_593 = arith.index_cast %add3A_589 : i32 to index
        %get3A_594 = arith.constant 0 : index
        %get3A_595 = tpu.vector_load %arg12[%get3A_593, %get3A_594] {strides = array<i32>} : memref<80x128xf32, #tpu.memory_space<vmem>>, vector<16xf32>,
        %mul3A_596 = arith.mulf %get3A_592, %get3A_595 : vector<16xf32>
        %get3A_597 = arith.index_cast %add3A_589 : i32 to index
        %get3A_598 = arith.constant 16 : index
        %get3A_599 = tpu.vector_load %arg11[%get3A_597, %get3A_598] {strides = array<i32>} : memref<80x128xf32, #tpu.memory_space<vmem>>, vector<16xf32>,
        %get3A_600 = arith.index_cast %add3A_589 : i32 to index
        %get3A_601 = arith.constant 16 : index
        %get3A_602 = tpu.vector_load %arg12[%get3A_600, %get3A_601] {strides = array<i32>} : memref<80x128xf32, #tpu.memory_space<vmem>>, vector<16xf32>,
        %mul3A_603 = arith.mulf %get3A_599, %get3A_602 : vector<16xf32>
        %get3A_604 = arith.index_cast %add3A_589 : i32 to index
        %get3A_605 = arith.constant 32 : index
        %get3A_606 = tpu.vector_load %arg11[%get3A_604, %get3A_605] {strides = array<i32>} : memref<80x128xf32, #tpu.memory_space<vmem>>, vector<16xf32>,
        %get3A_607 = arith.index_cast %add3A_589 : i32 to index
        %get3A_608 = arith.constant 32 : index
        %get3A_609 = tpu.vector_load %arg12[%get3A_607, %get3A_608] {strides = array<i32>} : memref<80x128xf32, #tpu.memory_space<vmem>>, vector<16xf32>,
        %mul3A_610 = arith.mulf %get3A_606, %get3A_609 : vector<16xf32>
        %get3A_611 = arith.index_cast %add3A_589 : i32 to index
        %get3A_612 = arith.constant 48 : index
        %get3A_613 = tpu.vector_load %arg11[%get3A_611, %get3A_612] {strides = array<i32>} : memref<80x128xf32, #tpu.memory_space<vmem>>, vector<16xf32>,
        %get3A_614 = arith.index_cast %add3A_589 : i32 to index
        %get3A_615 = arith.constant 48 : index
        %get3A_616 = tpu.vector_load %arg12[%get3A_614, %get3A_615] {strides = array<i32>} : memref<80x128xf32, #tpu.memory_space<vmem>>, vector<16xf32>,
        %mul3A_617 = arith.mulf %get3A_613, %get3A_616 : vector<16xf32>
        %get3A_618 = arith.index_cast %add3A_589 : i32 to index
        %get3A_619 = arith.constant 64 : index
        %get3A_620 = tpu.vector_load %arg11[%get3A_618, %get3A_619] {strides = array<i32>} : memref<80x128xf32, #tpu.memory_space<vmem>>, vector<16xf32>,
        %get3A_621 = arith.index_cast %add3A_589 : i32 to index
        %get3A_622 = arith.constant 64 : index
        %get3A_623 = tpu.vector_load %arg12[%get3A_621, %get3A_622] {strides = array<i32>} : memref<80x128xf32, #tpu.memory_space<vmem>>, vector<16xf32>,
        %mul3A_624 = arith.mulf %get3A_620, %get3A_623 : vector<16xf32>
        %add3A_625 = arith.addf %mul3A_596, %mul3A_624 : vector<16xf32>
        %get3A_626 = arith.index_cast %add3A_589 : i32 to index
        %get3A_627 = arith.constant 80 : index
        %get3A_628 = tpu.vector_load %arg11[%get3A_626, %get3A_627] {strides = array<i32>} : memref<80x128xf32, #tpu.memory_space<vmem>>, vector<16xf32>,
        %get3A_629 = arith.index_cast %add3A_589 : i32 to index
        %get3A_630 = arith.constant 80 : index
        %get3A_631 = tpu.vector_load %arg12[%get3A_629, %get3A_630] {strides = array<i32>} : memref<80x128xf32, #tpu.memory_space<vmem>>, vector<16xf32>,
        %mul3A_632 = arith.mulf %get3A_628, %get3A_631 : vector<16xf32>
        %add3A_633 = arith.addf %mul3A_603, %mul3A_632 : vector<16xf32>
        %get3A_634 = arith.index_cast %add3A_589 : i32 to index
        %get3A_635 = arith.constant 96 : index
        %get3A_636 = tpu.vector_load %arg11[%get3A_634, %get3A_635] {strides = array<i32>} : memref<80x128xf32, #tpu.memory_space<vmem>>, vector<16xf32>,
        %get3A_637 = arith.index_cast %add3A_589 : i32 to index
        %get3A_638 = arith.constant 96 : index
        %get3A_639 = tpu.vector_load %arg12[%get3A_637, %get3A_638] {strides = array<i32>} : memref<80x128xf32, #tpu.memory_space<vmem>>, vector<16xf32>,
        %mul3A_640 = arith.mulf %get3A_636, %get3A_639 : vector<16xf32>
        %add3A_641 = arith.addf %mul3A_610, %mul3A_640 : vector<16xf32>
        %get3A_642 = arith.index_cast %add3A_589 : i32 to index
        %get3A_643 = arith.constant 112 : index
        %get3A_644 = tpu.vector_load %arg11[%get3A_642, %get3A_643] {strides = array<i32>} : memref<80x128xf32, #tpu.memory_space<vmem>>, vector<16xf32>,
        %get3A_645 = arith.index_cast %add3A_589 : i32 to index
        %get3A_646 = arith.constant 112 : index
        %get3A_647 = tpu.vector_load %arg12[%get3A_645, %get3A_646] {strides = array<i32>} : memref<80x128xf32, #tpu.memory_space<vmem>>, vector<16xf32>,
        %mul3A_648 = arith.mulf %get3A_644, %get3A_647 : vector<16xf32>
        %add3A_649 = arith.addf %mul3A_617, %mul3A_648 : vector<16xf32>
        %add3A_650 = arith.addf %add3A_625, %add3A_633 : vector<16xf32>
        %add3A_651 = arith.addf %add3A_641, %add3A_649 : vector<16xf32>
        %add3A_652 = arith.addf %add3A_650, %add3A_651 : vector<16xf32>
        %broadcast_in_dim3A_653 = vector.broadcast %add3A_589 : i32 to vector<16xi32>
        tpu.vector_store_idx %arg14[%broadcast_in_dim3A_653], %add3A_652 {add = true} : memref<80xf32, #tpu.memory_space<vmem>>[vector<16xi32>], vector<16xf32>,
        %mul3A_654 = arith.constant 16 : i32
        %mul3A_655 = arith.muli %scan3A_178, %mul3A_654 : i32
        %add3A_656 = arith.constant 7 : i32
        %add3A_657 = arith.addi %mul3A_655, %add3A_656 : i32
        %get3A_658 = arith.index_cast %add3A_657 : i32 to index
        %get3A_659 = arith.constant 0 : index
        %get3A_660 = tpu.vector_load %arg11[%get3A_658, %get3A_659] {strides = array<i32>} : memref<80x128xf32, #tpu.memory_space<vmem>>, vector<16xf32>,
        %get3A_661 = arith.index_cast %add3A_657 : i32 to index
        %get3A_662 = arith.constant 0 : index
        %get3A_663 = tpu.vector_load %arg12[%get3A_661, %get3A_662] {strides = array<i32>} : memref<80x128xf32, #tpu.memory_space<vmem>>, vector<16xf32>,
        %mul3A_664 = arith.mulf %get3A_660, %get3A_663 : vector<16xf32>
        %get3A_665 = arith.index_cast %add3A_657 : i32 to index
        %get3A_666 = arith.constant 16 : index
        %get3A_667 = tpu.vector_load %arg11[%get3A_665, %get3A_666] {strides = array<i32>} : memref<80x128xf32, #tpu.memory_space<vmem>>, vector<16xf32>,
        %get3A_668 = arith.index_cast %add3A_657 : i32 to index
        %get3A_669 = arith.constant 16 : index
        %get3A_670 = tpu.vector_load %arg12[%get3A_668, %get3A_669] {strides = array<i32>} : memref<80x128xf32, #tpu.memory_space<vmem>>, vector<16xf32>,
        %mul3A_671 = arith.mulf %get3A_667, %get3A_670 : vector<16xf32>
        %get3A_672 = arith.index_cast %add3A_657 : i32 to index
        %get3A_673 = arith.constant 32 : index
        %get3A_674 = tpu.vector_load %arg11[%get3A_672, %get3A_673] {strides = array<i32>} : memref<80x128xf32, #tpu.memory_space<vmem>>, vector<16xf32>,
        %get3A_675 = arith.index_cast %add3A_657 : i32 to index
        %get3A_676 = arith.constant 32 : index
        %get3A_677 = tpu.vector_load %arg12[%get3A_675, %get3A_676] {strides = array<i32>} : memref<80x128xf32, #tpu.memory_space<vmem>>, vector<16xf32>,
        %mul3A_678 = arith.mulf %get3A_674, %get3A_677 : vector<16xf32>
        %get3A_679 = arith.index_cast %add3A_657 : i32 to index
        %get3A_680 = arith.constant 48 : index
        %get3A_681 = tpu.vector_load %arg11[%get3A_679, %get3A_680] {strides = array<i32>} : memref<80x128xf32, #tpu.memory_space<vmem>>, vector<16xf32>,
        %get3A_682 = arith.index_cast %add3A_657 : i32 to index
        %get3A_683 = arith.constant 48 : index
        %get3A_684 = tpu.vector_load %arg12[%get3A_682, %get3A_683] {strides = array<i32>} : memref<80x128xf32, #tpu.memory_space<vmem>>, vector<16xf32>,
        %mul3A_685 = arith.mulf %get3A_681, %get3A_684 : vector<16xf32>
        %get3A_686 = arith.index_cast %add3A_657 : i32 to index
        %get3A_687 = arith.constant 64 : index
        %get3A_688 = tpu.vector_load %arg11[%get3A_686, %get3A_687] {strides = array<i32>} : memref<80x128xf32, #tpu.memory_space<vmem>>, vector<16xf32>,
        %get3A_689 = arith.index_cast %add3A_657 : i32 to index
        %get3A_690 = arith.constant 64 : index
        %get3A_691 = tpu.vector_load %arg12[%get3A_689, %get3A_690] {strides = array<i32>} : memref<80x128xf32, #tpu.memory_space<vmem>>, vector<16xf32>,
        %mul3A_692 = arith.mulf %get3A_688, %get3A_691 : vector<16xf32>
        %add3A_693 = arith.addf %mul3A_664, %mul3A_692 : vector<16xf32>
        %get3A_694 = arith.index_cast %add3A_657 : i32 to index
        %get3A_695 = arith.constant 80 : index
        %get3A_696 = tpu.vector_load %arg11[%get3A_694, %get3A_695] {strides = array<i32>} : memref<80x128xf32, #tpu.memory_space<vmem>>, vector<16xf32>,
        %get3A_697 = arith.index_cast %add3A_657 : i32 to index
        %get3A_698 = arith.constant 80 : index
        %get3A_699 = tpu.vector_load %arg12[%get3A_697, %get3A_698] {strides = array<i32>} : memref<80x128xf32, #tpu.memory_space<vmem>>, vector<16xf32>,
        %mul3A_700 = arith.mulf %get3A_696, %get3A_699 : vector<16xf32>
        %add3A_701 = arith.addf %mul3A_671, %mul3A_700 : vector<16xf32>
        %get3A_702 = arith.index_cast %add3A_657 : i32 to index
        %get3A_703 = arith.constant 96 : index
        %get3A_704 = tpu.vector_load %arg11[%get3A_702, %get3A_703] {strides = array<i32>} : memref<80x128xf32, #tpu.memory_space<vmem>>, vector<16xf32>,
        %get3A_705 = arith.index_cast %add3A_657 : i32 to index
        %get3A_706 = arith.constant 96 : index
        %get3A_707 = tpu.vector_load %arg12[%get3A_705, %get3A_706] {strides = array<i32>} : memref<80x128xf32, #tpu.memory_space<vmem>>, vector<16xf32>,
        %mul3A_708 = arith.mulf %get3A_704, %get3A_707 : vector<16xf32>
        %add3A_709 = arith.addf %mul3A_678, %mul3A_708 : vector<16xf32>
        %get3A_710 = arith.index_cast %add3A_657 : i32 to index
        %get3A_711 = arith.constant 112 : index
        %get3A_712 = tpu.vector_load %arg11[%get3A_710, %get3A_711] {strides = array<i32>} : memref<80x128xf32, #tpu.memory_space<vmem>>, vector<16xf32>,
        %get3A_713 = arith.index_cast %add3A_657 : i32 to index
        %get3A_714 = arith.constant 112 : index
        %get3A_715 = tpu.vector_load %arg12[%get3A_713, %get3A_714] {strides = array<i32>} : memref<80x128xf32, #tpu.memory_space<vmem>>, vector<16xf32>,
        %mul3A_716 = arith.mulf %get3A_712, %get3A_715 : vector<16xf32>
        %add3A_717 = arith.addf %mul3A_685, %mul3A_716 : vector<16xf32>
        %add3A_718 = arith.addf %add3A_693, %add3A_701 : vector<16xf32>
        %add3A_719 = arith.addf %add3A_709, %add3A_717 : vector<16xf32>
        %add3A_720 = arith.addf %add3A_718, %add3A_719 : vector<16xf32>
        %broadcast_in_dim3A_721 = vector.broadcast %add3A_657 : i32 to vector<16xi32>
        tpu.vector_store_idx %arg14[%broadcast_in_dim3A_721], %add3A_720 {add = true} : memref<80xf32, #tpu.memory_space<vmem>>[vector<16xi32>], vector<16xf32>,
        %mul3A_722 = arith.constant 16 : i32
        %mul3A_723 = arith.muli %scan3A_178, %mul3A_722 : i32
        %add3A_724 = arith.constant 8 : i32
        %add3A_725 = arith.addi %mul3A_723, %add3A_724 : i32
        %get3A_726 = arith.index_cast %add3A_725 : i32 to index
        %get3A_727 = arith.constant 0 : index
        %get3A_728 = tpu.vector_load %arg11[%get3A_726, %get3A_727] {strides = array<i32>} : memref<80x128xf32, #tpu.memory_space<vmem>>, vector<16xf32>,
        %get3A_729 = arith.index_cast %add3A_725 : i32 to index
        %get3A_730 = arith.constant 0 : index
        %get3A_731 = tpu.vector_load %arg12[%get3A_729, %get3A_730] {strides = array<i32>} : memref<80x128xf32, #tpu.memory_space<vmem>>, vector<16xf32>,
        %mul3A_732 = arith.mulf %get3A_728, %get3A_731 : vector<16xf32>
        %get3A_733 = arith.index_cast %add3A_725 : i32 to index
        %get3A_734 = arith.constant 16 : index
        %get3A_735 = tpu.vector_load %arg11[%get3A_733, %get3A_734] {strides = array<i32>} : memref<80x128xf32, #tpu.memory_space<vmem>>, vector<16xf32>,
        %get3A_736 = arith.index_cast %add3A_725 : i32 to index
        %get3A_737 = arith.constant 16 : index
        %get3A_738 = tpu.vector_load %arg12[%get3A_736, %get3A_737] {strides = array<i32>} : memref<80x128xf32, #tpu.memory_space<vmem>>, vector<16xf32>,
        %mul3A_739 = arith.mulf %get3A_735, %get3A_738 : vector<16xf32>
        %get3A_740 = arith.index_cast %add3A_725 : i32 to index
        %get3A_741 = arith.constant 32 : index
        %get3A_742 = tpu.vector_load %arg11[%get3A_740, %get3A_741] {strides = array<i32>} : memref<80x128xf32, #tpu.memory_space<vmem>>, vector<16xf32>,
        %get3A_743 = arith.index_cast %add3A_725 : i32 to index
        %get3A_744 = arith.constant 32 : index
        %get3A_745 = tpu.vector_load %arg12[%get3A_743, %get3A_744] {strides = array<i32>} : memref<80x128xf32, #tpu.memory_space<vmem>>, vector<16xf32>,
        %mul3A_746 = arith.mulf %get3A_742, %get3A_745 : vector<16xf32>
        %get3A_747 = arith.index_cast %add3A_725 : i32 to index
        %get3A_748 = arith.constant 48 : index
        %get3A_749 = tpu.vector_load %arg11[%get3A_747, %get3A_748] {strides = array<i32>} : memref<80x128xf32, #tpu.memory_space<vmem>>, vector<16xf32>,
        %get3A_750 = arith.index_cast %add3A_725 : i32 to index
        %get3A_751 = arith.constant 48 : index
        %get3A_752 = tpu.vector_load %arg12[%get3A_750, %get3A_751] {strides = array<i32>} : memref<80x128xf32, #tpu.memory_space<vmem>>, vector<16xf32>,
        %mul3A_753 = arith.mulf %get3A_749, %get3A_752 : vector<16xf32>
        %get3A_754 = arith.index_cast %add3A_725 : i32 to index
        %get3A_755 = arith.constant 64 : index
        %get3A_756 = tpu.vector_load %arg11[%get3A_754, %get3A_755] {strides = array<i32>} : memref<80x128xf32, #tpu.memory_space<vmem>>, vector<16xf32>,
        %get3A_757 = arith.index_cast %add3A_725 : i32 to index
        %get3A_758 = arith.constant 64 : index
        %get3A_759 = tpu.vector_load %arg12[%get3A_757, %get3A_758] {strides = array<i32>} : memref<80x128xf32, #tpu.memory_space<vmem>>, vector<16xf32>,
        %mul3A_760 = arith.mulf %get3A_756, %get3A_759 : vector<16xf32>
        %add3A_761 = arith.addf %mul3A_732, %mul3A_760 : vector<16xf32>
        %get3A_762 = arith.index_cast %add3A_725 : i32 to index
        %get3A_763 = arith.constant 80 : index
        %get3A_764 = tpu.vector_load %arg11[%get3A_762, %get3A_763] {strides = array<i32>} : memref<80x128xf32, #tpu.memory_space<vmem>>, vector<16xf32>,
        %get3A_765 = arith.index_cast %add3A_725 : i32 to index
        %get3A_766 = arith.constant 80 : index
        %get3A_767 = tpu.vector_load %arg12[%get3A_765, %get3A_766] {strides = array<i32>} : memref<80x128xf32, #tpu.memory_space<vmem>>, vector<16xf32>,
        %mul3A_768 = arith.mulf %get3A_764, %get3A_767 : vector<16xf32>
        %add3A_769 = arith.addf %mul3A_739, %mul3A_768 : vector<16xf32>
        %get3A_770 = arith.index_cast %add3A_725 : i32 to index
        %get3A_771 = arith.constant 96 : index
        %get3A_772 = tpu.vector_load %arg11[%get3A_770, %get3A_771] {strides = array<i32>} : memref<80x128xf32, #tpu.memory_space<vmem>>, vector<16xf32>,
        %get3A_773 = arith.index_cast %add3A_725 : i32 to index
        %get3A_774 = arith.constant 96 : index
        %get3A_775 = tpu.vector_load %arg12[%get3A_773, %get3A_774] {strides = array<i32>} : memref<80x128xf32, #tpu.memory_space<vmem>>, vector<16xf32>,
        %mul3A_776 = arith.mulf %get3A_772, %get3A_775 : vector<16xf32>
        %add3A_777 = arith.addf %mul3A_746, %mul3A_776 : vector<16xf32>
        %get3A_778 = arith.index_cast %add3A_725 : i32 to index
        %get3A_779 = arith.constant 112 : index
        %get3A_780 = tpu.vector_load %arg11[%get3A_778, %get3A_779] {strides = array<i32>} : memref<80x128xf32, #tpu.memory_space<vmem>>, vector<16xf32>,
        %get3A_781 = arith.index_cast %add3A_725 : i32 to index
        %get3A_782 = arith.constant 112 : index
        %get3A_783 = tpu.vector_load %arg12[%get3A_781, %get3A_782] {strides = array<i32>} : memref<80x128xf32, #tpu.memory_space<vmem>>, vector<16xf32>,
        %mul3A_784 = arith.mulf %get3A_780, %get3A_783 : vector<16xf32>
        %add3A_785 = arith.addf %mul3A_753, %mul3A_784 : vector<16xf32>
        %add3A_786 = arith.addf %add3A_761, %add3A_769 : vector<16xf32>
        %add3A_787 = arith.addf %add3A_777, %add3A_785 : vector<16xf32>
        %add3A_788 = arith.addf %add3A_786, %add3A_787 : vector<16xf32>
        %broadcast_in_dim3A_789 = vector.broadcast %add3A_725 : i32 to vector<16xi32>
        tpu.vector_store_idx %arg14[%broadcast_in_dim3A_789], %add3A_788 {add = true} : memref<80xf32, #tpu.memory_space<vmem>>[vector<16xi32>], vector<16xf32>,
        %mul3A_790 = arith.constant 16 : i32
        %mul3A_791 = arith.muli %scan3A_178, %mul3A_790 : i32
        %add3A_792 = arith.constant 9 : i32
        %add3A_793 = arith.addi %mul3A_791, %add3A_792 : i32
        %get3A_794 = arith.index_cast %add3A_793 : i32 to index
        %get3A_795 = arith.constant 0 : index
        %get3A_796 = tpu.vector_load %arg11[%get3A_794, %get3A_795] {strides = array<i32>} : memref<80x128xf32, #tpu.memory_space<vmem>>, vector<16xf32>,
        %get3A_797 = arith.index_cast %add3A_793 : i32 to index
        %get3A_798 = arith.constant 0 : index
        %get3A_799 = tpu.vector_load %arg12[%get3A_797, %get3A_798] {strides = array<i32>} : memref<80x128xf32, #tpu.memory_space<vmem>>, vector<16xf32>,
        %mul3A_800 = arith.mulf %get3A_796, %get3A_799 : vector<16xf32>
        %get3A_801 = arith.index_cast %add3A_793 : i32 to index
        %get3A_802 = arith.constant 16 : index
        %get3A_803 = tpu.vector_load %arg11[%get3A_801, %get3A_802] {strides = array<i32>} : memref<80x128xf32, #tpu.memory_space<vmem>>, vector<16xf32>,
        %get3A_804 = arith.index_cast %add3A_793 : i32 to index
        %get3A_805 = arith.constant 16 : index
        %get3A_806 = tpu.vector_load %arg12[%get3A_804, %get3A_805] {strides = array<i32>} : memref<80x128xf32, #tpu.memory_space<vmem>>, vector<16xf32>,
        %mul3A_807 = arith.mulf %get3A_803, %get3A_806 : vector<16xf32>
        %get3A_808 = arith.index_cast %add3A_793 : i32 to index
        %get3A_809 = arith.constant 32 : index
        %get3A_810 = tpu.vector_load %arg11[%get3A_808, %get3A_809] {strides = array<i32>} : memref<80x128xf32, #tpu.memory_space<vmem>>, vector<16xf32>,
        %get3A_811 = arith.index_cast %add3A_793 : i32 to index
        %get3A_812 = arith.constant 32 : index
        %get3A_813 = tpu.vector_load %arg12[%get3A_811, %get3A_812] {strides = array<i32>} : memref<80x128xf32, #tpu.memory_space<vmem>>, vector<16xf32>,
        %mul3A_814 = arith.mulf %get3A_810, %get3A_813 : vector<16xf32>
        %get3A_815 = arith.index_cast %add3A_793 : i32 to index
        %get3A_816 = arith.constant 48 : index
        %get3A_817 = tpu.vector_load %arg11[%get3A_815, %get3A_816] {strides = array<i32>} : memref<80x128xf32, #tpu.memory_space<vmem>>, vector<16xf32>,
        %get3A_818 = arith.index_cast %add3A_793 : i32 to index
        %get3A_819 = arith.constant 48 : index
        %get3A_820 = tpu.vector_load %arg12[%get3A_818, %get3A_819] {strides = array<i32>} : memref<80x128xf32, #tpu.memory_space<vmem>>, vector<16xf32>,
        %mul3A_821 = arith.mulf %get3A_817, %get3A_820 : vector<16xf32>
        %get3A_822 = arith.index_cast %add3A_793 : i32 to index
        %get3A_823 = arith.constant 64 : index
        %get3A_824 = tpu.vector_load %arg11[%get3A_822, %get3A_823] {strides = array<i32>} : memref<80x128xf32, #tpu.memory_space<vmem>>, vector<16xf32>,
        %get3A_825 = arith.index_cast %add3A_793 : i32 to index
        %get3A_826 = arith.constant 64 : index
        %get3A_827 = tpu.vector_load %arg12[%get3A_825, %get3A_826] {strides = array<i32>} : memref<80x128xf32, #tpu.memory_space<vmem>>, vector<16xf32>,
        %mul3A_828 = arith.mulf %get3A_824, %get3A_827 : vector<16xf32>
        %add3A_829 = arith.addf %mul3A_800, %mul3A_828 : vector<16xf32>
        %get3A_830 = arith.index_cast %add3A_793 : i32 to index
        %get3A_831 = arith.constant 80 : index
        %get3A_832 = tpu.vector_load %arg11[%get3A_830, %get3A_831] {strides = array<i32>} : memref<80x128xf32, #tpu.memory_space<vmem>>, vector<16xf32>,
        %get3A_833 = arith.index_cast %add3A_793 : i32 to index
        %get3A_834 = arith.constant 80 : index
        %get3A_835 = tpu.vector_load %arg12[%get3A_833, %get3A_834] {strides = array<i32>} : memref<80x128xf32, #tpu.memory_space<vmem>>, vector<16xf32>,
        %mul3A_836 = arith.mulf %get3A_832, %get3A_835 : vector<16xf32>
        %add3A_837 = arith.addf %mul3A_807, %mul3A_836 : vector<16xf32>
        %get3A_838 = arith.index_cast %add3A_793 : i32 to index
        %get3A_839 = arith.constant 96 : index
        %get3A_840 = tpu.vector_load %arg11[%get3A_838, %get3A_839] {strides = array<i32>} : memref<80x128xf32, #tpu.memory_space<vmem>>, vector<16xf32>,
        %get3A_841 = arith.index_cast %add3A_793 : i32 to index
        %get3A_842 = arith.constant 96 : index
        %get3A_843 = tpu.vector_load %arg12[%get3A_841, %get3A_842] {strides = array<i32>} : memref<80x128xf32, #tpu.memory_space<vmem>>, vector<16xf32>,
        %mul3A_844 = arith.mulf %get3A_840, %get3A_843 : vector<16xf32>
        %add3A_845 = arith.addf %mul3A_814, %mul3A_844 : vector<16xf32>
        %get3A_846 = arith.index_cast %add3A_793 : i32 to index
        %get3A_847 = arith.constant 112 : index
        %get3A_848 = tpu.vector_load %arg11[%get3A_846, %get3A_847] {strides = array<i32>} : memref<80x128xf32, #tpu.memory_space<vmem>>, vector<16xf32>,
        %get3A_849 = arith.index_cast %add3A_793 : i32 to index
        %get3A_850 = arith.constant 112 : index
        %get3A_851 = tpu.vector_load %arg12[%get3A_849, %get3A_850] {strides = array<i32>} : memref<80x128xf32, #tpu.memory_space<vmem>>, vector<16xf32>,
        %mul3A_852 = arith.mulf %get3A_848, %get3A_851 : vector<16xf32>
        %add3A_853 = arith.addf %mul3A_821, %mul3A_852 : vector<16xf32>
        %add3A_854 = arith.addf %add3A_829, %add3A_837 : vector<16xf32>
        %add3A_855 = arith.addf %add3A_845, %add3A_853 : vector<16xf32>
        %add3A_856 = arith.addf %add3A_854, %add3A_855 : vector<16xf32>
        %broadcast_in_dim3A_857 = vector.broadcast %add3A_793 : i32 to vector<16xi32>
        tpu.vector_store_idx %arg14[%broadcast_in_dim3A_857], %add3A_856 {add = true} : memref<80xf32, #tpu.memory_space<vmem>>[vector<16xi32>], vector<16xf32>,
        %mul3A_858 = arith.constant 16 : i32
        %mul3A_859 = arith.muli %scan3A_178, %mul3A_858 : i32
        %add3A_860 = arith.constant 10 : i32
        %add3A_861 = arith.addi %mul3A_859, %add3A_860 : i32
        %get3A_862 = arith.index_cast %add3A_861 : i32 to index
        %get3A_863 = arith.constant 0 : index
        %get3A_864 = tpu.vector_load %arg11[%get3A_862, %get3A_863] {strides = array<i32>} : memref<80x128xf32, #tpu.memory_space<vmem>>, vector<16xf32>,
        %get3A_865 = arith.index_cast %add3A_861 : i32 to index
        %get3A_866 = arith.constant 0 : index
        %get3A_867 = tpu.vector_load %arg12[%get3A_865, %get3A_866] {strides = array<i32>} : memref<80x128xf32, #tpu.memory_space<vmem>>, vector<16xf32>,
        %mul3A_868 = arith.mulf %get3A_864, %get3A_867 : vector<16xf32>
        %get3A_869 = arith.index_cast %add3A_861 : i32 to index
        %get3A_870 = arith.constant 16 : index
        %get3A_871 = tpu.vector_load %arg11[%get3A_869, %get3A_870] {strides = array<i32>} : memref<80x128xf32, #tpu.memory_space<vmem>>, vector<16xf32>,
        %get3A_872 = arith.index_cast %add3A_861 : i32 to index
        %get3A_873 = arith.constant 16 : index
        %get3A_874 = tpu.vector_load %arg12[%get3A_872, %get3A_873] {strides = array<i32>} : memref<80x128xf32, #tpu.memory_space<vmem>>, vector<16xf32>,
        %mul3A_875 = arith.mulf %get3A_871, %get3A_874 : vector<16xf32>
        %get3A_876 = arith.index_cast %add3A_861 : i32 to index
        %get3A_877 = arith.constant 32 : index
        %get3A_878 = tpu.vector_load %arg11[%get3A_876, %get3A_877] {strides = array<i32>} : memref<80x128xf32, #tpu.memory_space<vmem>>, vector<16xf32>,
        %get3A_879 = arith.index_cast %add3A_861 : i32 to index
        %get3A_880 = arith.constant 32 : index
        %get3A_881 = tpu.vector_load %arg12[%get3A_879, %get3A_880] {strides = array<i32>} : memref<80x128xf32, #tpu.memory_space<vmem>>, vector<16xf32>,
        %mul3A_882 = arith.mulf %get3A_878, %get3A_881 : vector<16xf32>
        %get3A_883 = arith.index_cast %add3A_861 : i32 to index
        %get3A_884 = arith.constant 48 : index
        %get3A_885 = tpu.vector_load %arg11[%get3A_883, %get3A_884] {strides = array<i32>} : memref<80x128xf32, #tpu.memory_space<vmem>>, vector<16xf32>,
        %get3A_886 = arith.index_cast %add3A_861 : i32 to index
        %get3A_887 = arith.constant 48 : index
        %get3A_888 = tpu.vector_load %arg12[%get3A_886, %get3A_887] {strides = array<i32>} : memref<80x128xf32, #tpu.memory_space<vmem>>, vector<16xf32>,
        %mul3A_889 = arith.mulf %get3A_885, %get3A_888 : vector<16xf32>
        %get3A_890 = arith.index_cast %add3A_861 : i32 to index
        %get3A_891 = arith.constant 64 : index
        %get3A_892 = tpu.vector_load %arg11[%get3A_890, %get3A_891] {strides = array<i32>} : memref<80x128xf32, #tpu.memory_space<vmem>>, vector<16xf32>,
        %get3A_893 = arith.index_cast %add3A_861 : i32 to index
        %get3A_894 = arith.constant 64 : index
        %get3A_895 = tpu.vector_load %arg12[%get3A_893, %get3A_894] {strides = array<i32>} : memref<80x128xf32, #tpu.memory_space<vmem>>, vector<16xf32>,
        %mul3A_896 = arith.mulf %get3A_892, %get3A_895 : vector<16xf32>
        %add3A_897 = arith.addf %mul3A_868, %mul3A_896 : vector<16xf32>
        %get3A_898 = arith.index_cast %add3A_861 : i32 to index
        %get3A_899 = arith.constant 80 : index
        %get3A_900 = tpu.vector_load %arg11[%get3A_898, %get3A_899] {strides = array<i32>} : memref<80x128xf32, #tpu.memory_space<vmem>>, vector<16xf32>,
        %get3A_901 = arith.index_cast %add3A_861 : i32 to index
        %get3A_902 = arith.constant 80 : index
        %get3A_903 = tpu.vector_load %arg12[%get3A_901, %get3A_902] {strides = array<i32>} : memref<80x128xf32, #tpu.memory_space<vmem>>, vector<16xf32>,
        %mul3A_904 = arith.mulf %get3A_900, %get3A_903 : vector<16xf32>
        %add3A_905 = arith.addf %mul3A_875, %mul3A_904 : vector<16xf32>
        %get3A_906 = arith.index_cast %add3A_861 : i32 to index
        %get3A_907 = arith.constant 96 : index
        %get3A_908 = tpu.vector_load %arg11[%get3A_906, %get3A_907] {strides = array<i32>} : memref<80x128xf32, #tpu.memory_space<vmem>>, vector<16xf32>,
        %get3A_909 = arith.index_cast %add3A_861 : i32 to index
        %get3A_910 = arith.constant 96 : index
        %get3A_911 = tpu.vector_load %arg12[%get3A_909, %get3A_910] {strides = array<i32>} : memref<80x128xf32, #tpu.memory_space<vmem>>, vector<16xf32>,
        %mul3A_912 = arith.mulf %get3A_908, %get3A_911 : vector<16xf32>
        %add3A_913 = arith.addf %mul3A_882, %mul3A_912 : vector<16xf32>
        %get3A_914 = arith.index_cast %add3A_861 : i32 to index
        %get3A_915 = arith.constant 112 : index
        %get3A_916 = tpu.vector_load %arg11[%get3A_914, %get3A_915] {strides = array<i32>} : memref<80x128xf32, #tpu.memory_space<vmem>>, vector<16xf32>,
        %get3A_917 = arith.index_cast %add3A_861 : i32 to index
        %get3A_918 = arith.constant 112 : index
        %get3A_919 = tpu.vector_load %arg12[%get3A_917, %get3A_918] {strides = array<i32>} : memref<80x128xf32, #tpu.memory_space<vmem>>, vector<16xf32>,
        %mul3A_920 = arith.mulf %get3A_916, %get3A_919 : vector<16xf32>
        %add3A_921 = arith.addf %mul3A_889, %mul3A_920 : vector<16xf32>
        %add3A_922 = arith.addf %add3A_897, %add3A_905 : vector<16xf32>
        %add3A_923 = arith.addf %add3A_913, %add3A_921 : vector<16xf32>
        %add3A_924 = arith.addf %add3A_922, %add3A_923 : vector<16xf32>
        %broadcast_in_dim3A_925 = vector.broadcast %add3A_861 : i32 to vector<16xi32>
        tpu.vector_store_idx %arg14[%broadcast_in_dim3A_925], %add3A_924 {add = true} : memref<80xf32, #tpu.memory_space<vmem>>[vector<16xi32>], vector<16xf32>,
        %mul3A_926 = arith.constant 16 : i32
        %mul3A_927 = arith.muli %scan3A_178, %mul3A_926 : i32
        %add3A_928 = arith.constant 11 : i32
        %add3A_929 = arith.addi %mul3A_927, %add3A_928 : i32
        %get3A_930 = arith.index_cast %add3A_929 : i32 to index
        %get3A_931 = arith.constant 0 : index
        %get3A_932 = tpu.vector_load %arg11[%get3A_930, %get3A_931] {strides = array<i32>} : memref<80x128xf32, #tpu.memory_space<vmem>>, vector<16xf32>,
        %get3A_933 = arith.index_cast %add3A_929 : i32 to index
        %get3A_934 = arith.constant 0 : index
        %get3A_935 = tpu.vector_load %arg12[%get3A_933, %get3A_934] {strides = array<i32>} : memref<80x128xf32, #tpu.memory_space<vmem>>, vector<16xf32>,
        %mul3A_936 = arith.mulf %get3A_932, %get3A_935 : vector<16xf32>
        %get3A_937 = arith.index_cast %add3A_929 : i32 to index
        %get3A_938 = arith.constant 16 : index
        %get3A_939 = tpu.vector_load %arg11[%get3A_937, %get3A_938] {strides = array<i32>} : memref<80x128xf32, #tpu.memory_space<vmem>>, vector<16xf32>,
        %get3A_940 = arith.index_cast %add3A_929 : i32 to index
        %get3A_941 = arith.constant 16 : index
        %get3A_942 = tpu.vector_load %arg12[%get3A_940, %get3A_941] {strides = array<i32>} : memref<80x128xf32, #tpu.memory_space<vmem>>, vector<16xf32>,
        %mul3A_943 = arith.mulf %get3A_939, %get3A_942 : vector<16xf32>
        %get3A_944 = arith.index_cast %add3A_929 : i32 to index
        %get3A_945 = arith.constant 32 : index
        %get3A_946 = tpu.vector_load %arg11[%get3A_944, %get3A_945] {strides = array<i32>} : memref<80x128xf32, #tpu.memory_space<vmem>>, vector<16xf32>,
        %get3A_947 = arith.index_cast %add3A_929 : i32 to index
        %get3A_948 = arith.constant 32 : index
        %get3A_949 = tpu.vector_load %arg12[%get3A_947, %get3A_948] {strides = array<i32>} : memref<80x128xf32, #tpu.memory_space<vmem>>, vector<16xf32>,
        %mul3A_950 = arith.mulf %get3A_946, %get3A_949 : vector<16xf32>
        %get3A_951 = arith.index_cast %add3A_929 : i32 to index
        %get3A_952 = arith.constant 48 : index
        %get3A_953 = tpu.vector_load %arg11[%get3A_951, %get3A_952] {strides = array<i32>} : memref<80x128xf32, #tpu.memory_space<vmem>>, vector<16xf32>,
        %get3A_954 = arith.index_cast %add3A_929 : i32 to index
        %get3A_955 = arith.constant 48 : index
        %get3A_956 = tpu.vector_load %arg12[%get3A_954, %get3A_955] {strides = array<i32>} : memref<80x128xf32, #tpu.memory_space<vmem>>, vector<16xf32>,
        %mul3A_957 = arith.mulf %get3A_953, %get3A_956 : vector<16xf32>
        %get3A_958 = arith.index_cast %add3A_929 : i32 to index
        %get3A_959 = arith.constant 64 : index
        %get3A_960 = tpu.vector_load %arg11[%get3A_958, %get3A_959] {strides = array<i32>} : memref<80x128xf32, #tpu.memory_space<vmem>>, vector<16xf32>,
        %get3A_961 = arith.index_cast %add3A_929 : i32 to index
        %get3A_962 = arith.constant 64 : index
        %get3A_963 = tpu.vector_load %arg12[%get3A_961, %get3A_962] {strides = array<i32>} : memref<80x128xf32, #tpu.memory_space<vmem>>, vector<16xf32>,
        %mul3A_964 = arith.mulf %get3A_960, %get3A_963 : vector<16xf32>
        %add3A_965 = arith.addf %mul3A_936, %mul3A_964 : vector<16xf32>
        %get3A_966 = arith.index_cast %add3A_929 : i32 to index
        %get3A_967 = arith.constant 80 : index
        %get3A_968 = tpu.vector_load %arg11[%get3A_966, %get3A_967] {strides = array<i32>} : memref<80x128xf32, #tpu.memory_space<vmem>>, vector<16xf32>,
        %get3A_969 = arith.index_cast %add3A_929 : i32 to index
        %get3A_970 = arith.constant 80 : index
        %get3A_971 = tpu.vector_load %arg12[%get3A_969, %get3A_970] {strides = array<i32>} : memref<80x128xf32, #tpu.memory_space<vmem>>, vector<16xf32>,
        %mul3A_972 = arith.mulf %get3A_968, %get3A_971 : vector<16xf32>
        %add3A_973 = arith.addf %mul3A_943, %mul3A_972 : vector<16xf32>
        %get3A_974 = arith.index_cast %add3A_929 : i32 to index
        %get3A_975 = arith.constant 96 : index
        %get3A_976 = tpu.vector_load %arg11[%get3A_974, %get3A_975] {strides = array<i32>} : memref<80x128xf32, #tpu.memory_space<vmem>>, vector<16xf32>,
        %get3A_977 = arith.index_cast %add3A_929 : i32 to index
        %get3A_978 = arith.constant 96 : index
        %get3A_979 = tpu.vector_load %arg12[%get3A_977, %get3A_978] {strides = array<i32>} : memref<80x128xf32, #tpu.memory_space<vmem>>, vector<16xf32>,
        %mul3A_980 = arith.mulf %get3A_976, %get3A_979 : vector<16xf32>
        %add3A_981 = arith.addf %mul3A_950, %mul3A_980 : vector<16xf32>
        %get3A_982 = arith.index_cast %add3A_929 : i32 to index
        %get3A_983 = arith.constant 112 : index
        %get3A_984 = tpu.vector_load %arg11[%get3A_982, %get3A_983] {strides = array<i32>} : memref<80x128xf32, #tpu.memory_space<vmem>>, vector<16xf32>,
        %get3A_985 = arith.index_cast %add3A_929 : i32 to index
        %get3A_986 = arith.constant 112 : index
        %get3A_987 = tpu.vector_load %arg12[%get3A_985, %get3A_986] {strides = array<i32>} : memref<80x128xf32, #tpu.memory_space<vmem>>, vector<16xf32>,
        %mul3A_988 = arith.mulf %get3A_984, %get3A_987 : vector<16xf32>
        %add3A_989 = arith.addf %mul3A_957, %mul3A_988 : vector<16xf32>
        %add3A_990 = arith.addf %add3A_965, %add3A_973 : vector<16xf32>
        %add3A_991 = arith.addf %add3A_981, %add3A_989 : vector<16xf32>
        %add3A_992 = arith.addf %add3A_990, %add3A_991 : vector<16xf32>
        %broadcast_in_dim3A_993 = vector.broadcast %add3A_929 : i32 to vector<16xi32>
        tpu.vector_store_idx %arg14[%broadcast_in_dim3A_993], %add3A_992 {add = true} : memref<80xf32, #tpu.memory_space<vmem>>[vector<16xi32>], vector<16xf32>,
        %mul3A_994 = arith.constant 16 : i32
        %mul3A_995 = arith.muli %scan3A_178, %mul3A_994 : i32
        %add3A_996 = arith.constant 12 : i32
        %add3A_997 = arith.addi %mul3A_995, %add3A_996 : i32
        %get3A_998 = arith.index_cast %add3A_997 : i32 to index
        %get3A_999 = arith.constant 0 : index
        %get3A_1000 = tpu.vector_load %arg11[%get3A_998, %get3A_999] {strides = array<i32>} : memref<80x128xf32, #tpu.memory_space<vmem>>, vector<16xf32>,
        %get3A_1001 = arith.index_cast %add3A_997 : i32 to index
        %get3A_1002 = arith.constant 0 : index
        %get3A_1003 = tpu.vector_load %arg12[%get3A_1001, %get3A_1002] {strides = array<i32>} : memref<80x128xf32, #tpu.memory_space<vmem>>, vector<16xf32>,
        %mul3A_1004 = arith.mulf %get3A_1000, %get3A_1003 : vector<16xf32>
        %get3A_1005 = arith.index_cast %add3A_997 : i32 to index
        %get3A_1006 = arith.constant 16 : index
        %get3A_1007 = tpu.vector_load %arg11[%get3A_1005, %get3A_1006] {strides = array<i32>} : memref<80x128xf32, #tpu.memory_space<vmem>>, vector<16xf32>,
        %get3A_1008 = arith.index_cast %add3A_997 : i32 to index
        %get3A_1009 = arith.constant 16 : index
        %get3A_1010 = tpu.vector_load %arg12[%get3A_1008, %get3A_1009] {strides = array<i32>} : memref<80x128xf32, #tpu.memory_space<vmem>>, vector<16xf32>,
        %mul3A_1011 = arith.mulf %get3A_1007, %get3A_1010 : vector<16xf32>
        %get3A_1012 = arith.index_cast %add3A_997 : i32 to index
        %get3A_1013 = arith.constant 32 : index
        %get3A_1014 = tpu.vector_load %arg11[%get3A_1012, %get3A_1013] {strides = array<i32>} : memref<80x128xf32, #tpu.memory_space<vmem>>, vector<16xf32>,
        %get3A_1015 = arith.index_cast %add3A_997 : i32 to index
        %get3A_1016 = arith.constant 32 : index
        %get3A_1017 = tpu.vector_load %arg12[%get3A_1015, %get3A_1016] {strides = array<i32>} : memref<80x128xf32, #tpu.memory_space<vmem>>, vector<16xf32>,
        %mul3A_1018 = arith.mulf %get3A_1014, %get3A_1017 : vector<16xf32>
        %get3A_1019 = arith.index_cast %add3A_997 : i32 to index
        %get3A_1020 = arith.constant 48 : index
        %get3A_1021 = tpu.vector_load %arg11[%get3A_1019, %get3A_1020] {strides = array<i32>} : memref<80x128xf32, #tpu.memory_space<vmem>>, vector<16xf32>,
        %get3A_1022 = arith.index_cast %add3A_997 : i32 to index
        %get3A_1023 = arith.constant 48 : index
        %get3A_1024 = tpu.vector_load %arg12[%get3A_1022, %get3A_1023] {strides = array<i32>} : memref<80x128xf32, #tpu.memory_space<vmem>>, vector<16xf32>,
        %mul3A_1025 = arith.mulf %get3A_1021, %get3A_1024 : vector<16xf32>
        %get3A_1026 = arith.index_cast %add3A_997 : i32 to index
        %get3A_1027 = arith.constant 64 : index
        %get3A_1028 = tpu.vector_load %arg11[%get3A_1026, %get3A_1027] {strides = array<i32>} : memref<80x128xf32, #tpu.memory_space<vmem>>, vector<16xf32>,
        %get3A_1029 = arith.index_cast %add3A_997 : i32 to index
        %get3A_1030 = arith.constant 64 : index
        %get3A_1031 = tpu.vector_load %arg12[%get3A_1029, %get3A_1030] {strides = array<i32>} : memref<80x128xf32, #tpu.memory_space<vmem>>, vector<16xf32>,
        %mul3A_1032 = arith.mulf %get3A_1028, %get3A_1031 : vector<16xf32>
        %add3A_1033 = arith.addf %mul3A_1004, %mul3A_1032 : vector<16xf32>
        %get3A_1034 = arith.index_cast %add3A_997 : i32 to index
        %get3A_1035 = arith.constant 80 : index
        %get3A_1036 = tpu.vector_load %arg11[%get3A_1034, %get3A_1035] {strides = array<i32>} : memref<80x128xf32, #tpu.memory_space<vmem>>, vector<16xf32>,
        %get3A_1037 = arith.index_cast %add3A_997 : i32 to index
        %get3A_1038 = arith.constant 80 : index
        %get3A_1039 = tpu.vector_load %arg12[%get3A_1037, %get3A_1038] {strides = array<i32>} : memref<80x128xf32, #tpu.memory_space<vmem>>, vector<16xf32>,
        %mul3A_1040 = arith.mulf %get3A_1036, %get3A_1039 : vector<16xf32>
        %add3A_1041 = arith.addf %mul3A_1011, %mul3A_1040 : vector<16xf32>
        %get3A_1042 = arith.index_cast %add3A_997 : i32 to index
        %get3A_1043 = arith.constant 96 : index
        %get3A_1044 = tpu.vector_load %arg11[%get3A_1042, %get3A_1043] {strides = array<i32>} : memref<80x128xf32, #tpu.memory_space<vmem>>, vector<16xf32>,
        %get3A_1045 = arith.index_cast %add3A_997 : i32 to index
        %get3A_1046 = arith.constant 96 : index
        %get3A_1047 = tpu.vector_load %arg12[%get3A_1045, %get3A_1046] {strides = array<i32>} : memref<80x128xf32, #tpu.memory_space<vmem>>, vector<16xf32>,
        %mul3A_1048 = arith.mulf %get3A_1044, %get3A_1047 : vector<16xf32>
        %add3A_1049 = arith.addf %mul3A_1018, %mul3A_1048 : vector<16xf32>
        %get3A_1050 = arith.index_cast %add3A_997 : i32 to index
        %get3A_1051 = arith.constant 112 : index
        %get3A_1052 = tpu.vector_load %arg11[%get3A_1050, %get3A_1051] {strides = array<i32>} : memref<80x128xf32, #tpu.memory_space<vmem>>, vector<16xf32>,
        %get3A_1053 = arith.index_cast %add3A_997 : i32 to index
        %get3A_1054 = arith.constant 112 : index
        %get3A_1055 = tpu.vector_load %arg12[%get3A_1053, %get3A_1054] {strides = array<i32>} : memref<80x128xf32, #tpu.memory_space<vmem>>, vector<16xf32>,
        %mul3A_1056 = arith.mulf %get3A_1052, %get3A_1055 : vector<16xf32>
        %add3A_1057 = arith.addf %mul3A_1025, %mul3A_1056 : vector<16xf32>
        %add3A_1058 = arith.addf %add3A_1033, %add3A_1041 : vector<16xf32>
        %add3A_1059 = arith.addf %add3A_1049, %add3A_1057 : vector<16xf32>
        %add3A_1060 = arith.addf %add3A_1058, %add3A_1059 : vector<16xf32>
        %broadcast_in_dim3A_1061 = vector.broadcast %add3A_997 : i32 to vector<16xi32>
        tpu.vector_store_idx %arg14[%broadcast_in_dim3A_1061], %add3A_1060 {add = true} : memref<80xf32, #tpu.memory_space<vmem>>[vector<16xi32>], vector<16xf32>,
        %mul3A_1062 = arith.constant 16 : i32
        %mul3A_1063 = arith.muli %scan3A_178, %mul3A_1062 : i32
        %add3A_1064 = arith.constant 13 : i32
        %add3A_1065 = arith.addi %mul3A_1063, %add3A_1064 : i32
        %get3A_1066 = arith.index_cast %add3A_1065 : i32 to index
        %get3A_1067 = arith.constant 0 : index
        %get3A_1068 = tpu.vector_load %arg11[%get3A_1066, %get3A_1067] {strides = array<i32>} : memref<80x128xf32, #tpu.memory_space<vmem>>, vector<16xf32>,
        %get3A_1069 = arith.index_cast %add3A_1065 : i32 to index
        %get3A_1070 = arith.constant 0 : index
        %get3A_1071 = tpu.vector_load %arg12[%get3A_1069, %get3A_1070] {strides = array<i32>} : memref<80x128xf32, #tpu.memory_space<vmem>>, vector<16xf32>,
        %mul3A_1072 = arith.mulf %get3A_1068, %get3A_1071 : vector<16xf32>
        %get3A_1073 = arith.index_cast %add3A_1065 : i32 to index
        %get3A_1074 = arith.constant 16 : index
        %get3A_1075 = tpu.vector_load %arg11[%get3A_1073, %get3A_1074] {strides = array<i32>} : memref<80x128xf32, #tpu.memory_space<vmem>>, vector<16xf32>,
        %get3A_1076 = arith.index_cast %add3A_1065 : i32 to index
        %get3A_1077 = arith.constant 16 : index
        %get3A_1078 = tpu.vector_load %arg12[%get3A_1076, %get3A_1077] {strides = array<i32>} : memref<80x128xf32, #tpu.memory_space<vmem>>, vector<16xf32>,
        %mul3A_1079 = arith.mulf %get3A_1075, %get3A_1078 : vector<16xf32>
        %get3A_1080 = arith.index_cast %add3A_1065 : i32 to index
        %get3A_1081 = arith.constant 32 : index
        %get3A_1082 = tpu.vector_load %arg11[%get3A_1080, %get3A_1081] {strides = array<i32>} : memref<80x128xf32, #tpu.memory_space<vmem>>, vector<16xf32>,
        %get3A_1083 = arith.index_cast %add3A_1065 : i32 to index
        %get3A_1084 = arith.constant 32 : index
        %get3A_1085 = tpu.vector_load %arg12[%get3A_1083, %get3A_1084] {strides = array<i32>} : memref<80x128xf32, #tpu.memory_space<vmem>>, vector<16xf32>,
        %mul3A_1086 = arith.mulf %get3A_1082, %get3A_1085 : vector<16xf32>
        %get3A_1087 = arith.index_cast %add3A_1065 : i32 to index
        %get3A_1088 = arith.constant 48 : index
        %get3A_1089 = tpu.vector_load %arg11[%get3A_1087, %get3A_1088] {strides = array<i32>} : memref<80x128xf32, #tpu.memory_space<vmem>>, vector<16xf32>,
        %get3A_1090 = arith.index_cast %add3A_1065 : i32 to index
        %get3A_1091 = arith.constant 48 : index
        %get3A_1092 = tpu.vector_load %arg12[%get3A_1090, %get3A_1091] {strides = array<i32>} : memref<80x128xf32, #tpu.memory_space<vmem>>, vector<16xf32>,
        %mul3A_1093 = arith.mulf %get3A_1089, %get3A_1092 : vector<16xf32>
        %get3A_1094 = arith.index_cast %add3A_1065 : i32 to index
        %get3A_1095 = arith.constant 64 : index
        %get3A_1096 = tpu.vector_load %arg11[%get3A_1094, %get3A_1095] {strides = array<i32>} : memref<80x128xf32, #tpu.memory_space<vmem>>, vector<16xf32>,
        %get3A_1097 = arith.index_cast %add3A_1065 : i32 to index
        %get3A_1098 = arith.constant 64 : index
        %get3A_1099 = tpu.vector_load %arg12[%get3A_1097, %get3A_1098] {strides = array<i32>} : memref<80x128xf32, #tpu.memory_space<vmem>>, vector<16xf32>,
        %mul3A_1100 = arith.mulf %get3A_1096, %get3A_1099 : vector<16xf32>
        %add3A_1101 = arith.addf %mul3A_1072, %mul3A_1100 : vector<16xf32>
        %get3A_1102 = arith.index_cast %add3A_1065 : i32 to index
        %get3A_1103 = arith.constant 80 : index
        %get3A_1104 = tpu.vector_load %arg11[%get3A_1102, %get3A_1103] {strides = array<i32>} : memref<80x128xf32, #tpu.memory_space<vmem>>, vector<16xf32>,
        %get3A_1105 = arith.index_cast %add3A_1065 : i32 to index
        %get3A_1106 = arith.constant 80 : index
        %get3A_1107 = tpu.vector_load %arg12[%get3A_1105, %get3A_1106] {strides = array<i32>} : memref<80x128xf32, #tpu.memory_space<vmem>>, vector<16xf32>,
        %mul3A_1108 = arith.mulf %get3A_1104, %get3A_1107 : vector<16xf32>
        %add3A_1109 = arith.addf %mul3A_1079, %mul3A_1108 : vector<16xf32>
        %get3A_1110 = arith.index_cast %add3A_1065 : i32 to index
        %get3A_1111 = arith.constant 96 : index
        %get3A_1112 = tpu.vector_load %arg11[%get3A_1110, %get3A_1111] {strides = array<i32>} : memref<80x128xf32, #tpu.memory_space<vmem>>, vector<16xf32>,
        %get3A_1113 = arith.index_cast %add3A_1065 : i32 to index
        %get3A_1114 = arith.constant 96 : index
        %get3A_1115 = tpu.vector_load %arg12[%get3A_1113, %get3A_1114] {strides = array<i32>} : memref<80x128xf32, #tpu.memory_space<vmem>>, vector<16xf32>,
        %mul3A_1116 = arith.mulf %get3A_1112, %get3A_1115 : vector<16xf32>
        %add3A_1117 = arith.addf %mul3A_1086, %mul3A_1116 : vector<16xf32>
        %get3A_1118 = arith.index_cast %add3A_1065 : i32 to index
        %get3A_1119 = arith.constant 112 : index
        %get3A_1120 = tpu.vector_load %arg11[%get3A_1118, %get3A_1119] {strides = array<i32>} : memref<80x128xf32, #tpu.memory_space<vmem>>, vector<16xf32>,
        %get3A_1121 = arith.index_cast %add3A_1065 : i32 to index
        %get3A_1122 = arith.constant 112 : index
        %get3A_1123 = tpu.vector_load %arg12[%get3A_1121, %get3A_1122] {strides = array<i32>} : memref<80x128xf32, #tpu.memory_space<vmem>>, vector<16xf32>,
        %mul3A_1124 = arith.mulf %get3A_1120, %get3A_1123 : vector<16xf32>
        %add3A_1125 = arith.addf %mul3A_1093, %mul3A_1124 : vector<16xf32>
        %add3A_1126 = arith.addf %add3A_1101, %add3A_1109 : vector<16xf32>
        %add3A_1127 = arith.addf %add3A_1117, %add3A_1125 : vector<16xf32>
        %add3A_1128 = arith.addf %add3A_1126, %add3A_1127 : vector<16xf32>
        %broadcast_in_dim3A_1129 = vector.broadcast %add3A_1065 : i32 to vector<16xi32>
        tpu.vector_store_idx %arg14[%broadcast_in_dim3A_1129], %add3A_1128 {add = true} : memref<80xf32, #tpu.memory_space<vmem>>[vector<16xi32>], vector<16xf32>,
        %mul3A_1130 = arith.constant 16 : i32
        %mul3A_1131 = arith.muli %scan3A_178, %mul3A_1130 : i32
        %add3A_1132 = arith.constant 14 : i32
        %add3A_1133 = arith.addi %mul3A_1131, %add3A_1132 : i32
        %get3A_1134 = arith.index_cast %add3A_1133 : i32 to index
        %get3A_1135 = arith.constant 0 : index
        %get3A_1136 = tpu.vector_load %arg11[%get3A_1134, %get3A_1135] {strides = array<i32>} : memref<80x128xf32, #tpu.memory_space<vmem>>, vector<16xf32>,
        %get3A_1137 = arith.index_cast %add3A_1133 : i32 to index
        %get3A_1138 = arith.constant 0 : index
        %get3A_1139 = tpu.vector_load %arg12[%get3A_1137, %get3A_1138] {strides = array<i32>} : memref<80x128xf32, #tpu.memory_space<vmem>>, vector<16xf32>,
        %mul3A_1140 = arith.mulf %get3A_1136, %get3A_1139 : vector<16xf32>
        %get3A_1141 = arith.index_cast %add3A_1133 : i32 to index
        %get3A_1142 = arith.constant 16 : index
        %get3A_1143 = tpu.vector_load %arg11[%get3A_1141, %get3A_1142] {strides = array<i32>} : memref<80x128xf32, #tpu.memory_space<vmem>>, vector<16xf32>,
        %get3A_1144 = arith.index_cast %add3A_1133 : i32 to index
        %get3A_1145 = arith.constant 16 : index
        %get3A_1146 = tpu.vector_load %arg12[%get3A_1144, %get3A_1145] {strides = array<i32>} : memref<80x128xf32, #tpu.memory_space<vmem>>, vector<16xf32>,
        %mul3A_1147 = arith.mulf %get3A_1143, %get3A_1146 : vector<16xf32>
        %get3A_1148 = arith.index_cast %add3A_1133 : i32 to index
        %get3A_1149 = arith.constant 32 : index
        %get3A_1150 = tpu.vector_load %arg11[%get3A_1148, %get3A_1149] {strides = array<i32>} : memref<80x128xf32, #tpu.memory_space<vmem>>, vector<16xf32>,
        %get3A_1151 = arith.index_cast %add3A_1133 : i32 to index
        %get3A_1152 = arith.constant 32 : index
        %get3A_1153 = tpu.vector_load %arg12[%get3A_1151, %get3A_1152] {strides = array<i32>} : memref<80x128xf32, #tpu.memory_space<vmem>>, vector<16xf32>,
        %mul3A_1154 = arith.mulf %get3A_1150, %get3A_1153 : vector<16xf32>
        %get3A_1155 = arith.index_cast %add3A_1133 : i32 to index
        %get3A_1156 = arith.constant 48 : index
        %get3A_1157 = tpu.vector_load %arg11[%get3A_1155, %get3A_1156] {strides = array<i32>} : memref<80x128xf32, #tpu.memory_space<vmem>>, vector<16xf32>,
        %get3A_1158 = arith.index_cast %add3A_1133 : i32 to index
        %get3A_1159 = arith.constant 48 : index
        %get3A_1160 = tpu.vector_load %arg12[%get3A_1158, %get3A_1159] {strides = array<i32>} : memref<80x128xf32, #tpu.memory_space<vmem>>, vector<16xf32>,
        %mul3A_1161 = arith.mulf %get3A_1157, %get3A_1160 : vector<16xf32>
        %get3A_1162 = arith.index_cast %add3A_1133 : i32 to index
        %get3A_1163 = arith.constant 64 : index
        %get3A_1164 = tpu.vector_load %arg11[%get3A_1162, %get3A_1163] {strides = array<i32>} : memref<80x128xf32, #tpu.memory_space<vmem>>, vector<16xf32>,
        %get3A_1165 = arith.index_cast %add3A_1133 : i32 to index
        %get3A_1166 = arith.constant 64 : index
        %get3A_1167 = tpu.vector_load %arg12[%get3A_1165, %get3A_1166] {strides = array<i32>} : memref<80x128xf32, #tpu.memory_space<vmem>>, vector<16xf32>,
        %mul3A_1168 = arith.mulf %get3A_1164, %get3A_1167 : vector<16xf32>
        %add3A_1169 = arith.addf %mul3A_1140, %mul3A_1168 : vector<16xf32>
        %get3A_1170 = arith.index_cast %add3A_1133 : i32 to index
        %get3A_1171 = arith.constant 80 : index
        %get3A_1172 = tpu.vector_load %arg11[%get3A_1170, %get3A_1171] {strides = array<i32>} : memref<80x128xf32, #tpu.memory_space<vmem>>, vector<16xf32>,
        %get3A_1173 = arith.index_cast %add3A_1133 : i32 to index
        %get3A_1174 = arith.constant 80 : index
        %get3A_1175 = tpu.vector_load %arg12[%get3A_1173, %get3A_1174] {strides = array<i32>} : memref<80x128xf32, #tpu.memory_space<vmem>>, vector<16xf32>,
        %mul3A_1176 = arith.mulf %get3A_1172, %get3A_1175 : vector<16xf32>
        %add3A_1177 = arith.addf %mul3A_1147, %mul3A_1176 : vector<16xf32>
        %get3A_1178 = arith.index_cast %add3A_1133 : i32 to index
        %get3A_1179 = arith.constant 96 : index
        %get3A_1180 = tpu.vector_load %arg11[%get3A_1178, %get3A_1179] {strides = array<i32>} : memref<80x128xf32, #tpu.memory_space<vmem>>, vector<16xf32>,
        %get3A_1181 = arith.index_cast %add3A_1133 : i32 to index
        %get3A_1182 = arith.constant 96 : index
        %get3A_1183 = tpu.vector_load %arg12[%get3A_1181, %get3A_1182] {strides = array<i32>} : memref<80x128xf32, #tpu.memory_space<vmem>>, vector<16xf32>,
        %mul3A_1184 = arith.mulf %get3A_1180, %get3A_1183 : vector<16xf32>
        %add3A_1185 = arith.addf %mul3A_1154, %mul3A_1184 : vector<16xf32>
        %get3A_1186 = arith.index_cast %add3A_1133 : i32 to index
        %get3A_1187 = arith.constant 112 : index
        %get3A_1188 = tpu.vector_load %arg11[%get3A_1186, %get3A_1187] {strides = array<i32>} : memref<80x128xf32, #tpu.memory_space<vmem>>, vector<16xf32>,
        %get3A_1189 = arith.index_cast %add3A_1133 : i32 to index
        %get3A_1190 = arith.constant 112 : index
        %get3A_1191 = tpu.vector_load %arg12[%get3A_1189, %get3A_1190] {strides = array<i32>} : memref<80x128xf32, #tpu.memory_space<vmem>>, vector<16xf32>,
        %mul3A_1192 = arith.mulf %get3A_1188, %get3A_1191 : vector<16xf32>
        %add3A_1193 = arith.addf %mul3A_1161, %mul3A_1192 : vector<16xf32>
        %add3A_1194 = arith.addf %add3A_1169, %add3A_1177 : vector<16xf32>
        %add3A_1195 = arith.addf %add3A_1185, %add3A_1193 : vector<16xf32>
        %add3A_1196 = arith.addf %add3A_1194, %add3A_1195 : vector<16xf32>
        %broadcast_in_dim3A_1197 = vector.broadcast %add3A_1133 : i32 to vector<16xi32>
        tpu.vector_store_idx %arg14[%broadcast_in_dim3A_1197], %add3A_1196 {add = true} : memref<80xf32, #tpu.memory_space<vmem>>[vector<16xi32>], vector<16xf32>,
        %mul3A_1198 = arith.constant 16 : i32
        %mul3A_1199 = arith.muli %scan3A_178, %mul3A_1198 : i32
        %add3A_1200 = arith.constant 15 : i32
        %add3A_1201 = arith.addi %mul3A_1199, %add3A_1200 : i32
        %get3A_1202 = arith.index_cast %add3A_1201 : i32 to index
        %get3A_1203 = arith.constant 0 : index
        %get3A_1204 = tpu.vector_load %arg11[%get3A_1202, %get3A_1203] {strides = array<i32>} : memref<80x128xf32, #tpu.memory_space<vmem>>, vector<16xf32>,
        %get3A_1205 = arith.index_cast %add3A_1201 : i32 to index
        %get3A_1206 = arith.constant 0 : index
        %get3A_1207 = tpu.vector_load %arg12[%get3A_1205, %get3A_1206] {strides = array<i32>} : memref<80x128xf32, #tpu.memory_space<vmem>>, vector<16xf32>,
        %mul3A_1208 = arith.mulf %get3A_1204, %get3A_1207 : vector<16xf32>
        %get3A_1209 = arith.index_cast %add3A_1201 : i32 to index
        %get3A_1210 = arith.constant 16 : index
        %get3A_1211 = tpu.vector_load %arg11[%get3A_1209, %get3A_1210] {strides = array<i32>} : memref<80x128xf32, #tpu.memory_space<vmem>>, vector<16xf32>,
        %get3A_1212 = arith.index_cast %add3A_1201 : i32 to index
        %get3A_1213 = arith.constant 16 : index
        %get3A_1214 = tpu.vector_load %arg12[%get3A_1212, %get3A_1213] {strides = array<i32>} : memref<80x128xf32, #tpu.memory_space<vmem>>, vector<16xf32>,
        %mul3A_1215 = arith.mulf %get3A_1211, %get3A_1214 : vector<16xf32>
        %get3A_1216 = arith.index_cast %add3A_1201 : i32 to index
        %get3A_1217 = arith.constant 32 : index
        %get3A_1218 = tpu.vector_load %arg11[%get3A_1216, %get3A_1217] {strides = array<i32>} : memref<80x128xf32, #tpu.memory_space<vmem>>, vector<16xf32>,
        %get3A_1219 = arith.index_cast %add3A_1201 : i32 to index
        %get3A_1220 = arith.constant 32 : index
        %get3A_1221 = tpu.vector_load %arg12[%get3A_1219, %get3A_1220] {strides = array<i32>} : memref<80x128xf32, #tpu.memory_space<vmem>>, vector<16xf32>,
        %mul3A_1222 = arith.mulf %get3A_1218, %get3A_1221 : vector<16xf32>
        %get3A_1223 = arith.index_cast %add3A_1201 : i32 to index
        %get3A_1224 = arith.constant 48 : index
        %get3A_1225 = tpu.vector_load %arg11[%get3A_1223, %get3A_1224] {strides = array<i32>} : memref<80x128xf32, #tpu.memory_space<vmem>>, vector<16xf32>,
        %get3A_1226 = arith.index_cast %add3A_1201 : i32 to index
        %get3A_1227 = arith.constant 48 : index
        %get3A_1228 = tpu.vector_load %arg12[%get3A_1226, %get3A_1227] {strides = array<i32>} : memref<80x128xf32, #tpu.memory_space<vmem>>, vector<16xf32>,
        %mul3A_1229 = arith.mulf %get3A_1225, %get3A_1228 : vector<16xf32>
        %get3A_1230 = arith.index_cast %add3A_1201 : i32 to index
        %get3A_1231 = arith.constant 64 : index
        %get3A_1232 = tpu.vector_load %arg11[%get3A_1230, %get3A_1231] {strides = array<i32>} : memref<80x128xf32, #tpu.memory_space<vmem>>, vector<16xf32>,
        %get3A_1233 = arith.index_cast %add3A_1201 : i32 to index
        %get3A_1234 = arith.constant 64 : index
        %get3A_1235 = tpu.vector_load %arg12[%get3A_1233, %get3A_1234] {strides = array<i32>} : memref<80x128xf32, #tpu.memory_space<vmem>>, vector<16xf32>,
        %mul3A_1236 = arith.mulf %get3A_1232, %get3A_1235 : vector<16xf32>
        %add3A_1237 = arith.addf %mul3A_1208, %mul3A_1236 : vector<16xf32>
        %get3A_1238 = arith.index_cast %add3A_1201 : i32 to index
        %get3A_1239 = arith.constant 80 : index
        %get3A_1240 = tpu.vector_load %arg11[%get3A_1238, %get3A_1239] {strides = array<i32>} : memref<80x128xf32, #tpu.memory_space<vmem>>, vector<16xf32>,
        %get3A_1241 = arith.index_cast %add3A_1201 : i32 to index
        %get3A_1242 = arith.constant 80 : index
        %get3A_1243 = tpu.vector_load %arg12[%get3A_1241, %get3A_1242] {strides = array<i32>} : memref<80x128xf32, #tpu.memory_space<vmem>>, vector<16xf32>,
        %mul3A_1244 = arith.mulf %get3A_1240, %get3A_1243 : vector<16xf32>
        %add3A_1245 = arith.addf %mul3A_1215, %mul3A_1244 : vector<16xf32>
        %get3A_1246 = arith.index_cast %add3A_1201 : i32 to index
        %get3A_1247 = arith.constant 96 : index
        %get3A_1248 = tpu.vector_load %arg11[%get3A_1246, %get3A_1247] {strides = array<i32>} : memref<80x128xf32, #tpu.memory_space<vmem>>, vector<16xf32>,
        %get3A_1249 = arith.index_cast %add3A_1201 : i32 to index
        %get3A_1250 = arith.constant 96 : index
        %get3A_1251 = tpu.vector_load %arg12[%get3A_1249, %get3A_1250] {strides = array<i32>} : memref<80x128xf32, #tpu.memory_space<vmem>>, vector<16xf32>,
        %mul3A_1252 = arith.mulf %get3A_1248, %get3A_1251 : vector<16xf32>
        %add3A_1253 = arith.addf %mul3A_1222, %mul3A_1252 : vector<16xf32>
        %get3A_1254 = arith.index_cast %add3A_1201 : i32 to index
        %get3A_1255 = arith.constant 112 : index
        %get3A_1256 = tpu.vector_load %arg11[%get3A_1254, %get3A_1255] {strides = array<i32>} : memref<80x128xf32, #tpu.memory_space<vmem>>, vector<16xf32>,
        %get3A_1257 = arith.index_cast %add3A_1201 : i32 to index
        %get3A_1258 = arith.constant 112 : index
        %get3A_1259 = tpu.vector_load %arg12[%get3A_1257, %get3A_1258] {strides = array<i32>} : memref<80x128xf32, #tpu.memory_space<vmem>>, vector<16xf32>,
        %mul3A_1260 = arith.mulf %get3A_1256, %get3A_1259 : vector<16xf32>
        %add3A_1261 = arith.addf %mul3A_1229, %mul3A_1260 : vector<16xf32>
        %add3A_1262 = arith.addf %add3A_1237, %add3A_1245 : vector<16xf32>
        %add3A_1263 = arith.addf %add3A_1253, %add3A_1261 : vector<16xf32>
        %add3A_1264 = arith.addf %add3A_1262, %add3A_1263 : vector<16xf32>
        %broadcast_in_dim3A_1265 = vector.broadcast %add3A_1201 : i32 to vector<16xi32>
        tpu.vector_store_idx %arg14[%broadcast_in_dim3A_1265], %add3A_1264 {add = true} : memref<80xf32, #tpu.memory_space<vmem>>[vector<16xi32>], vector<16xf32>,
      }
      %scan3A_164 = arith.constant 5 : i32
      %lt3A = arith.constant 61 : i32
      %lt3A_165 = arith.cmpi slt, %scan3A_74, %lt3A : i32
      %convert_element_type3A_166 = arith.extui %lt3A_165 : i1 to i32
      %cond3A_167 = arith.constant 0 : i32
      %cond3A_168 = arith.cmpi ne, %convert_element_type3A_166, %cond3A_167 : i32
      scf.if %cond3A_168 {
        %mul3A_178 = arith.constant 2 : i32
        %mul3A_179 = arith.muli %mul3A_178, %scan3A_74 : i32
        %add3A_180 = arith.constant 3 : i32
        %add3A_181 = arith.addi %mul3A_179, %add3A_180 : i32
        %dma_start3A_182 = arith.constant 0 : i32
        %dma_start3A_183 = tpu.memref_slice %arg7[%add3A_181, %dma_start3A_182] : memref<125x80xi32, #tpu.memory_space<vmem>> -> memref<1x80xi32, #tpu.memory_space<vmem>>
        %dma_start3A_184 = tpu.memref_squeeze %dma_start3A_183 : memref<1x80xi32, #tpu.memory_space<vmem>> -> memref<80xi32, #tpu.memory_space<vmem>>
        %dma_start3A_185 = arith.constant 0 : i32
        %dma_start3A_186 = arith.constant 0 : i32
        %dma_start3A_187 = tpu.memref_slice %arg4[%dma_start3A_185, %dma_start3A_186] : memref<10000x128xf32, #tpu.memory_space<hbm>> -> memref<10000x128xf32, #tpu.memory_space<hbm>>
        tpu.enqueue_indirect_dma source(%dma_start3A_187 : memref<10000x128xf32, #tpu.memory_space<hbm>>) target(%arg11 : memref<80x128xf32, #tpu.memory_space<vmem>>) offsets(%dma_start3A_184 : memref<80xi32, #tpu.memory_space<vmem>>) semaphore(%arg16 : memref<!tpu.dma_semaphore, #tpu.memory_space<semaphore_mem>>)
        %dma_start3A_188 = arith.constant 0 : i32
        %dma_start3A_189 = tpu.memref_slice %arg8[%add3A_181, %dma_start3A_188] : memref<125x80xi32, #tpu.memory_space<vmem>> -> memref<1x80xi32, #tpu.memory_space<vmem>>
        %dma_start3A_190 = tpu.memref_squeeze %dma_start3A_189 : memref<1x80xi32, #tpu.memory_space<vmem>> -> memref<80xi32, #tpu.memory_space<vmem>>
        %dma_start3A_191 = arith.constant 0 : i32
        %dma_start3A_192 = arith.constant 0 : i32
        %dma_start3A_193 = tpu.memref_slice %arg5[%dma_start3A_191, %dma_start3A_192] : memref<10000x128xf32, #tpu.memory_space<hbm>> -> memref<10000x128xf32, #tpu.memory_space<hbm>>
        tpu.enqueue_indirect_dma source(%dma_start3A_193 : memref<10000x128xf32, #tpu.memory_space<hbm>>) target(%arg12 : memref<80x128xf32, #tpu.memory_space<vmem>>) offsets(%dma_start3A_190 : memref<80xi32, #tpu.memory_space<vmem>>) semaphore(%arg16 : memref<!tpu.dma_semaphore, #tpu.memory_space<semaphore_mem>>)
      } else {
      }
      %mul3A_169 = arith.constant 2 : i32
      %mul3A_170 = arith.muli %mul3A_169, %scan3A_74 : i32
      %add3A_171 = arith.constant 1 : i32
      %add3A_172 = arith.addi %mul3A_170, %add3A_171 : i32
      %mul3A_173 = arith.constant 80 : i32
      %mul3A_174 = arith.muli %add3A_172, %mul3A_173 : i32
      %add3A_175 = arith.addi %mul3A_2, %mul3A_174 : i32
      %dma_start3A_176 = tpu.memref_slice %arg6[%add3A_175] : memref<320000xf32, #tpu.memory_space<hbm>> -> memref<80xf32, #tpu.memory_space<hbm>>
      %dma_start3A_177 = tpu.memref_slice %arg6[%add3A_175] : memref<320000xf32, #tpu.memory_space<hbm>> -> memref<80xf32, #tpu.memory_space<hbm>>
      tpu.enqueue_dma source(%arg14 : memref<80xf32, #tpu.memory_space<vmem>>) target(%dma_start3A_177 : memref<80xf32, #tpu.memory_space<hbm>>) target_semaphore(%arg18 : memref<!tpu.dma_semaphore, #tpu.memory_space<semaphore_mem>>)
    }
    %scan3A_35 = arith.constant 62 : i32
    %dma_wait3A = arith.constant 0 : i32
    %dma_wait3A_36 = arith.constant 0 : i32
    %dma_wait3A_37 = tpu.memref_slice %arg7[%dma_wait3A, %dma_wait3A_36] : memref<125x80xi32, #tpu.memory_space<vmem>> -> memref<1x80xi32, #tpu.memory_space<vmem>>
    %dma_wait3A_38 = tpu.memref_squeeze %dma_wait3A_37 : memref<1x80xi32, #tpu.memory_space<vmem>> -> memref<80xi32, #tpu.memory_space<vmem>>
    %dma_wait3A_39 = arith.constant 0 : i32
    %dma_wait3A_40 = arith.constant 0 : i32
    %dma_wait3A_41 = tpu.memref_slice %arg4[%dma_wait3A_39, %dma_wait3A_40] : memref<10000x128xf32, #tpu.memory_space<hbm>> -> memref<10000x128xf32, #tpu.memory_space<hbm>>
    tpu.wait_indirect_dma semaphore(%arg15 : memref<!tpu.dma_semaphore, #tpu.memory_space<semaphore_mem>>) src(%dma_wait3A_41 : memref<10000x128xf32, #tpu.memory_space<hbm>>) dst(%arg9 : memref<80x128xf32, #tpu.memory_space<vmem>>)
    %dma_wait3A_42 = arith.constant 0 : i32
    %dma_wait3A_43 = arith.constant 0 : i32
    %dma_wait3A_44 = tpu.memref_slice %arg8[%dma_wait3A_42, %dma_wait3A_43] : memref<125x80xi32, #tpu.memory_space<vmem>> -> memref<1x80xi32, #tpu.memory_space<vmem>>
    %dma_wait3A_45 = tpu.memref_squeeze %dma_wait3A_44 : memref<1x80xi32, #tpu.memory_space<vmem>> -> memref<80xi32, #tpu.memory_space<vmem>>
    %dma_wait3A_46 = arith.constant 0 : i32
    %dma_wait3A_47 = arith.constant 0 : i32
    %dma_wait3A_48 = tpu.memref_slice %arg5[%dma_wait3A_46, %dma_wait3A_47] : memref<10000x128xf32, #tpu.memory_space<hbm>> -> memref<10000x128xf32, #tpu.memory_space<hbm>>
    tpu.wait_indirect_dma semaphore(%arg15 : memref<!tpu.dma_semaphore, #tpu.memory_space<semaphore_mem>>) src(%dma_wait3A_48 : memref<10000x128xf32, #tpu.memory_space<hbm>>) dst(%arg10 : memref<80x128xf32, #tpu.memory_space<vmem>>)
    %dma_wait3A_49 = tpu.memref_slice %arg6[%mul3A_2] : memref<320000xf32, #tpu.memory_space<hbm>> -> memref<80xf32, #tpu.memory_space<hbm>>
    %dma_wait3A_50 = tpu.memref_slice %arg6[%mul3A_2] : memref<320000xf32, #tpu.memory_space<hbm>> -> memref<80xf32, #tpu.memory_space<hbm>>
    tpu.wait_dma2 semaphore(%arg17 : memref<!tpu.dma_semaphore, #tpu.memory_space<semaphore_mem>>) src(%arg13 : memref<80xf32, #tpu.memory_space<vmem>>) dst(%dma_wait3A_50 : memref<80xf32, #tpu.memory_space<hbm>>)
    %swap3A = arith.constant 0 : index
    %swap3A_51 = tpu.vector_load %arg13[%swap3A] {strides = array<i32>} : memref<80xf32, #tpu.memory_space<vmem>>, vector<16xf32>,
    tpu.vector_store %arg13[%swap3A], %broadcast_in_dim3A_3 {strides = array<i32>} : memref<80xf32, #tpu.memory_space<vmem>>, vector<16xf32>,
    %swap3A_52 = arith.constant 16 : index
    %swap3A_53 = tpu.vector_load %arg13[%swap3A_52] {strides = array<i32>} : memref<80xf32, #tpu.memory_space<vmem>>, vector<16xf32>,
    tpu.vector_store %arg13[%swap3A_52], %broadcast_in_dim3A_3 {strides = array<i32>} : memref<80xf32, #tpu.memory_space<vmem>>, vector<16xf32>,
    %swap3A_54 = arith.constant 32 : index
    %swap3A_55 = tpu.vector_load %arg13[%swap3A_54] {strides = array<i32>} : memref<80xf32, #tpu.memory_space<vmem>>, vector<16xf32>,
    tpu.vector_store %arg13[%swap3A_54], %broadcast_in_dim3A_3 {strides = array<i32>} : memref<80xf32, #tpu.memory_space<vmem>>, vector<16xf32>,
    %swap3A_56 = arith.constant 48 : index
    %swap3A_57 = tpu.vector_load %arg13[%swap3A_56] {strides = array<i32>} : memref<80xf32, #tpu.memory_space<vmem>>, vector<16xf32>,
    tpu.vector_store %arg13[%swap3A_56], %broadcast_in_dim3A_3 {strides = array<i32>} : memref<80xf32, #tpu.memory_space<vmem>>, vector<16xf32>,
    %swap3A_58 = arith.constant 64 : index
    %swap3A_59 = tpu.vector_load %arg13[%swap3A_58] {strides = array<i32>} : memref<80xf32, #tpu.memory_space<vmem>>, vector<16xf32>,
    tpu.vector_store %arg13[%swap3A_58], %broadcast_in_dim3A_3 {strides = array<i32>} : memref<80xf32, #tpu.memory_space<vmem>>, vector<16xf32>,
    %scan3A_60 = arith.constant 0 : i32
    %scan3A_61 = arith.constant 0 : i32
    %scan3A_62 = arith.constant 5 : i32
    %scan3A_63 = arith.addi %scan3A_61, %scan3A_62 : i32
    %scan3A_64 = arith.constant 1 : i32
    scf.for %scan3A_74 = %scan3A_61 to %scan3A_63 step %scan3A_64  : i32 {
      %mul3A_75 = arith.constant 16 : i32
      %mul3A_76 = arith.muli %scan3A_74, %mul3A_75 : i32
      %add3A_77 = arith.constant 0 : i32
      %add3A_78 = arith.addi %mul3A_76, %add3A_77 : i32
      %get3A = arith.index_cast %add3A_78 : i32 to index
      %get3A_79 = arith.constant 0 : index
      %get3A_80 = tpu.vector_load %arg9[%get3A, %get3A_79] {strides = array<i32>} : memref<80x128xf32, #tpu.memory_space<vmem>>, vector<16xf32>,
      %get3A_81 = arith.index_cast %add3A_78 : i32 to index
      %get3A_82 = arith.constant 0 : index
      %get3A_83 = tpu.vector_load %arg10[%get3A_81, %get3A_82] {strides = array<i32>} : memref<80x128xf32, #tpu.memory_space<vmem>>, vector<16xf32>,
      %mul3A_84 = arith.mulf %get3A_80, %get3A_83 : vector<16xf32>
      %get3A_85 = arith.index_cast %add3A_78 : i32 to index
      %get3A_86 = arith.constant 16 : index
      %get3A_87 = tpu.vector_load %arg9[%get3A_85, %get3A_86] {strides = array<i32>} : memref<80x128xf32, #tpu.memory_space<vmem>>, vector<16xf32>,
      %get3A_88 = arith.index_cast %add3A_78 : i32 to index
      %get3A_89 = arith.constant 16 : index
      %get3A_90 = tpu.vector_load %arg10[%get3A_88, %get3A_89] {strides = array<i32>} : memref<80x128xf32, #tpu.memory_space<vmem>>, vector<16xf32>,
      %mul3A_91 = arith.mulf %get3A_87, %get3A_90 : vector<16xf32>
      %get3A_92 = arith.index_cast %add3A_78 : i32 to index
      %get3A_93 = arith.constant 32 : index
      %get3A_94 = tpu.vector_load %arg9[%get3A_92, %get3A_93] {strides = array<i32>} : memref<80x128xf32, #tpu.memory_space<vmem>>, vector<16xf32>,
      %get3A_95 = arith.index_cast %add3A_78 : i32 to index
      %get3A_96 = arith.constant 32 : index
      %get3A_97 = tpu.vector_load %arg10[%get3A_95, %get3A_96] {strides = array<i32>} : memref<80x128xf32, #tpu.memory_space<vmem>>, vector<16xf32>,
      %mul3A_98 = arith.mulf %get3A_94, %get3A_97 : vector<16xf32>
      %get3A_99 = arith.index_cast %add3A_78 : i32 to index
      %get3A_100 = arith.constant 48 : index
      %get3A_101 = tpu.vector_load %arg9[%get3A_99, %get3A_100] {strides = array<i32>} : memref<80x128xf32, #tpu.memory_space<vmem>>, vector<16xf32>,
      %get3A_102 = arith.index_cast %add3A_78 : i32 to index
      %get3A_103 = arith.constant 48 : index
      %get3A_104 = tpu.vector_load %arg10[%get3A_102, %get3A_103] {strides = array<i32>} : memref<80x128xf32, #tpu.memory_space<vmem>>, vector<16xf32>,
      %mul3A_105 = arith.mulf %get3A_101, %get3A_104 : vector<16xf32>
      %get3A_106 = arith.index_cast %add3A_78 : i32 to index
      %get3A_107 = arith.constant 64 : index
      %get3A_108 = tpu.vector_load %arg9[%get3A_106, %get3A_107] {strides = array<i32>} : memref<80x128xf32, #tpu.memory_space<vmem>>, vector<16xf32>,
      %get3A_109 = arith.index_cast %add3A_78 : i32 to index
      %get3A_110 = arith.constant 64 : index
      %get3A_111 = tpu.vector_load %arg10[%get3A_109, %get3A_110] {strides = array<i32>} : memref<80x128xf32, #tpu.memory_space<vmem>>, vector<16xf32>,
      %mul3A_112 = arith.mulf %get3A_108, %get3A_111 : vector<16xf32>
      %add3A_113 = arith.addf %mul3A_84, %mul3A_112 : vector<16xf32>
      %get3A_114 = arith.index_cast %add3A_78 : i32 to index
      %get3A_115 = arith.constant 80 : index
      %get3A_116 = tpu.vector_load %arg9[%get3A_114, %get3A_115] {strides = array<i32>} : memref<80x128xf32, #tpu.memory_space<vmem>>, vector<16xf32>,
      %get3A_117 = arith.index_cast %add3A_78 : i32 to index
      %get3A_118 = arith.constant 80 : index
      %get3A_119 = tpu.vector_load %arg10[%get3A_117, %get3A_118] {strides = array<i32>} : memref<80x128xf32, #tpu.memory_space<vmem>>, vector<16xf32>,
      %mul3A_120 = arith.mulf %get3A_116, %get3A_119 : vector<16xf32>
      %add3A_121 = arith.addf %mul3A_91, %mul3A_120 : vector<16xf32>
      %get3A_122 = arith.index_cast %add3A_78 : i32 to index
      %get3A_123 = arith.constant 96 : index
      %get3A_124 = tpu.vector_load %arg9[%get3A_122, %get3A_123] {strides = array<i32>} : memref<80x128xf32, #tpu.memory_space<vmem>>, vector<16xf32>,
      %get3A_125 = arith.index_cast %add3A_78 : i32 to index
      %get3A_126 = arith.constant 96 : index
      %get3A_127 = tpu.vector_load %arg10[%get3A_125, %get3A_126] {strides = array<i32>} : memref<80x128xf32, #tpu.memory_space<vmem>>, vector<16xf32>,
      %mul3A_128 = arith.mulf %get3A_124, %get3A_127 : vector<16xf32>
      %add3A_129 = arith.addf %mul3A_98, %mul3A_128 : vector<16xf32>
      %get3A_130 = arith.index_cast %add3A_78 : i32 to index
      %get3A_131 = arith.constant 112 : index
      %get3A_132 = tpu.vector_load %arg9[%get3A_130, %get3A_131] {strides = array<i32>} : memref<80x128xf32, #tpu.memory_space<vmem>>, vector<16xf32>,
      %get3A_133 = arith.index_cast %add3A_78 : i32 to index
      %get3A_134 = arith.constant 112 : index
      %get3A_135 = tpu.vector_load %arg10[%get3A_133, %get3A_134] {strides = array<i32>} : memref<80x128xf32, #tpu.memory_space<vmem>>, vector<16xf32>,
      %mul3A_136 = arith.mulf %get3A_132, %get3A_135 : vector<16xf32>
      %add3A_137 = arith.addf %mul3A_105, %mul3A_136 : vector<16xf32>
      %add3A_138 = arith.addf %add3A_113, %add3A_121 : vector<16xf32>
      %add3A_139 = arith.addf %add3A_129, %add3A_137 : vector<16xf32>
      %add3A_140 = arith.addf %add3A_138, %add3A_139 : vector<16xf32>
      %broadcast_in_dim3A_141 = vector.broadcast %add3A_78 : i32 to vector<16xi32>
      tpu.vector_store_idx %arg13[%broadcast_in_dim3A_141], %add3A_140 {add = true} : memref<80xf32, #tpu.memory_space<vmem>>[vector<16xi32>], vector<16xf32>,
      %mul3A_142 = arith.constant 16 : i32
      %mul3A_143 = arith.muli %scan3A_74, %mul3A_142 : i32
      %add3A_144 = arith.constant 1 : i32
      %add3A_145 = arith.addi %mul3A_143, %add3A_144 : i32
      %get3A_146 = arith.index_cast %add3A_145 : i32 to index
      %get3A_147 = arith.constant 0 : index
      %get3A_148 = tpu.vector_load %arg9[%get3A_146, %get3A_147] {strides = array<i32>} : memref<80x128xf32, #tpu.memory_space<vmem>>, vector<16xf32>,
      %get3A_149 = arith.index_cast %add3A_145 : i32 to index
      %get3A_150 = arith.constant 0 : index
      %get3A_151 = tpu.vector_load %arg10[%get3A_149, %get3A_150] {strides = array<i32>} : memref<80x128xf32, #tpu.memory_space<vmem>>, vector<16xf32>,
      %mul3A_152 = arith.mulf %get3A_148, %get3A_151 : vector<16xf32>
      %get3A_153 = arith.index_cast %add3A_145 : i32 to index
      %get3A_154 = arith.constant 16 : index
      %get3A_155 = tpu.vector_load %arg9[%get3A_153, %get3A_154] {strides = array<i32>} : memref<80x128xf32, #tpu.memory_space<vmem>>, vector<16xf32>,
      %get3A_156 = arith.index_cast %add3A_145 : i32 to index
      %get3A_157 = arith.constant 16 : index
      %get3A_158 = tpu.vector_load %arg10[%get3A_156, %get3A_157] {strides = array<i32>} : memref<80x128xf32, #tpu.memory_space<vmem>>, vector<16xf32>,
      %mul3A_159 = arith.mulf %get3A_155, %get3A_158 : vector<16xf32>
      %get3A_160 = arith.index_cast %add3A_145 : i32 to index
      %get3A_161 = arith.constant 32 : index
      %get3A_162 = tpu.vector_load %arg9[%get3A_160, %get3A_161] {strides = array<i32>} : memref<80x128xf32, #tpu.memory_space<vmem>>, vector<16xf32>,
      %get3A_163 = arith.index_cast %add3A_145 : i32 to index
      %get3A_164 = arith.constant 32 : index
      %get3A_165 = tpu.vector_load %arg10[%get3A_163, %get3A_164] {strides = array<i32>} : memref<80x128xf32, #tpu.memory_space<vmem>>, vector<16xf32>,
      %mul3A_166 = arith.mulf %get3A_162, %get3A_165 : vector<16xf32>
      %get3A_167 = arith.index_cast %add3A_145 : i32 to index
      %get3A_168 = arith.constant 48 : index
      %get3A_169 = tpu.vector_load %arg9[%get3A_167, %get3A_168] {strides = array<i32>} : memref<80x128xf32, #tpu.memory_space<vmem>>, vector<16xf32>,
      %get3A_170 = arith.index_cast %add3A_145 : i32 to index
      %get3A_171 = arith.constant 48 : index
      %get3A_172 = tpu.vector_load %arg10[%get3A_170, %get3A_171] {strides = array<i32>} : memref<80x128xf32, #tpu.memory_space<vmem>>, vector<16xf32>,
      %mul3A_173 = arith.mulf %get3A_169, %get3A_172 : vector<16xf32>
      %get3A_174 = arith.index_cast %add3A_145 : i32 to index
      %get3A_175 = arith.constant 64 : index
      %get3A_176 = tpu.vector_load %arg9[%get3A_174, %get3A_175] {strides = array<i32>} : memref<80x128xf32, #tpu.memory_space<vmem>>, vector<16xf32>,
      %get3A_177 = arith.index_cast %add3A_145 : i32 to index
      %get3A_178 = arith.constant 64 : index
      %get3A_179 = tpu.vector_load %arg10[%get3A_177, %get3A_178] {strides = array<i32>} : memref<80x128xf32, #tpu.memory_space<vmem>>, vector<16xf32>,
      %mul3A_180 = arith.mulf %get3A_176, %get3A_179 : vector<16xf32>
      %add3A_181 = arith.addf %mul3A_152, %mul3A_180 : vector<16xf32>
      %get3A_182 = arith.index_cast %add3A_145 : i32 to index
      %get3A_183 = arith.constant 80 : index
      %get3A_184 = tpu.vector_load %arg9[%get3A_182, %get3A_183] {strides = array<i32>} : memref<80x128xf32, #tpu.memory_space<vmem>>, vector<16xf32>,
      %get3A_185 = arith.index_cast %add3A_145 : i32 to index
      %get3A_186 = arith.constant 80 : index
      %get3A_187 = tpu.vector_load %arg10[%get3A_185, %get3A_186] {strides = array<i32>} : memref<80x128xf32, #tpu.memory_space<vmem>>, vector<16xf32>,
      %mul3A_188 = arith.mulf %get3A_184, %get3A_187 : vector<16xf32>
      %add3A_189 = arith.addf %mul3A_159, %mul3A_188 : vector<16xf32>
      %get3A_190 = arith.index_cast %add3A_145 : i32 to index
      %get3A_191 = arith.constant 96 : index
      %get3A_192 = tpu.vector_load %arg9[%get3A_190, %get3A_191] {strides = array<i32>} : memref<80x128xf32, #tpu.memory_space<vmem>>, vector<16xf32>,
      %get3A_193 = arith.index_cast %add3A_145 : i32 to index
      %get3A_194 = arith.constant 96 : index
      %get3A_195 = tpu.vector_load %arg10[%get3A_193, %get3A_194] {strides = array<i32>} : memref<80x128xf32, #tpu.memory_space<vmem>>, vector<16xf32>,
      %mul3A_196 = arith.mulf %get3A_192, %get3A_195 : vector<16xf32>
      %add3A_197 = arith.addf %mul3A_166, %mul3A_196 : vector<16xf32>
      %get3A_198 = arith.index_cast %add3A_145 : i32 to index
      %get3A_199 = arith.constant 112 : index
      %get3A_200 = tpu.vector_load %arg9[%get3A_198, %get3A_199] {strides = array<i32>} : memref<80x128xf32, #tpu.memory_space<vmem>>, vector<16xf32>,
      %get3A_201 = arith.index_cast %add3A_145 : i32 to index
      %get3A_202 = arith.constant 112 : index
      %get3A_203 = tpu.vector_load %arg10[%get3A_201, %get3A_202] {strides = array<i32>} : memref<80x128xf32, #tpu.memory_space<vmem>>, vector<16xf32>,
      %mul3A_204 = arith.mulf %get3A_200, %get3A_203 : vector<16xf32>
      %add3A_205 = arith.addf %mul3A_173, %mul3A_204 : vector<16xf32>
      %add3A_206 = arith.addf %add3A_181, %add3A_189 : vector<16xf32>
      %add3A_207 = arith.addf %add3A_197, %add3A_205 : vector<16xf32>
      %add3A_208 = arith.addf %add3A_206, %add3A_207 : vector<16xf32>
      %broadcast_in_dim3A_209 = vector.broadcast %add3A_145 : i32 to vector<16xi32>
      tpu.vector_store_idx %arg13[%broadcast_in_dim3A_209], %add3A_208 {add = true} : memref<80xf32, #tpu.memory_space<vmem>>[vector<16xi32>], vector<16xf32>,
      %mul3A_210 = arith.constant 16 : i32
      %mul3A_211 = arith.muli %scan3A_74, %mul3A_210 : i32
      %add3A_212 = arith.constant 2 : i32
      %add3A_213 = arith.addi %mul3A_211, %add3A_212 : i32
      %get3A_214 = arith.index_cast %add3A_213 : i32 to index
      %get3A_215 = arith.constant 0 : index
      %get3A_216 = tpu.vector_load %arg9[%get3A_214, %get3A_215] {strides = array<i32>} : memref<80x128xf32, #tpu.memory_space<vmem>>, vector<16xf32>,
      %get3A_217 = arith.index_cast %add3A_213 : i32 to index
      %get3A_218 = arith.constant 0 : index
      %get3A_219 = tpu.vector_load %arg10[%get3A_217, %get3A_218] {strides = array<i32>} : memref<80x128xf32, #tpu.memory_space<vmem>>, vector<16xf32>,
      %mul3A_220 = arith.mulf %get3A_216, %get3A_219 : vector<16xf32>
      %get3A_221 = arith.index_cast %add3A_213 : i32 to index
      %get3A_222 = arith.constant 16 : index
      %get3A_223 = tpu.vector_load %arg9[%get3A_221, %get3A_222] {strides = array<i32>} : memref<80x128xf32, #tpu.memory_space<vmem>>, vector<16xf32>,
      %get3A_224 = arith.index_cast %add3A_213 : i32 to index
      %get3A_225 = arith.constant 16 : index
      %get3A_226 = tpu.vector_load %arg10[%get3A_224, %get3A_225] {strides = array<i32>} : memref<80x128xf32, #tpu.memory_space<vmem>>, vector<16xf32>,
      %mul3A_227 = arith.mulf %get3A_223, %get3A_226 : vector<16xf32>
      %get3A_228 = arith.index_cast %add3A_213 : i32 to index
      %get3A_229 = arith.constant 32 : index
      %get3A_230 = tpu.vector_load %arg9[%get3A_228, %get3A_229] {strides = array<i32>} : memref<80x128xf32, #tpu.memory_space<vmem>>, vector<16xf32>,
      %get3A_231 = arith.index_cast %add3A_213 : i32 to index
      %get3A_232 = arith.constant 32 : index
      %get3A_233 = tpu.vector_load %arg10[%get3A_231, %get3A_232] {strides = array<i32>} : memref<80x128xf32, #tpu.memory_space<vmem>>, vector<16xf32>,
      %mul3A_234 = arith.mulf %get3A_230, %get3A_233 : vector<16xf32>
      %get3A_235 = arith.index_cast %add3A_213 : i32 to index
      %get3A_236 = arith.constant 48 : index
      %get3A_237 = tpu.vector_load %arg9[%get3A_235, %get3A_236] {strides = array<i32>} : memref<80x128xf32, #tpu.memory_space<vmem>>, vector<16xf32>,
      %get3A_238 = arith.index_cast %add3A_213 : i32 to index
      %get3A_239 = arith.constant 48 : index
      %get3A_240 = tpu.vector_load %arg10[%get3A_238, %get3A_239] {strides = array<i32>} : memref<80x128xf32, #tpu.memory_space<vmem>>, vector<16xf32>,
      %mul3A_241 = arith.mulf %get3A_237, %get3A_240 : vector<16xf32>
      %get3A_242 = arith.index_cast %add3A_213 : i32 to index
      %get3A_243 = arith.constant 64 : index
      %get3A_244 = tpu.vector_load %arg9[%get3A_242, %get3A_243] {strides = array<i32>} : memref<80x128xf32, #tpu.memory_space<vmem>>, vector<16xf32>,
      %get3A_245 = arith.index_cast %add3A_213 : i32 to index
      %get3A_246 = arith.constant 64 : index
      %get3A_247 = tpu.vector_load %arg10[%get3A_245, %get3A_246] {strides = array<i32>} : memref<80x128xf32, #tpu.memory_space<vmem>>, vector<16xf32>,
      %mul3A_248 = arith.mulf %get3A_244, %get3A_247 : vector<16xf32>
      %add3A_249 = arith.addf %mul3A_220, %mul3A_248 : vector<16xf32>
      %get3A_250 = arith.index_cast %add3A_213 : i32 to index
      %get3A_251 = arith.constant 80 : index
      %get3A_252 = tpu.vector_load %arg9[%get3A_250, %get3A_251] {strides = array<i32>} : memref<80x128xf32, #tpu.memory_space<vmem>>, vector<16xf32>,
      %get3A_253 = arith.index_cast %add3A_213 : i32 to index
      %get3A_254 = arith.constant 80 : index
      %get3A_255 = tpu.vector_load %arg10[%get3A_253, %get3A_254] {strides = array<i32>} : memref<80x128xf32, #tpu.memory_space<vmem>>, vector<16xf32>,
      %mul3A_256 = arith.mulf %get3A_252, %get3A_255 : vector<16xf32>
      %add3A_257 = arith.addf %mul3A_227, %mul3A_256 : vector<16xf32>
      %get3A_258 = arith.index_cast %add3A_213 : i32 to index
      %get3A_259 = arith.constant 96 : index
      %get3A_260 = tpu.vector_load %arg9[%get3A_258, %get3A_259] {strides = array<i32>} : memref<80x128xf32, #tpu.memory_space<vmem>>, vector<16xf32>,
      %get3A_261 = arith.index_cast %add3A_213 : i32 to index
      %get3A_262 = arith.constant 96 : index
      %get3A_263 = tpu.vector_load %arg10[%get3A_261, %get3A_262] {strides = array<i32>} : memref<80x128xf32, #tpu.memory_space<vmem>>, vector<16xf32>,
      %mul3A_264 = arith.mulf %get3A_260, %get3A_263 : vector<16xf32>
      %add3A_265 = arith.addf %mul3A_234, %mul3A_264 : vector<16xf32>
      %get3A_266 = arith.index_cast %add3A_213 : i32 to index
      %get3A_267 = arith.constant 112 : index
      %get3A_268 = tpu.vector_load %arg9[%get3A_266, %get3A_267] {strides = array<i32>} : memref<80x128xf32, #tpu.memory_space<vmem>>, vector<16xf32>,
      %get3A_269 = arith.index_cast %add3A_213 : i32 to index
      %get3A_270 = arith.constant 112 : index
      %get3A_271 = tpu.vector_load %arg10[%get3A_269, %get3A_270] {strides = array<i32>} : memref<80x128xf32, #tpu.memory_space<vmem>>, vector<16xf32>,
      %mul3A_272 = arith.mulf %get3A_268, %get3A_271 : vector<16xf32>
      %add3A_273 = arith.addf %mul3A_241, %mul3A_272 : vector<16xf32>
      %add3A_274 = arith.addf %add3A_249, %add3A_257 : vector<16xf32>
      %add3A_275 = arith.addf %add3A_265, %add3A_273 : vector<16xf32>
      %add3A_276 = arith.addf %add3A_274, %add3A_275 : vector<16xf32>
      %broadcast_in_dim3A_277 = vector.broadcast %add3A_213 : i32 to vector<16xi32>
      tpu.vector_store_idx %arg13[%broadcast_in_dim3A_277], %add3A_276 {add = true} : memref<80xf32, #tpu.memory_space<vmem>>[vector<16xi32>], vector<16xf32>,
      %mul3A_278 = arith.constant 16 : i32
      %mul3A_279 = arith.muli %scan3A_74, %mul3A_278 : i32
      %add3A_280 = arith.constant 3 : i32
      %add3A_281 = arith.addi %mul3A_279, %add3A_280 : i32
      %get3A_282 = arith.index_cast %add3A_281 : i32 to index
      %get3A_283 = arith.constant 0 : index
      %get3A_284 = tpu.vector_load %arg9[%get3A_282, %get3A_283] {strides = array<i32>} : memref<80x128xf32, #tpu.memory_space<vmem>>, vector<16xf32>,
      %get3A_285 = arith.index_cast %add3A_281 : i32 to index
      %get3A_286 = arith.constant 0 : index
      %get3A_287 = tpu.vector_load %arg10[%get3A_285, %get3A_286] {strides = array<i32>} : memref<80x128xf32, #tpu.memory_space<vmem>>, vector<16xf32>,
      %mul3A_288 = arith.mulf %get3A_284, %get3A_287 : vector<16xf32>
      %get3A_289 = arith.index_cast %add3A_281 : i32 to index
      %get3A_290 = arith.constant 16 : index
      %get3A_291 = tpu.vector_load %arg9[%get3A_289, %get3A_290] {strides = array<i32>} : memref<80x128xf32, #tpu.memory_space<vmem>>, vector<16xf32>,
      %get3A_292 = arith.index_cast %add3A_281 : i32 to index
      %get3A_293 = arith.constant 16 : index
      %get3A_294 = tpu.vector_load %arg10[%get3A_292, %get3A_293] {strides = array<i32>} : memref<80x128xf32, #tpu.memory_space<vmem>>, vector<16xf32>,
      %mul3A_295 = arith.mulf %get3A_291, %get3A_294 : vector<16xf32>
      %get3A_296 = arith.index_cast %add3A_281 : i32 to index
      %get3A_297 = arith.constant 32 : index
      %get3A_298 = tpu.vector_load %arg9[%get3A_296, %get3A_297] {strides = array<i32>} : memref<80x128xf32, #tpu.memory_space<vmem>>, vector<16xf32>,
      %get3A_299 = arith.index_cast %add3A_281 : i32 to index
      %get3A_300 = arith.constant 32 : index
      %get3A_301 = tpu.vector_load %arg10[%get3A_299, %get3A_300] {strides = array<i32>} : memref<80x128xf32, #tpu.memory_space<vmem>>, vector<16xf32>,
      %mul3A_302 = arith.mulf %get3A_298, %get3A_301 : vector<16xf32>
      %get3A_303 = arith.index_cast %add3A_281 : i32 to index
      %get3A_304 = arith.constant 48 : index
      %get3A_305 = tpu.vector_load %arg9[%get3A_303, %get3A_304] {strides = array<i32>} : memref<80x128xf32, #tpu.memory_space<vmem>>, vector<16xf32>,
      %get3A_306 = arith.index_cast %add3A_281 : i32 to index
      %get3A_307 = arith.constant 48 : index
      %get3A_308 = tpu.vector_load %arg10[%get3A_306, %get3A_307] {strides = array<i32>} : memref<80x128xf32, #tpu.memory_space<vmem>>, vector<16xf32>,
      %mul3A_309 = arith.mulf %get3A_305, %get3A_308 : vector<16xf32>
      %get3A_310 = arith.index_cast %add3A_281 : i32 to index
      %get3A_311 = arith.constant 64 : index
      %get3A_312 = tpu.vector_load %arg9[%get3A_310, %get3A_311] {strides = array<i32>} : memref<80x128xf32, #tpu.memory_space<vmem>>, vector<16xf32>,
      %get3A_313 = arith.index_cast %add3A_281 : i32 to index
      %get3A_314 = arith.constant 64 : index
      %get3A_315 = tpu.vector_load %arg10[%get3A_313, %get3A_314] {strides = array<i32>} : memref<80x128xf32, #tpu.memory_space<vmem>>, vector<16xf32>,
      %mul3A_316 = arith.mulf %get3A_312, %get3A_315 : vector<16xf32>
      %add3A_317 = arith.addf %mul3A_288, %mul3A_316 : vector<16xf32>
      %get3A_318 = arith.index_cast %add3A_281 : i32 to index
      %get3A_319 = arith.constant 80 : index
      %get3A_320 = tpu.vector_load %arg9[%get3A_318, %get3A_319] {strides = array<i32>} : memref<80x128xf32, #tpu.memory_space<vmem>>, vector<16xf32>,
      %get3A_321 = arith.index_cast %add3A_281 : i32 to index
      %get3A_322 = arith.constant 80 : index
      %get3A_323 = tpu.vector_load %arg10[%get3A_321, %get3A_322] {strides = array<i32>} : memref<80x128xf32, #tpu.memory_space<vmem>>, vector<16xf32>,
      %mul3A_324 = arith.mulf %get3A_320, %get3A_323 : vector<16xf32>
      %add3A_325 = arith.addf %mul3A_295, %mul3A_324 : vector<16xf32>
      %get3A_326 = arith.index_cast %add3A_281 : i32 to index
      %get3A_327 = arith.constant 96 : index
      %get3A_328 = tpu.vector_load %arg9[%get3A_326, %get3A_327] {strides = array<i32>} : memref<80x128xf32, #tpu.memory_space<vmem>>, vector<16xf32>,
      %get3A_329 = arith.index_cast %add3A_281 : i32 to index
      %get3A_330 = arith.constant 96 : index
      %get3A_331 = tpu.vector_load %arg10[%get3A_329, %get3A_330] {strides = array<i32>} : memref<80x128xf32, #tpu.memory_space<vmem>>, vector<16xf32>,
      %mul3A_332 = arith.mulf %get3A_328, %get3A_331 : vector<16xf32>
      %add3A_333 = arith.addf %mul3A_302, %mul3A_332 : vector<16xf32>
      %get3A_334 = arith.index_cast %add3A_281 : i32 to index
      %get3A_335 = arith.constant 112 : index
      %get3A_336 = tpu.vector_load %arg9[%get3A_334, %get3A_335] {strides = array<i32>} : memref<80x128xf32, #tpu.memory_space<vmem>>, vector<16xf32>,
      %get3A_337 = arith.index_cast %add3A_281 : i32 to index
      %get3A_338 = arith.constant 112 : index
      %get3A_339 = tpu.vector_load %arg10[%get3A_337, %get3A_338] {strides = array<i32>} : memref<80x128xf32, #tpu.memory_space<vmem>>, vector<16xf32>,
      %mul3A_340 = arith.mulf %get3A_336, %get3A_339 : vector<16xf32>
      %add3A_341 = arith.addf %mul3A_309, %mul3A_340 : vector<16xf32>
      %add3A_342 = arith.addf %add3A_317, %add3A_325 : vector<16xf32>
      %add3A_343 = arith.addf %add3A_333, %add3A_341 : vector<16xf32>
      %add3A_344 = arith.addf %add3A_342, %add3A_343 : vector<16xf32>
      %broadcast_in_dim3A_345 = vector.broadcast %add3A_281 : i32 to vector<16xi32>
      tpu.vector_store_idx %arg13[%broadcast_in_dim3A_345], %add3A_344 {add = true} : memref<80xf32, #tpu.memory_space<vmem>>[vector<16xi32>], vector<16xf32>,
      %mul3A_346 = arith.constant 16 : i32
      %mul3A_347 = arith.muli %scan3A_74, %mul3A_346 : i32
      %add3A_348 = arith.constant 4 : i32
      %add3A_349 = arith.addi %mul3A_347, %add3A_348 : i32
      %get3A_350 = arith.index_cast %add3A_349 : i32 to index
      %get3A_351 = arith.constant 0 : index
      %get3A_352 = tpu.vector_load %arg9[%get3A_350, %get3A_351] {strides = array<i32>} : memref<80x128xf32, #tpu.memory_space<vmem>>, vector<16xf32>,
      %get3A_353 = arith.index_cast %add3A_349 : i32 to index
      %get3A_354 = arith.constant 0 : index
      %get3A_355 = tpu.vector_load %arg10[%get3A_353, %get3A_354] {strides = array<i32>} : memref<80x128xf32, #tpu.memory_space<vmem>>, vector<16xf32>,
      %mul3A_356 = arith.mulf %get3A_352, %get3A_355 : vector<16xf32>
      %get3A_357 = arith.index_cast %add3A_349 : i32 to index
      %get3A_358 = arith.constant 16 : index
      %get3A_359 = tpu.vector_load %arg9[%get3A_357, %get3A_358] {strides = array<i32>} : memref<80x128xf32, #tpu.memory_space<vmem>>, vector<16xf32>,
      %get3A_360 = arith.index_cast %add3A_349 : i32 to index
      %get3A_361 = arith.constant 16 : index
      %get3A_362 = tpu.vector_load %arg10[%get3A_360, %get3A_361] {strides = array<i32>} : memref<80x128xf32, #tpu.memory_space<vmem>>, vector<16xf32>,
      %mul3A_363 = arith.mulf %get3A_359, %get3A_362 : vector<16xf32>
      %get3A_364 = arith.index_cast %add3A_349 : i32 to index
      %get3A_365 = arith.constant 32 : index
      %get3A_366 = tpu.vector_load %arg9[%get3A_364, %get3A_365] {strides = array<i32>} : memref<80x128xf32, #tpu.memory_space<vmem>>, vector<16xf32>,
      %get3A_367 = arith.index_cast %add3A_349 : i32 to index
      %get3A_368 = arith.constant 32 : index
      %get3A_369 = tpu.vector_load %arg10[%get3A_367, %get3A_368] {strides = array<i32>} : memref<80x128xf32, #tpu.memory_space<vmem>>, vector<16xf32>,
      %mul3A_370 = arith.mulf %get3A_366, %get3A_369 : vector<16xf32>
      %get3A_371 = arith.index_cast %add3A_349 : i32 to index
      %get3A_372 = arith.constant 48 : index
      %get3A_373 = tpu.vector_load %arg9[%get3A_371, %get3A_372] {strides = array<i32>} : memref<80x128xf32, #tpu.memory_space<vmem>>, vector<16xf32>,
      %get3A_374 = arith.index_cast %add3A_349 : i32 to index
      %get3A_375 = arith.constant 48 : index
      %get3A_376 = tpu.vector_load %arg10[%get3A_374, %get3A_375] {strides = array<i32>} : memref<80x128xf32, #tpu.memory_space<vmem>>, vector<16xf32>,
      %mul3A_377 = arith.mulf %get3A_373, %get3A_376 : vector<16xf32>
      %get3A_378 = arith.index_cast %add3A_349 : i32 to index
      %get3A_379 = arith.constant 64 : index
      %get3A_380 = tpu.vector_load %arg9[%get3A_378, %get3A_379] {strides = array<i32>} : memref<80x128xf32, #tpu.memory_space<vmem>>, vector<16xf32>,
      %get3A_381 = arith.index_cast %add3A_349 : i32 to index
      %get3A_382 = arith.constant 64 : index
      %get3A_383 = tpu.vector_load %arg10[%get3A_381, %get3A_382] {strides = array<i32>} : memref<80x128xf32, #tpu.memory_space<vmem>>, vector<16xf32>,
      %mul3A_384 = arith.mulf %get3A_380, %get3A_383 : vector<16xf32>
      %add3A_385 = arith.addf %mul3A_356, %mul3A_384 : vector<16xf32>
      %get3A_386 = arith.index_cast %add3A_349 : i32 to index
      %get3A_387 = arith.constant 80 : index
      %get3A_388 = tpu.vector_load %arg9[%get3A_386, %get3A_387] {strides = array<i32>} : memref<80x128xf32, #tpu.memory_space<vmem>>, vector<16xf32>,
      %get3A_389 = arith.index_cast %add3A_349 : i32 to index
      %get3A_390 = arith.constant 80 : index
      %get3A_391 = tpu.vector_load %arg10[%get3A_389, %get3A_390] {strides = array<i32>} : memref<80x128xf32, #tpu.memory_space<vmem>>, vector<16xf32>,
      %mul3A_392 = arith.mulf %get3A_388, %get3A_391 : vector<16xf32>
      %add3A_393 = arith.addf %mul3A_363, %mul3A_392 : vector<16xf32>
      %get3A_394 = arith.index_cast %add3A_349 : i32 to index
      %get3A_395 = arith.constant 96 : index
      %get3A_396 = tpu.vector_load %arg9[%get3A_394, %get3A_395] {strides = array<i32>} : memref<80x128xf32, #tpu.memory_space<vmem>>, vector<16xf32>,
      %get3A_397 = arith.index_cast %add3A_349 : i32 to index
      %get3A_398 = arith.constant 96 : index
      %get3A_399 = tpu.vector_load %arg10[%get3A_397, %get3A_398] {strides = array<i32>} : memref<80x128xf32, #tpu.memory_space<vmem>>, vector<16xf32>,
      %mul3A_400 = arith.mulf %get3A_396, %get3A_399 : vector<16xf32>
      %add3A_401 = arith.addf %mul3A_370, %mul3A_400 : vector<16xf32>
      %get3A_402 = arith.index_cast %add3A_349 : i32 to index
      %get3A_403 = arith.constant 112 : index
      %get3A_404 = tpu.vector_load %arg9[%get3A_402, %get3A_403] {strides = array<i32>} : memref<80x128xf32, #tpu.memory_space<vmem>>, vector<16xf32>,
      %get3A_405 = arith.index_cast %add3A_349 : i32 to index
      %get3A_406 = arith.constant 112 : index
      %get3A_407 = tpu.vector_load %arg10[%get3A_405, %get3A_406] {strides = array<i32>} : memref<80x128xf32, #tpu.memory_space<vmem>>, vector<16xf32>,
      %mul3A_408 = arith.mulf %get3A_404, %get3A_407 : vector<16xf32>
      %add3A_409 = arith.addf %mul3A_377, %mul3A_408 : vector<16xf32>
      %add3A_410 = arith.addf %add3A_385, %add3A_393 : vector<16xf32>
      %add3A_411 = arith.addf %add3A_401, %add3A_409 : vector<16xf32>
      %add3A_412 = arith.addf %add3A_410, %add3A_411 : vector<16xf32>
      %broadcast_in_dim3A_413 = vector.broadcast %add3A_349 : i32 to vector<16xi32>
      tpu.vector_store_idx %arg13[%broadcast_in_dim3A_413], %add3A_412 {add = true} : memref<80xf32, #tpu.memory_space<vmem>>[vector<16xi32>], vector<16xf32>,
      %mul3A_414 = arith.constant 16 : i32
      %mul3A_415 = arith.muli %scan3A_74, %mul3A_414 : i32
      %add3A_416 = arith.constant 5 : i32
      %add3A_417 = arith.addi %mul3A_415, %add3A_416 : i32
      %get3A_418 = arith.index_cast %add3A_417 : i32 to index
      %get3A_419 = arith.constant 0 : index
      %get3A_420 = tpu.vector_load %arg9[%get3A_418, %get3A_419] {strides = array<i32>} : memref<80x128xf32, #tpu.memory_space<vmem>>, vector<16xf32>,
      %get3A_421 = arith.index_cast %add3A_417 : i32 to index
      %get3A_422 = arith.constant 0 : index
      %get3A_423 = tpu.vector_load %arg10[%get3A_421, %get3A_422] {strides = array<i32>} : memref<80x128xf32, #tpu.memory_space<vmem>>, vector<16xf32>,
      %mul3A_424 = arith.mulf %get3A_420, %get3A_423 : vector<16xf32>
      %get3A_425 = arith.index_cast %add3A_417 : i32 to index
      %get3A_426 = arith.constant 16 : index
      %get3A_427 = tpu.vector_load %arg9[%get3A_425, %get3A_426] {strides = array<i32>} : memref<80x128xf32, #tpu.memory_space<vmem>>, vector<16xf32>,
      %get3A_428 = arith.index_cast %add3A_417 : i32 to index
      %get3A_429 = arith.constant 16 : index
      %get3A_430 = tpu.vector_load %arg10[%get3A_428, %get3A_429] {strides = array<i32>} : memref<80x128xf32, #tpu.memory_space<vmem>>, vector<16xf32>,
      %mul3A_431 = arith.mulf %get3A_427, %get3A_430 : vector<16xf32>
      %get3A_432 = arith.index_cast %add3A_417 : i32 to index
      %get3A_433 = arith.constant 32 : index
      %get3A_434 = tpu.vector_load %arg9[%get3A_432, %get3A_433] {strides = array<i32>} : memref<80x128xf32, #tpu.memory_space<vmem>>, vector<16xf32>,
      %get3A_435 = arith.index_cast %add3A_417 : i32 to index
      %get3A_436 = arith.constant 32 : index
      %get3A_437 = tpu.vector_load %arg10[%get3A_435, %get3A_436] {strides = array<i32>} : memref<80x128xf32, #tpu.memory_space<vmem>>, vector<16xf32>,
      %mul3A_438 = arith.mulf %get3A_434, %get3A_437 : vector<16xf32>
      %get3A_439 = arith.index_cast %add3A_417 : i32 to index
      %get3A_440 = arith.constant 48 : index
      %get3A_441 = tpu.vector_load %arg9[%get3A_439, %get3A_440] {strides = array<i32>} : memref<80x128xf32, #tpu.memory_space<vmem>>, vector<16xf32>,
      %get3A_442 = arith.index_cast %add3A_417 : i32 to index
      %get3A_443 = arith.constant 48 : index
      %get3A_444 = tpu.vector_load %arg10[%get3A_442, %get3A_443] {strides = array<i32>} : memref<80x128xf32, #tpu.memory_space<vmem>>, vector<16xf32>,
      %mul3A_445 = arith.mulf %get3A_441, %get3A_444 : vector<16xf32>
      %get3A_446 = arith.index_cast %add3A_417 : i32 to index
      %get3A_447 = arith.constant 64 : index
      %get3A_448 = tpu.vector_load %arg9[%get3A_446, %get3A_447] {strides = array<i32>} : memref<80x128xf32, #tpu.memory_space<vmem>>, vector<16xf32>,
      %get3A_449 = arith.index_cast %add3A_417 : i32 to index
      %get3A_450 = arith.constant 64 : index
      %get3A_451 = tpu.vector_load %arg10[%get3A_449, %get3A_450] {strides = array<i32>} : memref<80x128xf32, #tpu.memory_space<vmem>>, vector<16xf32>,
      %mul3A_452 = arith.mulf %get3A_448, %get3A_451 : vector<16xf32>
      %add3A_453 = arith.addf %mul3A_424, %mul3A_452 : vector<16xf32>
      %get3A_454 = arith.index_cast %add3A_417 : i32 to index
      %get3A_455 = arith.constant 80 : index
      %get3A_456 = tpu.vector_load %arg9[%get3A_454, %get3A_455] {strides = array<i32>} : memref<80x128xf32, #tpu.memory_space<vmem>>, vector<16xf32>,
      %get3A_457 = arith.index_cast %add3A_417 : i32 to index
      %get3A_458 = arith.constant 80 : index
      %get3A_459 = tpu.vector_load %arg10[%get3A_457, %get3A_458] {strides = array<i32>} : memref<80x128xf32, #tpu.memory_space<vmem>>, vector<16xf32>,
      %mul3A_460 = arith.mulf %get3A_456, %get3A_459 : vector<16xf32>
      %add3A_461 = arith.addf %mul3A_431, %mul3A_460 : vector<16xf32>
      %get3A_462 = arith.index_cast %add3A_417 : i32 to index
      %get3A_463 = arith.constant 96 : index
      %get3A_464 = tpu.vector_load %arg9[%get3A_462, %get3A_463] {strides = array<i32>} : memref<80x128xf32, #tpu.memory_space<vmem>>, vector<16xf32>,
      %get3A_465 = arith.index_cast %add3A_417 : i32 to index
      %get3A_466 = arith.constant 96 : index
      %get3A_467 = tpu.vector_load %arg10[%get3A_465, %get3A_466] {strides = array<i32>} : memref<80x128xf32, #tpu.memory_space<vmem>>, vector<16xf32>,
      %mul3A_468 = arith.mulf %get3A_464, %get3A_467 : vector<16xf32>
      %add3A_469 = arith.addf %mul3A_438, %mul3A_468 : vector<16xf32>
      %get3A_470 = arith.index_cast %add3A_417 : i32 to index
      %get3A_471 = arith.constant 112 : index
      %get3A_472 = tpu.vector_load %arg9[%get3A_470, %get3A_471] {strides = array<i32>} : memref<80x128xf32, #tpu.memory_space<vmem>>, vector<16xf32>,
      %get3A_473 = arith.index_cast %add3A_417 : i32 to index
      %get3A_474 = arith.constant 112 : index
      %get3A_475 = tpu.vector_load %arg10[%get3A_473, %get3A_474] {strides = array<i32>} : memref<80x128xf32, #tpu.memory_space<vmem>>, vector<16xf32>,
      %mul3A_476 = arith.mulf %get3A_472, %get3A_475 : vector<16xf32>
      %add3A_477 = arith.addf %mul3A_445, %mul3A_476 : vector<16xf32>
      %add3A_478 = arith.addf %add3A_453, %add3A_461 : vector<16xf32>
      %add3A_479 = arith.addf %add3A_469, %add3A_477 : vector<16xf32>
      %add3A_480 = arith.addf %add3A_478, %add3A_479 : vector<16xf32>
      %broadcast_in_dim3A_481 = vector.broadcast %add3A_417 : i32 to vector<16xi32>
      tpu.vector_store_idx %arg13[%broadcast_in_dim3A_481], %add3A_480 {add = true} : memref<80xf32, #tpu.memory_space<vmem>>[vector<16xi32>], vector<16xf32>,
      %mul3A_482 = arith.constant 16 : i32
      %mul3A_483 = arith.muli %scan3A_74, %mul3A_482 : i32
      %add3A_484 = arith.constant 6 : i32
      %add3A_485 = arith.addi %mul3A_483, %add3A_484 : i32
      %get3A_486 = arith.index_cast %add3A_485 : i32 to index
      %get3A_487 = arith.constant 0 : index
      %get3A_488 = tpu.vector_load %arg9[%get3A_486, %get3A_487] {strides = array<i32>} : memref<80x128xf32, #tpu.memory_space<vmem>>, vector<16xf32>,
      %get3A_489 = arith.index_cast %add3A_485 : i32 to index
      %get3A_490 = arith.constant 0 : index
      %get3A_491 = tpu.vector_load %arg10[%get3A_489, %get3A_490] {strides = array<i32>} : memref<80x128xf32, #tpu.memory_space<vmem>>, vector<16xf32>,
      %mul3A_492 = arith.mulf %get3A_488, %get3A_491 : vector<16xf32>
      %get3A_493 = arith.index_cast %add3A_485 : i32 to index
      %get3A_494 = arith.constant 16 : index
      %get3A_495 = tpu.vector_load %arg9[%get3A_493, %get3A_494] {strides = array<i32>} : memref<80x128xf32, #tpu.memory_space<vmem>>, vector<16xf32>,
      %get3A_496 = arith.index_cast %add3A_485 : i32 to index
      %get3A_497 = arith.constant 16 : index
      %get3A_498 = tpu.vector_load %arg10[%get3A_496, %get3A_497] {strides = array<i32>} : memref<80x128xf32, #tpu.memory_space<vmem>>, vector<16xf32>,
      %mul3A_499 = arith.mulf %get3A_495, %get3A_498 : vector<16xf32>
      %get3A_500 = arith.index_cast %add3A_485 : i32 to index
      %get3A_501 = arith.constant 32 : index
      %get3A_502 = tpu.vector_load %arg9[%get3A_500, %get3A_501] {strides = array<i32>} : memref<80x128xf32, #tpu.memory_space<vmem>>, vector<16xf32>,
      %get3A_503 = arith.index_cast %add3A_485 : i32 to index
      %get3A_504 = arith.constant 32 : index
      %get3A_505 = tpu.vector_load %arg10[%get3A_503, %get3A_504] {strides = array<i32>} : memref<80x128xf32, #tpu.memory_space<vmem>>, vector<16xf32>,
      %mul3A_506 = arith.mulf %get3A_502, %get3A_505 : vector<16xf32>
      %get3A_507 = arith.index_cast %add3A_485 : i32 to index
      %get3A_508 = arith.constant 48 : index
      %get3A_509 = tpu.vector_load %arg9[%get3A_507, %get3A_508] {strides = array<i32>} : memref<80x128xf32, #tpu.memory_space<vmem>>, vector<16xf32>,
      %get3A_510 = arith.index_cast %add3A_485 : i32 to index
      %get3A_511 = arith.constant 48 : index
      %get3A_512 = tpu.vector_load %arg10[%get3A_510, %get3A_511] {strides = array<i32>} : memref<80x128xf32, #tpu.memory_space<vmem>>, vector<16xf32>,
      %mul3A_513 = arith.mulf %get3A_509, %get3A_512 : vector<16xf32>
      %get3A_514 = arith.index_cast %add3A_485 : i32 to index
      %get3A_515 = arith.constant 64 : index
      %get3A_516 = tpu.vector_load %arg9[%get3A_514, %get3A_515] {strides = array<i32>} : memref<80x128xf32, #tpu.memory_space<vmem>>, vector<16xf32>,
      %get3A_517 = arith.index_cast %add3A_485 : i32 to index
      %get3A_518 = arith.constant 64 : index
      %get3A_519 = tpu.vector_load %arg10[%get3A_517, %get3A_518] {strides = array<i32>} : memref<80x128xf32, #tpu.memory_space<vmem>>, vector<16xf32>,
      %mul3A_520 = arith.mulf %get3A_516, %get3A_519 : vector<16xf32>
      %add3A_521 = arith.addf %mul3A_492, %mul3A_520 : vector<16xf32>
      %get3A_522 = arith.index_cast %add3A_485 : i32 to index
      %get3A_523 = arith.constant 80 : index
      %get3A_524 = tpu.vector_load %arg9[%get3A_522, %get3A_523] {strides = array<i32>} : memref<80x128xf32, #tpu.memory_space<vmem>>, vector<16xf32>,
      %get3A_525 = arith.index_cast %add3A_485 : i32 to index
      %get3A_526 = arith.constant 80 : index
      %get3A_527 = tpu.vector_load %arg10[%get3A_525, %get3A_526] {strides = array<i32>} : memref<80x128xf32, #tpu.memory_space<vmem>>, vector<16xf32>,
      %mul3A_528 = arith.mulf %get3A_524, %get3A_527 : vector<16xf32>
      %add3A_529 = arith.addf %mul3A_499, %mul3A_528 : vector<16xf32>
      %get3A_530 = arith.index_cast %add3A_485 : i32 to index
      %get3A_531 = arith.constant 96 : index
      %get3A_532 = tpu.vector_load %arg9[%get3A_530, %get3A_531] {strides = array<i32>} : memref<80x128xf32, #tpu.memory_space<vmem>>, vector<16xf32>,
      %get3A_533 = arith.index_cast %add3A_485 : i32 to index
      %get3A_534 = arith.constant 96 : index
      %get3A_535 = tpu.vector_load %arg10[%get3A_533, %get3A_534] {strides = array<i32>} : memref<80x128xf32, #tpu.memory_space<vmem>>, vector<16xf32>,
      %mul3A_536 = arith.mulf %get3A_532, %get3A_535 : vector<16xf32>
      %add3A_537 = arith.addf %mul3A_506, %mul3A_536 : vector<16xf32>
      %get3A_538 = arith.index_cast %add3A_485 : i32 to index
      %get3A_539 = arith.constant 112 : index
      %get3A_540 = tpu.vector_load %arg9[%get3A_538, %get3A_539] {strides = array<i32>} : memref<80x128xf32, #tpu.memory_space<vmem>>, vector<16xf32>,
      %get3A_541 = arith.index_cast %add3A_485 : i32 to index
      %get3A_542 = arith.constant 112 : index
      %get3A_543 = tpu.vector_load %arg10[%get3A_541, %get3A_542] {strides = array<i32>} : memref<80x128xf32, #tpu.memory_space<vmem>>, vector<16xf32>,
      %mul3A_544 = arith.mulf %get3A_540, %get3A_543 : vector<16xf32>
      %add3A_545 = arith.addf %mul3A_513, %mul3A_544 : vector<16xf32>
      %add3A_546 = arith.addf %add3A_521, %add3A_529 : vector<16xf32>
      %add3A_547 = arith.addf %add3A_537, %add3A_545 : vector<16xf32>
      %add3A_548 = arith.addf %add3A_546, %add3A_547 : vector<16xf32>
      %broadcast_in_dim3A_549 = vector.broadcast %add3A_485 : i32 to vector<16xi32>
      tpu.vector_store_idx %arg13[%broadcast_in_dim3A_549], %add3A_548 {add = true} : memref<80xf32, #tpu.memory_space<vmem>>[vector<16xi32>], vector<16xf32>,
      %mul3A_550 = arith.constant 16 : i32
      %mul3A_551 = arith.muli %scan3A_74, %mul3A_550 : i32
      %add3A_552 = arith.constant 7 : i32
      %add3A_553 = arith.addi %mul3A_551, %add3A_552 : i32
      %get3A_554 = arith.index_cast %add3A_553 : i32 to index
      %get3A_555 = arith.constant 0 : index
      %get3A_556 = tpu.vector_load %arg9[%get3A_554, %get3A_555] {strides = array<i32>} : memref<80x128xf32, #tpu.memory_space<vmem>>, vector<16xf32>,
      %get3A_557 = arith.index_cast %add3A_553 : i32 to index
      %get3A_558 = arith.constant 0 : index
      %get3A_559 = tpu.vector_load %arg10[%get3A_557, %get3A_558] {strides = array<i32>} : memref<80x128xf32, #tpu.memory_space<vmem>>, vector<16xf32>,
      %mul3A_560 = arith.mulf %get3A_556, %get3A_559 : vector<16xf32>
      %get3A_561 = arith.index_cast %add3A_553 : i32 to index
      %get3A_562 = arith.constant 16 : index
      %get3A_563 = tpu.vector_load %arg9[%get3A_561, %get3A_562] {strides = array<i32>} : memref<80x128xf32, #tpu.memory_space<vmem>>, vector<16xf32>,
      %get3A_564 = arith.index_cast %add3A_553 : i32 to index
      %get3A_565 = arith.constant 16 : index
      %get3A_566 = tpu.vector_load %arg10[%get3A_564, %get3A_565] {strides = array<i32>} : memref<80x128xf32, #tpu.memory_space<vmem>>, vector<16xf32>,
      %mul3A_567 = arith.mulf %get3A_563, %get3A_566 : vector<16xf32>
      %get3A_568 = arith.index_cast %add3A_553 : i32 to index
      %get3A_569 = arith.constant 32 : index
      %get3A_570 = tpu.vector_load %arg9[%get3A_568, %get3A_569] {strides = array<i32>} : memref<80x128xf32, #tpu.memory_space<vmem>>, vector<16xf32>,
      %get3A_571 = arith.index_cast %add3A_553 : i32 to index
      %get3A_572 = arith.constant 32 : index
      %get3A_573 = tpu.vector_load %arg10[%get3A_571, %get3A_572] {strides = array<i32>} : memref<80x128xf32, #tpu.memory_space<vmem>>, vector<16xf32>,
      %mul3A_574 = arith.mulf %get3A_570, %get3A_573 : vector<16xf32>
      %get3A_575 = arith.index_cast %add3A_553 : i32 to index
      %get3A_576 = arith.constant 48 : index
      %get3A_577 = tpu.vector_load %arg9[%get3A_575, %get3A_576] {strides = array<i32>} : memref<80x128xf32, #tpu.memory_space<vmem>>, vector<16xf32>,
      %get3A_578 = arith.index_cast %add3A_553 : i32 to index
      %get3A_579 = arith.constant 48 : index
      %get3A_580 = tpu.vector_load %arg10[%get3A_578, %get3A_579] {strides = array<i32>} : memref<80x128xf32, #tpu.memory_space<vmem>>, vector<16xf32>,
      %mul3A_581 = arith.mulf %get3A_577, %get3A_580 : vector<16xf32>
      %get3A_582 = arith.index_cast %add3A_553 : i32 to index
      %get3A_583 = arith.constant 64 : index
      %get3A_584 = tpu.vector_load %arg9[%get3A_582, %get3A_583] {strides = array<i32>} : memref<80x128xf32, #tpu.memory_space<vmem>>, vector<16xf32>,
      %get3A_585 = arith.index_cast %add3A_553 : i32 to index
      %get3A_586 = arith.constant 64 : index
      %get3A_587 = tpu.vector_load %arg10[%get3A_585, %get3A_586] {strides = array<i32>} : memref<80x128xf32, #tpu.memory_space<vmem>>, vector<16xf32>,
      %mul3A_588 = arith.mulf %get3A_584, %get3A_587 : vector<16xf32>
      %add3A_589 = arith.addf %mul3A_560, %mul3A_588 : vector<16xf32>
      %get3A_590 = arith.index_cast %add3A_553 : i32 to index
      %get3A_591 = arith.constant 80 : index
      %get3A_592 = tpu.vector_load %arg9[%get3A_590, %get3A_591] {strides = array<i32>} : memref<80x128xf32, #tpu.memory_space<vmem>>, vector<16xf32>,
      %get3A_593 = arith.index_cast %add3A_553 : i32 to index
      %get3A_594 = arith.constant 80 : index
      %get3A_595 = tpu.vector_load %arg10[%get3A_593, %get3A_594] {strides = array<i32>} : memref<80x128xf32, #tpu.memory_space<vmem>>, vector<16xf32>,
      %mul3A_596 = arith.mulf %get3A_592, %get3A_595 : vector<16xf32>
      %add3A_597 = arith.addf %mul3A_567, %mul3A_596 : vector<16xf32>
      %get3A_598 = arith.index_cast %add3A_553 : i32 to index
      %get3A_599 = arith.constant 96 : index
      %get3A_600 = tpu.vector_load %arg9[%get3A_598, %get3A_599] {strides = array<i32>} : memref<80x128xf32, #tpu.memory_space<vmem>>, vector<16xf32>,
      %get3A_601 = arith.index_cast %add3A_553 : i32 to index
      %get3A_602 = arith.constant 96 : index
      %get3A_603 = tpu.vector_load %arg10[%get3A_601, %get3A_602] {strides = array<i32>} : memref<80x128xf32, #tpu.memory_space<vmem>>, vector<16xf32>,
      %mul3A_604 = arith.mulf %get3A_600, %get3A_603 : vector<16xf32>
      %add3A_605 = arith.addf %mul3A_574, %mul3A_604 : vector<16xf32>
      %get3A_606 = arith.index_cast %add3A_553 : i32 to index
      %get3A_607 = arith.constant 112 : index
      %get3A_608 = tpu.vector_load %arg9[%get3A_606, %get3A_607] {strides = array<i32>} : memref<80x128xf32, #tpu.memory_space<vmem>>, vector<16xf32>,
      %get3A_609 = arith.index_cast %add3A_553 : i32 to index
      %get3A_610 = arith.constant 112 : index
      %get3A_611 = tpu.vector_load %arg10[%get3A_609, %get3A_610] {strides = array<i32>} : memref<80x128xf32, #tpu.memory_space<vmem>>, vector<16xf32>,
      %mul3A_612 = arith.mulf %get3A_608, %get3A_611 : vector<16xf32>
      %add3A_613 = arith.addf %mul3A_581, %mul3A_612 : vector<16xf32>
      %add3A_614 = arith.addf %add3A_589, %add3A_597 : vector<16xf32>
      %add3A_615 = arith.addf %add3A_605, %add3A_613 : vector<16xf32>
      %add3A_616 = arith.addf %add3A_614, %add3A_615 : vector<16xf32>
      %broadcast_in_dim3A_617 = vector.broadcast %add3A_553 : i32 to vector<16xi32>
      tpu.vector_store_idx %arg13[%broadcast_in_dim3A_617], %add3A_616 {add = true} : memref<80xf32, #tpu.memory_space<vmem>>[vector<16xi32>], vector<16xf32>,
      %mul3A_618 = arith.constant 16 : i32
      %mul3A_619 = arith.muli %scan3A_74, %mul3A_618 : i32
      %add3A_620 = arith.constant 8 : i32
      %add3A_621 = arith.addi %mul3A_619, %add3A_620 : i32
      %get3A_622 = arith.index_cast %add3A_621 : i32 to index
      %get3A_623 = arith.constant 0 : index
      %get3A_624 = tpu.vector_load %arg9[%get3A_622, %get3A_623] {strides = array<i32>} : memref<80x128xf32, #tpu.memory_space<vmem>>, vector<16xf32>,
      %get3A_625 = arith.index_cast %add3A_621 : i32 to index
      %get3A_626 = arith.constant 0 : index
      %get3A_627 = tpu.vector_load %arg10[%get3A_625, %get3A_626] {strides = array<i32>} : memref<80x128xf32, #tpu.memory_space<vmem>>, vector<16xf32>,
      %mul3A_628 = arith.mulf %get3A_624, %get3A_627 : vector<16xf32>
      %get3A_629 = arith.index_cast %add3A_621 : i32 to index
      %get3A_630 = arith.constant 16 : index
      %get3A_631 = tpu.vector_load %arg9[%get3A_629, %get3A_630] {strides = array<i32>} : memref<80x128xf32, #tpu.memory_space<vmem>>, vector<16xf32>,
      %get3A_632 = arith.index_cast %add3A_621 : i32 to index
      %get3A_633 = arith.constant 16 : index
      %get3A_634 = tpu.vector_load %arg10[%get3A_632, %get3A_633] {strides = array<i32>} : memref<80x128xf32, #tpu.memory_space<vmem>>, vector<16xf32>,
      %mul3A_635 = arith.mulf %get3A_631, %get3A_634 : vector<16xf32>
      %get3A_636 = arith.index_cast %add3A_621 : i32 to index
      %get3A_637 = arith.constant 32 : index
      %get3A_638 = tpu.vector_load %arg9[%get3A_636, %get3A_637] {strides = array<i32>} : memref<80x128xf32, #tpu.memory_space<vmem>>, vector<16xf32>,
      %get3A_639 = arith.index_cast %add3A_621 : i32 to index
      %get3A_640 = arith.constant 32 : index
      %get3A_641 = tpu.vector_load %arg10[%get3A_639, %get3A_640] {strides = array<i32>} : memref<80x128xf32, #tpu.memory_space<vmem>>, vector<16xf32>,
      %mul3A_642 = arith.mulf %get3A_638, %get3A_641 : vector<16xf32>
      %get3A_643 = arith.index_cast %add3A_621 : i32 to index
      %get3A_644 = arith.constant 48 : index
      %get3A_645 = tpu.vector_load %arg9[%get3A_643, %get3A_644] {strides = array<i32>} : memref<80x128xf32, #tpu.memory_space<vmem>>, vector<16xf32>,
      %get3A_646 = arith.index_cast %add3A_621 : i32 to index
      %get3A_647 = arith.constant 48 : index
      %get3A_648 = tpu.vector_load %arg10[%get3A_646, %get3A_647] {strides = array<i32>} : memref<80x128xf32, #tpu.memory_space<vmem>>, vector<16xf32>,
      %mul3A_649 = arith.mulf %get3A_645, %get3A_648 : vector<16xf32>
      %get3A_650 = arith.index_cast %add3A_621 : i32 to index
      %get3A_651 = arith.constant 64 : index
      %get3A_652 = tpu.vector_load %arg9[%get3A_650, %get3A_651] {strides = array<i32>} : memref<80x128xf32, #tpu.memory_space<vmem>>, vector<16xf32>,
      %get3A_653 = arith.index_cast %add3A_621 : i32 to index
      %get3A_654 = arith.constant 64 : index
      %get3A_655 = tpu.vector_load %arg10[%get3A_653, %get3A_654] {strides = array<i32>} : memref<80x128xf32, #tpu.memory_space<vmem>>, vector<16xf32>,
      %mul3A_656 = arith.mulf %get3A_652, %get3A_655 : vector<16xf32>
      %add3A_657 = arith.addf %mul3A_628, %mul3A_656 : vector<16xf32>
      %get3A_658 = arith.index_cast %add3A_621 : i32 to index
      %get3A_659 = arith.constant 80 : index
      %get3A_660 = tpu.vector_load %arg9[%get3A_658, %get3A_659] {strides = array<i32>} : memref<80x128xf32, #tpu.memory_space<vmem>>, vector<16xf32>,
      %get3A_661 = arith.index_cast %add3A_621 : i32 to index
      %get3A_662 = arith.constant 80 : index
      %get3A_663 = tpu.vector_load %arg10[%get3A_661, %get3A_662] {strides = array<i32>} : memref<80x128xf32, #tpu.memory_space<vmem>>, vector<16xf32>,
      %mul3A_664 = arith.mulf %get3A_660, %get3A_663 : vector<16xf32>
      %add3A_665 = arith.addf %mul3A_635, %mul3A_664 : vector<16xf32>
      %get3A_666 = arith.index_cast %add3A_621 : i32 to index
      %get3A_667 = arith.constant 96 : index
      %get3A_668 = tpu.vector_load %arg9[%get3A_666, %get3A_667] {strides = array<i32>} : memref<80x128xf32, #tpu.memory_space<vmem>>, vector<16xf32>,
      %get3A_669 = arith.index_cast %add3A_621 : i32 to index
      %get3A_670 = arith.constant 96 : index
      %get3A_671 = tpu.vector_load %arg10[%get3A_669, %get3A_670] {strides = array<i32>} : memref<80x128xf32, #tpu.memory_space<vmem>>, vector<16xf32>,
      %mul3A_672 = arith.mulf %get3A_668, %get3A_671 : vector<16xf32>
      %add3A_673 = arith.addf %mul3A_642, %mul3A_672 : vector<16xf32>
      %get3A_674 = arith.index_cast %add3A_621 : i32 to index
      %get3A_675 = arith.constant 112 : index
      %get3A_676 = tpu.vector_load %arg9[%get3A_674, %get3A_675] {strides = array<i32>} : memref<80x128xf32, #tpu.memory_space<vmem>>, vector<16xf32>,
      %get3A_677 = arith.index_cast %add3A_621 : i32 to index
      %get3A_678 = arith.constant 112 : index
      %get3A_679 = tpu.vector_load %arg10[%get3A_677, %get3A_678] {strides = array<i32>} : memref<80x128xf32, #tpu.memory_space<vmem>>, vector<16xf32>,
      %mul3A_680 = arith.mulf %get3A_676, %get3A_679 : vector<16xf32>
      %add3A_681 = arith.addf %mul3A_649, %mul3A_680 : vector<16xf32>
      %add3A_682 = arith.addf %add3A_657, %add3A_665 : vector<16xf32>
      %add3A_683 = arith.addf %add3A_673, %add3A_681 : vector<16xf32>
      %add3A_684 = arith.addf %add3A_682, %add3A_683 : vector<16xf32>
      %broadcast_in_dim3A_685 = vector.broadcast %add3A_621 : i32 to vector<16xi32>
      tpu.vector_store_idx %arg13[%broadcast_in_dim3A_685], %add3A_684 {add = true} : memref<80xf32, #tpu.memory_space<vmem>>[vector<16xi32>], vector<16xf32>,
      %mul3A_686 = arith.constant 16 : i32
      %mul3A_687 = arith.muli %scan3A_74, %mul3A_686 : i32
      %add3A_688 = arith.constant 9 : i32
      %add3A_689 = arith.addi %mul3A_687, %add3A_688 : i32
      %get3A_690 = arith.index_cast %add3A_689 : i32 to index
      %get3A_691 = arith.constant 0 : index
      %get3A_692 = tpu.vector_load %arg9[%get3A_690, %get3A_691] {strides = array<i32>} : memref<80x128xf32, #tpu.memory_space<vmem>>, vector<16xf32>,
      %get3A_693 = arith.index_cast %add3A_689 : i32 to index
      %get3A_694 = arith.constant 0 : index
      %get3A_695 = tpu.vector_load %arg10[%get3A_693, %get3A_694] {strides = array<i32>} : memref<80x128xf32, #tpu.memory_space<vmem>>, vector<16xf32>,
      %mul3A_696 = arith.mulf %get3A_692, %get3A_695 : vector<16xf32>
      %get3A_697 = arith.index_cast %add3A_689 : i32 to index
      %get3A_698 = arith.constant 16 : index
      %get3A_699 = tpu.vector_load %arg9[%get3A_697, %get3A_698] {strides = array<i32>} : memref<80x128xf32, #tpu.memory_space<vmem>>, vector<16xf32>,
      %get3A_700 = arith.index_cast %add3A_689 : i32 to index
      %get3A_701 = arith.constant 16 : index
      %get3A_702 = tpu.vector_load %arg10[%get3A_700, %get3A_701] {strides = array<i32>} : memref<80x128xf32, #tpu.memory_space<vmem>>, vector<16xf32>,
      %mul3A_703 = arith.mulf %get3A_699, %get3A_702 : vector<16xf32>
      %get3A_704 = arith.index_cast %add3A_689 : i32 to index
      %get3A_705 = arith.constant 32 : index
      %get3A_706 = tpu.vector_load %arg9[%get3A_704, %get3A_705] {strides = array<i32>} : memref<80x128xf32, #tpu.memory_space<vmem>>, vector<16xf32>,
      %get3A_707 = arith.index_cast %add3A_689 : i32 to index
      %get3A_708 = arith.constant 32 : index
      %get3A_709 = tpu.vector_load %arg10[%get3A_707, %get3A_708] {strides = array<i32>} : memref<80x128xf32, #tpu.memory_space<vmem>>, vector<16xf32>,
      %mul3A_710 = arith.mulf %get3A_706, %get3A_709 : vector<16xf32>
      %get3A_711 = arith.index_cast %add3A_689 : i32 to index
      %get3A_712 = arith.constant 48 : index
      %get3A_713 = tpu.vector_load %arg9[%get3A_711, %get3A_712] {strides = array<i32>} : memref<80x128xf32, #tpu.memory_space<vmem>>, vector<16xf32>,
      %get3A_714 = arith.index_cast %add3A_689 : i32 to index
      %get3A_715 = arith.constant 48 : index
      %get3A_716 = tpu.vector_load %arg10[%get3A_714, %get3A_715] {strides = array<i32>} : memref<80x128xf32, #tpu.memory_space<vmem>>, vector<16xf32>,
      %mul3A_717 = arith.mulf %get3A_713, %get3A_716 : vector<16xf32>
      %get3A_718 = arith.index_cast %add3A_689 : i32 to index
      %get3A_719 = arith.constant 64 : index
      %get3A_720 = tpu.vector_load %arg9[%get3A_718, %get3A_719] {strides = array<i32>} : memref<80x128xf32, #tpu.memory_space<vmem>>, vector<16xf32>,
      %get3A_721 = arith.index_cast %add3A_689 : i32 to index
      %get3A_722 = arith.constant 64 : index
      %get3A_723 = tpu.vector_load %arg10[%get3A_721, %get3A_722] {strides = array<i32>} : memref<80x128xf32, #tpu.memory_space<vmem>>, vector<16xf32>,
      %mul3A_724 = arith.mulf %get3A_720, %get3A_723 : vector<16xf32>
      %add3A_725 = arith.addf %mul3A_696, %mul3A_724 : vector<16xf32>
      %get3A_726 = arith.index_cast %add3A_689 : i32 to index
      %get3A_727 = arith.constant 80 : index
      %get3A_728 = tpu.vector_load %arg9[%get3A_726, %get3A_727] {strides = array<i32>} : memref<80x128xf32, #tpu.memory_space<vmem>>, vector<16xf32>,
      %get3A_729 = arith.index_cast %add3A_689 : i32 to index
      %get3A_730 = arith.constant 80 : index
      %get3A_731 = tpu.vector_load %arg10[%get3A_729, %get3A_730] {strides = array<i32>} : memref<80x128xf32, #tpu.memory_space<vmem>>, vector<16xf32>,
      %mul3A_732 = arith.mulf %get3A_728, %get3A_731 : vector<16xf32>
      %add3A_733 = arith.addf %mul3A_703, %mul3A_732 : vector<16xf32>
      %get3A_734 = arith.index_cast %add3A_689 : i32 to index
      %get3A_735 = arith.constant 96 : index
      %get3A_736 = tpu.vector_load %arg9[%get3A_734, %get3A_735] {strides = array<i32>} : memref<80x128xf32, #tpu.memory_space<vmem>>, vector<16xf32>,
      %get3A_737 = arith.index_cast %add3A_689 : i32 to index
      %get3A_738 = arith.constant 96 : index
      %get3A_739 = tpu.vector_load %arg10[%get3A_737, %get3A_738] {strides = array<i32>} : memref<80x128xf32, #tpu.memory_space<vmem>>, vector<16xf32>,
      %mul3A_740 = arith.mulf %get3A_736, %get3A_739 : vector<16xf32>
      %add3A_741 = arith.addf %mul3A_710, %mul3A_740 : vector<16xf32>
      %get3A_742 = arith.index_cast %add3A_689 : i32 to index
      %get3A_743 = arith.constant 112 : index
      %get3A_744 = tpu.vector_load %arg9[%get3A_742, %get3A_743] {strides = array<i32>} : memref<80x128xf32, #tpu.memory_space<vmem>>, vector<16xf32>,
      %get3A_745 = arith.index_cast %add3A_689 : i32 to index
      %get3A_746 = arith.constant 112 : index
      %get3A_747 = tpu.vector_load %arg10[%get3A_745, %get3A_746] {strides = array<i32>} : memref<80x128xf32, #tpu.memory_space<vmem>>, vector<16xf32>,
      %mul3A_748 = arith.mulf %get3A_744, %get3A_747 : vector<16xf32>
      %add3A_749 = arith.addf %mul3A_717, %mul3A_748 : vector<16xf32>
      %add3A_750 = arith.addf %add3A_725, %add3A_733 : vector<16xf32>
      %add3A_751 = arith.addf %add3A_741, %add3A_749 : vector<16xf32>
      %add3A_752 = arith.addf %add3A_750, %add3A_751 : vector<16xf32>
      %broadcast_in_dim3A_753 = vector.broadcast %add3A_689 : i32 to vector<16xi32>
      tpu.vector_store_idx %arg13[%broadcast_in_dim3A_753], %add3A_752 {add = true} : memref<80xf32, #tpu.memory_space<vmem>>[vector<16xi32>], vector<16xf32>,
      %mul3A_754 = arith.constant 16 : i32
      %mul3A_755 = arith.muli %scan3A_74, %mul3A_754 : i32
      %add3A_756 = arith.constant 10 : i32
      %add3A_757 = arith.addi %mul3A_755, %add3A_756 : i32
      %get3A_758 = arith.index_cast %add3A_757 : i32 to index
      %get3A_759 = arith.constant 0 : index
      %get3A_760 = tpu.vector_load %arg9[%get3A_758, %get3A_759] {strides = array<i32>} : memref<80x128xf32, #tpu.memory_space<vmem>>, vector<16xf32>,
      %get3A_761 = arith.index_cast %add3A_757 : i32 to index
      %get3A_762 = arith.constant 0 : index
      %get3A_763 = tpu.vector_load %arg10[%get3A_761, %get3A_762] {strides = array<i32>} : memref<80x128xf32, #tpu.memory_space<vmem>>, vector<16xf32>,
      %mul3A_764 = arith.mulf %get3A_760, %get3A_763 : vector<16xf32>
      %get3A_765 = arith.index_cast %add3A_757 : i32 to index
      %get3A_766 = arith.constant 16 : index
      %get3A_767 = tpu.vector_load %arg9[%get3A_765, %get3A_766] {strides = array<i32>} : memref<80x128xf32, #tpu.memory_space<vmem>>, vector<16xf32>,
      %get3A_768 = arith.index_cast %add3A_757 : i32 to index
      %get3A_769 = arith.constant 16 : index
      %get3A_770 = tpu.vector_load %arg10[%get3A_768, %get3A_769] {strides = array<i32>} : memref<80x128xf32, #tpu.memory_space<vmem>>, vector<16xf32>,
      %mul3A_771 = arith.mulf %get3A_767, %get3A_770 : vector<16xf32>
      %get3A_772 = arith.index_cast %add3A_757 : i32 to index
      %get3A_773 = arith.constant 32 : index
      %get3A_774 = tpu.vector_load %arg9[%get3A_772, %get3A_773] {strides = array<i32>} : memref<80x128xf32, #tpu.memory_space<vmem>>, vector<16xf32>,
      %get3A_775 = arith.index_cast %add3A_757 : i32 to index
      %get3A_776 = arith.constant 32 : index
      %get3A_777 = tpu.vector_load %arg10[%get3A_775, %get3A_776] {strides = array<i32>} : memref<80x128xf32, #tpu.memory_space<vmem>>, vector<16xf32>,
      %mul3A_778 = arith.mulf %get3A_774, %get3A_777 : vector<16xf32>
      %get3A_779 = arith.index_cast %add3A_757 : i32 to index
      %get3A_780 = arith.constant 48 : index
      %get3A_781 = tpu.vector_load %arg9[%get3A_779, %get3A_780] {strides = array<i32>} : memref<80x128xf32, #tpu.memory_space<vmem>>, vector<16xf32>,
      %get3A_782 = arith.index_cast %add3A_757 : i32 to index
      %get3A_783 = arith.constant 48 : index
      %get3A_784 = tpu.vector_load %arg10[%get3A_782, %get3A_783] {strides = array<i32>} : memref<80x128xf32, #tpu.memory_space<vmem>>, vector<16xf32>,
      %mul3A_785 = arith.mulf %get3A_781, %get3A_784 : vector<16xf32>
      %get3A_786 = arith.index_cast %add3A_757 : i32 to index
      %get3A_787 = arith.constant 64 : index
      %get3A_788 = tpu.vector_load %arg9[%get3A_786, %get3A_787] {strides = array<i32>} : memref<80x128xf32, #tpu.memory_space<vmem>>, vector<16xf32>,
      %get3A_789 = arith.index_cast %add3A_757 : i32 to index
      %get3A_790 = arith.constant 64 : index
      %get3A_791 = tpu.vector_load %arg10[%get3A_789, %get3A_790] {strides = array<i32>} : memref<80x128xf32, #tpu.memory_space<vmem>>, vector<16xf32>,
      %mul3A_792 = arith.mulf %get3A_788, %get3A_791 : vector<16xf32>
      %add3A_793 = arith.addf %mul3A_764, %mul3A_792 : vector<16xf32>
      %get3A_794 = arith.index_cast %add3A_757 : i32 to index
      %get3A_795 = arith.constant 80 : index
      %get3A_796 = tpu.vector_load %arg9[%get3A_794, %get3A_795] {strides = array<i32>} : memref<80x128xf32, #tpu.memory_space<vmem>>, vector<16xf32>,
      %get3A_797 = arith.index_cast %add3A_757 : i32 to index
      %get3A_798 = arith.constant 80 : index
      %get3A_799 = tpu.vector_load %arg10[%get3A_797, %get3A_798] {strides = array<i32>} : memref<80x128xf32, #tpu.memory_space<vmem>>, vector<16xf32>,
      %mul3A_800 = arith.mulf %get3A_796, %get3A_799 : vector<16xf32>
      %add3A_801 = arith.addf %mul3A_771, %mul3A_800 : vector<16xf32>
      %get3A_802 = arith.index_cast %add3A_757 : i32 to index
      %get3A_803 = arith.constant 96 : index
      %get3A_804 = tpu.vector_load %arg9[%get3A_802, %get3A_803] {strides = array<i32>} : memref<80x128xf32, #tpu.memory_space<vmem>>, vector<16xf32>,
      %get3A_805 = arith.index_cast %add3A_757 : i32 to index
      %get3A_806 = arith.constant 96 : index
      %get3A_807 = tpu.vector_load %arg10[%get3A_805, %get3A_806] {strides = array<i32>} : memref<80x128xf32, #tpu.memory_space<vmem>>, vector<16xf32>,
      %mul3A_808 = arith.mulf %get3A_804, %get3A_807 : vector<16xf32>
      %add3A_809 = arith.addf %mul3A_778, %mul3A_808 : vector<16xf32>
      %get3A_810 = arith.index_cast %add3A_757 : i32 to index
      %get3A_811 = arith.constant 112 : index
      %get3A_812 = tpu.vector_load %arg9[%get3A_810, %get3A_811] {strides = array<i32>} : memref<80x128xf32, #tpu.memory_space<vmem>>, vector<16xf32>,
      %get3A_813 = arith.index_cast %add3A_757 : i32 to index
      %get3A_814 = arith.constant 112 : index
      %get3A_815 = tpu.vector_load %arg10[%get3A_813, %get3A_814] {strides = array<i32>} : memref<80x128xf32, #tpu.memory_space<vmem>>, vector<16xf32>,
      %mul3A_816 = arith.mulf %get3A_812, %get3A_815 : vector<16xf32>
      %add3A_817 = arith.addf %mul3A_785, %mul3A_816 : vector<16xf32>
      %add3A_818 = arith.addf %add3A_793, %add3A_801 : vector<16xf32>
      %add3A_819 = arith.addf %add3A_809, %add3A_817 : vector<16xf32>
      %add3A_820 = arith.addf %add3A_818, %add3A_819 : vector<16xf32>
      %broadcast_in_dim3A_821 = vector.broadcast %add3A_757 : i32 to vector<16xi32>
      tpu.vector_store_idx %arg13[%broadcast_in_dim3A_821], %add3A_820 {add = true} : memref<80xf32, #tpu.memory_space<vmem>>[vector<16xi32>], vector<16xf32>,
      %mul3A_822 = arith.constant 16 : i32
      %mul3A_823 = arith.muli %scan3A_74, %mul3A_822 : i32
      %add3A_824 = arith.constant 11 : i32
      %add3A_825 = arith.addi %mul3A_823, %add3A_824 : i32
      %get3A_826 = arith.index_cast %add3A_825 : i32 to index
      %get3A_827 = arith.constant 0 : index
      %get3A_828 = tpu.vector_load %arg9[%get3A_826, %get3A_827] {strides = array<i32>} : memref<80x128xf32, #tpu.memory_space<vmem>>, vector<16xf32>,
      %get3A_829 = arith.index_cast %add3A_825 : i32 to index
      %get3A_830 = arith.constant 0 : index
      %get3A_831 = tpu.vector_load %arg10[%get3A_829, %get3A_830] {strides = array<i32>} : memref<80x128xf32, #tpu.memory_space<vmem>>, vector<16xf32>,
      %mul3A_832 = arith.mulf %get3A_828, %get3A_831 : vector<16xf32>
      %get3A_833 = arith.index_cast %add3A_825 : i32 to index
      %get3A_834 = arith.constant 16 : index
      %get3A_835 = tpu.vector_load %arg9[%get3A_833, %get3A_834] {strides = array<i32>} : memref<80x128xf32, #tpu.memory_space<vmem>>, vector<16xf32>,
      %get3A_836 = arith.index_cast %add3A_825 : i32 to index
      %get3A_837 = arith.constant 16 : index
      %get3A_838 = tpu.vector_load %arg10[%get3A_836, %get3A_837] {strides = array<i32>} : memref<80x128xf32, #tpu.memory_space<vmem>>, vector<16xf32>,
      %mul3A_839 = arith.mulf %get3A_835, %get3A_838 : vector<16xf32>
      %get3A_840 = arith.index_cast %add3A_825 : i32 to index
      %get3A_841 = arith.constant 32 : index
      %get3A_842 = tpu.vector_load %arg9[%get3A_840, %get3A_841] {strides = array<i32>} : memref<80x128xf32, #tpu.memory_space<vmem>>, vector<16xf32>,
      %get3A_843 = arith.index_cast %add3A_825 : i32 to index
      %get3A_844 = arith.constant 32 : index
      %get3A_845 = tpu.vector_load %arg10[%get3A_843, %get3A_844] {strides = array<i32>} : memref<80x128xf32, #tpu.memory_space<vmem>>, vector<16xf32>,
      %mul3A_846 = arith.mulf %get3A_842, %get3A_845 : vector<16xf32>
      %get3A_847 = arith.index_cast %add3A_825 : i32 to index
      %get3A_848 = arith.constant 48 : index
      %get3A_849 = tpu.vector_load %arg9[%get3A_847, %get3A_848] {strides = array<i32>} : memref<80x128xf32, #tpu.memory_space<vmem>>, vector<16xf32>,
      %get3A_850 = arith.index_cast %add3A_825 : i32 to index
      %get3A_851 = arith.constant 48 : index
      %get3A_852 = tpu.vector_load %arg10[%get3A_850, %get3A_851] {strides = array<i32>} : memref<80x128xf32, #tpu.memory_space<vmem>>, vector<16xf32>,
      %mul3A_853 = arith.mulf %get3A_849, %get3A_852 : vector<16xf32>
      %get3A_854 = arith.index_cast %add3A_825 : i32 to index
      %get3A_855 = arith.constant 64 : index
      %get3A_856 = tpu.vector_load %arg9[%get3A_854, %get3A_855] {strides = array<i32>} : memref<80x128xf32, #tpu.memory_space<vmem>>, vector<16xf32>,
      %get3A_857 = arith.index_cast %add3A_825 : i32 to index
      %get3A_858 = arith.constant 64 : index
      %get3A_859 = tpu.vector_load %arg10[%get3A_857, %get3A_858] {strides = array<i32>} : memref<80x128xf32, #tpu.memory_space<vmem>>, vector<16xf32>,
      %mul3A_860 = arith.mulf %get3A_856, %get3A_859 : vector<16xf32>
      %add3A_861 = arith.addf %mul3A_832, %mul3A_860 : vector<16xf32>
      %get3A_862 = arith.index_cast %add3A_825 : i32 to index
      %get3A_863 = arith.constant 80 : index
      %get3A_864 = tpu.vector_load %arg9[%get3A_862, %get3A_863] {strides = array<i32>} : memref<80x128xf32, #tpu.memory_space<vmem>>, vector<16xf32>,
      %get3A_865 = arith.index_cast %add3A_825 : i32 to index
      %get3A_866 = arith.constant 80 : index
      %get3A_867 = tpu.vector_load %arg10[%get3A_865, %get3A_866] {strides = array<i32>} : memref<80x128xf32, #tpu.memory_space<vmem>>, vector<16xf32>,
      %mul3A_868 = arith.mulf %get3A_864, %get3A_867 : vector<16xf32>
      %add3A_869 = arith.addf %mul3A_839, %mul3A_868 : vector<16xf32>
      %get3A_870 = arith.index_cast %add3A_825 : i32 to index
      %get3A_871 = arith.constant 96 : index
      %get3A_872 = tpu.vector_load %arg9[%get3A_870, %get3A_871] {strides = array<i32>} : memref<80x128xf32, #tpu.memory_space<vmem>>, vector<16xf32>,
      %get3A_873 = arith.index_cast %add3A_825 : i32 to index
      %get3A_874 = arith.constant 96 : index
      %get3A_875 = tpu.vector_load %arg10[%get3A_873, %get3A_874] {strides = array<i32>} : memref<80x128xf32, #tpu.memory_space<vmem>>, vector<16xf32>,
      %mul3A_876 = arith.mulf %get3A_872, %get3A_875 : vector<16xf32>
      %add3A_877 = arith.addf %mul3A_846, %mul3A_876 : vector<16xf32>
      %get3A_878 = arith.index_cast %add3A_825 : i32 to index
      %get3A_879 = arith.constant 112 : index
      %get3A_880 = tpu.vector_load %arg9[%get3A_878, %get3A_879] {strides = array<i32>} : memref<80x128xf32, #tpu.memory_space<vmem>>, vector<16xf32>,
      %get3A_881 = arith.index_cast %add3A_825 : i32 to index
      %get3A_882 = arith.constant 112 : index
      %get3A_883 = tpu.vector_load %arg10[%get3A_881, %get3A_882] {strides = array<i32>} : memref<80x128xf32, #tpu.memory_space<vmem>>, vector<16xf32>,
      %mul3A_884 = arith.mulf %get3A_880, %get3A_883 : vector<16xf32>
      %add3A_885 = arith.addf %mul3A_853, %mul3A_884 : vector<16xf32>
      %add3A_886 = arith.addf %add3A_861, %add3A_869 : vector<16xf32>
      %add3A_887 = arith.addf %add3A_877, %add3A_885 : vector<16xf32>
      %add3A_888 = arith.addf %add3A_886, %add3A_887 : vector<16xf32>
      %broadcast_in_dim3A_889 = vector.broadcast %add3A_825 : i32 to vector<16xi32>
      tpu.vector_store_idx %arg13[%broadcast_in_dim3A_889], %add3A_888 {add = true} : memref<80xf32, #tpu.memory_space<vmem>>[vector<16xi32>], vector<16xf32>,
      %mul3A_890 = arith.constant 16 : i32
      %mul3A_891 = arith.muli %scan3A_74, %mul3A_890 : i32
      %add3A_892 = arith.constant 12 : i32
      %add3A_893 = arith.addi %mul3A_891, %add3A_892 : i32
      %get3A_894 = arith.index_cast %add3A_893 : i32 to index
      %get3A_895 = arith.constant 0 : index
      %get3A_896 = tpu.vector_load %arg9[%get3A_894, %get3A_895] {strides = array<i32>} : memref<80x128xf32, #tpu.memory_space<vmem>>, vector<16xf32>,
      %get3A_897 = arith.index_cast %add3A_893 : i32 to index
      %get3A_898 = arith.constant 0 : index
      %get3A_899 = tpu.vector_load %arg10[%get3A_897, %get3A_898] {strides = array<i32>} : memref<80x128xf32, #tpu.memory_space<vmem>>, vector<16xf32>,
      %mul3A_900 = arith.mulf %get3A_896, %get3A_899 : vector<16xf32>
      %get3A_901 = arith.index_cast %add3A_893 : i32 to index
      %get3A_902 = arith.constant 16 : index
      %get3A_903 = tpu.vector_load %arg9[%get3A_901, %get3A_902] {strides = array<i32>} : memref<80x128xf32, #tpu.memory_space<vmem>>, vector<16xf32>,
      %get3A_904 = arith.index_cast %add3A_893 : i32 to index
      %get3A_905 = arith.constant 16 : index
      %get3A_906 = tpu.vector_load %arg10[%get3A_904, %get3A_905] {strides = array<i32>} : memref<80x128xf32, #tpu.memory_space<vmem>>, vector<16xf32>,
      %mul3A_907 = arith.mulf %get3A_903, %get3A_906 : vector<16xf32>
      %get3A_908 = arith.index_cast %add3A_893 : i32 to index
      %get3A_909 = arith.constant 32 : index
      %get3A_910 = tpu.vector_load %arg9[%get3A_908, %get3A_909] {strides = array<i32>} : memref<80x128xf32, #tpu.memory_space<vmem>>, vector<16xf32>,
      %get3A_911 = arith.index_cast %add3A_893 : i32 to index
      %get3A_912 = arith.constant 32 : index
      %get3A_913 = tpu.vector_load %arg10[%get3A_911, %get3A_912] {strides = array<i32>} : memref<80x128xf32, #tpu.memory_space<vmem>>, vector<16xf32>,
      %mul3A_914 = arith.mulf %get3A_910, %get3A_913 : vector<16xf32>
      %get3A_915 = arith.index_cast %add3A_893 : i32 to index
      %get3A_916 = arith.constant 48 : index
      %get3A_917 = tpu.vector_load %arg9[%get3A_915, %get3A_916] {strides = array<i32>} : memref<80x128xf32, #tpu.memory_space<vmem>>, vector<16xf32>,
      %get3A_918 = arith.index_cast %add3A_893 : i32 to index
      %get3A_919 = arith.constant 48 : index
      %get3A_920 = tpu.vector_load %arg10[%get3A_918, %get3A_919] {strides = array<i32>} : memref<80x128xf32, #tpu.memory_space<vmem>>, vector<16xf32>,
      %mul3A_921 = arith.mulf %get3A_917, %get3A_920 : vector<16xf32>
      %get3A_922 = arith.index_cast %add3A_893 : i32 to index
      %get3A_923 = arith.constant 64 : index
      %get3A_924 = tpu.vector_load %arg9[%get3A_922, %get3A_923] {strides = array<i32>} : memref<80x128xf32, #tpu.memory_space<vmem>>, vector<16xf32>,
      %get3A_925 = arith.index_cast %add3A_893 : i32 to index
      %get3A_926 = arith.constant 64 : index
      %get3A_927 = tpu.vector_load %arg10[%get3A_925, %get3A_926] {strides = array<i32>} : memref<80x128xf32, #tpu.memory_space<vmem>>, vector<16xf32>,
      %mul3A_928 = arith.mulf %get3A_924, %get3A_927 : vector<16xf32>
      %add3A_929 = arith.addf %mul3A_900, %mul3A_928 : vector<16xf32>
      %get3A_930 = arith.index_cast %add3A_893 : i32 to index
      %get3A_931 = arith.constant 80 : index
      %get3A_932 = tpu.vector_load %arg9[%get3A_930, %get3A_931] {strides = array<i32>} : memref<80x128xf32, #tpu.memory_space<vmem>>, vector<16xf32>,
      %get3A_933 = arith.index_cast %add3A_893 : i32 to index
      %get3A_934 = arith.constant 80 : index
      %get3A_935 = tpu.vector_load %arg10[%get3A_933, %get3A_934] {strides = array<i32>} : memref<80x128xf32, #tpu.memory_space<vmem>>, vector<16xf32>,
      %mul3A_936 = arith.mulf %get3A_932, %get3A_935 : vector<16xf32>
      %add3A_937 = arith.addf %mul3A_907, %mul3A_936 : vector<16xf32>
      %get3A_938 = arith.index_cast %add3A_893 : i32 to index
      %get3A_939 = arith.constant 96 : index
      %get3A_940 = tpu.vector_load %arg9[%get3A_938, %get3A_939] {strides = array<i32>} : memref<80x128xf32, #tpu.memory_space<vmem>>, vector<16xf32>,
      %get3A_941 = arith.index_cast %add3A_893 : i32 to index
      %get3A_942 = arith.constant 96 : index
      %get3A_943 = tpu.vector_load %arg10[%get3A_941, %get3A_942] {strides = array<i32>} : memref<80x128xf32, #tpu.memory_space<vmem>>, vector<16xf32>,
      %mul3A_944 = arith.mulf %get3A_940, %get3A_943 : vector<16xf32>
      %add3A_945 = arith.addf %mul3A_914, %mul3A_944 : vector<16xf32>
      %get3A_946 = arith.index_cast %add3A_893 : i32 to index
      %get3A_947 = arith.constant 112 : index
      %get3A_948 = tpu.vector_load %arg9[%get3A_946, %get3A_947] {strides = array<i32>} : memref<80x128xf32, #tpu.memory_space<vmem>>, vector<16xf32>,
      %get3A_949 = arith.index_cast %add3A_893 : i32 to index
      %get3A_950 = arith.constant 112 : index
      %get3A_951 = tpu.vector_load %arg10[%get3A_949, %get3A_950] {strides = array<i32>} : memref<80x128xf32, #tpu.memory_space<vmem>>, vector<16xf32>,
      %mul3A_952 = arith.mulf %get3A_948, %get3A_951 : vector<16xf32>
      %add3A_953 = arith.addf %mul3A_921, %mul3A_952 : vector<16xf32>
      %add3A_954 = arith.addf %add3A_929, %add3A_937 : vector<16xf32>
      %add3A_955 = arith.addf %add3A_945, %add3A_953 : vector<16xf32>
      %add3A_956 = arith.addf %add3A_954, %add3A_955 : vector<16xf32>
      %broadcast_in_dim3A_957 = vector.broadcast %add3A_893 : i32 to vector<16xi32>
      tpu.vector_store_idx %arg13[%broadcast_in_dim3A_957], %add3A_956 {add = true} : memref<80xf32, #tpu.memory_space<vmem>>[vector<16xi32>], vector<16xf32>,
      %mul3A_958 = arith.constant 16 : i32
      %mul3A_959 = arith.muli %scan3A_74, %mul3A_958 : i32
      %add3A_960 = arith.constant 13 : i32
      %add3A_961 = arith.addi %mul3A_959, %add3A_960 : i32
      %get3A_962 = arith.index_cast %add3A_961 : i32 to index
      %get3A_963 = arith.constant 0 : index
      %get3A_964 = tpu.vector_load %arg9[%get3A_962, %get3A_963] {strides = array<i32>} : memref<80x128xf32, #tpu.memory_space<vmem>>, vector<16xf32>,
      %get3A_965 = arith.index_cast %add3A_961 : i32 to index
      %get3A_966 = arith.constant 0 : index
      %get3A_967 = tpu.vector_load %arg10[%get3A_965, %get3A_966] {strides = array<i32>} : memref<80x128xf32, #tpu.memory_space<vmem>>, vector<16xf32>,
      %mul3A_968 = arith.mulf %get3A_964, %get3A_967 : vector<16xf32>
      %get3A_969 = arith.index_cast %add3A_961 : i32 to index
      %get3A_970 = arith.constant 16 : index
      %get3A_971 = tpu.vector_load %arg9[%get3A_969, %get3A_970] {strides = array<i32>} : memref<80x128xf32, #tpu.memory_space<vmem>>, vector<16xf32>,
      %get3A_972 = arith.index_cast %add3A_961 : i32 to index
      %get3A_973 = arith.constant 16 : index
      %get3A_974 = tpu.vector_load %arg10[%get3A_972, %get3A_973] {strides = array<i32>} : memref<80x128xf32, #tpu.memory_space<vmem>>, vector<16xf32>,
      %mul3A_975 = arith.mulf %get3A_971, %get3A_974 : vector<16xf32>
      %get3A_976 = arith.index_cast %add3A_961 : i32 to index
      %get3A_977 = arith.constant 32 : index
      %get3A_978 = tpu.vector_load %arg9[%get3A_976, %get3A_977] {strides = array<i32>} : memref<80x128xf32, #tpu.memory_space<vmem>>, vector<16xf32>,
      %get3A_979 = arith.index_cast %add3A_961 : i32 to index
      %get3A_980 = arith.constant 32 : index
      %get3A_981 = tpu.vector_load %arg10[%get3A_979, %get3A_980] {strides = array<i32>} : memref<80x128xf32, #tpu.memory_space<vmem>>, vector<16xf32>,
      %mul3A_982 = arith.mulf %get3A_978, %get3A_981 : vector<16xf32>
      %get3A_983 = arith.index_cast %add3A_961 : i32 to index
      %get3A_984 = arith.constant 48 : index
      %get3A_985 = tpu.vector_load %arg9[%get3A_983, %get3A_984] {strides = array<i32>} : memref<80x128xf32, #tpu.memory_space<vmem>>, vector<16xf32>,
      %get3A_986 = arith.index_cast %add3A_961 : i32 to index
      %get3A_987 = arith.constant 48 : index
      %get3A_988 = tpu.vector_load %arg10[%get3A_986, %get3A_987] {strides = array<i32>} : memref<80x128xf32, #tpu.memory_space<vmem>>, vector<16xf32>,
      %mul3A_989 = arith.mulf %get3A_985, %get3A_988 : vector<16xf32>
      %get3A_990 = arith.index_cast %add3A_961 : i32 to index
      %get3A_991 = arith.constant 64 : index
      %get3A_992 = tpu.vector_load %arg9[%get3A_990, %get3A_991] {strides = array<i32>} : memref<80x128xf32, #tpu.memory_space<vmem>>, vector<16xf32>,
      %get3A_993 = arith.index_cast %add3A_961 : i32 to index
      %get3A_994 = arith.constant 64 : index
      %get3A_995 = tpu.vector_load %arg10[%get3A_993, %get3A_994] {strides = array<i32>} : memref<80x128xf32, #tpu.memory_space<vmem>>, vector<16xf32>,
      %mul3A_996 = arith.mulf %get3A_992, %get3A_995 : vector<16xf32>
      %add3A_997 = arith.addf %mul3A_968, %mul3A_996 : vector<16xf32>
      %get3A_998 = arith.index_cast %add3A_961 : i32 to index
      %get3A_999 = arith.constant 80 : index
      %get3A_1000 = tpu.vector_load %arg9[%get3A_998, %get3A_999] {strides = array<i32>} : memref<80x128xf32, #tpu.memory_space<vmem>>, vector<16xf32>,
      %get3A_1001 = arith.index_cast %add3A_961 : i32 to index
      %get3A_1002 = arith.constant 80 : index
      %get3A_1003 = tpu.vector_load %arg10[%get3A_1001, %get3A_1002] {strides = array<i32>} : memref<80x128xf32, #tpu.memory_space<vmem>>, vector<16xf32>,
      %mul3A_1004 = arith.mulf %get3A_1000, %get3A_1003 : vector<16xf32>
      %add3A_1005 = arith.addf %mul3A_975, %mul3A_1004 : vector<16xf32>
      %get3A_1006 = arith.index_cast %add3A_961 : i32 to index
      %get3A_1007 = arith.constant 96 : index
      %get3A_1008 = tpu.vector_load %arg9[%get3A_1006, %get3A_1007] {strides = array<i32>} : memref<80x128xf32, #tpu.memory_space<vmem>>, vector<16xf32>,
      %get3A_1009 = arith.index_cast %add3A_961 : i32 to index
      %get3A_1010 = arith.constant 96 : index
      %get3A_1011 = tpu.vector_load %arg10[%get3A_1009, %get3A_1010] {strides = array<i32>} : memref<80x128xf32, #tpu.memory_space<vmem>>, vector<16xf32>,
      %mul3A_1012 = arith.mulf %get3A_1008, %get3A_1011 : vector<16xf32>
      %add3A_1013 = arith.addf %mul3A_982, %mul3A_1012 : vector<16xf32>
      %get3A_1014 = arith.index_cast %add3A_961 : i32 to index
      %get3A_1015 = arith.constant 112 : index
      %get3A_1016 = tpu.vector_load %arg9[%get3A_1014, %get3A_1015] {strides = array<i32>} : memref<80x128xf32, #tpu.memory_space<vmem>>, vector<16xf32>,
      %get3A_1017 = arith.index_cast %add3A_961 : i32 to index
      %get3A_1018 = arith.constant 112 : index
      %get3A_1019 = tpu.vector_load %arg10[%get3A_1017, %get3A_1018] {strides = array<i32>} : memref<80x128xf32, #tpu.memory_space<vmem>>, vector<16xf32>,
      %mul3A_1020 = arith.mulf %get3A_1016, %get3A_1019 : vector<16xf32>
      %add3A_1021 = arith.addf %mul3A_989, %mul3A_1020 : vector<16xf32>
      %add3A_1022 = arith.addf %add3A_997, %add3A_1005 : vector<16xf32>
      %add3A_1023 = arith.addf %add3A_1013, %add3A_1021 : vector<16xf32>
      %add3A_1024 = arith.addf %add3A_1022, %add3A_1023 : vector<16xf32>
      %broadcast_in_dim3A_1025 = vector.broadcast %add3A_961 : i32 to vector<16xi32>
      tpu.vector_store_idx %arg13[%broadcast_in_dim3A_1025], %add3A_1024 {add = true} : memref<80xf32, #tpu.memory_space<vmem>>[vector<16xi32>], vector<16xf32>,
      %mul3A_1026 = arith.constant 16 : i32
      %mul3A_1027 = arith.muli %scan3A_74, %mul3A_1026 : i32
      %add3A_1028 = arith.constant 14 : i32
      %add3A_1029 = arith.addi %mul3A_1027, %add3A_1028 : i32
      %get3A_1030 = arith.index_cast %add3A_1029 : i32 to index
      %get3A_1031 = arith.constant 0 : index
      %get3A_1032 = tpu.vector_load %arg9[%get3A_1030, %get3A_1031] {strides = array<i32>} : memref<80x128xf32, #tpu.memory_space<vmem>>, vector<16xf32>,
      %get3A_1033 = arith.index_cast %add3A_1029 : i32 to index
      %get3A_1034 = arith.constant 0 : index
      %get3A_1035 = tpu.vector_load %arg10[%get3A_1033, %get3A_1034] {strides = array<i32>} : memref<80x128xf32, #tpu.memory_space<vmem>>, vector<16xf32>,
      %mul3A_1036 = arith.mulf %get3A_1032, %get3A_1035 : vector<16xf32>
      %get3A_1037 = arith.index_cast %add3A_1029 : i32 to index
      %get3A_1038 = arith.constant 16 : index
      %get3A_1039 = tpu.vector_load %arg9[%get3A_1037, %get3A_1038] {strides = array<i32>} : memref<80x128xf32, #tpu.memory_space<vmem>>, vector<16xf32>,
      %get3A_1040 = arith.index_cast %add3A_1029 : i32 to index
      %get3A_1041 = arith.constant 16 : index
      %get3A_1042 = tpu.vector_load %arg10[%get3A_1040, %get3A_1041] {strides = array<i32>} : memref<80x128xf32, #tpu.memory_space<vmem>>, vector<16xf32>,
      %mul3A_1043 = arith.mulf %get3A_1039, %get3A_1042 : vector<16xf32>
      %get3A_1044 = arith.index_cast %add3A_1029 : i32 to index
      %get3A_1045 = arith.constant 32 : index
      %get3A_1046 = tpu.vector_load %arg9[%get3A_1044, %get3A_1045] {strides = array<i32>} : memref<80x128xf32, #tpu.memory_space<vmem>>, vector<16xf32>,
      %get3A_1047 = arith.index_cast %add3A_1029 : i32 to index
      %get3A_1048 = arith.constant 32 : index
      %get3A_1049 = tpu.vector_load %arg10[%get3A_1047, %get3A_1048] {strides = array<i32>} : memref<80x128xf32, #tpu.memory_space<vmem>>, vector<16xf32>,
      %mul3A_1050 = arith.mulf %get3A_1046, %get3A_1049 : vector<16xf32>
      %get3A_1051 = arith.index_cast %add3A_1029 : i32 to index
      %get3A_1052 = arith.constant 48 : index
      %get3A_1053 = tpu.vector_load %arg9[%get3A_1051, %get3A_1052] {strides = array<i32>} : memref<80x128xf32, #tpu.memory_space<vmem>>, vector<16xf32>,
      %get3A_1054 = arith.index_cast %add3A_1029 : i32 to index
      %get3A_1055 = arith.constant 48 : index
      %get3A_1056 = tpu.vector_load %arg10[%get3A_1054, %get3A_1055] {strides = array<i32>} : memref<80x128xf32, #tpu.memory_space<vmem>>, vector<16xf32>,
      %mul3A_1057 = arith.mulf %get3A_1053, %get3A_1056 : vector<16xf32>
      %get3A_1058 = arith.index_cast %add3A_1029 : i32 to index
      %get3A_1059 = arith.constant 64 : index
      %get3A_1060 = tpu.vector_load %arg9[%get3A_1058, %get3A_1059] {strides = array<i32>} : memref<80x128xf32, #tpu.memory_space<vmem>>, vector<16xf32>,
      %get3A_1061 = arith.index_cast %add3A_1029 : i32 to index
      %get3A_1062 = arith.constant 64 : index
      %get3A_1063 = tpu.vector_load %arg10[%get3A_1061, %get3A_1062] {strides = array<i32>} : memref<80x128xf32, #tpu.memory_space<vmem>>, vector<16xf32>,
      %mul3A_1064 = arith.mulf %get3A_1060, %get3A_1063 : vector<16xf32>
      %add3A_1065 = arith.addf %mul3A_1036, %mul3A_1064 : vector<16xf32>
      %get3A_1066 = arith.index_cast %add3A_1029 : i32 to index
      %get3A_1067 = arith.constant 80 : index
      %get3A_1068 = tpu.vector_load %arg9[%get3A_1066, %get3A_1067] {strides = array<i32>} : memref<80x128xf32, #tpu.memory_space<vmem>>, vector<16xf32>,
      %get3A_1069 = arith.index_cast %add3A_1029 : i32 to index
      %get3A_1070 = arith.constant 80 : index
      %get3A_1071 = tpu.vector_load %arg10[%get3A_1069, %get3A_1070] {strides = array<i32>} : memref<80x128xf32, #tpu.memory_space<vmem>>, vector<16xf32>,
      %mul3A_1072 = arith.mulf %get3A_1068, %get3A_1071 : vector<16xf32>
      %add3A_1073 = arith.addf %mul3A_1043, %mul3A_1072 : vector<16xf32>
      %get3A_1074 = arith.index_cast %add3A_1029 : i32 to index
      %get3A_1075 = arith.constant 96 : index
      %get3A_1076 = tpu.vector_load %arg9[%get3A_1074, %get3A_1075] {strides = array<i32>} : memref<80x128xf32, #tpu.memory_space<vmem>>, vector<16xf32>,
      %get3A_1077 = arith.index_cast %add3A_1029 : i32 to index
      %get3A_1078 = arith.constant 96 : index
      %get3A_1079 = tpu.vector_load %arg10[%get3A_1077, %get3A_1078] {strides = array<i32>} : memref<80x128xf32, #tpu.memory_space<vmem>>, vector<16xf32>,
      %mul3A_1080 = arith.mulf %get3A_1076, %get3A_1079 : vector<16xf32>
      %add3A_1081 = arith.addf %mul3A_1050, %mul3A_1080 : vector<16xf32>
      %get3A_1082 = arith.index_cast %add3A_1029 : i32 to index
      %get3A_1083 = arith.constant 112 : index
      %get3A_1084 = tpu.vector_load %arg9[%get3A_1082, %get3A_1083] {strides = array<i32>} : memref<80x128xf32, #tpu.memory_space<vmem>>, vector<16xf32>,
      %get3A_1085 = arith.index_cast %add3A_1029 : i32 to index
      %get3A_1086 = arith.constant 112 : index
      %get3A_1087 = tpu.vector_load %arg10[%get3A_1085, %get3A_1086] {strides = array<i32>} : memref<80x128xf32, #tpu.memory_space<vmem>>, vector<16xf32>,
      %mul3A_1088 = arith.mulf %get3A_1084, %get3A_1087 : vector<16xf32>
      %add3A_1089 = arith.addf %mul3A_1057, %mul3A_1088 : vector<16xf32>
      %add3A_1090 = arith.addf %add3A_1065, %add3A_1073 : vector<16xf32>
      %add3A_1091 = arith.addf %add3A_1081, %add3A_1089 : vector<16xf32>
      %add3A_1092 = arith.addf %add3A_1090, %add3A_1091 : vector<16xf32>
      %broadcast_in_dim3A_1093 = vector.broadcast %add3A_1029 : i32 to vector<16xi32>
      tpu.vector_store_idx %arg13[%broadcast_in_dim3A_1093], %add3A_1092 {add = true} : memref<80xf32, #tpu.memory_space<vmem>>[vector<16xi32>], vector<16xf32>,
      %mul3A_1094 = arith.constant 16 : i32
      %mul3A_1095 = arith.muli %scan3A_74, %mul3A_1094 : i32
      %add3A_1096 = arith.constant 15 : i32
      %add3A_1097 = arith.addi %mul3A_1095, %add3A_1096 : i32
      %get3A_1098 = arith.index_cast %add3A_1097 : i32 to index
      %get3A_1099 = arith.constant 0 : index
      %get3A_1100 = tpu.vector_load %arg9[%get3A_1098, %get3A_1099] {strides = array<i32>} : memref<80x128xf32, #tpu.memory_space<vmem>>, vector<16xf32>,
      %get3A_1101 = arith.index_cast %add3A_1097 : i32 to index
      %get3A_1102 = arith.constant 0 : index
      %get3A_1103 = tpu.vector_load %arg10[%get3A_1101, %get3A_1102] {strides = array<i32>} : memref<80x128xf32, #tpu.memory_space<vmem>>, vector<16xf32>,
      %mul3A_1104 = arith.mulf %get3A_1100, %get3A_1103 : vector<16xf32>
      %get3A_1105 = arith.index_cast %add3A_1097 : i32 to index
      %get3A_1106 = arith.constant 16 : index
      %get3A_1107 = tpu.vector_load %arg9[%get3A_1105, %get3A_1106] {strides = array<i32>} : memref<80x128xf32, #tpu.memory_space<vmem>>, vector<16xf32>,
      %get3A_1108 = arith.index_cast %add3A_1097 : i32 to index
      %get3A_1109 = arith.constant 16 : index
      %get3A_1110 = tpu.vector_load %arg10[%get3A_1108, %get3A_1109] {strides = array<i32>} : memref<80x128xf32, #tpu.memory_space<vmem>>, vector<16xf32>,
      %mul3A_1111 = arith.mulf %get3A_1107, %get3A_1110 : vector<16xf32>
      %get3A_1112 = arith.index_cast %add3A_1097 : i32 to index
      %get3A_1113 = arith.constant 32 : index
      %get3A_1114 = tpu.vector_load %arg9[%get3A_1112, %get3A_1113] {strides = array<i32>} : memref<80x128xf32, #tpu.memory_space<vmem>>, vector<16xf32>,
      %get3A_1115 = arith.index_cast %add3A_1097 : i32 to index
      %get3A_1116 = arith.constant 32 : index
      %get3A_1117 = tpu.vector_load %arg10[%get3A_1115, %get3A_1116] {strides = array<i32>} : memref<80x128xf32, #tpu.memory_space<vmem>>, vector<16xf32>,
      %mul3A_1118 = arith.mulf %get3A_1114, %get3A_1117 : vector<16xf32>
      %get3A_1119 = arith.index_cast %add3A_1097 : i32 to index
      %get3A_1120 = arith.constant 48 : index
      %get3A_1121 = tpu.vector_load %arg9[%get3A_1119, %get3A_1120] {strides = array<i32>} : memref<80x128xf32, #tpu.memory_space<vmem>>, vector<16xf32>,
      %get3A_1122 = arith.index_cast %add3A_1097 : i32 to index
      %get3A_1123 = arith.constant 48 : index
      %get3A_1124 = tpu.vector_load %arg10[%get3A_1122, %get3A_1123] {strides = array<i32>} : memref<80x128xf32, #tpu.memory_space<vmem>>, vector<16xf32>,
      %mul3A_1125 = arith.mulf %get3A_1121, %get3A_1124 : vector<16xf32>
      %get3A_1126 = arith.index_cast %add3A_1097 : i32 to index
      %get3A_1127 = arith.constant 64 : index
      %get3A_1128 = tpu.vector_load %arg9[%get3A_1126, %get3A_1127] {strides = array<i32>} : memref<80x128xf32, #tpu.memory_space<vmem>>, vector<16xf32>,
      %get3A_1129 = arith.index_cast %add3A_1097 : i32 to index
      %get3A_1130 = arith.constant 64 : index
      %get3A_1131 = tpu.vector_load %arg10[%get3A_1129, %get3A_1130] {strides = array<i32>} : memref<80x128xf32, #tpu.memory_space<vmem>>, vector<16xf32>,
      %mul3A_1132 = arith.mulf %get3A_1128, %get3A_1131 : vector<16xf32>
      %add3A_1133 = arith.addf %mul3A_1104, %mul3A_1132 : vector<16xf32>
      %get3A_1134 = arith.index_cast %add3A_1097 : i32 to index
      %get3A_1135 = arith.constant 80 : index
      %get3A_1136 = tpu.vector_load %arg9[%get3A_1134, %get3A_1135] {strides = array<i32>} : memref<80x128xf32, #tpu.memory_space<vmem>>, vector<16xf32>,
      %get3A_1137 = arith.index_cast %add3A_1097 : i32 to index
      %get3A_1138 = arith.constant 80 : index
      %get3A_1139 = tpu.vector_load %arg10[%get3A_1137, %get3A_1138] {strides = array<i32>} : memref<80x128xf32, #tpu.memory_space<vmem>>, vector<16xf32>,
      %mul3A_1140 = arith.mulf %get3A_1136, %get3A_1139 : vector<16xf32>
      %add3A_1141 = arith.addf %mul3A_1111, %mul3A_1140 : vector<16xf32>
      %get3A_1142 = arith.index_cast %add3A_1097 : i32 to index
      %get3A_1143 = arith.constant 96 : index
      %get3A_1144 = tpu.vector_load %arg9[%get3A_1142, %get3A_1143] {strides = array<i32>} : memref<80x128xf32, #tpu.memory_space<vmem>>, vector<16xf32>,
      %get3A_1145 = arith.index_cast %add3A_1097 : i32 to index
      %get3A_1146 = arith.constant 96 : index
      %get3A_1147 = tpu.vector_load %arg10[%get3A_1145, %get3A_1146] {strides = array<i32>} : memref<80x128xf32, #tpu.memory_space<vmem>>, vector<16xf32>,
      %mul3A_1148 = arith.mulf %get3A_1144, %get3A_1147 : vector<16xf32>
      %add3A_1149 = arith.addf %mul3A_1118, %mul3A_1148 : vector<16xf32>
      %get3A_1150 = arith.index_cast %add3A_1097 : i32 to index
      %get3A_1151 = arith.constant 112 : index
      %get3A_1152 = tpu.vector_load %arg9[%get3A_1150, %get3A_1151] {strides = array<i32>} : memref<80x128xf32, #tpu.memory_space<vmem>>, vector<16xf32>,
      %get3A_1153 = arith.index_cast %add3A_1097 : i32 to index
      %get3A_1154 = arith.constant 112 : index
      %get3A_1155 = tpu.vector_load %arg10[%get3A_1153, %get3A_1154] {strides = array<i32>} : memref<80x128xf32, #tpu.memory_space<vmem>>, vector<16xf32>,
      %mul3A_1156 = arith.mulf %get3A_1152, %get3A_1155 : vector<16xf32>
      %add3A_1157 = arith.addf %mul3A_1125, %mul3A_1156 : vector<16xf32>
      %add3A_1158 = arith.addf %add3A_1133, %add3A_1141 : vector<16xf32>
      %add3A_1159 = arith.addf %add3A_1149, %add3A_1157 : vector<16xf32>
      %add3A_1160 = arith.addf %add3A_1158, %add3A_1159 : vector<16xf32>
      %broadcast_in_dim3A_1161 = vector.broadcast %add3A_1097 : i32 to vector<16xi32>
      tpu.vector_store_idx %arg13[%broadcast_in_dim3A_1161], %add3A_1160 {add = true} : memref<80xf32, #tpu.memory_space<vmem>>[vector<16xi32>], vector<16xf32>,
    }
    %scan3A_65 = arith.constant 5 : i32
    %add3A_66 = arith.constant 9920 : i32
    %add3A_67 = arith.addi %mul3A_2, %add3A_66 : i32
    %dma_start3A_68 = tpu.memref_slice %arg6[%add3A_67] : memref<320000xf32, #tpu.memory_space<hbm>> -> memref<80xf32, #tpu.memory_space<hbm>>
    %dma_start3A_69 = tpu.memref_slice %arg6[%add3A_67] : memref<320000xf32, #tpu.memory_space<hbm>> -> memref<80xf32, #tpu.memory_space<hbm>>
    tpu.enqueue_dma source(%arg13 : memref<80xf32, #tpu.memory_space<vmem>>) target(%dma_start3A_69 : memref<80xf32, #tpu.memory_space<hbm>>) target_semaphore(%arg17 : memref<!tpu.dma_semaphore, #tpu.memory_space<semaphore_mem>>)
    %dma_wait3A_70 = tpu.memref_slice %arg6[%mul3A_2] : memref<320000xf32, #tpu.memory_space<hbm>> -> memref<80xf32, #tpu.memory_space<hbm>>
    %dma_wait3A_71 = tpu.memref_slice %arg6[%mul3A_2] : memref<320000xf32, #tpu.memory_space<hbm>> -> memref<80xf32, #tpu.memory_space<hbm>>
    tpu.wait_dma2 semaphore(%arg17 : memref<!tpu.dma_semaphore, #tpu.memory_space<semaphore_mem>>) src(%arg13 : memref<80xf32, #tpu.memory_space<vmem>>) dst(%dma_wait3A_71 : memref<80xf32, #tpu.memory_space<hbm>>)
    %dma_wait3A_72 = tpu.memref_slice %arg6[%mul3A_2] : memref<320000xf32, #tpu.memory_space<hbm>> -> memref<80xf32, #tpu.memory_space<hbm>>
    %dma_wait3A_73 = tpu.memref_slice %arg6[%mul3A_2] : memref<320000xf32, #tpu.memory_space<hbm>> -> memref<80xf32, #tpu.memory_space<hbm>>
    tpu.wait_dma2 semaphore(%arg18 : memref<!tpu.dma_semaphore, #tpu.memory_space<semaphore_mem>>) src(%arg14 : memref<80xf32, #tpu.memory_space<vmem>>) dst(%dma_wait3A_73 : memref<80xf32, #tpu.memory_space<hbm>>)
    return
  }
}

</mosaic_0001>

<sc_bundles>
// kernel: kernel.3.cloned.1.call-start
scs
__scs_entry_jumppad:
0x0: {  	(pc) =	sbr.rel $0x88, $3  }
0x1: {  	(tag) =	ssettag $0x0;
	lr =	simm.s32 $0x1  }
0x2: {  	[smem:$0x3F9E] =	sst lr;
	_ =	strace $0xD0000000  }
0x3: {  	_ = 	snop  }
0x4: {  	_ = 	snop  }
0x5: {  	_ = 	snop  }
0x6: {  	_ = 	snop  }
0x7: {  	_ = 	snop  }
__scs_overlays_trampoline_lowered:
0x8: {  	[smem:$0x3FAD] =	sst s0  }
0x9: {  	[smem:$0x3FAE] =	sst s1  }
0xa: {  	[smem:$0x3FAF] =	sst s2  }
0xb: {  	[smem:$0x3FB0] =	sst s3  }
0xc: {  	[smem:$0x3FB1] =	sst s4  }
0xd: {  	[smem:$0x3FB2] =	sst s5  }
0xe: {  	[smem:$0x3FB3] =	sst s6  }
0xf: {  	[smem:$0x3FB4] =	sst s7  }
0x10: {  	[smem:$0x3FB5] =	sst s8  }
0x11: {  	[smem:$0x3FB6] =	sst s9;
	s0 =	simm.s32 @!p0 $0x0  }
0x12: {  	s1 =	sld [smem:$0x3F9C];
	s0 =	simm.s32 @p0 $0x1  }
0x13: {  	[smem:$0x3FB7] =	sst s0;
	s0 =	simm.s32 @!p1 $0x0  }
0x14: {  	s2 =	sld [smem:$0x3F9B];
	s0 =	simm.s32 @p1 $0x1  }
0x15: {  	[smem:$0x3FB8] =	sst s0;
	s0 =	simm.s32 @!p2 $0x0  }
0x16: {  	s3 =	sld [smem:$0x3FDB];
	s0 =	simm.s32 @p2 $0x1  }
0x17: {  	s4 =	simm.s32 $0x1BF5;
	[smem:$0x3FBA] =	sst s0  }
0x18: {  	s0 =	sld [smem:$0x3F9D];
	_ =	swait.ge [sflag:s4], $0x0  }
0x19: {  	s7 =	sld [smem:$0x3F9E]  }
0x1a: {  	s8 =	sadd.s32 $0xFFFFE003, lr  }
0x1b: {  	s9 =	sadd.s32 $0xFFFFFEF7, lr;
	s5 =	simm.s32 $0xFFFFFFFF;
	p2 =	slt.u32 s8, $0xFFFFF086  }
0x1c: {  	p1 =	slt.u32 s9, $0xF7A;
	s5 =	simm.s32 @!p2 $0x0  }
0x1d: {  	s5 =	simm.s32 @p1 $0x1;
	p0 =	seq.s32 s7, s2  }
0x1e: {  	s7 =	smul.u32 @!p0 $0xF7A, s2;
	p2 =	seq.s32 @!p0 s5, $0x0  }
0x1f: {  	s9 =	smul.u32 $0xF7A, s1;
	s8 =	simm.s32 @!p0 $0x1BF5;
	p2 =	por !p2, p0  }
0x20: {  	[sflag:s8] =	ssyncset.s32 @!p0 $0xFFFFF086;
	s6 =	sadd.s32 @!p0 s3, s7;
	s7 =	simm.s32 @!p0 $0x108  }
0x21: {  	s3 =	sadd.s32 s3, s9;
	s6 =	sadd.s32 @!p0 $0x88, s6;
	s7 =	simm.s32 @p2 $0x1082  }
0x22: {  	[simem:s7], [sflag:s8] =	dma.local @!p0 [hbm:s6], $0xF7A  }
0x23: {  	s9 =	sor.u32 $0xD0000000, s2;
	s6 =	simm.s32 $0x108;
	_ =	swait.ge @!p0 [sflag:s8], $0x0  }
0x24: {  	s3 =	sadd.s32 $0x88, s3;
	s6 =	simm.s32 @!p1 $0x1082;
	[sflag:s4] =	ssyncset.s32 $0xFFFFF086  }
0x25: {  	[simem:s6], [sflag:s4] =	dma.local [hbm:s3], $0xF7A  }
0x26: {  	[smem:$0x3F9E] =	sst s1;
	(tag) =	ssettag s2;
	_ =	strace s9  }
0x27: {  	s1 =	sld [smem:$0x3FAE]  }
0x28: {  	s2 =	sld [smem:$0x3FAF]  }
0x29: {  	s4 =	sld [smem:$0x3FB1]  }
0x2a: {  	p0 =	seq.s32 s5, $0x0;
	s5 =	sld [smem:$0x3FB2]  }
0x2b: {  	s6 =	sld [smem:$0x3FB3]  }
0x2c: {  	s7 =	sld [smem:$0x3FB4]  }
0x2d: {  	s3 =	simm.s32 $0x108;
	s8 =	sld [smem:$0x3FB5]  }
0x2e: {  	s3 =	simm.s32 @!p0 $0x1082;
	s9 =	sld [smem:$0x3FB6]  }
0x2f: {  	lr =	sadd.s32 s0, s3;
	s0 =	sld [smem:$0x3FAD]  }
0x30: {  	s3 =	sld [smem:$0x3FB0]  }
0x31: {  	[smem:$0x3FB9] =	sst s10  }
0x32: {  	s10 =	sld [smem:$0x3FB7];
	_ =	sdelay $0x3  }
0x33: {  	p0 =	seq.s32 s10, $0x1;
	s10 =	sld [smem:$0x3FB9];
	_ =	sdelay $0x3  }
0x34: {  	[smem:$0x3FB9] =	sst s10  }
0x35: {  	s10 =	sld [smem:$0x3FB8];
	_ =	sdelay $0x3  }
0x36: {  	p1 =	seq.s32 s10, $0x1;
	s10 =	sld [smem:$0x3FB9];
	_ =	sdelay $0x3  }
0x37: {  	[smem:$0x3FB9] =	sst s10  }
0x38: {  	s10 =	sld [smem:$0x3FBA]  }
0x39: {  	_ = 	snop;
	(pc) =	sbr.ind lr, $3  }
0x3a: {  	_ = 	snop  }
0x3b: {  	_ = 	snop  }
0x3c: {  	p2 =	seq.s32 s10, $0x1;
	s10 =	sld [smem:$0x3FB9]  }
0x3d: {  	_ =	shalt  }
0x3e: {  	_ =	shalt  }
0x3f: {  	_ =	shalt  }
0x40: {  	_ =	shalt  }
0x41: {  	_ =	shalt  }
0x42: {  	_ =	shalt  }
0x43: {  	_ =	shalt  }
0x44: {  	_ =	shalt  }
0x45: {  	_ =	shalt  }
0x46: {  	_ =	shalt  }
0x47: {  	_ =	shalt  }
0x48: {  	_ =	shalt  }
0x49: {  	_ =	shalt  }
0x4a: {  	_ =	shalt  }
0x4b: {  	_ =	shalt  }
0x4c: {  	_ =	shalt  }
0x4d: {  	_ =	shalt  }
0x4e: {  	_ =	shalt  }
0x4f: {  	_ =	shalt  }
0x50: {  	_ =	shalt  }
0x51: {  	_ =	shalt  }
0x52: {  	_ =	shalt  }
0x53: {  	_ =	shalt  }
0x54: {  	_ =	shalt  }
0x55: {  	_ =	shalt  }
0x56: {  	_ =	shalt  }
0x57: {  	_ =	shalt  }
0x58: {  	_ =	shalt  }
0x59: {  	_ =	shalt  }
0x5a: {  	_ =	shalt  }
0x5b: {  	_ =	shalt  }
0x5c: {  	_ =	shalt  }
0x5d: {  	_ =	shalt  }
0x5e: {  	_ =	shalt  }
0x5f: {  	_ =	shalt  }
0x60: {  	_ =	shalt  }
0x61: {  	_ =	shalt  }
0x62: {  	_ =	shalt  }
0x63: {  	_ =	shalt  }
0x64: {  	_ =	shalt  }
0x65: {  	_ =	shalt  }
0x66: {  	_ =	shalt  }
0x67: {  	_ =	shalt  }
0x68: {  	_ =	shalt  }
0x69: {  	_ =	shalt  }
0x6a: {  	_ =	shalt  }
0x6b: {  	_ =	shalt  }
0x6c: {  	_ =	shalt  }
0x6d: {  	_ =	shalt  }
0x6e: {  	_ =	shalt  }
0x6f: {  	_ =	shalt  }
0x70: {  	_ =	shalt  }
0x71: {  	_ =	shalt  }
0x72: {  	_ =	shalt  }
0x73: {  	_ =	shalt  }
0x74: {  	_ =	shalt  }
0x75: {  	_ =	shalt  }
0x76: {  	_ =	shalt  }
0x77: {  	_ =	shalt  }
0x78: {  	_ =	shalt  }
0x79: {  	_ =	shalt  }
0x7a: {  	_ =	shalt  }
0x7b: {  	_ =	shalt  }
0x7c: {  	_ =	shalt  }
0x7d: {  	_ =	shalt  }
0x7e: {  	_ =	shalt  }
0x7f: {  	_ =	shalt  }
0x80: {  	_ =	shalt  }
0x81: {  	_ =	shalt  }
0x82: {  	_ =	shalt  }
0x83: {  	_ =	shalt  }
0x84: {  	_ =	shalt  }
0x85: {  	_ =	shalt  }
0x86: {  	_ =	shalt  }
0x87: {  	_ =	shalt  }
.Lfunc_end0:
.L_simem_size_0:
called_computation_lowered:
.L_overlay_start_0:
0x88: {  	s2 =	sld [smem:$0x3FD9]  }
0x89: {  	s3 =	sld [smem:$0x3FFE];
	_ =	sdelay $0x1  }
0x8a: {  	s1 =	srdreg.scid  }
0x8b: {  	s0 =	sand.u32 $0x1, s1  }
0x8c: {  	s17 =	sshll.u32 s0, $0xA;
	s2 =	sadd.s32 s3, s2  }
0x8d: {  	s2 =	sadd.s32 s2, s17  }
0x8e: {  	[smem:$0x3FC5] =	sst s2  }
0x8f: {  	_ = 	snop  }
0x90: {  	s2 =	sld [smem:$0x3FC9]  }
0x91: {  	s18 =	sld [smem:$0x3FC8]  }
0x92: {  	s4 =	sld [smem:$0x3FD0];
	(tm) =	ssettm $0x1  }
0x93: {  	s5 =	sld [smem:$0x3FFB];
	_ =	sdelay $0x3  }
0x94: {  	_ =	strace s5  }
0x95: {  	s5 =	sld [smem:$0x3FFC];
	_ =	sdelay $0x3  }
0x96: {  	_ =	strace s5  }
0x97: {  	s5 =	sld [smem:$0x3FFD];
	_ =	sdelay $0x3  }
0x98: {  	_ =	strace s5  }
0x99: {  	_ =	strace $0x8FFFFFFF  }
0x9a: {  	s19 =	sld [smem:$0x3FDB];
	_ =	sdelay $0x1  }
0x9b: {  	s6 =	simm.s32 $_scs_section_size  }
0x9c: {  	s7 =	simm.s32 $_size__tile_overlayer_lowered;
	s8 =	simm.s32 $_tile_overlayer_lowered  }
0x9d: {  	s22 =	simm.s32 $0x1BFF;
	s21 =	sshll.u32 s8, $0x1;
	s5 =	sadd.s32 s6, s19  }
0x9e: {  	s9 =	simm.s32 $0x0;
	s20 =	sshll.u32 s7, $0x1;
	s7 =	sadd.s32 s21, s5  }
0x9f: {  	[timem:s9], [sflag:s22] =	dma.local [hbm:s7], s20  }
0xa0: {  	_ =	swait.ge [sflag:s22], s20  }
0xa1: {  	s6 =	ssub.s32 $0x0, s20;
	[sflag:s22] =	ssyncset.done $0x0  }
0xa2: {  	[sflag:s22] =	ssyncadd.s32 s6;
	_ =	sdelay $0x1  }
0xa3: {  	s23 =	simm.s32 $0x1B8B  }
0xa4: {  	_ =	swait.ge [sflag:s23], $0x1  }
0xa5: {  	[sflag:s23] =	ssyncset.done $0x0  }
0xa6: {  	s25 =	simm.s32 $0x1B8E;
	s24 =	sld [smem:$0x3FFE];
	[sflag:s23] =	ssyncadd.s32 $0xFFFFFFFF  }
0xa7: {  	s26 =	simm.s32 $execute0_lowered;
	[smem:$0x3FD2] =	sst s25  }
0xa8: {  	s7 =	sshll.u32 s26, $0x1;
	_ =	strace $0x80000046;
	[dreg:$0x1] =	wrdreg $0xFFFFFFFF  }
0xa9: {  	s28 =	simm.s32 $_size_execute0_lowered;
	s5 =	sadd.s32 s5, s7;
	[dreg:$0x0] =	wrdreg $0x0  }
0xaa: {  	s7 =	sshll.u32 s28, $0x1;
	[dreg:$0x2] =	wrdreg s5  }
0xab: {  	[dreg:$0x3] =	wrdreg s7  }
0xac: {  	[dreg:$0x4] =	wrdreg $0xC0  }
0xad: {  	_ =	task [dreg:s9], $0x5FFFF  }
0xae: {  	[dreg:$0x1] =	wrdreg $0xFFFFFFFF  }
0xaf: {  	[dreg:$0x0] =	wrdreg $0x60  }
0xb0: {  	[dreg:$0x2] =	wrdreg s24  }
0xb1: {  	[dreg:$0x3] =	wrdreg s2  }
0xb2: {  	[dreg:$0x4] =	wrdreg s18  }
0xb3: {  	[dreg:$0x5] =	wrdreg s4  }
0xb4: {  	[dreg:$0x6] =	wrdreg $0x9  }
0xb5: {  	_ =	task.clear_ibuf [dreg:s9], $0x7FFFF;
	_ =	strace $0x90000046  }
0xb6: {  	s29 =	simm.s32 $0x9;
	_ =	strace $0x80000048  }
0xb7: {  	_ =	swait.ge [sflag:s29], $0x1  }
0xb8: {  	[sflag:s29] =	ssyncadd.s32 $0xFFFFFFFF  }
0xb9: {  	_ =	strace $0x90000048  }
0xba: {  	_ =	sfence  }
0xbb: {  	s30 =	sld [smem:$0x0];
	_ =	sdelay $0x2  }
0xbc: {  	s31 =	sshll.u32 s1, $0xD;
	s1 =	sshrl.u32 s1, $0x2  }
0xbd: {  	s3 =	sand.u32 $0x4000, s31;
	s1 =	sadd.s32 s1, s30  }
0xbe: {  	s0 =	sor.u32 s3, s0;
	s1 =	sshll.u32 s1, $0x11  }
0xbf: {  	s0 =	sor.u32 s1, s0  }
0xc0: {  	s0 =	sadd.s32 $0x8F2B, s0  }
0xc1: {  	[sflag:s0] =	ssyncadd.remote.s32 $0x1  }
0xc2: {  	_ =	sfence.sel $0xFFFF  }
0xc3: {  	[dreg:$0x0] =	wrdreg $0xFFFFFFFF;
	(pc) =	sbr.abs _section_cstart, $3  }
0xc4: {  	[dreg:$0x1] =	wrdreg $0xFFFFFFFF  }
0xc5: {  	_ =	task.clear_ibuf [dreg:s9], $0x2FFFF;
	_ =	strace $0x9FFFFFFF  }
0xc6: {  	(tm) =	ssettm $0x7FFFFFFF  }
0xc7: {  	_ =	shalt  }
tec
execute0_lowered:
.L_overlay_start_1:
0x0: {  	(tag) =	ssettag $0x1  }
0x1: {  	s0 =	rddreg [dreg:$0x0]  }
0x2: {  	s1 =	rddreg [dreg:$0x1]  }
0x3: {  	s3 =	rddreg [dreg:$0x2]  }
0x4: {  	s2 =	srdreg.scid;
	s5 =	stileid.u32  }
0x5: {  	s4 =	rddreg [dreg:$0x3];
	s12 =	simm.s32 $0x5;
	s13 =	simm.s32 $0x4000  }
0x6: {  	s14 =	simm.s32 $0x50;
	s15 =	simm.s32 $0x8000;
	s16 =	simm.s32 $0xA800  }
0x7: {  	s19 =	simm.s32 $0x4080;
	s20 =	simm.s32 $0xF800;
	s21 =	simm.s32 $0x1  }
0x8: {  	s22 =	simm.s32 $0x12000;
	s23 =	simm.s32 $0x2;
	s24 =	simm.s32 $0x12080  }
0x9: {  	s25 =	simm.s32 $0x3;
	s2 =	sand.u32 $0x1, s2;
	s6 =	sshll.u32 s5, $0x1  }
0xa: {  	s26 =	simm.s32 $0x4;
	s5 =	simm.s32 $0x0;
	s7 =	sor.u32 s2, s6  }
0xb: {  	s28 =	simm.s32 $0x0;
	[smem:$0x7FF] =	sst s5;
	s6 =	smul.u32 $0x2710, s7  }
0xc: {  	s2 =	ssub.s32 $0x2, s2;
	_ =	strace $0x80000047;
	s7 =	sshll.u32 s7, $0xB  }
0xd: {  	s8 =	sshrl.u32 s2, $0x1;
	s7 =	sadd.s32 s0, s7;
	s31 =	sshrl.u32 s6, $0x3  }
0xe: {  	s2 =	ssub.s32 s2, s8;
	s8 =	sadd.s32 $0x10000, s7;
	s0 =	sadd.s32 s4, s31  }
0xf: {  	v0 =	vimm.f32 $0.0e+00;
	s9 =	sadd.s32 $0x50, s6;
	s11 =	smax.u32 s2, $0x1;
	s10 =	sadd.s32 $0x4D8, s0  }
.LBB2_1:
0x10: {  	[tilespmem:s5], [sflag:$0x5] =	stream.linear.gather [hbm4b:s8+s5], $0x3E80, $0x38;
	[tilespmem:$0x12100] =	vst v63  }
0x11: {  	_ =	swait.ge [sflag:s12], $0x3E80  }
0x12: {  	[sflag:s12] =	ssyncset.done $0x0  }
0x13: {  	[sflag:s12] =	ssyncadd.s32 $0xFFFFC180  }
0x14: {  	[tilespmem:s13], [sflag:$0x5] =	stream.linear.gather [hbm4b:s7+s5], $0x3E80, $0x38;
	[tilespmem:$0x12100] =	vst v63  }
0x15: {  	_ =	swait.ge [sflag:s12], $0x3E80  }
0x16: {  	[sflag:s12] =	ssyncset.done $0x0  }
0x17: {  	[sflag:s12] =	ssyncadd.s32 $0xFFFFC180  }
0x18: {  	[tilespmem:s15], [sflag:$0x1] =	stream.indirect.gather [hbm4b:s1+s14], $0x80, s5, s14, $0xb8;
	[tilespmem:$0x12100] =	vst v63  }
0x19: {  	_ = 	snop  }
0x1a: {  	[tilespmem:s16], [sflag:$0x1] =	stream.indirect.gather [hbm4b:s3+s14], $0x80, s13, s14, $0xb8;
	[tilespmem:$0x12100] =	vst v63  }
0x1b: {  	s0 =	simm.s32 $0x80;
	s2 =	simm.s32 $0xD000  }
0x1c: {  	[tilespmem:s2], [sflag:$0x2] =	stream.indirect.gather [hbm4b:s1+s14], $0x80, s0, s14, $0xb8;
	[tilespmem:$0x12100] =	vst v63  }
0x1d: {  	s29 =	simm.s32 $0x0  }
0x1e: {  	[tilespmem:s20], [sflag:$0x2] =	stream.indirect.gather [hbm4b:s3+s14], $0x80, s19, s14, $0xb8;
	[tilespmem:$0x12100] =	vst v63  }
.LBB2_2:
0x1f: {  	_ =	swait.ge [sflag:s21], $0x2800  }
0x20: {  	[sflag:s21] =	ssyncset.done $0x0  }
0x21: {  	[sflag:s21] =	ssyncadd.s32 $0xFFFFD800  }
0x22: {  	_ =	swait.ge [sflag:s21], $0x2800  }
0x23: {  	p0 =	seq.s32 s29, $0x0;
	[sflag:s21] =	ssyncset.done $0x0  }
0x24: {  	s0 =	simm.s32 @!p0 $0x3;
	[sflag:s21] =	ssyncadd.s32 $0xFFFFD800  }
0x25: {  	_ =	swait.ge @!p0 [sflag:s0], $0x50  }
0x26: {  	[sflag:s0] =	ssyncset.done @!p0 $0x0  }
0x27: {  	[sflag:s0] =	ssyncadd.s32 @!p0 $0xFFFFFFB0  }
0x28: {  	[tilespmem:$0x12000] =	vst v0  }
0x29: {  	[tilespmem:$0x12010] =	vst v0  }
0x2a: {  	[tilespmem:$0x12020] =	vst v0  }
0x2b: {  	[tilespmem:$0x12030] =	vst v0  }
0x2c: {  	s30 =	simm.s32 $0x0;
	[tilespmem:$0x12040] =	vst v0  }
.LBB2_3:
0x2d: {  	s0 =	sshll.u32 s30, $0xB  }
0x2e: {  	v1 =	vld [tilespmem:s0+$0x8000]  }
0x2f: {  	v2 =	vld [tilespmem:s0+$0xA800]  }
0x30: {  	v3 =	vld [tilespmem:s0+$0x8010]  }
0x31: {  	v4 =	vld [tilespmem:s0+$0xA810]  }
0x32: {  	v5 =	vld [tilespmem:s0+$0x8020]  }
0x33: {  	v6 =	vld [tilespmem:s0+$0xA820]  }
0x34: {  	v7 =	vld [tilespmem:s0+$0x8030]  }
0x35: {  	v8 =	vld [tilespmem:s0+$0xA830]  }
0x36: {  	v9 =	vld [tilespmem:s0+$0x8040]  }
0x37: {  	v10 =	vld [tilespmem:s0+$0xA840]  }
0x38: {  	v11 =	vld [tilespmem:s0+$0x8050]  }
0x39: {  	v12 =	vld [tilespmem:s0+$0xA850]  }
0x3a: {  	v13 =	vld [tilespmem:s0+$0x8060]  }
0x3b: {  	v14 =	vld [tilespmem:s0+$0xA860]  }
0x3c: {  	v15 =	vld [tilespmem:s0+$0x8070]  }
0x3d: {  	v16 =	vld [tilespmem:s0+$0xA870];
	_ =	sdelay $0x1  }
0x3e: {  	v1 =	vmul.f32 v2, v1;
	v2 =	vmul.f32 v4, v3  }
0x3f: {  	v3 =	vmul.f32 v6, v5;
	v54 =	vmul.f32 v8, v7  }
0x40: {  	v55 =	vmul.f32 v10, v9;
	v56 =	vmul.f32 v12, v11  }
0x41: {  	s2 =	sshll.u32 s30, $0x4;
	v57 =	vmul.f32 v14, v13;
	v58 =	vmul.f32 v16, v15  }
0x42: {  	v59 =	vmov s2;
	v1 =	vadd.f32 v55, v1;
	v2 =	vadd.f32 v56, v2  }
0x43: {  	v5 =	vbroadcast v59, $0x0;
	v3 =	vadd.f32 v57, v3;
	v4 =	vadd.f32 v58, v54;
	_ =	sdelay $0x1  }
0x44: {  	v1 =	vadd.f32 v2, v1;
	v2 =	vadd.f32 v4, v3;
	_ =	sdelay $0x1  }
0x45: {  	v1 =	vadd.f32 v2, v1  }
0x46: {  	s18 =	sor.u32 $0x1, s2  }
0x47: {  	s31 =	sshll.u32 s18, $0x7;
	[tilespmem:v5+s22+$0x0] =	vst.idx.add.f32.msk $0xffff, v1  }
0x48: {  	v1 =	vld [tilespmem:s31+$0x8000]  }
0x49: {  	v2 =	vld [tilespmem:s31+$0xA800]  }
0x4a: {  	v3 =	vld [tilespmem:s31+$0x8010]  }
0x4b: {  	v60 =	vld [tilespmem:s31+$0xA810]  }
0x4c: {  	v5 =	vld [tilespmem:s31+$0x8020]  }
0x4d: {  	v61 =	vld [tilespmem:s31+$0xA820]  }
0x4e: {  	v62 =	vld [tilespmem:s31+$0x8030]  }
0x4f: {  	v63 =	vld [tilespmem:s31+$0xA830]  }
0x50: {  	v20 =	vld [tilespmem:s31+$0x8040]  }
0x51: {  	v21 =	vld [tilespmem:s31+$0xA840]  }
0x52: {  	v22 =	vld [tilespmem:s31+$0x8050]  }
0x53: {  	v23 =	vld [tilespmem:s31+$0xA850]  }
0x54: {  	v24 =	vld [tilespmem:s31+$0x8060]  }
0x55: {  	v25 =	vld [tilespmem:s31+$0xA860]  }
0x56: {  	v26 =	vld [tilespmem:s31+$0x8070]  }
0x57: {  	v27 =	vld [tilespmem:s31+$0xA870];
	_ =	sdelay $0x1  }
0x58: {  	v1 =	vmul.f32 v2, v1;
	v2 =	vmul.f32 v60, v3  }
0x59: {  	v3 =	vmul.f32 v61, v5;
	v28 =	vmul.f32 v63, v62  }
0x5a: {  	v29 =	vmul.f32 v21, v20;
	v30 =	vmul.f32 v23, v22  }
0x5b: {  	v31 =	vmul.f32 v25, v24;
	v32 =	vmul.f32 v27, v26  }
0x5c: {  	v33 =	vmov s18;
	v1 =	vadd.f32 v29, v1;
	v2 =	vadd.f32 v30, v2  }
0x5d: {  	v5 =	vbroadcast v33, $0x0;
	v3 =	vadd.f32 v31, v3;
	v4 =	vadd.f32 v32, v28;
	_ =	sdelay $0x1  }
0x5e: {  	v1 =	vadd.f32 v2, v1;
	v2 =	vadd.f32 v4, v3;
	_ =	sdelay $0x1  }
0x5f: {  	v1 =	vadd.f32 v2, v1  }
0x60: {  	s17 =	sor.u32 $0x2, s2  }
0x61: {  	s18 =	sshll.u32 s17, $0x7;
	[tilespmem:v5+s22+$0x0] =	vst.idx.add.f32.msk $0xffff, v1  }
0x62: {  	v1 =	vld [tilespmem:s18+$0x8000]  }
0x63: {  	v2 =	vld [tilespmem:s18+$0xA800]  }
0x64: {  	v3 =	vld [tilespmem:s18+$0x8010]  }
0x65: {  	v34 =	vld [tilespmem:s18+$0xA810]  }
0x66: {  	v5 =	vld [tilespmem:s18+$0x8020]  }
0x67: {  	v35 =	vld [tilespmem:s18+$0xA820]  }
0x68: {  	v36 =	vld [tilespmem:s18+$0x8030]  }
0x69: {  	v37 =	vld [tilespmem:s18+$0xA830]  }
0x6a: {  	v38 =	vld [tilespmem:s18+$0x8040]  }
0x6b: {  	v39 =	vld [tilespmem:s18+$0xA840]  }
0x6c: {  	v40 =	vld [tilespmem:s18+$0x8050]  }
0x6d: {  	v41 =	vld [tilespmem:s18+$0xA850]  }
0x6e: {  	v42 =	vld [tilespmem:s18+$0x8060]  }
0x6f: {  	v43 =	vld [tilespmem:s18+$0xA860]  }
0x70: {  	v44 =	vld [tilespmem:s18+$0x8070]  }
0x71: {  	v45 =	vld [tilespmem:s18+$0xA870];
	_ =	sdelay $0x1  }
0x72: {  	v1 =	vmul.f32 v2, v1;
	v2 =	vmul.f32 v34, v3  }
0x73: {  	v3 =	vmul.f32 v35, v5;
	v46 =	vmul.f32 v37, v36  }
0x74: {  	v47 =	vmul.f32 v39, v38;
	v48 =	vmul.f32 v41, v40  }
0x75: {  	v49 =	vmul.f32 v43, v42;
	v50 =	vmul.f32 v45, v44  }
0x76: {  	v51 =	vmov s17;
	v1 =	vadd.f32 v47, v1;
	v2 =	vadd.f32 v48, v2  }
0x77: {  	v5 =	vbroadcast v51, $0x0;
	v3 =	vadd.f32 v49, v3;
	v4 =	vadd.f32 v50, v46;
	_ =	sdelay $0x1  }
0x78: {  	v1 =	vadd.f32 v2, v1;
	v2 =	vadd.f32 v4, v3;
	_ =	sdelay $0x1  }
0x79: {  	v1 =	vadd.f32 v2, v1  }
0x7a: {  	s17 =	sor.u32 $0x3, s2  }
0x7b: {  	s18 =	sshll.u32 s17, $0x7;
	[tilespmem:v5+s22+$0x0] =	vst.idx.add.f32.msk $0xffff, v1  }
0x7c: {  	v1 =	vld [tilespmem:s18+$0x8000]  }
0x7d: {  	v2 =	vld [tilespmem:s18+$0xA800]  }
0x7e: {  	v3 =	vld [tilespmem:s18+$0x8010]  }
0x7f: {  	v52 =	vld [tilespmem:s18+$0xA810]  }
0x80: {  	v5 =	vld [tilespmem:s18+$0x8020]  }
0x81: {  	v53 =	vld [tilespmem:s18+$0xA820]  }
0x82: {  	v54 =	vld [tilespmem:s18+$0x8030]  }
0x83: {  	v55 =	vld [tilespmem:s18+$0xA830]  }
0x84: {  	v56 =	vld [tilespmem:s18+$0x8040]  }
0x85: {  	v57 =	vld [tilespmem:s18+$0xA840]  }
0x86: {  	v58 =	vld [tilespmem:s18+$0x8050]  }
0x87: {  	v59 =	vld [tilespmem:s18+$0xA850]  }
0x88: {  	v60 =	vld [tilespmem:s18+$0x8060]  }
0x89: {  	v61 =	vld [tilespmem:s18+$0xA860]  }
0x8a: {  	v62 =	vld [tilespmem:s18+$0x8070]  }
0x8b: {  	v63 =	vld [tilespmem:s18+$0xA870];
	_ =	sdelay $0x1  }
0x8c: {  	v1 =	vmul.f32 v2, v1;
	v2 =	vmul.f32 v52, v3  }
0x8d: {  	v3 =	vmul.f32 v53, v5;
	v18 =	vmul.f32 v55, v54  }
0x8e: {  	v19 =	vmul.f32 v57, v56;
	v20 =	vmul.f32 v59, v58  }
0x8f: {  	v21 =	vmul.f32 v61, v60;
	v22 =	vmul.f32 v63, v62  }
0x90: {  	v23 =	vmov s17;
	v1 =	vadd.f32 v19, v1;
	v2 =	vadd.f32 v20, v2  }
0x91: {  	v5 =	vbroadcast v23, $0x0;
	v3 =	vadd.f32 v21, v3;
	v4 =	vadd.f32 v22, v18;
	_ =	sdelay $0x1  }
0x92: {  	v1 =	vadd.f32 v2, v1;
	v2 =	vadd.f32 v4, v3;
	_ =	sdelay $0x1  }
0x93: {  	v1 =	vadd.f32 v2, v1  }
0x94: {  	s17 =	sor.u32 $0x4, s2  }
0x95: {  	s18 =	sshll.u32 s17, $0x7;
	[tilespmem:v5+s22+$0x0] =	vst.idx.add.f32.msk $0xffff, v1  }
0x96: {  	v1 =	vld [tilespmem:s18+$0x8000]  }
0x97: {  	v2 =	vld [tilespmem:s18+$0xA800]  }
0x98: {  	v3 =	vld [tilespmem:s18+$0x8010]  }
0x99: {  	v24 =	vld [tilespmem:s18+$0xA810]  }
0x9a: {  	v5 =	vld [tilespmem:s18+$0x8020]  }
0x9b: {  	v25 =	vld [tilespmem:s18+$0xA820]  }
0x9c: {  	v26 =	vld [tilespmem:s18+$0x8030]  }
0x9d: {  	v27 =	vld [tilespmem:s18+$0xA830]  }
0x9e: {  	v28 =	vld [tilespmem:s18+$0x8040]  }
0x9f: {  	v29 =	vld [tilespmem:s18+$0xA840]  }
0xa0: {  	v30 =	vld [tilespmem:s18+$0x8050]  }
0xa1: {  	v31 =	vld [tilespmem:s18+$0xA850]  }
0xa2: {  	v32 =	vld [tilespmem:s18+$0x8060]  }
0xa3: {  	v33 =	vld [tilespmem:s18+$0xA860]  }
0xa4: {  	v34 =	vld [tilespmem:s18+$0x8070]  }
0xa5: {  	v35 =	vld [tilespmem:s18+$0xA870];
	_ =	sdelay $0x1  }
0xa6: {  	v1 =	vmul.f32 v2, v1;
	v2 =	vmul.f32 v24, v3  }
0xa7: {  	v3 =	vmul.f32 v25, v5;
	v36 =	vmul.f32 v27, v26  }
0xa8: {  	v37 =	vmul.f32 v29, v28;
	v38 =	vmul.f32 v31, v30  }
0xa9: {  	v39 =	vmul.f32 v33, v32;
	v40 =	vmul.f32 v35, v34  }
0xaa: {  	v41 =	vmov s17;
	v1 =	vadd.f32 v37, v1;
	v2 =	vadd.f32 v38, v2  }
0xab: {  	v5 =	vbroadcast v41, $0x0;
	v3 =	vadd.f32 v39, v3;
	v4 =	vadd.f32 v40, v36;
	_ =	sdelay $0x1  }
0xac: {  	v1 =	vadd.f32 v2, v1;
	v2 =	vadd.f32 v4, v3;
	_ =	sdelay $0x1  }
0xad: {  	v1 =	vadd.f32 v2, v1  }
0xae: {  	s17 =	sor.u32 $0x5, s2  }
0xaf: {  	s18 =	sshll.u32 s17, $0x7;
	[tilespmem:v5+s22+$0x0] =	vst.idx.add.f32.msk $0xffff, v1  }
0xb0: {  	v1 =	vld [tilespmem:s18+$0x8000]  }
0xb1: {  	v2 =	vld [tilespmem:s18+$0xA800]  }
0xb2: {  	v3 =	vld [tilespmem:s18+$0x8010]  }
0xb3: {  	v42 =	vld [tilespmem:s18+$0xA810]  }
0xb4: {  	v5 =	vld [tilespmem:s18+$0x8020]  }
0xb5: {  	v43 =	vld [tilespmem:s18+$0xA820]  }
0xb6: {  	v44 =	vld [tilespmem:s18+$0x8030]  }
0xb7: {  	v45 =	vld [tilespmem:s18+$0xA830]  }
0xb8: {  	v46 =	vld [tilespmem:s18+$0x8040]  }
0xb9: {  	v47 =	vld [tilespmem:s18+$0xA840]  }
0xba: {  	v48 =	vld [tilespmem:s18+$0x8050]  }
0xbb: {  	v49 =	vld [tilespmem:s18+$0xA850]  }
0xbc: {  	v50 =	vld [tilespmem:s18+$0x8060]  }
0xbd: {  	v51 =	vld [tilespmem:s18+$0xA860]  }
0xbe: {  	v52 =	vld [tilespmem:s18+$0x8070]  }
0xbf: {  	v53 =	vld [tilespmem:s18+$0xA870];
	_ =	sdelay $0x1  }
0xc0: {  	v1 =	vmul.f32 v2, v1;
	v2 =	vmul.f32 v42, v3  }
0xc1: {  	v3 =	vmul.f32 v43, v5;
	v54 =	vmul.f32 v45, v44  }
0xc2: {  	v55 =	vmul.f32 v47, v46;
	v56 =	vmul.f32 v49, v48  }
0xc3: {  	v57 =	vmul.f32 v51, v50;
	v58 =	vmul.f32 v53, v52  }
0xc4: {  	v59 =	vmov s17;
	v1 =	vadd.f32 v55, v1;
	v2 =	vadd.f32 v56, v2  }
0xc5: {  	v5 =	vbroadcast v59, $0x0;
	v3 =	vadd.f32 v57, v3;
	v4 =	vadd.f32 v58, v54;
	_ =	sdelay $0x1  }
0xc6: {  	v1 =	vadd.f32 v2, v1;
	v2 =	vadd.f32 v4, v3;
	_ =	sdelay $0x1  }
0xc7: {  	v1 =	vadd.f32 v2, v1  }
0xc8: {  	s17 =	sor.u32 $0x6, s2  }
0xc9: {  	s18 =	sshll.u32 s17, $0x7;
	[tilespmem:v5+s22+$0x0] =	vst.idx.add.f32.msk $0xffff, v1  }
0xca: {  	v1 =	vld [tilespmem:s18+$0x8000]  }
0xcb: {  	v2 =	vld [tilespmem:s18+$0xA800]  }
0xcc: {  	v3 =	vld [tilespmem:s18+$0x8010]  }
0xcd: {  	v60 =	vld [tilespmem:s18+$0xA810]  }
0xce: {  	v5 =	vld [tilespmem:s18+$0x8020]  }
0xcf: {  	v61 =	vld [tilespmem:s18+$0xA820]  }
0xd0: {  	v62 =	vld [tilespmem:s18+$0x8030]  }
0xd1: {  	v63 =	vld [tilespmem:s18+$0xA830]  }
0xd2: {  	v20 =	vld [tilespmem:s18+$0x8040]  }
0xd3: {  	v21 =	vld [tilespmem:s18+$0xA840]  }
0xd4: {  	v22 =	vld [tilespmem:s18+$0x8050]  }
0xd5: {  	v23 =	vld [tilespmem:s18+$0xA850]  }
0xd6: {  	v24 =	vld [tilespmem:s18+$0x8060]  }
0xd7: {  	v25 =	vld [tilespmem:s18+$0xA860]  }
0xd8: {  	v26 =	vld [tilespmem:s18+$0x8070]  }
0xd9: {  	v27 =	vld [tilespmem:s18+$0xA870];
	_ =	sdelay $0x1  }
0xda: {  	v1 =	vmul.f32 v2, v1;
	v2 =	vmul.f32 v60, v3  }
0xdb: {  	v3 =	vmul.f32 v61, v5;
	v28 =	vmul.f32 v63, v62  }
0xdc: {  	v29 =	vmul.f32 v21, v20;
	v30 =	vmul.f32 v23, v22  }
0xdd: {  	v31 =	vmul.f32 v25, v24;
	v32 =	vmul.f32 v27, v26  }
0xde: {  	v33 =	vmov s17;
	v1 =	vadd.f32 v29, v1;
	v2 =	vadd.f32 v30, v2  }
0xdf: {  	v5 =	vbroadcast v33, $0x0;
	v3 =	vadd.f32 v31, v3;
	v4 =	vadd.f32 v32, v28;
	_ =	sdelay $0x1  }
0xe0: {  	v1 =	vadd.f32 v2, v1;
	v2 =	vadd.f32 v4, v3;
	_ =	sdelay $0x1  }
0xe1: {  	v1 =	vadd.f32 v2, v1  }
0xe2: {  	s17 =	sor.u32 $0x7, s2  }
0xe3: {  	s18 =	sshll.u32 s17, $0x7;
	[tilespmem:v5+s22+$0x0] =	vst.idx.add.f32.msk $0xffff, v1  }
0xe4: {  	v1 =	vld [tilespmem:s18+$0x8000]  }
0xe5: {  	v2 =	vld [tilespmem:s18+$0xA800]  }
0xe6: {  	v3 =	vld [tilespmem:s18+$0x8010]  }
0xe7: {  	v34 =	vld [tilespmem:s18+$0xA810]  }
0xe8: {  	v5 =	vld [tilespmem:s18+$0x8020]  }
0xe9: {  	v35 =	vld [tilespmem:s18+$0xA820]  }
0xea: {  	v36 =	vld [tilespmem:s18+$0x8030]  }
0xeb: {  	v37 =	vld [tilespmem:s18+$0xA830]  }
0xec: {  	v38 =	vld [tilespmem:s18+$0x8040]  }
0xed: {  	v39 =	vld [tilespmem:s18+$0xA840]  }
0xee: {  	v40 =	vld [tilespmem:s18+$0x8050]  }
0xef: {  	v41 =	vld [tilespmem:s18+$0xA850]  }
0xf0: {  	v42 =	vld [tilespmem:s18+$0x8060]  }
0xf1: {  	v43 =	vld [tilespmem:s18+$0xA860]  }
0xf2: {  	v44 =	vld [tilespmem:s18+$0x8070]  }
0xf3: {  	v45 =	vld [tilespmem:s18+$0xA870];
	_ =	sdelay $0x1  }
0xf4: {  	v1 =	vmul.f32 v2, v1;
	v2 =	vmul.f32 v34, v3  }
0xf5: {  	v3 =	vmul.f32 v35, v5;
	v46 =	vmul.f32 v37, v36  }
0xf6: {  	v47 =	vmul.f32 v39, v38;
	v48 =	vmul.f32 v41, v40  }
0xf7: {  	v49 =	vmul.f32 v43, v42;
	v50 =	vmul.f32 v45, v44  }
0xf8: {  	v51 =	vmov s17;
	v1 =	vadd.f32 v47, v1;
	v2 =	vadd.f32 v48, v2  }
0xf9: {  	v5 =	vbroadcast v51, $0x0;
	v3 =	vadd.f32 v49, v3;
	v4 =	vadd.f32 v50, v46;
	_ =	sdelay $0x1  }
0xfa: {  	v1 =	vadd.f32 v2, v1;
	v2 =	vadd.f32 v4, v3;
	_ =	sdelay $0x1  }
0xfb: {  	v1 =	vadd.f32 v2, v1  }
0xfc: {  	s17 =	sor.u32 $0x8, s2  }
0xfd: {  	s18 =	sshll.u32 s17, $0x7;
	[tilespmem:v5+s22+$0x0] =	vst.idx.add.f32.msk $0xffff, v1  }
0xfe: {  	v1 =	vld [tilespmem:s18+$0x8000]  }
0xff: {  	v2 =	vld [tilespmem:s18+$0xA800]  }
0x100: {  	v3 =	vld [tilespmem:s18+$0x8010]  }
0x101: {  	v52 =	vld [tilespmem:s18+$0xA810]  }
0x102: {  	v5 =	vld [tilespmem:s18+$0x8020]  }
0x103: {  	v53 =	vld [tilespmem:s18+$0xA820]  }
0x104: {  	v54 =	vld [tilespmem:s18+$0x8030]  }
0x105: {  	v55 =	vld [tilespmem:s18+$0xA830]  }
0x106: {  	v56 =	vld [tilespmem:s18+$0x8040]  }
0x107: {  	v57 =	vld [tilespmem:s18+$0xA840]  }
0x108: {  	v58 =	vld [tilespmem:s18+$0x8050]  }
0x109: {  	v59 =	vld [tilespmem:s18+$0xA850]  }
0x10a: {  	v60 =	vld [tilespmem:s18+$0x8060]  }
0x10b: {  	v61 =	vld [tilespmem:s18+$0xA860]  }
0x10c: {  	v62 =	vld [tilespmem:s18+$0x8070]  }
0x10d: {  	v63 =	vld [tilespmem:s18+$0xA870];
	_ =	sdelay $0x1  }
0x10e: {  	v1 =	vmul.f32 v2, v1;
	v2 =	vmul.f32 v52, v3  }
0x10f: {  	v3 =	vmul.f32 v53, v5;
	v20 =	vmul.f32 v55, v54  }
0x110: {  	v21 =	vmul.f32 v57, v56;
	v22 =	vmul.f32 v59, v58  }
0x111: {  	v23 =	vmul.f32 v61, v60;
	v24 =	vmul.f32 v63, v62  }
0x112: {  	v25 =	vmov s17;
	v1 =	vadd.f32 v21, v1;
	v2 =	vadd.f32 v22, v2  }
0x113: {  	v5 =	vbroadcast v25, $0x0;
	v3 =	vadd.f32 v23, v3;
	v4 =	vadd.f32 v24, v20;
	_ =	sdelay $0x1  }
0x114: {  	v1 =	vadd.f32 v2, v1;
	v2 =	vadd.f32 v4, v3;
	_ =	sdelay $0x1  }
0x115: {  	v1 =	vadd.f32 v2, v1  }
0x116: {  	s17 =	sor.u32 $0x9, s2  }
0x117: {  	s18 =	sshll.u32 s17, $0x7;
	[tilespmem:v5+s22+$0x0] =	vst.idx.add.f32.msk $0xffff, v1  }
0x118: {  	v1 =	vld [tilespmem:s18+$0x8000]  }
0x119: {  	v2 =	vld [tilespmem:s18+$0xA800]  }
0x11a: {  	v3 =	vld [tilespmem:s18+$0x8010]  }
0x11b: {  	v26 =	vld [tilespmem:s18+$0xA810]  }
0x11c: {  	v5 =	vld [tilespmem:s18+$0x8020]  }
0x11d: {  	v27 =	vld [tilespmem:s18+$0xA820]  }
0x11e: {  	v28 =	vld [tilespmem:s18+$0x8030]  }
0x11f: {  	v29 =	vld [tilespmem:s18+$0xA830]  }
0x120: {  	v30 =	vld [tilespmem:s18+$0x8040]  }
0x121: {  	v31 =	vld [tilespmem:s18+$0xA840]  }
0x122: {  	v32 =	vld [tilespmem:s18+$0x8050]  }
0x123: {  	v33 =	vld [tilespmem:s18+$0xA850]  }
0x124: {  	v34 =	vld [tilespmem:s18+$0x8060]  }
0x125: {  	v35 =	vld [tilespmem:s18+$0xA860]  }
0x126: {  	v36 =	vld [tilespmem:s18+$0x8070]  }
0x127: {  	v37 =	vld [tilespmem:s18+$0xA870];
	_ =	sdelay $0x1  }
0x128: {  	v1 =	vmul.f32 v2, v1;
	v2 =	vmul.f32 v26, v3  }
0x129: {  	v3 =	vmul.f32 v27, v5;
	v38 =	vmul.f32 v29, v28  }
0x12a: {  	v39 =	vmul.f32 v31, v30;
	v40 =	vmul.f32 v33, v32  }
0x12b: {  	v41 =	vmul.f32 v35, v34;
	v42 =	vmul.f32 v37, v36  }
0x12c: {  	v43 =	vmov s17;
	v1 =	vadd.f32 v39, v1;
	v2 =	vadd.f32 v40, v2  }
0x12d: {  	v5 =	vbroadcast v43, $0x0;
	v3 =	vadd.f32 v41, v3;
	v4 =	vadd.f32 v42, v38;
	_ =	sdelay $0x1  }
0x12e: {  	v1 =	vadd.f32 v2, v1;
	v2 =	vadd.f32 v4, v3;
	_ =	sdelay $0x1  }
0x12f: {  	v1 =	vadd.f32 v2, v1  }
0x130: {  	s17 =	sor.u32 $0xA, s2  }
0x131: {  	s18 =	sshll.u32 s17, $0x7;
	[tilespmem:v5+s22+$0x0] =	vst.idx.add.f32.msk $0xffff, v1  }
0x132: {  	v1 =	vld [tilespmem:s18+$0x8000]  }
0x133: {  	v2 =	vld [tilespmem:s18+$0xA800]  }
0x134: {  	v3 =	vld [tilespmem:s18+$0x8010]  }
0x135: {  	v44 =	vld [tilespmem:s18+$0xA810]  }
0x136: {  	v5 =	vld [tilespmem:s18+$0x8020]  }
0x137: {  	v45 =	vld [tilespmem:s18+$0xA820]  }
0x138: {  	v46 =	vld [tilespmem:s18+$0x8030]  }
0x139: {  	v47 =	vld [tilespmem:s18+$0xA830]  }
0x13a: {  	v48 =	vld [tilespmem:s18+$0x8040]  }
0x13b: {  	v49 =	vld [tilespmem:s18+$0xA840]  }
0x13c: {  	v50 =	vld [tilespmem:s18+$0x8050]  }
0x13d: {  	v51 =	vld [tilespmem:s18+$0xA850]  }
0x13e: {  	v52 =	vld [tilespmem:s18+$0x8060]  }
0x13f: {  	v53 =	vld [tilespmem:s18+$0xA860]  }
0x140: {  	v54 =	vld [tilespmem:s18+$0x8070]  }
0x141: {  	v55 =	vld [tilespmem:s18+$0xA870];
	_ =	sdelay $0x1  }
0x142: {  	v1 =	vmul.f32 v2, v1;
	v2 =	vmul.f32 v44, v3  }
0x143: {  	v3 =	vmul.f32 v45, v5;
	v56 =	vmul.f32 v47, v46  }
0x144: {  	v57 =	vmul.f32 v49, v48;
	v58 =	vmul.f32 v51, v50  }
0x145: {  	v59 =	vmul.f32 v53, v52;
	v60 =	vmul.f32 v55, v54  }
0x146: {  	v61 =	vmov s17;
	v1 =	vadd.f32 v57, v1;
	v2 =	vadd.f32 v58, v2  }
0x147: {  	v5 =	vbroadcast v61, $0x0;
	v3 =	vadd.f32 v59, v3;
	v4 =	vadd.f32 v60, v56;
	_ =	sdelay $0x1  }
0x148: {  	v1 =	vadd.f32 v2, v1;
	v2 =	vadd.f32 v4, v3;
	_ =	sdelay $0x1  }
0x149: {  	v1 =	vadd.f32 v2, v1  }
0x14a: {  	s17 =	sor.u32 $0xB, s2  }
0x14b: {  	s18 =	sshll.u32 s17, $0x7;
	[tilespmem:v5+s22+$0x0] =	vst.idx.add.f32.msk $0xffff, v1  }
0x14c: {  	v1 =	vld [tilespmem:s18+$0x8000]  }
0x14d: {  	v2 =	vld [tilespmem:s18+$0xA800]  }
0x14e: {  	v3 =	vld [tilespmem:s18+$0x8010]  }
0x14f: {  	v62 =	vld [tilespmem:s18+$0xA810]  }
0x150: {  	v5 =	vld [tilespmem:s18+$0x8020]  }
0x151: {  	v63 =	vld [tilespmem:s18+$0xA820]  }
0x152: {  	v20 =	vld [tilespmem:s18+$0x8030]  }
0x153: {  	v21 =	vld [tilespmem:s18+$0xA830]  }
0x154: {  	v22 =	vld [tilespmem:s18+$0x8040]  }
0x155: {  	v23 =	vld [tilespmem:s18+$0xA840]  }
0x156: {  	v24 =	vld [tilespmem:s18+$0x8050]  }
0x157: {  	v25 =	vld [tilespmem:s18+$0xA850]  }
0x158: {  	v26 =	vld [tilespmem:s18+$0x8060]  }
0x159: {  	v27 =	vld [tilespmem:s18+$0xA860]  }
0x15a: {  	v28 =	vld [tilespmem:s18+$0x8070]  }
0x15b: {  	v29 =	vld [tilespmem:s18+$0xA870];
	_ =	sdelay $0x1  }
0x15c: {  	v1 =	vmul.f32 v2, v1;
	v2 =	vmul.f32 v62, v3  }
0x15d: {  	v3 =	vmul.f32 v63, v5;
	v30 =	vmul.f32 v21, v20  }
0x15e: {  	v31 =	vmul.f32 v23, v22;
	v32 =	vmul.f32 v25, v24  }
0x15f: {  	v33 =	vmul.f32 v27, v26;
	v34 =	vmul.f32 v29, v28  }
0x160: {  	v35 =	vmov s17;
	v1 =	vadd.f32 v31, v1;
	v2 =	vadd.f32 v32, v2  }
0x161: {  	v5 =	vbroadcast v35, $0x0;
	v3 =	vadd.f32 v33, v3;
	v4 =	vadd.f32 v34, v30;
	_ =	sdelay $0x1  }
0x162: {  	v1 =	vadd.f32 v2, v1;
	v2 =	vadd.f32 v4, v3;
	_ =	sdelay $0x1  }
0x163: {  	v1 =	vadd.f32 v2, v1  }
0x164: {  	s17 =	sor.u32 $0xC, s2  }
0x165: {  	s18 =	sshll.u32 s17, $0x7;
	[tilespmem:v5+s22+$0x0] =	vst.idx.add.f32.msk $0xffff, v1  }
0x166: {  	v1 =	vld [tilespmem:s18+$0x8000]  }
0x167: {  	v2 =	vld [tilespmem:s18+$0xA800]  }
0x168: {  	v3 =	vld [tilespmem:s18+$0x8010]  }
0x169: {  	v36 =	vld [tilespmem:s18+$0xA810]  }
0x16a: {  	v5 =	vld [tilespmem:s18+$0x8020]  }
0x16b: {  	v37 =	vld [tilespmem:s18+$0xA820]  }
0x16c: {  	v38 =	vld [tilespmem:s18+$0x8030]  }
0x16d: {  	v39 =	vld [tilespmem:s18+$0xA830]  }
0x16e: {  	v40 =	vld [tilespmem:s18+$0x8040]  }
0x16f: {  	v41 =	vld [tilespmem:s18+$0xA840]  }
0x170: {  	v42 =	vld [tilespmem:s18+$0x8050]  }
0x171: {  	v43 =	vld [tilespmem:s18+$0xA850]  }
0x172: {  	v44 =	vld [tilespmem:s18+$0x8060]  }
0x173: {  	v45 =	vld [tilespmem:s18+$0xA860]  }
0x174: {  	v46 =	vld [tilespmem:s18+$0x8070]  }
0x175: {  	v47 =	vld [tilespmem:s18+$0xA870];
	_ =	sdelay $0x1  }
0x176: {  	v1 =	vmul.f32 v2, v1;
	v2 =	vmul.f32 v36, v3  }
0x177: {  	v3 =	vmul.f32 v37, v5;
	v48 =	vmul.f32 v39, v38  }
0x178: {  	v49 =	vmul.f32 v41, v40;
	v50 =	vmul.f32 v43, v42  }
0x179: {  	v51 =	vmul.f32 v45, v44;
	v52 =	vmul.f32 v47, v46  }
0x17a: {  	v53 =	vmov s17;
	v1 =	vadd.f32 v49, v1;
	v2 =	vadd.f32 v50, v2  }
0x17b: {  	v5 =	vbroadcast v53, $0x0;
	v3 =	vadd.f32 v51, v3;
	v4 =	vadd.f32 v52, v48;
	_ =	sdelay $0x1  }
0x17c: {  	v1 =	vadd.f32 v2, v1;
	v2 =	vadd.f32 v4, v3;
	_ =	sdelay $0x1  }
0x17d: {  	v1 =	vadd.f32 v2, v1  }
0x17e: {  	s17 =	sor.u32 $0xD, s2  }
0x17f: {  	s18 =	sshll.u32 s17, $0x7;
	[tilespmem:v5+s22+$0x0] =	vst.idx.add.f32.msk $0xffff, v1  }
0x180: {  	v1 =	vld [tilespmem:s18+$0x8000]  }
0x181: {  	v2 =	vld [tilespmem:s18+$0xA800]  }
0x182: {  	v3 =	vld [tilespmem:s18+$0x8010]  }
0x183: {  	v54 =	vld [tilespmem:s18+$0xA810]  }
0x184: {  	v5 =	vld [tilespmem:s18+$0x8020]  }
0x185: {  	v55 =	vld [tilespmem:s18+$0xA820]  }
0x186: {  	v56 =	vld [tilespmem:s18+$0x8030]  }
0x187: {  	v57 =	vld [tilespmem:s18+$0xA830]  }
0x188: {  	v58 =	vld [tilespmem:s18+$0x8040]  }
0x189: {  	v59 =	vld [tilespmem:s18+$0xA840]  }
0x18a: {  	v60 =	vld [tilespmem:s18+$0x8050]  }
0x18b: {  	v61 =	vld [tilespmem:s18+$0xA850]  }
0x18c: {  	v62 =	vld [tilespmem:s18+$0x8060]  }
0x18d: {  	v63 =	vld [tilespmem:s18+$0xA860]  }
0x18e: {  	v20 =	vld [tilespmem:s18+$0x8070]  }
0x18f: {  	v21 =	vld [tilespmem:s18+$0xA870];
	_ =	sdelay $0x1  }
0x190: {  	v1 =	vmul.f32 v2, v1;
	v2 =	vmul.f32 v54, v3  }
0x191: {  	v3 =	vmul.f32 v55, v5;
	v22 =	vmul.f32 v57, v56  }
0x192: {  	v23 =	vmul.f32 v59, v58;
	v24 =	vmul.f32 v61, v60  }
0x193: {  	v25 =	vmul.f32 v63, v62;
	v26 =	vmul.f32 v21, v20  }
0x194: {  	v27 =	vmov s17;
	v1 =	vadd.f32 v23, v1;
	v2 =	vadd.f32 v24, v2  }
0x195: {  	v5 =	vbroadcast v27, $0x0;
	v3 =	vadd.f32 v25, v3;
	v4 =	vadd.f32 v26, v22;
	_ =	sdelay $0x1  }
0x196: {  	v1 =	vadd.f32 v2, v1;
	v2 =	vadd.f32 v4, v3;
	_ =	sdelay $0x1  }
0x197: {  	v1 =	vadd.f32 v2, v1  }
0x198: {  	s17 =	sor.u32 $0xE, s2  }
0x199: {  	s2 =	sshll.u32 s17, $0x7;
	[tilespmem:v5+s22+$0x0] =	vst.idx.add.f32.msk $0xffff, v1  }
0x19a: {  	v1 =	vld [tilespmem:s2+$0x8000]  }
0x19b: {  	v2 =	vld [tilespmem:s2+$0xA800]  }
0x19c: {  	v3 =	vld [tilespmem:s2+$0x8010]  }
0x19d: {  	v28 =	vld [tilespmem:s2+$0xA810]  }
0x19e: {  	v5 =	vld [tilespmem:s2+$0x8020]  }
0x19f: {  	v29 =	vld [tilespmem:s2+$0xA820]  }
0x1a0: {  	v30 =	vld [tilespmem:s2+$0x8030]  }
0x1a1: {  	v31 =	vld [tilespmem:s2+$0xA830]  }
0x1a2: {  	v32 =	vld [tilespmem:s2+$0x8040]  }
0x1a3: {  	v33 =	vld [tilespmem:s2+$0xA840]  }
0x1a4: {  	v34 =	vld [tilespmem:s2+$0x8050]  }
0x1a5: {  	v35 =	vld [tilespmem:s2+$0xA850]  }
0x1a6: {  	v36 =	vld [tilespmem:s2+$0x8060]  }
0x1a7: {  	v37 =	vld [tilespmem:s2+$0xA860]  }
0x1a8: {  	v38 =	vld [tilespmem:s2+$0x8070]  }
0x1a9: {  	v39 =	vld [tilespmem:s2+$0xA870];
	_ =	sdelay $0x1  }
0x1aa: {  	v1 =	vmul.f32 v2, v1;
	v2 =	vmul.f32 v28, v3  }
0x1ab: {  	v3 =	vmul.f32 v29, v5;
	v40 =	vmul.f32 v31, v30  }
0x1ac: {  	v41 =	vmul.f32 v33, v32;
	v42 =	vmul.f32 v35, v34  }
0x1ad: {  	v43 =	vmul.f32 v37, v36;
	v44 =	vmul.f32 v39, v38  }
0x1ae: {  	v45 =	vmov s17;
	v1 =	vadd.f32 v41, v1;
	v2 =	vadd.f32 v42, v2  }
0x1af: {  	v5 =	vbroadcast v45, $0x0;
	v3 =	vadd.f32 v43, v3;
	v4 =	vadd.f32 v44, v40;
	_ =	sdelay $0x1  }
0x1b0: {  	v1 =	vadd.f32 v2, v1;
	v2 =	vadd.f32 v4, v3;
	_ =	sdelay $0x1  }
0x1b1: {  	v1 =	vadd.f32 v2, v1  }
0x1b2: {  	s18 =	sshllo.u32 s30, $0x4  }
0x1b3: {  	s31 =	sshll.u32 s18, $0x7;
	[tilespmem:v5+s22+$0x0] =	vst.idx.add.f32.msk $0xffff, v1  }
0x1b4: {  	v1 =	vld [tilespmem:s31+$0x8000]  }
0x1b5: {  	v2 =	vld [tilespmem:s31+$0xA800]  }
0x1b6: {  	v3 =	vld [tilespmem:s31+$0x8010]  }
0x1b7: {  	v46 =	vld [tilespmem:s31+$0xA810]  }
0x1b8: {  	v5 =	vld [tilespmem:s31+$0x8020]  }
0x1b9: {  	v47 =	vld [tilespmem:s31+$0xA820]  }
0x1ba: {  	v48 =	vld [tilespmem:s31+$0x8030]  }
0x1bb: {  	v49 =	vld [tilespmem:s31+$0xA830]  }
0x1bc: {  	v50 =	vld [tilespmem:s31+$0x8040]  }
0x1bd: {  	v51 =	vld [tilespmem:s31+$0xA840]  }
0x1be: {  	v52 =	vld [tilespmem:s31+$0x8050]  }
0x1bf: {  	v53 =	vld [tilespmem:s31+$0xA850]  }
0x1c0: {  	v54 =	vld [tilespmem:s31+$0x8060]  }
0x1c1: {  	v55 =	vld [tilespmem:s31+$0xA860]  }
0x1c2: {  	v56 =	vld [tilespmem:s31+$0x8070]  }
0x1c3: {  	v57 =	vld [tilespmem:s31+$0xA870];
	_ =	sdelay $0x1  }
0x1c4: {  	v1 =	vmul.f32 v2, v1;
	v2 =	vmul.f32 v46, v3  }
0x1c5: {  	v3 =	vmul.f32 v47, v5;
	v58 =	vmul.f32 v49, v48  }
0x1c6: {  	v59 =	vmul.f32 v51, v50;
	v60 =	vmul.f32 v53, v52  }
0x1c7: {  	v61 =	vmul.f32 v55, v54;
	v62 =	vmul.f32 v57, v56  }
0x1c8: {  	v1 =	vadd.f32 v59, v1;
	v2 =	vadd.f32 v60, v2  }
0x1c9: {  	v3 =	vadd.f32 v61, v3;
	v4 =	vadd.f32 v62, v58  }
0x1ca: {  	p1 =	sne.s32 s30, $0x4;
	v63 =	vmov s18  }
.Ltmp0:
0x1cb: {  	v1 =	vadd.f32 v2, v1;
	v2 =	vadd.f32 v4, v3;
	(pc) =	sbr.rel @p1 .LBB2_3-.Ltmp0, $3  }
0x1cc: {  	_ = 	snop  }
0x1cd: {  	v1 =	vadd.f32 v2, v1;
	_ =	sdelay $0x1  }
0x1ce: {  	s30 =	sadd.s32 $0x1, s30;
	[tilespmem:v63+s22+$0x0] =	vst.idx.add.f32.msk $0xffff, v1  }
0x1cf: {  	s30 =	sshll.u32 s29, $0x8  }
0x1d0: {  	s31 =	smul.u32 $0xA0, s29;
	s0 =	sadd.s32 $0x100, s30  }
0x1d1: {  	[tilespmem:s15], [sflag:$0x1] =	stream.indirect.gather [hbm4b:s1+s14], $0x80, s0, s14, $0xb8;
	[tilespmem:$0x12100] =	vst v63  }
0x1d2: {  	s18 =	sadd.s32 s6, s31  }
0x1d3: {  	s17 =	sadd.s32 $0x4100, s30;
	s0 =	sshrl.u32 s18, $0x3  }
0x1d4: {  	[tilespmem:s16], [sflag:$0x1] =	stream.indirect.gather [hbm4b:s3+s14], $0x80, s17, s14, $0xb8;
	[tilespmem:$0x12100] =	vst v63  }
0x1d5: {  	s0 =	sadd.s32 s4, s0  }
0x1d6: {  	[hbm4b:s0+s5] =	stream.linear.scatter [tilespmem:s22], [sflag:$0x3], $0x50, $0x38;
	[tilespmem:$0x12100] =	vst v63  }
0x1d7: {  	_ =	swait.ge [sflag:s23], $0x2800  }
0x1d8: {  	[sflag:s23] =	ssyncset.done $0x0  }
0x1d9: {  	[sflag:s23] =	ssyncadd.s32 $0xFFFFD800  }
0x1da: {  	_ =	swait.ge [sflag:s23], $0x2800  }
0x1db: {  	[sflag:s23] =	ssyncset.done $0x0  }
0x1dc: {  	s0 =	simm.s32 @!p0 $0x4;
	[sflag:s23] =	ssyncadd.s32 $0xFFFFD800  }
0x1dd: {  	_ =	swait.ge @!p0 [sflag:s0], $0x50  }
0x1de: {  	[sflag:s0] =	ssyncset.done @!p0 $0x0  }
0x1df: {  	[sflag:s0] =	ssyncadd.s32 @!p0 $0xFFFFFFB0  }
0x1e0: {  	[tilespmem:$0x12080] =	vst v0  }
0x1e1: {  	[tilespmem:$0x12090] =	vst v0  }
0x1e2: {  	[tilespmem:$0x120A0] =	vst v0  }
0x1e3: {  	[tilespmem:$0x120B0] =	vst v0  }
0x1e4: {  	s2 =	simm.s32 $0x0;
	[tilespmem:$0x120C0] =	vst v0  }
.LBB2_5:
0x1e5: {  	s0 =	sshll.u32 s2, $0xB  }
0x1e6: {  	v1 =	vld [tilespmem:s0+$0xD000]  }
0x1e7: {  	v2 =	vld [tilespmem:s0+$0xF800]  }
0x1e8: {  	v3 =	vld [tilespmem:s0+$0xD010]  }
0x1e9: {  	v4 =	vld [tilespmem:s0+$0xF810]  }
0x1ea: {  	v5 =	vld [tilespmem:s0+$0xD020]  }
0x1eb: {  	v6 =	vld [tilespmem:s0+$0xF820]  }
0x1ec: {  	v7 =	vld [tilespmem:s0+$0xD030]  }
0x1ed: {  	v8 =	vld [tilespmem:s0+$0xF830]  }
0x1ee: {  	v9 =	vld [tilespmem:s0+$0xD040]  }
0x1ef: {  	v10 =	vld [tilespmem:s0+$0xF840]  }
0x1f0: {  	v11 =	vld [tilespmem:s0+$0xD050]  }
0x1f1: {  	v12 =	vld [tilespmem:s0+$0xF850]  }
0x1f2: {  	v13 =	vld [tilespmem:s0+$0xD060]  }
0x1f3: {  	v14 =	vld [tilespmem:s0+$0xF860]  }
0x1f4: {  	v15 =	vld [tilespmem:s0+$0xD070]  }
0x1f5: {  	v16 =	vld [tilespmem:s0+$0xF870];
	_ =	sdelay $0x1  }
0x1f6: {  	v1 =	vmul.f32 v2, v1;
	v2 =	vmul.f32 v4, v3  }
0x1f7: {  	v3 =	vmul.f32 v6, v5;
	v54 =	vmul.f32 v8, v7  }
0x1f8: {  	v55 =	vmul.f32 v10, v9;
	v56 =	vmul.f32 v12, v11  }
0x1f9: {  	s0 =	sshll.u32 s2, $0x4;
	v57 =	vmul.f32 v14, v13;
	v58 =	vmul.f32 v16, v15  }
0x1fa: {  	v59 =	vmov s0;
	v1 =	vadd.f32 v55, v1;
	v2 =	vadd.f32 v56, v2  }
0x1fb: {  	v5 =	vbroadcast v59, $0x0;
	v3 =	vadd.f32 v57, v3;
	v4 =	vadd.f32 v58, v54;
	_ =	sdelay $0x1  }
0x1fc: {  	v1 =	vadd.f32 v2, v1;
	v2 =	vadd.f32 v4, v3;
	_ =	sdelay $0x1  }
0x1fd: {  	v1 =	vadd.f32 v2, v1  }
0x1fe: {  	s17 =	sor.u32 $0x1, s0  }
0x1ff: {  	s18 =	sshll.u32 s17, $0x7;
	[tilespmem:v5+s24+$0x0] =	vst.idx.add.f32.msk $0xffff, v1  }
0x200: {  	v1 =	vld [tilespmem:s18+$0xD000]  }
0x201: {  	v2 =	vld [tilespmem:s18+$0xF800]  }
0x202: {  	v3 =	vld [tilespmem:s18+$0xD010]  }
0x203: {  	v60 =	vld [tilespmem:s18+$0xF810]  }
0x204: {  	v5 =	vld [tilespmem:s18+$0xD020]  }
0x205: {  	v61 =	vld [tilespmem:s18+$0xF820]  }
0x206: {  	v62 =	vld [tilespmem:s18+$0xD030]  }
0x207: {  	v63 =	vld [tilespmem:s18+$0xF830]  }
0x208: {  	v20 =	vld [tilespmem:s18+$0xD040]  }
0x209: {  	v21 =	vld [tilespmem:s18+$0xF840]  }
0x20a: {  	v22 =	vld [tilespmem:s18+$0xD050]  }
0x20b: {  	v23 =	vld [tilespmem:s18+$0xF850]  }
0x20c: {  	v24 =	vld [tilespmem:s18+$0xD060]  }
0x20d: {  	v25 =	vld [tilespmem:s18+$0xF860]  }
0x20e: {  	v26 =	vld [tilespmem:s18+$0xD070]  }
0x20f: {  	v27 =	vld [tilespmem:s18+$0xF870];
	_ =	sdelay $0x1  }
0x210: {  	v1 =	vmul.f32 v2, v1;
	v2 =	vmul.f32 v60, v3  }
0x211: {  	v3 =	vmul.f32 v61, v5;
	v28 =	vmul.f32 v63, v62  }
0x212: {  	v29 =	vmul.f32 v21, v20;
	v30 =	vmul.f32 v23, v22  }
0x213: {  	v31 =	vmul.f32 v25, v24;
	v32 =	vmul.f32 v27, v26  }
0x214: {  	v33 =	vmov s17;
	v1 =	vadd.f32 v29, v1;
	v2 =	vadd.f32 v30, v2  }
0x215: {  	v5 =	vbroadcast v33, $0x0;
	v3 =	vadd.f32 v31, v3;
	v4 =	vadd.f32 v32, v28;
	_ =	sdelay $0x1  }
0x216: {  	v1 =	vadd.f32 v2, v1;
	v2 =	vadd.f32 v4, v3;
	_ =	sdelay $0x1  }
0x217: {  	v1 =	vadd.f32 v2, v1  }
0x218: {  	s17 =	sor.u32 $0x2, s0  }
0x219: {  	s18 =	sshll.u32 s17, $0x7;
	[tilespmem:v5+s24+$0x0] =	vst.idx.add.f32.msk $0xffff, v1  }
0x21a: {  	v1 =	vld [tilespmem:s18+$0xD000]  }
0x21b: {  	v2 =	vld [tilespmem:s18+$0xF800]  }
0x21c: {  	v3 =	vld [tilespmem:s18+$0xD010]  }
0x21d: {  	v34 =	vld [tilespmem:s18+$0xF810]  }
0x21e: {  	v5 =	vld [tilespmem:s18+$0xD020]  }
0x21f: {  	v35 =	vld [tilespmem:s18+$0xF820]  }
0x220: {  	v36 =	vld [tilespmem:s18+$0xD030]  }
0x221: {  	v37 =	vld [tilespmem:s18+$0xF830]  }
0x222: {  	v38 =	vld [tilespmem:s18+$0xD040]  }
0x223: {  	v39 =	vld [tilespmem:s18+$0xF840]  }
0x224: {  	v40 =	vld [tilespmem:s18+$0xD050]  }
0x225: {  	v41 =	vld [tilespmem:s18+$0xF850]  }
0x226: {  	v42 =	vld [tilespmem:s18+$0xD060]  }
0x227: {  	v43 =	vld [tilespmem:s18+$0xF860]  }
0x228: {  	v44 =	vld [tilespmem:s18+$0xD070]  }
0x229: {  	v45 =	vld [tilespmem:s18+$0xF870];
	_ =	sdelay $0x1  }
0x22a: {  	v1 =	vmul.f32 v2, v1;
	v2 =	vmul.f32 v34, v3  }
0x22b: {  	v3 =	vmul.f32 v35, v5;
	v46 =	vmul.f32 v37, v36  }
0x22c: {  	v47 =	vmul.f32 v39, v38;
	v48 =	vmul.f32 v41, v40  }
0x22d: {  	v49 =	vmul.f32 v43, v42;
	v50 =	vmul.f32 v45, v44  }
0x22e: {  	v51 =	vmov s17;
	v1 =	vadd.f32 v47, v1;
	v2 =	vadd.f32 v48, v2  }
0x22f: {  	v5 =	vbroadcast v51, $0x0;
	v3 =	vadd.f32 v49, v3;
	v4 =	vadd.f32 v50, v46;
	_ =	sdelay $0x1  }
0x230: {  	v1 =	vadd.f32 v2, v1;
	v2 =	vadd.f32 v4, v3;
	_ =	sdelay $0x1  }
0x231: {  	v1 =	vadd.f32 v2, v1  }
0x232: {  	s17 =	sor.u32 $0x3, s0  }
0x233: {  	s18 =	sshll.u32 s17, $0x7;
	[tilespmem:v5+s24+$0x0] =	vst.idx.add.f32.msk $0xffff, v1  }
0x234: {  	v1 =	vld [tilespmem:s18+$0xD000]  }
0x235: {  	v2 =	vld [tilespmem:s18+$0xF800]  }
0x236: {  	v3 =	vld [tilespmem:s18+$0xD010]  }
0x237: {  	v52 =	vld [tilespmem:s18+$0xF810]  }
0x238: {  	v5 =	vld [tilespmem:s18+$0xD020]  }
0x239: {  	v53 =	vld [tilespmem:s18+$0xF820]  }
0x23a: {  	v54 =	vld [tilespmem:s18+$0xD030]  }
0x23b: {  	v55 =	vld [tilespmem:s18+$0xF830]  }
0x23c: {  	v56 =	vld [tilespmem:s18+$0xD040]  }
0x23d: {  	v57 =	vld [tilespmem:s18+$0xF840]  }
0x23e: {  	v58 =	vld [tilespmem:s18+$0xD050]  }
0x23f: {  	v59 =	vld [tilespmem:s18+$0xF850]  }
0x240: {  	v60 =	vld [tilespmem:s18+$0xD060]  }
0x241: {  	v61 =	vld [tilespmem:s18+$0xF860]  }
0x242: {  	v62 =	vld [tilespmem:s18+$0xD070]  }
0x243: {  	v63 =	vld [tilespmem:s18+$0xF870];
	_ =	sdelay $0x1  }
0x244: {  	v1 =	vmul.f32 v2, v1;
	v2 =	vmul.f32 v52, v3  }
0x245: {  	v3 =	vmul.f32 v53, v5;
	v18 =	vmul.f32 v55, v54  }
0x246: {  	v19 =	vmul.f32 v57, v56;
	v20 =	vmul.f32 v59, v58  }
0x247: {  	v21 =	vmul.f32 v61, v60;
	v22 =	vmul.f32 v63, v62  }
0x248: {  	v23 =	vmov s17;
	v1 =	vadd.f32 v19, v1;
	v2 =	vadd.f32 v20, v2  }
0x249: {  	v5 =	vbroadcast v23, $0x0;
	v3 =	vadd.f32 v21, v3;
	v4 =	vadd.f32 v22, v18;
	_ =	sdelay $0x1  }
0x24a: {  	v1 =	vadd.f32 v2, v1;
	v2 =	vadd.f32 v4, v3;
	_ =	sdelay $0x1  }
0x24b: {  	v1 =	vadd.f32 v2, v1  }
0x24c: {  	s17 =	sor.u32 $0x4, s0  }
0x24d: {  	s18 =	sshll.u32 s17, $0x7;
	[tilespmem:v5+s24+$0x0] =	vst.idx.add.f32.msk $0xffff, v1  }
0x24e: {  	v1 =	vld [tilespmem:s18+$0xD000]  }
0x24f: {  	v2 =	vld [tilespmem:s18+$0xF800]  }
0x250: {  	v3 =	vld [tilespmem:s18+$0xD010]  }
0x251: {  	v24 =	vld [tilespmem:s18+$0xF810]  }
0x252: {  	v5 =	vld [tilespmem:s18+$0xD020]  }
0x253: {  	v25 =	vld [tilespmem:s18+$0xF820]  }
0x254: {  	v26 =	vld [tilespmem:s18+$0xD030]  }
0x255: {  	v27 =	vld [tilespmem:s18+$0xF830]  }
0x256: {  	v28 =	vld [tilespmem:s18+$0xD040]  }
0x257: {  	v29 =	vld [tilespmem:s18+$0xF840]  }
0x258: {  	v30 =	vld [tilespmem:s18+$0xD050]  }
0x259: {  	v31 =	vld [tilespmem:s18+$0xF850]  }
0x25a: {  	v32 =	vld [tilespmem:s18+$0xD060]  }
0x25b: {  	v33 =	vld [tilespmem:s18+$0xF860]  }
0x25c: {  	v34 =	vld [tilespmem:s18+$0xD070]  }
0x25d: {  	v35 =	vld [tilespmem:s18+$0xF870];
	_ =	sdelay $0x1  }
0x25e: {  	v1 =	vmul.f32 v2, v1;
	v2 =	vmul.f32 v24, v3  }
0x25f: {  	v3 =	vmul.f32 v25, v5;
	v36 =	vmul.f32 v27, v26  }
0x260: {  	v37 =	vmul.f32 v29, v28;
	v38 =	vmul.f32 v31, v30  }
0x261: {  	v39 =	vmul.f32 v33, v32;
	v40 =	vmul.f32 v35, v34  }
0x262: {  	v41 =	vmov s17;
	v1 =	vadd.f32 v37, v1;
	v2 =	vadd.f32 v38, v2  }
0x263: {  	v5 =	vbroadcast v41, $0x0;
	v3 =	vadd.f32 v39, v3;
	v4 =	vadd.f32 v40, v36;
	_ =	sdelay $0x1  }
0x264: {  	v1 =	vadd.f32 v2, v1;
	v2 =	vadd.f32 v4, v3;
	_ =	sdelay $0x1  }
0x265: {  	v1 =	vadd.f32 v2, v1  }
0x266: {  	s17 =	sor.u32 $0x5, s0  }
0x267: {  	s18 =	sshll.u32 s17, $0x7;
	[tilespmem:v5+s24+$0x0] =	vst.idx.add.f32.msk $0xffff, v1  }
0x268: {  	v1 =	vld [tilespmem:s18+$0xD000]  }
0x269: {  	v2 =	vld [tilespmem:s18+$0xF800]  }
0x26a: {  	v3 =	vld [tilespmem:s18+$0xD010]  }
0x26b: {  	v42 =	vld [tilespmem:s18+$0xF810]  }
0x26c: {  	v5 =	vld [tilespmem:s18+$0xD020]  }
0x26d: {  	v43 =	vld [tilespmem:s18+$0xF820]  }
0x26e: {  	v44 =	vld [tilespmem:s18+$0xD030]  }
0x26f: {  	v45 =	vld [tilespmem:s18+$0xF830]  }
0x270: {  	v46 =	vld [tilespmem:s18+$0xD040]  }
0x271: {  	v47 =	vld [tilespmem:s18+$0xF840]  }
0x272: {  	v48 =	vld [tilespmem:s18+$0xD050]  }
0x273: {  	v49 =	vld [tilespmem:s18+$0xF850]  }
0x274: {  	v50 =	vld [tilespmem:s18+$0xD060]  }
0x275: {  	v51 =	vld [tilespmem:s18+$0xF860]  }
0x276: {  	v52 =	vld [tilespmem:s18+$0xD070]  }
0x277: {  	v53 =	vld [tilespmem:s18+$0xF870];
	_ =	sdelay $0x1  }
0x278: {  	v1 =	vmul.f32 v2, v1;
	v2 =	vmul.f32 v42, v3  }
0x279: {  	v3 =	vmul.f32 v43, v5;
	v54 =	vmul.f32 v45, v44  }
0x27a: {  	v55 =	vmul.f32 v47, v46;
	v56 =	vmul.f32 v49, v48  }
0x27b: {  	v57 =	vmul.f32 v51, v50;
	v58 =	vmul.f32 v53, v52  }
0x27c: {  	v59 =	vmov s17;
	v1 =	vadd.f32 v55, v1;
	v2 =	vadd.f32 v56, v2  }
0x27d: {  	v5 =	vbroadcast v59, $0x0;
	v3 =	vadd.f32 v57, v3;
	v4 =	vadd.f32 v58, v54;
	_ =	sdelay $0x1  }
0x27e: {  	v1 =	vadd.f32 v2, v1;
	v2 =	vadd.f32 v4, v3;
	_ =	sdelay $0x1  }
0x27f: {  	v1 =	vadd.f32 v2, v1  }
0x280: {  	s17 =	sor.u32 $0x6, s0  }
0x281: {  	s18 =	sshll.u32 s17, $0x7;
	[tilespmem:v5+s24+$0x0] =	vst.idx.add.f32.msk $0xffff, v1  }
0x282: {  	v1 =	vld [tilespmem:s18+$0xD000]  }
0x283: {  	v2 =	vld [tilespmem:s18+$0xF800]  }
0x284: {  	v3 =	vld [tilespmem:s18+$0xD010]  }
0x285: {  	v60 =	vld [tilespmem:s18+$0xF810]  }
0x286: {  	v5 =	vld [tilespmem:s18+$0xD020]  }
0x287: {  	v61 =	vld [tilespmem:s18+$0xF820]  }
0x288: {  	v62 =	vld [tilespmem:s18+$0xD030]  }
0x289: {  	v63 =	vld [tilespmem:s18+$0xF830]  }
0x28a: {  	v20 =	vld [tilespmem:s18+$0xD040]  }
0x28b: {  	v21 =	vld [tilespmem:s18+$0xF840]  }
0x28c: {  	v22 =	vld [tilespmem:s18+$0xD050]  }
0x28d: {  	v23 =	vld [tilespmem:s18+$0xF850]  }
0x28e: {  	v24 =	vld [tilespmem:s18+$0xD060]  }
0x28f: {  	v25 =	vld [tilespmem:s18+$0xF860]  }
0x290: {  	v26 =	vld [tilespmem:s18+$0xD070]  }
0x291: {  	v27 =	vld [tilespmem:s18+$0xF870];
	_ =	sdelay $0x1  }
0x292: {  	v1 =	vmul.f32 v2, v1;
	v2 =	vmul.f32 v60, v3  }
0x293: {  	v3 =	vmul.f32 v61, v5;
	v28 =	vmul.f32 v63, v62  }
0x294: {  	v29 =	vmul.f32 v21, v20;
	v30 =	vmul.f32 v23, v22  }
0x295: {  	v31 =	vmul.f32 v25, v24;
	v32 =	vmul.f32 v27, v26  }
0x296: {  	v33 =	vmov s17;
	v1 =	vadd.f32 v29, v1;
	v2 =	vadd.f32 v30, v2  }
0x297: {  	v5 =	vbroadcast v33, $0x0;
	v3 =	vadd.f32 v31, v3;
	v4 =	vadd.f32 v32, v28;
	_ =	sdelay $0x1  }
0x298: {  	v1 =	vadd.f32 v2, v1;
	v2 =	vadd.f32 v4, v3;
	_ =	sdelay $0x1  }
0x299: {  	v1 =	vadd.f32 v2, v1  }
0x29a: {  	s17 =	sor.u32 $0x7, s0  }
0x29b: {  	s18 =	sshll.u32 s17, $0x7;
	[tilespmem:v5+s24+$0x0] =	vst.idx.add.f32.msk $0xffff, v1  }
0x29c: {  	v1 =	vld [tilespmem:s18+$0xD000]  }
0x29d: {  	v2 =	vld [tilespmem:s18+$0xF800]  }
0x29e: {  	v3 =	vld [tilespmem:s18+$0xD010]  }
0x29f: {  	v34 =	vld [tilespmem:s18+$0xF810]  }
0x2a0: {  	v5 =	vld [tilespmem:s18+$0xD020]  }
0x2a1: {  	v35 =	vld [tilespmem:s18+$0xF820]  }
0x2a2: {  	v36 =	vld [tilespmem:s18+$0xD030]  }
0x2a3: {  	v37 =	vld [tilespmem:s18+$0xF830]  }
0x2a4: {  	v38 =	vld [tilespmem:s18+$0xD040]  }
0x2a5: {  	v39 =	vld [tilespmem:s18+$0xF840]  }
0x2a6: {  	v40 =	vld [tilespmem:s18+$0xD050]  }
0x2a7: {  	v41 =	vld [tilespmem:s18+$0xF850]  }
0x2a8: {  	v42 =	vld [tilespmem:s18+$0xD060]  }
0x2a9: {  	v43 =	vld [tilespmem:s18+$0xF860]  }
0x2aa: {  	v44 =	vld [tilespmem:s18+$0xD070]  }
0x2ab: {  	v45 =	vld [tilespmem:s18+$0xF870];
	_ =	sdelay $0x1  }
0x2ac: {  	v1 =	vmul.f32 v2, v1;
	v2 =	vmul.f32 v34, v3  }
0x2ad: {  	v3 =	vmul.f32 v35, v5;
	v46 =	vmul.f32 v37, v36  }
0x2ae: {  	v47 =	vmul.f32 v39, v38;
	v48 =	vmul.f32 v41, v40  }
0x2af: {  	v49 =	vmul.f32 v43, v42;
	v50 =	vmul.f32 v45, v44  }
0x2b0: {  	v51 =	vmov s17;
	v1 =	vadd.f32 v47, v1;
	v2 =	vadd.f32 v48, v2  }
0x2b1: {  	v5 =	vbroadcast v51, $0x0;
	v3 =	vadd.f32 v49, v3;
	v4 =	vadd.f32 v50, v46;
	_ =	sdelay $0x1  }
0x2b2: {  	v1 =	vadd.f32 v2, v1;
	v2 =	vadd.f32 v4, v3;
	_ =	sdelay $0x1  }
0x2b3: {  	v1 =	vadd.f32 v2, v1  }
0x2b4: {  	s17 =	sor.u32 $0x8, s0  }
0x2b5: {  	s18 =	sshll.u32 s17, $0x7;
	[tilespmem:v5+s24+$0x0] =	vst.idx.add.f32.msk $0xffff, v1  }
0x2b6: {  	v1 =	vld [tilespmem:s18+$0xD000]  }
0x2b7: {  	v2 =	vld [tilespmem:s18+$0xF800]  }
0x2b8: {  	v3 =	vld [tilespmem:s18+$0xD010]  }
0x2b9: {  	v52 =	vld [tilespmem:s18+$0xF810]  }
0x2ba: {  	v5 =	vld [tilespmem:s18+$0xD020]  }
0x2bb: {  	v53 =	vld [tilespmem:s18+$0xF820]  }
0x2bc: {  	v54 =	vld [tilespmem:s18+$0xD030]  }
0x2bd: {  	v55 =	vld [tilespmem:s18+$0xF830]  }
0x2be: {  	v56 =	vld [tilespmem:s18+$0xD040]  }
0x2bf: {  	v57 =	vld [tilespmem:s18+$0xF840]  }
0x2c0: {  	v58 =	vld [tilespmem:s18+$0xD050]  }
0x2c1: {  	v59 =	vld [tilespmem:s18+$0xF850]  }
0x2c2: {  	v60 =	vld [tilespmem:s18+$0xD060]  }
0x2c3: {  	v61 =	vld [tilespmem:s18+$0xF860]  }
0x2c4: {  	v62 =	vld [tilespmem:s18+$0xD070]  }
0x2c5: {  	v63 =	vld [tilespmem:s18+$0xF870];
	_ =	sdelay $0x1  }
0x2c6: {  	v1 =	vmul.f32 v2, v1;
	v2 =	vmul.f32 v52, v3  }
0x2c7: {  	v3 =	vmul.f32 v53, v5;
	v20 =	vmul.f32 v55, v54  }
0x2c8: {  	v21 =	vmul.f32 v57, v56;
	v22 =	vmul.f32 v59, v58  }
0x2c9: {  	v23 =	vmul.f32 v61, v60;
	v24 =	vmul.f32 v63, v62  }
0x2ca: {  	v25 =	vmov s17;
	v1 =	vadd.f32 v21, v1;
	v2 =	vadd.f32 v22, v2  }
0x2cb: {  	v5 =	vbroadcast v25, $0x0;
	v3 =	vadd.f32 v23, v3;
	v4 =	vadd.f32 v24, v20;
	_ =	sdelay $0x1  }
0x2cc: {  	v1 =	vadd.f32 v2, v1;
	v2 =	vadd.f32 v4, v3;
	_ =	sdelay $0x1  }
0x2cd: {  	v1 =	vadd.f32 v2, v1  }
0x2ce: {  	s17 =	sor.u32 $0x9, s0  }
0x2cf: {  	s18 =	sshll.u32 s17, $0x7;
	[tilespmem:v5+s24+$0x0] =	vst.idx.add.f32.msk $0xffff, v1  }
0x2d0: {  	v1 =	vld [tilespmem:s18+$0xD000]  }
0x2d1: {  	v2 =	vld [tilespmem:s18+$0xF800]  }
0x2d2: {  	v3 =	vld [tilespmem:s18+$0xD010]  }
0x2d3: {  	v26 =	vld [tilespmem:s18+$0xF810]  }
0x2d4: {  	v5 =	vld [tilespmem:s18+$0xD020]  }
0x2d5: {  	v27 =	vld [tilespmem:s18+$0xF820]  }
0x2d6: {  	v28 =	vld [tilespmem:s18+$0xD030]  }
0x2d7: {  	v29 =	vld [tilespmem:s18+$0xF830]  }
0x2d8: {  	v30 =	vld [tilespmem:s18+$0xD040]  }
0x2d9: {  	v31 =	vld [tilespmem:s18+$0xF840]  }
0x2da: {  	v32 =	vld [tilespmem:s18+$0xD050]  }
0x2db: {  	v33 =	vld [tilespmem:s18+$0xF850]  }
0x2dc: {  	v34 =	vld [tilespmem:s18+$0xD060]  }
0x2dd: {  	v35 =	vld [tilespmem:s18+$0xF860]  }
0x2de: {  	v36 =	vld [tilespmem:s18+$0xD070]  }
0x2df: {  	v37 =	vld [tilespmem:s18+$0xF870];
	_ =	sdelay $0x1  }
0x2e0: {  	v1 =	vmul.f32 v2, v1;
	v2 =	vmul.f32 v26, v3  }
0x2e1: {  	v3 =	vmul.f32 v27, v5;
	v38 =	vmul.f32 v29, v28  }
0x2e2: {  	v39 =	vmul.f32 v31, v30;
	v40 =	vmul.f32 v33, v32  }
0x2e3: {  	v41 =	vmul.f32 v35, v34;
	v42 =	vmul.f32 v37, v36  }
0x2e4: {  	v43 =	vmov s17;
	v1 =	vadd.f32 v39, v1;
	v2 =	vadd.f32 v40, v2  }
0x2e5: {  	v5 =	vbroadcast v43, $0x0;
	v3 =	vadd.f32 v41, v3;
	v4 =	vadd.f32 v42, v38;
	_ =	sdelay $0x1  }
0x2e6: {  	v1 =	vadd.f32 v2, v1;
	v2 =	vadd.f32 v4, v3;
	_ =	sdelay $0x1  }
0x2e7: {  	v1 =	vadd.f32 v2, v1  }
0x2e8: {  	s17 =	sor.u32 $0xA, s0  }
0x2e9: {  	s18 =	sshll.u32 s17, $0x7;
	[tilespmem:v5+s24+$0x0] =	vst.idx.add.f32.msk $0xffff, v1  }
0x2ea: {  	v1 =	vld [tilespmem:s18+$0xD000]  }
0x2eb: {  	v2 =	vld [tilespmem:s18+$0xF800]  }
0x2ec: {  	v3 =	vld [tilespmem:s18+$0xD010]  }
0x2ed: {  	v44 =	vld [tilespmem:s18+$0xF810]  }
0x2ee: {  	v5 =	vld [tilespmem:s18+$0xD020]  }
0x2ef: {  	v45 =	vld [tilespmem:s18+$0xF820]  }
0x2f0: {  	v46 =	vld [tilespmem:s18+$0xD030]  }
0x2f1: {  	v47 =	vld [tilespmem:s18+$0xF830]  }
0x2f2: {  	v48 =	vld [tilespmem:s18+$0xD040]  }
0x2f3: {  	v49 =	vld [tilespmem:s18+$0xF840]  }
0x2f4: {  	v50 =	vld [tilespmem:s18+$0xD050]  }
0x2f5: {  	v51 =	vld [tilespmem:s18+$0xF850]  }
0x2f6: {  	v52 =	vld [tilespmem:s18+$0xD060]  }
0x2f7: {  	v53 =	vld [tilespmem:s18+$0xF860]  }
0x2f8: {  	v54 =	vld [tilespmem:s18+$0xD070]  }
0x2f9: {  	v55 =	vld [tilespmem:s18+$0xF870];
	_ =	sdelay $0x1  }
0x2fa: {  	v1 =	vmul.f32 v2, v1;
	v2 =	vmul.f32 v44, v3  }
0x2fb: {  	v3 =	vmul.f32 v45, v5;
	v56 =	vmul.f32 v47, v46  }
0x2fc: {  	v57 =	vmul.f32 v49, v48;
	v58 =	vmul.f32 v51, v50  }
0x2fd: {  	v59 =	vmul.f32 v53, v52;
	v60 =	vmul.f32 v55, v54  }
0x2fe: {  	v61 =	vmov s17;
	v1 =	vadd.f32 v57, v1;
	v2 =	vadd.f32 v58, v2  }
0x2ff: {  	v5 =	vbroadcast v61, $0x0;
	v3 =	vadd.f32 v59, v3;
	v4 =	vadd.f32 v60, v56;
	_ =	sdelay $0x1  }
0x300: {  	v1 =	vadd.f32 v2, v1;
	v2 =	vadd.f32 v4, v3;
	_ =	sdelay $0x1  }
0x301: {  	v1 =	vadd.f32 v2, v1  }
0x302: {  	s17 =	sor.u32 $0xB, s0  }
0x303: {  	s18 =	sshll.u32 s17, $0x7;
	[tilespmem:v5+s24+$0x0] =	vst.idx.add.f32.msk $0xffff, v1  }
0x304: {  	v1 =	vld [tilespmem:s18+$0xD000]  }
0x305: {  	v2 =	vld [tilespmem:s18+$0xF800]  }
0x306: {  	v3 =	vld [tilespmem:s18+$0xD010]  }
0x307: {  	v62 =	vld [tilespmem:s18+$0xF810]  }
0x308: {  	v5 =	vld [tilespmem:s18+$0xD020]  }
0x309: {  	v63 =	vld [tilespmem:s18+$0xF820]  }
0x30a: {  	v20 =	vld [tilespmem:s18+$0xD030]  }
0x30b: {  	v21 =	vld [tilespmem:s18+$0xF830]  }
0x30c: {  	v22 =	vld [tilespmem:s18+$0xD040]  }
0x30d: {  	v23 =	vld [tilespmem:s18+$0xF840]  }
0x30e: {  	v24 =	vld [tilespmem:s18+$0xD050]  }
0x30f: {  	v25 =	vld [tilespmem:s18+$0xF850]  }
0x310: {  	v26 =	vld [tilespmem:s18+$0xD060]  }
0x311: {  	v27 =	vld [tilespmem:s18+$0xF860]  }
0x312: {  	v28 =	vld [tilespmem:s18+$0xD070]  }
0x313: {  	v29 =	vld [tilespmem:s18+$0xF870];
	_ =	sdelay $0x1  }
0x314: {  	v1 =	vmul.f32 v2, v1;
	v2 =	vmul.f32 v62, v3  }
0x315: {  	v3 =	vmul.f32 v63, v5;
	v30 =	vmul.f32 v21, v20  }
0x316: {  	v31 =	vmul.f32 v23, v22;
	v32 =	vmul.f32 v25, v24  }
0x317: {  	v33 =	vmul.f32 v27, v26;
	v34 =	vmul.f32 v29, v28  }
0x318: {  	v35 =	vmov s17;
	v1 =	vadd.f32 v31, v1;
	v2 =	vadd.f32 v32, v2  }
0x319: {  	v5 =	vbroadcast v35, $0x0;
	v3 =	vadd.f32 v33, v3;
	v4 =	vadd.f32 v34, v30;
	_ =	sdelay $0x1  }
0x31a: {  	v1 =	vadd.f32 v2, v1;
	v2 =	vadd.f32 v4, v3;
	_ =	sdelay $0x1  }
0x31b: {  	v1 =	vadd.f32 v2, v1  }
0x31c: {  	s17 =	sor.u32 $0xC, s0  }
0x31d: {  	s18 =	sshll.u32 s17, $0x7;
	[tilespmem:v5+s24+$0x0] =	vst.idx.add.f32.msk $0xffff, v1  }
0x31e: {  	v1 =	vld [tilespmem:s18+$0xD000]  }
0x31f: {  	v2 =	vld [tilespmem:s18+$0xF800]  }
0x320: {  	v3 =	vld [tilespmem:s18+$0xD010]  }
0x321: {  	v36 =	vld [tilespmem:s18+$0xF810]  }
0x322: {  	v5 =	vld [tilespmem:s18+$0xD020]  }
0x323: {  	v37 =	vld [tilespmem:s18+$0xF820]  }
0x324: {  	v38 =	vld [tilespmem:s18+$0xD030]  }
0x325: {  	v39 =	vld [tilespmem:s18+$0xF830]  }
0x326: {  	v40 =	vld [tilespmem:s18+$0xD040]  }
0x327: {  	v41 =	vld [tilespmem:s18+$0xF840]  }
0x328: {  	v42 =	vld [tilespmem:s18+$0xD050]  }
0x329: {  	v43 =	vld [tilespmem:s18+$0xF850]  }
0x32a: {  	v44 =	vld [tilespmem:s18+$0xD060]  }
0x32b: {  	v45 =	vld [tilespmem:s18+$0xF860]  }
0x32c: {  	v46 =	vld [tilespmem:s18+$0xD070]  }
0x32d: {  	v47 =	vld [tilespmem:s18+$0xF870];
	_ =	sdelay $0x1  }
0x32e: {  	v1 =	vmul.f32 v2, v1;
	v2 =	vmul.f32 v36, v3  }
0x32f: {  	v3 =	vmul.f32 v37, v5;
	v48 =	vmul.f32 v39, v38  }
0x330: {  	v49 =	vmul.f32 v41, v40;
	v50 =	vmul.f32 v43, v42  }
0x331: {  	v51 =	vmul.f32 v45, v44;
	v52 =	vmul.f32 v47, v46  }
0x332: {  	v53 =	vmov s17;
	v1 =	vadd.f32 v49, v1;
	v2 =	vadd.f32 v50, v2  }
0x333: {  	v5 =	vbroadcast v53, $0x0;
	v3 =	vadd.f32 v51, v3;
	v4 =	vadd.f32 v52, v48;
	_ =	sdelay $0x1  }
0x334: {  	v1 =	vadd.f32 v2, v1;
	v2 =	vadd.f32 v4, v3;
	_ =	sdelay $0x1  }
0x335: {  	v1 =	vadd.f32 v2, v1  }
0x336: {  	s17 =	sor.u32 $0xD, s0  }
0x337: {  	s18 =	sshll.u32 s17, $0x7;
	[tilespmem:v5+s24+$0x0] =	vst.idx.add.f32.msk $0xffff, v1  }
0x338: {  	v1 =	vld [tilespmem:s18+$0xD000]  }
0x339: {  	v2 =	vld [tilespmem:s18+$0xF800]  }
0x33a: {  	v3 =	vld [tilespmem:s18+$0xD010]  }
0x33b: {  	v54 =	vld [tilespmem:s18+$0xF810]  }
0x33c: {  	v5 =	vld [tilespmem:s18+$0xD020]  }
0x33d: {  	v55 =	vld [tilespmem:s18+$0xF820]  }
0x33e: {  	v56 =	vld [tilespmem:s18+$0xD030]  }
0x33f: {  	v57 =	vld [tilespmem:s18+$0xF830]  }
0x340: {  	v58 =	vld [tilespmem:s18+$0xD040]  }
0x341: {  	v59 =	vld [tilespmem:s18+$0xF840]  }
0x342: {  	v60 =	vld [tilespmem:s18+$0xD050]  }
0x343: {  	v61 =	vld [tilespmem:s18+$0xF850]  }
0x344: {  	v62 =	vld [tilespmem:s18+$0xD060]  }
0x345: {  	v63 =	vld [tilespmem:s18+$0xF860]  }
0x346: {  	v20 =	vld [tilespmem:s18+$0xD070]  }
0x347: {  	v21 =	vld [tilespmem:s18+$0xF870];
	_ =	sdelay $0x1  }
0x348: {  	v1 =	vmul.f32 v2, v1;
	v2 =	vmul.f32 v54, v3  }
0x349: {  	v3 =	vmul.f32 v55, v5;
	v22 =	vmul.f32 v57, v56  }
0x34a: {  	v23 =	vmul.f32 v59, v58;
	v24 =	vmul.f32 v61, v60  }
0x34b: {  	v25 =	vmul.f32 v63, v62;
	v26 =	vmul.f32 v21, v20  }
0x34c: {  	v27 =	vmov s17;
	v1 =	vadd.f32 v23, v1;
	v2 =	vadd.f32 v24, v2  }
0x34d: {  	v5 =	vbroadcast v27, $0x0;
	v3 =	vadd.f32 v25, v3;
	v4 =	vadd.f32 v26, v22;
	_ =	sdelay $0x1  }
0x34e: {  	v1 =	vadd.f32 v2, v1;
	v2 =	vadd.f32 v4, v3;
	_ =	sdelay $0x1  }
0x34f: {  	v1 =	vadd.f32 v2, v1  }
0x350: {  	s0 =	sor.u32 $0xE, s0  }
0x351: {  	s18 =	sshll.u32 s0, $0x7;
	[tilespmem:v5+s24+$0x0] =	vst.idx.add.f32.msk $0xffff, v1  }
0x352: {  	v1 =	vld [tilespmem:s18+$0xD000]  }
0x353: {  	v2 =	vld [tilespmem:s18+$0xF800]  }
0x354: {  	v3 =	vld [tilespmem:s18+$0xD010]  }
0x355: {  	v28 =	vld [tilespmem:s18+$0xF810]  }
0x356: {  	v5 =	vld [tilespmem:s18+$0xD020]  }
0x357: {  	v29 =	vld [tilespmem:s18+$0xF820]  }
0x358: {  	v30 =	vld [tilespmem:s18+$0xD030]  }
0x359: {  	v31 =	vld [tilespmem:s18+$0xF830]  }
0x35a: {  	v32 =	vld [tilespmem:s18+$0xD040]  }
0x35b: {  	v33 =	vld [tilespmem:s18+$0xF840]  }
0x35c: {  	v34 =	vld [tilespmem:s18+$0xD050]  }
0x35d: {  	v35 =	vld [tilespmem:s18+$0xF850]  }
0x35e: {  	v36 =	vld [tilespmem:s18+$0xD060]  }
0x35f: {  	v37 =	vld [tilespmem:s18+$0xF860]  }
0x360: {  	v38 =	vld [tilespmem:s18+$0xD070]  }
0x361: {  	v39 =	vld [tilespmem:s18+$0xF870];
	_ =	sdelay $0x1  }
0x362: {  	v1 =	vmul.f32 v2, v1;
	v2 =	vmul.f32 v28, v3  }
0x363: {  	v3 =	vmul.f32 v29, v5;
	v40 =	vmul.f32 v31, v30  }
0x364: {  	v41 =	vmul.f32 v33, v32;
	v42 =	vmul.f32 v35, v34  }
0x365: {  	v43 =	vmul.f32 v37, v36;
	v44 =	vmul.f32 v39, v38  }
0x366: {  	v45 =	vmov s0;
	v1 =	vadd.f32 v41, v1;
	v2 =	vadd.f32 v42, v2  }
0x367: {  	v5 =	vbroadcast v45, $0x0;
	v3 =	vadd.f32 v43, v3;
	v4 =	vadd.f32 v44, v40;
	_ =	sdelay $0x1  }
0x368: {  	v1 =	vadd.f32 v2, v1;
	v2 =	vadd.f32 v4, v3;
	_ =	sdelay $0x1  }
0x369: {  	v1 =	vadd.f32 v2, v1  }
0x36a: {  	s0 =	sshllo.u32 s2, $0x4  }
0x36b: {  	s18 =	sshll.u32 s0, $0x7;
	[tilespmem:v5+s24+$0x0] =	vst.idx.add.f32.msk $0xffff, v1  }
0x36c: {  	v1 =	vld [tilespmem:s18+$0xD000]  }
0x36d: {  	v2 =	vld [tilespmem:s18+$0xF800]  }
0x36e: {  	v3 =	vld [tilespmem:s18+$0xD010]  }
0x36f: {  	v46 =	vld [tilespmem:s18+$0xF810]  }
0x370: {  	v5 =	vld [tilespmem:s18+$0xD020]  }
0x371: {  	v47 =	vld [tilespmem:s18+$0xF820]  }
0x372: {  	v48 =	vld [tilespmem:s18+$0xD030]  }
0x373: {  	v49 =	vld [tilespmem:s18+$0xF830]  }
0x374: {  	v50 =	vld [tilespmem:s18+$0xD040]  }
0x375: {  	v51 =	vld [tilespmem:s18+$0xF840]  }
0x376: {  	v52 =	vld [tilespmem:s18+$0xD050]  }
0x377: {  	v53 =	vld [tilespmem:s18+$0xF850]  }
0x378: {  	v54 =	vld [tilespmem:s18+$0xD060]  }
0x379: {  	v55 =	vld [tilespmem:s18+$0xF860]  }
0x37a: {  	v56 =	vld [tilespmem:s18+$0xD070]  }
0x37b: {  	v57 =	vld [tilespmem:s18+$0xF870];
	_ =	sdelay $0x1  }
0x37c: {  	v1 =	vmul.f32 v2, v1;
	v2 =	vmul.f32 v46, v3  }
0x37d: {  	v3 =	vmul.f32 v47, v5;
	v58 =	vmul.f32 v49, v48  }
0x37e: {  	v59 =	vmul.f32 v51, v50;
	v60 =	vmul.f32 v53, v52  }
0x37f: {  	v61 =	vmul.f32 v55, v54;
	v62 =	vmul.f32 v57, v56  }
0x380: {  	v1 =	vadd.f32 v59, v1;
	v2 =	vadd.f32 v60, v2  }
0x381: {  	v3 =	vadd.f32 v61, v3;
	v4 =	vadd.f32 v62, v58  }
0x382: {  	p0 =	sne.s32 s2, $0x4;
	v63 =	vmov s0  }
.Ltmp1:
0x383: {  	v1 =	vadd.f32 v2, v1;
	v2 =	vadd.f32 v4, v3;
	(pc) =	sbr.rel @p0 .LBB2_5-.Ltmp1, $3  }
0x384: {  	_ = 	snop  }
0x385: {  	v1 =	vadd.f32 v2, v1;
	_ =	sdelay $0x1  }
0x386: {  	s2 =	sadd.s32 $0x1, s2;
	[tilespmem:v63+s24+$0x0] =	vst.idx.add.f32.msk $0xffff, v1  }
0x387: {  	p0 =	seq.s32 s29, $0x3D  }
0x388: {  	s0 =	sadd.s32 @!p0 $0x180, s30;
	s2 =	simm.s32 @!p0 $0x50;
	s17 =	simm.s32 @!p0 $0xD000  }
0x389: {  	[tilespmem:s17], [sflag:$0x2] =	stream.indirect.gather @!p0 [hbm4b:s1+s2], $0x80, s0, s2, $0xb8;
	[tilespmem:$0x12100] =	vst v63  }
0x38a: {  	s29 =	sadd.s32 $0x1, s29;
	s0 =	sadd.s32 @!p0 $0x4180, s30;
	s17 =	simm.s32 @!p0 $0xF800  }
0x38b: {  	[tilespmem:s17], [sflag:$0x2] =	stream.indirect.gather @!p0 [hbm4b:s3+s2], $0x80, s0, s2, $0xb8;
	[tilespmem:$0x12100] =	vst v63  }
0x38c: {  	p0 =	sne.s32 s29, $0x3E  }
.Ltmp2:
0x38d: {  	_ = 	snop;
	(pc) =	sbr.rel @p0 .LBB2_2-.Ltmp2, $4  }
0x38e: {  	s31 =	sadd.s32 s31, s9  }
0x38f: {  	s0 =	sshrl.u32 s31, $0x3  }
0x390: {  	s0 =	sadd.s32 s4, s0  }
0x391: {  	[hbm4b:s0+s5] =	stream.linear.scatter [tilespmem:s24], [sflag:$0x4], $0x50, $0x38;
	[tilespmem:$0x12100] =	vst v63  }
0x392: {  	_ =	swait.ge [sflag:s21], $0x2800  }
0x393: {  	[sflag:s21] =	ssyncset.done $0x0  }
0x394: {  	[sflag:s21] =	ssyncadd.s32 $0xFFFFD800  }
0x395: {  	_ =	swait.ge [sflag:s21], $0x2800  }
0x396: {  	[sflag:s21] =	ssyncset.done $0x0  }
0x397: {  	[sflag:s21] =	ssyncadd.s32 $0xFFFFD800  }
0x398: {  	_ =	swait.ge [sflag:s25], $0x50  }
0x399: {  	[sflag:s25] =	ssyncset.done $0x0  }
0x39a: {  	[sflag:s25] =	ssyncadd.s32 $0xFFFFFFB0  }
0x39b: {  	[tilespmem:$0x12000] =	vst v0  }
0x39c: {  	[tilespmem:$0x12010] =	vst v0  }
0x39d: {  	[tilespmem:$0x12020] =	vst v0  }
0x39e: {  	[tilespmem:$0x12030] =	vst v0  }
0x39f: {  	s2 =	simm.s32 $0x0;
	[tilespmem:$0x12040] =	vst v0  }
.LBB2_8:
0x3a0: {  	s0 =	sshll.u32 s2, $0xB  }
0x3a1: {  	v1 =	vld [tilespmem:s0+$0x8000]  }
0x3a2: {  	v2 =	vld [tilespmem:s0+$0xA800]  }
0x3a3: {  	v3 =	vld [tilespmem:s0+$0x8010]  }
0x3a4: {  	v4 =	vld [tilespmem:s0+$0xA810]  }
0x3a5: {  	v5 =	vld [tilespmem:s0+$0x8020]  }
0x3a6: {  	v6 =	vld [tilespmem:s0+$0xA820]  }
0x3a7: {  	v7 =	vld [tilespmem:s0+$0x8030]  }
0x3a8: {  	v8 =	vld [tilespmem:s0+$0xA830]  }
0x3a9: {  	v9 =	vld [tilespmem:s0+$0x8040]  }
0x3aa: {  	v10 =	vld [tilespmem:s0+$0xA840]  }
0x3ab: {  	v11 =	vld [tilespmem:s0+$0x8050]  }
0x3ac: {  	v12 =	vld [tilespmem:s0+$0xA850]  }
0x3ad: {  	v13 =	vld [tilespmem:s0+$0x8060]  }
0x3ae: {  	v14 =	vld [tilespmem:s0+$0xA860]  }
0x3af: {  	v15 =	vld [tilespmem:s0+$0x8070]  }
0x3b0: {  	v16 =	vld [tilespmem:s0+$0xA870];
	_ =	sdelay $0x1  }
0x3b1: {  	v1 =	vmul.f32 v2, v1;
	v2 =	vmul.f32 v4, v3  }
0x3b2: {  	v3 =	vmul.f32 v6, v5;
	v54 =	vmul.f32 v8, v7  }
0x3b3: {  	v55 =	vmul.f32 v10, v9;
	v56 =	vmul.f32 v12, v11  }
0x3b4: {  	s0 =	sshll.u32 s2, $0x4;
	v57 =	vmul.f32 v14, v13;
	v58 =	vmul.f32 v16, v15  }
0x3b5: {  	v59 =	vmov s0;
	v1 =	vadd.f32 v55, v1;
	v2 =	vadd.f32 v56, v2  }
0x3b6: {  	v5 =	vbroadcast v59, $0x0;
	v3 =	vadd.f32 v57, v3;
	v4 =	vadd.f32 v58, v54;
	_ =	sdelay $0x1  }
0x3b7: {  	v1 =	vadd.f32 v2, v1;
	v2 =	vadd.f32 v4, v3;
	_ =	sdelay $0x1  }
0x3b8: {  	v1 =	vadd.f32 v2, v1  }
0x3b9: {  	s17 =	sor.u32 $0x1, s0  }
0x3ba: {  	s18 =	sshll.u32 s17, $0x7;
	[tilespmem:v5+s22+$0x0] =	vst.idx.add.f32.msk $0xffff, v1  }
0x3bb: {  	v1 =	vld [tilespmem:s18+$0x8000]  }
0x3bc: {  	v2 =	vld [tilespmem:s18+$0xA800]  }
0x3bd: {  	v3 =	vld [tilespmem:s18+$0x8010]  }
0x3be: {  	v60 =	vld [tilespmem:s18+$0xA810]  }
0x3bf: {  	v5 =	vld [tilespmem:s18+$0x8020]  }
0x3c0: {  	v61 =	vld [tilespmem:s18+$0xA820]  }
0x3c1: {  	v62 =	vld [tilespmem:s18+$0x8030]  }
0x3c2: {  	v63 =	vld [tilespmem:s18+$0xA830]  }
0x3c3: {  	v20 =	vld [tilespmem:s18+$0x8040]  }
0x3c4: {  	v21 =	vld [tilespmem:s18+$0xA840]  }
0x3c5: {  	v22 =	vld [tilespmem:s18+$0x8050]  }
0x3c6: {  	v23 =	vld [tilespmem:s18+$0xA850]  }
0x3c7: {  	v24 =	vld [tilespmem:s18+$0x8060]  }
0x3c8: {  	v25 =	vld [tilespmem:s18+$0xA860]  }
0x3c9: {  	v26 =	vld [tilespmem:s18+$0x8070]  }
0x3ca: {  	v27 =	vld [tilespmem:s18+$0xA870];
	_ =	sdelay $0x1  }
0x3cb: {  	v1 =	vmul.f32 v2, v1;
	v2 =	vmul.f32 v60, v3  }
0x3cc: {  	v3 =	vmul.f32 v61, v5;
	v28 =	vmul.f32 v63, v62  }
0x3cd: {  	v29 =	vmul.f32 v21, v20;
	v30 =	vmul.f32 v23, v22  }
0x3ce: {  	v31 =	vmul.f32 v25, v24;
	v32 =	vmul.f32 v27, v26  }
0x3cf: {  	v33 =	vmov s17;
	v1 =	vadd.f32 v29, v1;
	v2 =	vadd.f32 v30, v2  }
0x3d0: {  	v5 =	vbroadcast v33, $0x0;
	v3 =	vadd.f32 v31, v3;
	v4 =	vadd.f32 v32, v28;
	_ =	sdelay $0x1  }
0x3d1: {  	v1 =	vadd.f32 v2, v1;
	v2 =	vadd.f32 v4, v3;
	_ =	sdelay $0x1  }
0x3d2: {  	v1 =	vadd.f32 v2, v1  }
0x3d3: {  	s29 =	sor.u32 $0x2, s0  }
0x3d4: {  	s30 =	sshll.u32 s29, $0x7;
	[tilespmem:v5+s22+$0x0] =	vst.idx.add.f32.msk $0xffff, v1  }
0x3d5: {  	v1 =	vld [tilespmem:s30+$0x8000]  }
0x3d6: {  	v2 =	vld [tilespmem:s30+$0xA800]  }
0x3d7: {  	v3 =	vld [tilespmem:s30+$0x8010]  }
0x3d8: {  	v34 =	vld [tilespmem:s30+$0xA810]  }
0x3d9: {  	v5 =	vld [tilespmem:s30+$0x8020]  }
0x3da: {  	v35 =	vld [tilespmem:s30+$0xA820]  }
0x3db: {  	v36 =	vld [tilespmem:s30+$0x8030]  }
0x3dc: {  	v37 =	vld [tilespmem:s30+$0xA830]  }
0x3dd: {  	v38 =	vld [tilespmem:s30+$0x8040]  }
0x3de: {  	v39 =	vld [tilespmem:s30+$0xA840]  }
0x3df: {  	v40 =	vld [tilespmem:s30+$0x8050]  }
0x3e0: {  	v41 =	vld [tilespmem:s30+$0xA850]  }
0x3e1: {  	v42 =	vld [tilespmem:s30+$0x8060]  }
0x3e2: {  	v43 =	vld [tilespmem:s30+$0xA860]  }
0x3e3: {  	v44 =	vld [tilespmem:s30+$0x8070]  }
0x3e4: {  	v45 =	vld [tilespmem:s30+$0xA870];
	_ =	sdelay $0x1  }
0x3e5: {  	v1 =	vmul.f32 v2, v1;
	v2 =	vmul.f32 v34, v3  }
0x3e6: {  	v3 =	vmul.f32 v35, v5;
	v46 =	vmul.f32 v37, v36  }
0x3e7: {  	v47 =	vmul.f32 v39, v38;
	v48 =	vmul.f32 v41, v40  }
0x3e8: {  	v49 =	vmul.f32 v43, v42;
	v50 =	vmul.f32 v45, v44  }
0x3e9: {  	v51 =	vmov s29;
	v1 =	vadd.f32 v47, v1;
	v2 =	vadd.f32 v48, v2  }
0x3ea: {  	v5 =	vbroadcast v51, $0x0;
	v3 =	vadd.f32 v49, v3;
	v4 =	vadd.f32 v50, v46;
	_ =	sdelay $0x1  }
0x3eb: {  	v1 =	vadd.f32 v2, v1;
	v2 =	vadd.f32 v4, v3;
	_ =	sdelay $0x1  }
0x3ec: {  	v1 =	vadd.f32 v2, v1  }
0x3ed: {  	s31 =	sor.u32 $0x3, s0  }
0x3ee: {  	s29 =	sshll.u32 s31, $0x7;
	[tilespmem:v5+s22+$0x0] =	vst.idx.add.f32.msk $0xffff, v1  }
0x3ef: {  	v1 =	vld [tilespmem:s29+$0x8000]  }
0x3f0: {  	v2 =	vld [tilespmem:s29+$0xA800]  }
0x3f1: {  	v3 =	vld [tilespmem:s29+$0x8010]  }
0x3f2: {  	v52 =	vld [tilespmem:s29+$0xA810]  }
0x3f3: {  	v5 =	vld [tilespmem:s29+$0x8020]  }
0x3f4: {  	v53 =	vld [tilespmem:s29+$0xA820]  }
0x3f5: {  	v54 =	vld [tilespmem:s29+$0x8030]  }
0x3f6: {  	v55 =	vld [tilespmem:s29+$0xA830]  }
0x3f7: {  	v56 =	vld [tilespmem:s29+$0x8040]  }
0x3f8: {  	v57 =	vld [tilespmem:s29+$0xA840]  }
0x3f9: {  	v58 =	vld [tilespmem:s29+$0x8050]  }
0x3fa: {  	v59 =	vld [tilespmem:s29+$0xA850]  }
0x3fb: {  	v60 =	vld [tilespmem:s29+$0x8060]  }
0x3fc: {  	v61 =	vld [tilespmem:s29+$0xA860]  }
0x3fd: {  	v62 =	vld [tilespmem:s29+$0x8070]  }
0x3fe: {  	v63 =	vld [tilespmem:s29+$0xA870];
	_ =	sdelay $0x1  }
0x3ff: {  	v1 =	vmul.f32 v2, v1;
	v2 =	vmul.f32 v52, v3  }
0x400: {  	v3 =	vmul.f32 v53, v5;
	v18 =	vmul.f32 v55, v54  }
0x401: {  	v19 =	vmul.f32 v57, v56;
	v20 =	vmul.f32 v59, v58  }
0x402: {  	v21 =	vmul.f32 v61, v60;
	v22 =	vmul.f32 v63, v62  }
0x403: {  	v23 =	vmov s31;
	v1 =	vadd.f32 v19, v1;
	v2 =	vadd.f32 v20, v2  }
0x404: {  	v5 =	vbroadcast v23, $0x0;
	v3 =	vadd.f32 v21, v3;
	v4 =	vadd.f32 v22, v18;
	_ =	sdelay $0x1  }
0x405: {  	v1 =	vadd.f32 v2, v1;
	v2 =	vadd.f32 v4, v3;
	_ =	sdelay $0x1  }
0x406: {  	v1 =	vadd.f32 v2, v1  }
0x407: {  	s30 =	sor.u32 $0x4, s0  }
0x408: {  	s31 =	sshll.u32 s30, $0x7;
	[tilespmem:v5+s22+$0x0] =	vst.idx.add.f32.msk $0xffff, v1  }
0x409: {  	v1 =	vld [tilespmem:s31+$0x8000]  }
0x40a: {  	v2 =	vld [tilespmem:s31+$0xA800]  }
0x40b: {  	v3 =	vld [tilespmem:s31+$0x8010]  }
0x40c: {  	v24 =	vld [tilespmem:s31+$0xA810]  }
0x40d: {  	v5 =	vld [tilespmem:s31+$0x8020]  }
0x40e: {  	v25 =	vld [tilespmem:s31+$0xA820]  }
0x40f: {  	v26 =	vld [tilespmem:s31+$0x8030]  }
0x410: {  	v27 =	vld [tilespmem:s31+$0xA830]  }
0x411: {  	v28 =	vld [tilespmem:s31+$0x8040]  }
0x412: {  	v29 =	vld [tilespmem:s31+$0xA840]  }
0x413: {  	v30 =	vld [tilespmem:s31+$0x8050]  }
0x414: {  	v31 =	vld [tilespmem:s31+$0xA850]  }
0x415: {  	v32 =	vld [tilespmem:s31+$0x8060]  }
0x416: {  	v33 =	vld [tilespmem:s31+$0xA860]  }
0x417: {  	v34 =	vld [tilespmem:s31+$0x8070]  }
0x418: {  	v35 =	vld [tilespmem:s31+$0xA870];
	_ =	sdelay $0x1  }
0x419: {  	v1 =	vmul.f32 v2, v1;
	v2 =	vmul.f32 v24, v3  }
0x41a: {  	v3 =	vmul.f32 v25, v5;
	v36 =	vmul.f32 v27, v26  }
0x41b: {  	v37 =	vmul.f32 v29, v28;
	v38 =	vmul.f32 v31, v30  }
0x41c: {  	v39 =	vmul.f32 v33, v32;
	v40 =	vmul.f32 v35, v34  }
0x41d: {  	v41 =	vmov s30;
	v1 =	vadd.f32 v37, v1;
	v2 =	vadd.f32 v38, v2  }
0x41e: {  	v5 =	vbroadcast v41, $0x0;
	v3 =	vadd.f32 v39, v3;
	v4 =	vadd.f32 v40, v36;
	_ =	sdelay $0x1  }
0x41f: {  	v1 =	vadd.f32 v2, v1;
	v2 =	vadd.f32 v4, v3;
	_ =	sdelay $0x1  }
0x420: {  	v1 =	vadd.f32 v2, v1  }
0x421: {  	s29 =	sor.u32 $0x5, s0  }
0x422: {  	s30 =	sshll.u32 s29, $0x7;
	[tilespmem:v5+s22+$0x0] =	vst.idx.add.f32.msk $0xffff, v1  }
0x423: {  	v1 =	vld [tilespmem:s30+$0x8000]  }
0x424: {  	v2 =	vld [tilespmem:s30+$0xA800]  }
0x425: {  	v3 =	vld [tilespmem:s30+$0x8010]  }
0x426: {  	v42 =	vld [tilespmem:s30+$0xA810]  }
0x427: {  	v5 =	vld [tilespmem:s30+$0x8020]  }
0x428: {  	v43 =	vld [tilespmem:s30+$0xA820]  }
0x429: {  	v44 =	vld [tilespmem:s30+$0x8030]  }
0x42a: {  	v45 =	vld [tilespmem:s30+$0xA830]  }
0x42b: {  	v46 =	vld [tilespmem:s30+$0x8040]  }
0x42c: {  	v47 =	vld [tilespmem:s30+$0xA840]  }
0x42d: {  	v48 =	vld [tilespmem:s30+$0x8050]  }
0x42e: {  	v49 =	vld [tilespmem:s30+$0xA850]  }
0x42f: {  	v50 =	vld [tilespmem:s30+$0x8060]  }
0x430: {  	v51 =	vld [tilespmem:s30+$0xA860]  }
0x431: {  	v52 =	vld [tilespmem:s30+$0x8070]  }
0x432: {  	v53 =	vld [tilespmem:s30+$0xA870];
	_ =	sdelay $0x1  }
0x433: {  	v1 =	vmul.f32 v2, v1;
	v2 =	vmul.f32 v42, v3  }
0x434: {  	v3 =	vmul.f32 v43, v5;
	v54 =	vmul.f32 v45, v44  }
0x435: {  	v55 =	vmul.f32 v47, v46;
	v56 =	vmul.f32 v49, v48  }
0x436: {  	v57 =	vmul.f32 v51, v50;
	v58 =	vmul.f32 v53, v52  }
0x437: {  	v59 =	vmov s29;
	v1 =	vadd.f32 v55, v1;
	v2 =	vadd.f32 v56, v2  }
0x438: {  	v5 =	vbroadcast v59, $0x0;
	v3 =	vadd.f32 v57, v3;
	v4 =	vadd.f32 v58, v54;
	_ =	sdelay $0x1  }
0x439: {  	v1 =	vadd.f32 v2, v1;
	v2 =	vadd.f32 v4, v3;
	_ =	sdelay $0x1  }
0x43a: {  	v1 =	vadd.f32 v2, v1  }
0x43b: {  	s31 =	sor.u32 $0x6, s0  }
0x43c: {  	s29 =	sshll.u32 s31, $0x7;
	[tilespmem:v5+s22+$0x0] =	vst.idx.add.f32.msk $0xffff, v1  }
0x43d: {  	v1 =	vld [tilespmem:s29+$0x8000]  }
0x43e: {  	v2 =	vld [tilespmem:s29+$0xA800]  }
0x43f: {  	v3 =	vld [tilespmem:s29+$0x8010]  }
0x440: {  	v60 =	vld [tilespmem:s29+$0xA810]  }
0x441: {  	v5 =	vld [tilespmem:s29+$0x8020]  }
0x442: {  	v61 =	vld [tilespmem:s29+$0xA820]  }
0x443: {  	v62 =	vld [tilespmem:s29+$0x8030]  }
0x444: {  	v63 =	vld [tilespmem:s29+$0xA830]  }
0x445: {  	v20 =	vld [tilespmem:s29+$0x8040]  }
0x446: {  	v21 =	vld [tilespmem:s29+$0xA840]  }
0x447: {  	v22 =	vld [tilespmem:s29+$0x8050]  }
0x448: {  	v23 =	vld [tilespmem:s29+$0xA850]  }
0x449: {  	v24 =	vld [tilespmem:s29+$0x8060]  }
0x44a: {  	v25 =	vld [tilespmem:s29+$0xA860]  }
0x44b: {  	v26 =	vld [tilespmem:s29+$0x8070]  }
0x44c: {  	v27 =	vld [tilespmem:s29+$0xA870];
	_ =	sdelay $0x1  }
0x44d: {  	v1 =	vmul.f32 v2, v1;
	v2 =	vmul.f32 v60, v3  }
0x44e: {  	v3 =	vmul.f32 v61, v5;
	v28 =	vmul.f32 v63, v62  }
0x44f: {  	v29 =	vmul.f32 v21, v20;
	v30 =	vmul.f32 v23, v22  }
0x450: {  	v31 =	vmul.f32 v25, v24;
	v32 =	vmul.f32 v27, v26  }
0x451: {  	v33 =	vmov s31;
	v1 =	vadd.f32 v29, v1;
	v2 =	vadd.f32 v30, v2  }
0x452: {  	v5 =	vbroadcast v33, $0x0;
	v3 =	vadd.f32 v31, v3;
	v4 =	vadd.f32 v32, v28;
	_ =	sdelay $0x1  }
0x453: {  	v1 =	vadd.f32 v2, v1;
	v2 =	vadd.f32 v4, v3;
	_ =	sdelay $0x1  }
0x454: {  	v1 =	vadd.f32 v2, v1  }
0x455: {  	s30 =	sor.u32 $0x7, s0  }
0x456: {  	s31 =	sshll.u32 s30, $0x7;
	[tilespmem:v5+s22+$0x0] =	vst.idx.add.f32.msk $0xffff, v1  }
0x457: {  	v1 =	vld [tilespmem:s31+$0x8000]  }
0x458: {  	v2 =	vld [tilespmem:s31+$0xA800]  }
0x459: {  	v3 =	vld [tilespmem:s31+$0x8010]  }
0x45a: {  	v34 =	vld [tilespmem:s31+$0xA810]  }
0x45b: {  	v5 =	vld [tilespmem:s31+$0x8020]  }
0x45c: {  	v35 =	vld [tilespmem:s31+$0xA820]  }
0x45d: {  	v36 =	vld [tilespmem:s31+$0x8030]  }
0x45e: {  	v37 =	vld [tilespmem:s31+$0xA830]  }
0x45f: {  	v38 =	vld [tilespmem:s31+$0x8040]  }
0x460: {  	v39 =	vld [tilespmem:s31+$0xA840]  }
0x461: {  	v40 =	vld [tilespmem:s31+$0x8050]  }
0x462: {  	v41 =	vld [tilespmem:s31+$0xA850]  }
0x463: {  	v42 =	vld [tilespmem:s31+$0x8060]  }
0x464: {  	v43 =	vld [tilespmem:s31+$0xA860]  }
0x465: {  	v44 =	vld [tilespmem:s31+$0x8070]  }
0x466: {  	v45 =	vld [tilespmem:s31+$0xA870];
	_ =	sdelay $0x1  }
0x467: {  	v1 =	vmul.f32 v2, v1;
	v2 =	vmul.f32 v34, v3  }
0x468: {  	v3 =	vmul.f32 v35, v5;
	v46 =	vmul.f32 v37, v36  }
0x469: {  	v47 =	vmul.f32 v39, v38;
	v48 =	vmul.f32 v41, v40  }
0x46a: {  	v49 =	vmul.f32 v43, v42;
	v50 =	vmul.f32 v45, v44  }
0x46b: {  	v51 =	vmov s30;
	v1 =	vadd.f32 v47, v1;
	v2 =	vadd.f32 v48, v2  }
0x46c: {  	v5 =	vbroadcast v51, $0x0;
	v3 =	vadd.f32 v49, v3;
	v4 =	vadd.f32 v50, v46;
	_ =	sdelay $0x1  }
0x46d: {  	v1 =	vadd.f32 v2, v1;
	v2 =	vadd.f32 v4, v3;
	_ =	sdelay $0x1  }
0x46e: {  	v1 =	vadd.f32 v2, v1  }
0x46f: {  	s29 =	sor.u32 $0x8, s0  }
0x470: {  	s30 =	sshll.u32 s29, $0x7;
	[tilespmem:v5+s22+$0x0] =	vst.idx.add.f32.msk $0xffff, v1  }
0x471: {  	v1 =	vld [tilespmem:s30+$0x8000]  }
0x472: {  	v2 =	vld [tilespmem:s30+$0xA800]  }
0x473: {  	v3 =	vld [tilespmem:s30+$0x8010]  }
0x474: {  	v52 =	vld [tilespmem:s30+$0xA810]  }
0x475: {  	v5 =	vld [tilespmem:s30+$0x8020]  }
0x476: {  	v53 =	vld [tilespmem:s30+$0xA820]  }
0x477: {  	v54 =	vld [tilespmem:s30+$0x8030]  }
0x478: {  	v55 =	vld [tilespmem:s30+$0xA830]  }
0x479: {  	v56 =	vld [tilespmem:s30+$0x8040]  }
0x47a: {  	v57 =	vld [tilespmem:s30+$0xA840]  }
0x47b: {  	v58 =	vld [tilespmem:s30+$0x8050]  }
0x47c: {  	v59 =	vld [tilespmem:s30+$0xA850]  }
0x47d: {  	v60 =	vld [tilespmem:s30+$0x8060]  }
0x47e: {  	v61 =	vld [tilespmem:s30+$0xA860]  }
0x47f: {  	v62 =	vld [tilespmem:s30+$0x8070]  }
0x480: {  	v63 =	vld [tilespmem:s30+$0xA870];
	_ =	sdelay $0x1  }
0x481: {  	v1 =	vmul.f32 v2, v1;
	v2 =	vmul.f32 v52, v3  }
0x482: {  	v3 =	vmul.f32 v53, v5;
	v20 =	vmul.f32 v55, v54  }
0x483: {  	v21 =	vmul.f32 v57, v56;
	v22 =	vmul.f32 v59, v58  }
0x484: {  	v23 =	vmul.f32 v61, v60;
	v24 =	vmul.f32 v63, v62  }
0x485: {  	v25 =	vmov s29;
	v1 =	vadd.f32 v21, v1;
	v2 =	vadd.f32 v22, v2  }
0x486: {  	v5 =	vbroadcast v25, $0x0;
	v3 =	vadd.f32 v23, v3;
	v4 =	vadd.f32 v24, v20;
	_ =	sdelay $0x1  }
0x487: {  	v1 =	vadd.f32 v2, v1;
	v2 =	vadd.f32 v4, v3;
	_ =	sdelay $0x1  }
0x488: {  	v1 =	vadd.f32 v2, v1  }
0x489: {  	s31 =	sor.u32 $0x9, s0  }
0x48a: {  	s29 =	sshll.u32 s31, $0x7;
	[tilespmem:v5+s22+$0x0] =	vst.idx.add.f32.msk $0xffff, v1  }
0x48b: {  	v1 =	vld [tilespmem:s29+$0x8000]  }
0x48c: {  	v2 =	vld [tilespmem:s29+$0xA800]  }
0x48d: {  	v3 =	vld [tilespmem:s29+$0x8010]  }
0x48e: {  	v26 =	vld [tilespmem:s29+$0xA810]  }
0x48f: {  	v5 =	vld [tilespmem:s29+$0x8020]  }
0x490: {  	v27 =	vld [tilespmem:s29+$0xA820]  }
0x491: {  	v28 =	vld [tilespmem:s29+$0x8030]  }
0x492: {  	v29 =	vld [tilespmem:s29+$0xA830]  }
0x493: {  	v30 =	vld [tilespmem:s29+$0x8040]  }
0x494: {  	v31 =	vld [tilespmem:s29+$0xA840]  }
0x495: {  	v32 =	vld [tilespmem:s29+$0x8050]  }
0x496: {  	v33 =	vld [tilespmem:s29+$0xA850]  }
0x497: {  	v34 =	vld [tilespmem:s29+$0x8060]  }
0x498: {  	v35 =	vld [tilespmem:s29+$0xA860]  }
0x499: {  	v36 =	vld [tilespmem:s29+$0x8070]  }
0x49a: {  	v37 =	vld [tilespmem:s29+$0xA870];
	_ =	sdelay $0x1  }
0x49b: {  	v1 =	vmul.f32 v2, v1;
	v2 =	vmul.f32 v26, v3  }
0x49c: {  	v3 =	vmul.f32 v27, v5;
	v38 =	vmul.f32 v29, v28  }
0x49d: {  	v39 =	vmul.f32 v31, v30;
	v40 =	vmul.f32 v33, v32  }
0x49e: {  	v41 =	vmul.f32 v35, v34;
	v42 =	vmul.f32 v37, v36  }
0x49f: {  	v43 =	vmov s31;
	v1 =	vadd.f32 v39, v1;
	v2 =	vadd.f32 v40, v2  }
0x4a0: {  	v5 =	vbroadcast v43, $0x0;
	v3 =	vadd.f32 v41, v3;
	v4 =	vadd.f32 v42, v38;
	_ =	sdelay $0x1  }
0x4a1: {  	v1 =	vadd.f32 v2, v1;
	v2 =	vadd.f32 v4, v3;
	_ =	sdelay $0x1  }
0x4a2: {  	v1 =	vadd.f32 v2, v1  }
0x4a3: {  	s30 =	sor.u32 $0xA, s0  }
0x4a4: {  	s31 =	sshll.u32 s30, $0x7;
	[tilespmem:v5+s22+$0x0] =	vst.idx.add.f32.msk $0xffff, v1  }
0x4a5: {  	v1 =	vld [tilespmem:s31+$0x8000]  }
0x4a6: {  	v2 =	vld [tilespmem:s31+$0xA800]  }
0x4a7: {  	v3 =	vld [tilespmem:s31+$0x8010]  }
0x4a8: {  	v44 =	vld [tilespmem:s31+$0xA810]  }
0x4a9: {  	v5 =	vld [tilespmem:s31+$0x8020]  }
0x4aa: {  	v45 =	vld [tilespmem:s31+$0xA820]  }
0x4ab: {  	v46 =	vld [tilespmem:s31+$0x8030]  }
0x4ac: {  	v47 =	vld [tilespmem:s31+$0xA830]  }
0x4ad: {  	v48 =	vld [tilespmem:s31+$0x8040]  }
0x4ae: {  	v49 =	vld [tilespmem:s31+$0xA840]  }
0x4af: {  	v50 =	vld [tilespmem:s31+$0x8050]  }
0x4b0: {  	v51 =	vld [tilespmem:s31+$0xA850]  }
0x4b1: {  	v52 =	vld [tilespmem:s31+$0x8060]  }
0x4b2: {  	v53 =	vld [tilespmem:s31+$0xA860]  }
0x4b3: {  	v54 =	vld [tilespmem:s31+$0x8070]  }
0x4b4: {  	v55 =	vld [tilespmem:s31+$0xA870];
	_ =	sdelay $0x1  }
0x4b5: {  	v1 =	vmul.f32 v2, v1;
	v2 =	vmul.f32 v44, v3  }
0x4b6: {  	v3 =	vmul.f32 v45, v5;
	v56 =	vmul.f32 v47, v46  }
0x4b7: {  	v57 =	vmul.f32 v49, v48;
	v58 =	vmul.f32 v51, v50  }
0x4b8: {  	v59 =	vmul.f32 v53, v52;
	v60 =	vmul.f32 v55, v54  }
0x4b9: {  	v61 =	vmov s30;
	v1 =	vadd.f32 v57, v1;
	v2 =	vadd.f32 v58, v2  }
0x4ba: {  	v5 =	vbroadcast v61, $0x0;
	v3 =	vadd.f32 v59, v3;
	v4 =	vadd.f32 v60, v56;
	_ =	sdelay $0x1  }
0x4bb: {  	v1 =	vadd.f32 v2, v1;
	v2 =	vadd.f32 v4, v3;
	_ =	sdelay $0x1  }
0x4bc: {  	v1 =	vadd.f32 v2, v1  }
0x4bd: {  	s29 =	sor.u32 $0xB, s0  }
0x4be: {  	s30 =	sshll.u32 s29, $0x7;
	[tilespmem:v5+s22+$0x0] =	vst.idx.add.f32.msk $0xffff, v1  }
0x4bf: {  	v1 =	vld [tilespmem:s30+$0x8000]  }
0x4c0: {  	v2 =	vld [tilespmem:s30+$0xA800]  }
0x4c1: {  	v3 =	vld [tilespmem:s30+$0x8010]  }
0x4c2: {  	v62 =	vld [tilespmem:s30+$0xA810]  }
0x4c3: {  	v5 =	vld [tilespmem:s30+$0x8020]  }
0x4c4: {  	v63 =	vld [tilespmem:s30+$0xA820]  }
0x4c5: {  	v20 =	vld [tilespmem:s30+$0x8030]  }
0x4c6: {  	v21 =	vld [tilespmem:s30+$0xA830]  }
0x4c7: {  	v22 =	vld [tilespmem:s30+$0x8040]  }
0x4c8: {  	v23 =	vld [tilespmem:s30+$0xA840]  }
0x4c9: {  	v24 =	vld [tilespmem:s30+$0x8050]  }
0x4ca: {  	v25 =	vld [tilespmem:s30+$0xA850]  }
0x4cb: {  	v26 =	vld [tilespmem:s30+$0x8060]  }
0x4cc: {  	v27 =	vld [tilespmem:s30+$0xA860]  }
0x4cd: {  	v28 =	vld [tilespmem:s30+$0x8070]  }
0x4ce: {  	v29 =	vld [tilespmem:s30+$0xA870];
	_ =	sdelay $0x1  }
0x4cf: {  	v1 =	vmul.f32 v2, v1;
	v2 =	vmul.f32 v62, v3  }
0x4d0: {  	v3 =	vmul.f32 v63, v5;
	v30 =	vmul.f32 v21, v20  }
0x4d1: {  	v31 =	vmul.f32 v23, v22;
	v32 =	vmul.f32 v25, v24  }
0x4d2: {  	v33 =	vmul.f32 v27, v26;
	v34 =	vmul.f32 v29, v28  }
0x4d3: {  	v35 =	vmov s29;
	v1 =	vadd.f32 v31, v1;
	v2 =	vadd.f32 v32, v2  }
0x4d4: {  	v5 =	vbroadcast v35, $0x0;
	v3 =	vadd.f32 v33, v3;
	v4 =	vadd.f32 v34, v30;
	_ =	sdelay $0x1  }
0x4d5: {  	v1 =	vadd.f32 v2, v1;
	v2 =	vadd.f32 v4, v3;
	_ =	sdelay $0x1  }
0x4d6: {  	v1 =	vadd.f32 v2, v1  }
0x4d7: {  	s31 =	sor.u32 $0xC, s0  }
0x4d8: {  	s29 =	sshll.u32 s31, $0x7;
	[tilespmem:v5+s22+$0x0] =	vst.idx.add.f32.msk $0xffff, v1  }
0x4d9: {  	v1 =	vld [tilespmem:s29+$0x8000]  }
0x4da: {  	v2 =	vld [tilespmem:s29+$0xA800]  }
0x4db: {  	v3 =	vld [tilespmem:s29+$0x8010]  }
0x4dc: {  	v36 =	vld [tilespmem:s29+$0xA810]  }
0x4dd: {  	v5 =	vld [tilespmem:s29+$0x8020]  }
0x4de: {  	v37 =	vld [tilespmem:s29+$0xA820]  }
0x4df: {  	v38 =	vld [tilespmem:s29+$0x8030]  }
0x4e0: {  	v39 =	vld [tilespmem:s29+$0xA830]  }
0x4e1: {  	v40 =	vld [tilespmem:s29+$0x8040]  }
0x4e2: {  	v41 =	vld [tilespmem:s29+$0xA840]  }
0x4e3: {  	v42 =	vld [tilespmem:s29+$0x8050]  }
0x4e4: {  	v43 =	vld [tilespmem:s29+$0xA850]  }
0x4e5: {  	v44 =	vld [tilespmem:s29+$0x8060]  }
0x4e6: {  	v45 =	vld [tilespmem:s29+$0xA860]  }
0x4e7: {  	v46 =	vld [tilespmem:s29+$0x8070]  }
0x4e8: {  	v47 =	vld [tilespmem:s29+$0xA870];
	_ =	sdelay $0x1  }
0x4e9: {  	v1 =	vmul.f32 v2, v1;
	v2 =	vmul.f32 v36, v3  }
0x4ea: {  	v3 =	vmul.f32 v37, v5;
	v48 =	vmul.f32 v39, v38  }
0x4eb: {  	v49 =	vmul.f32 v41, v40;
	v50 =	vmul.f32 v43, v42  }
0x4ec: {  	v51 =	vmul.f32 v45, v44;
	v52 =	vmul.f32 v47, v46  }
0x4ed: {  	v53 =	vmov s31;
	v1 =	vadd.f32 v49, v1;
	v2 =	vadd.f32 v50, v2  }
0x4ee: {  	v5 =	vbroadcast v53, $0x0;
	v3 =	vadd.f32 v51, v3;
	v4 =	vadd.f32 v52, v48;
	_ =	sdelay $0x1  }
0x4ef: {  	v1 =	vadd.f32 v2, v1;
	v2 =	vadd.f32 v4, v3;
	_ =	sdelay $0x1  }
0x4f0: {  	v1 =	vadd.f32 v2, v1  }
0x4f1: {  	s30 =	sor.u32 $0xD, s0  }
0x4f2: {  	s31 =	sshll.u32 s30, $0x7;
	[tilespmem:v5+s22+$0x0] =	vst.idx.add.f32.msk $0xffff, v1  }
0x4f3: {  	v1 =	vld [tilespmem:s31+$0x8000]  }
0x4f4: {  	v2 =	vld [tilespmem:s31+$0xA800]  }
0x4f5: {  	v3 =	vld [tilespmem:s31+$0x8010]  }
0x4f6: {  	v54 =	vld [tilespmem:s31+$0xA810]  }
0x4f7: {  	v5 =	vld [tilespmem:s31+$0x8020]  }
0x4f8: {  	v55 =	vld [tilespmem:s31+$0xA820]  }
0x4f9: {  	v56 =	vld [tilespmem:s31+$0x8030]  }
0x4fa: {  	v57 =	vld [tilespmem:s31+$0xA830]  }
0x4fb: {  	v58 =	vld [tilespmem:s31+$0x8040]  }
0x4fc: {  	v59 =	vld [tilespmem:s31+$0xA840]  }
0x4fd: {  	v60 =	vld [tilespmem:s31+$0x8050]  }
0x4fe: {  	v61 =	vld [tilespmem:s31+$0xA850]  }
0x4ff: {  	v62 =	vld [tilespmem:s31+$0x8060]  }
0x500: {  	v63 =	vld [tilespmem:s31+$0xA860]  }
0x501: {  	v20 =	vld [tilespmem:s31+$0x8070]  }
0x502: {  	v21 =	vld [tilespmem:s31+$0xA870];
	_ =	sdelay $0x1  }
0x503: {  	v1 =	vmul.f32 v2, v1;
	v2 =	vmul.f32 v54, v3  }
0x504: {  	v3 =	vmul.f32 v55, v5;
	v22 =	vmul.f32 v57, v56  }
0x505: {  	v23 =	vmul.f32 v59, v58;
	v24 =	vmul.f32 v61, v60  }
0x506: {  	v25 =	vmul.f32 v63, v62;
	v26 =	vmul.f32 v21, v20  }
0x507: {  	v27 =	vmov s30;
	v1 =	vadd.f32 v23, v1;
	v2 =	vadd.f32 v24, v2  }
0x508: {  	v5 =	vbroadcast v27, $0x0;
	v3 =	vadd.f32 v25, v3;
	v4 =	vadd.f32 v26, v22;
	_ =	sdelay $0x1  }
0x509: {  	v1 =	vadd.f32 v2, v1;
	v2 =	vadd.f32 v4, v3;
	_ =	sdelay $0x1  }
0x50a: {  	v1 =	vadd.f32 v2, v1  }
0x50b: {  	s0 =	sor.u32 $0xE, s0  }
0x50c: {  	s29 =	sshll.u32 s0, $0x7;
	[tilespmem:v5+s22+$0x0] =	vst.idx.add.f32.msk $0xffff, v1  }
0x50d: {  	v1 =	vld [tilespmem:s29+$0x8000]  }
0x50e: {  	v2 =	vld [tilespmem:s29+$0xA800]  }
0x50f: {  	v3 =	vld [tilespmem:s29+$0x8010]  }
0x510: {  	v28 =	vld [tilespmem:s29+$0xA810]  }
0x511: {  	v5 =	vld [tilespmem:s29+$0x8020]  }
0x512: {  	v29 =	vld [tilespmem:s29+$0xA820]  }
0x513: {  	v30 =	vld [tilespmem:s29+$0x8030]  }
0x514: {  	v31 =	vld [tilespmem:s29+$0xA830]  }
0x515: {  	v32 =	vld [tilespmem:s29+$0x8040]  }
0x516: {  	v33 =	vld [tilespmem:s29+$0xA840]  }
0x517: {  	v34 =	vld [tilespmem:s29+$0x8050]  }
0x518: {  	v35 =	vld [tilespmem:s29+$0xA850]  }
0x519: {  	v36 =	vld [tilespmem:s29+$0x8060]  }
0x51a: {  	v37 =	vld [tilespmem:s29+$0xA860]  }
0x51b: {  	v38 =	vld [tilespmem:s29+$0x8070]  }
0x51c: {  	v39 =	vld [tilespmem:s29+$0xA870];
	_ =	sdelay $0x1  }
0x51d: {  	v1 =	vmul.f32 v2, v1;
	v2 =	vmul.f32 v28, v3  }
0x51e: {  	v3 =	vmul.f32 v29, v5;
	v40 =	vmul.f32 v31, v30  }
0x51f: {  	v41 =	vmul.f32 v33, v32;
	v42 =	vmul.f32 v35, v34  }
0x520: {  	v43 =	vmul.f32 v37, v36;
	v44 =	vmul.f32 v39, v38  }
0x521: {  	v45 =	vmov s0;
	v1 =	vadd.f32 v41, v1;
	v2 =	vadd.f32 v42, v2  }
0x522: {  	v5 =	vbroadcast v45, $0x0;
	v3 =	vadd.f32 v43, v3;
	v4 =	vadd.f32 v44, v40;
	_ =	sdelay $0x1  }
0x523: {  	v1 =	vadd.f32 v2, v1;
	v2 =	vadd.f32 v4, v3;
	_ =	sdelay $0x1  }
0x524: {  	v1 =	vadd.f32 v2, v1  }
0x525: {  	s30 =	sshllo.u32 s2, $0x4  }
0x526: {  	s31 =	sshll.u32 s30, $0x7;
	[tilespmem:v5+s22+$0x0] =	vst.idx.add.f32.msk $0xffff, v1  }
0x527: {  	v1 =	vld [tilespmem:s31+$0x8000]  }
0x528: {  	v2 =	vld [tilespmem:s31+$0xA800]  }
0x529: {  	v3 =	vld [tilespmem:s31+$0x8010]  }
0x52a: {  	v46 =	vld [tilespmem:s31+$0xA810]  }
0x52b: {  	v5 =	vld [tilespmem:s31+$0x8020]  }
0x52c: {  	v47 =	vld [tilespmem:s31+$0xA820]  }
0x52d: {  	v48 =	vld [tilespmem:s31+$0x8030]  }
0x52e: {  	v49 =	vld [tilespmem:s31+$0xA830]  }
0x52f: {  	v50 =	vld [tilespmem:s31+$0x8040]  }
0x530: {  	v51 =	vld [tilespmem:s31+$0xA840]  }
0x531: {  	v52 =	vld [tilespmem:s31+$0x8050]  }
0x532: {  	v53 =	vld [tilespmem:s31+$0xA850]  }
0x533: {  	v54 =	vld [tilespmem:s31+$0x8060]  }
0x534: {  	v55 =	vld [tilespmem:s31+$0xA860]  }
0x535: {  	v56 =	vld [tilespmem:s31+$0x8070]  }
0x536: {  	v57 =	vld [tilespmem:s31+$0xA870];
	_ =	sdelay $0x1  }
0x537: {  	v1 =	vmul.f32 v2, v1;
	v2 =	vmul.f32 v46, v3  }
0x538: {  	v3 =	vmul.f32 v47, v5;
	v58 =	vmul.f32 v49, v48  }
0x539: {  	v59 =	vmul.f32 v51, v50;
	v60 =	vmul.f32 v53, v52  }
0x53a: {  	v61 =	vmul.f32 v55, v54;
	v62 =	vmul.f32 v57, v56  }
0x53b: {  	v1 =	vadd.f32 v59, v1;
	v2 =	vadd.f32 v60, v2  }
0x53c: {  	v3 =	vadd.f32 v61, v3;
	v4 =	vadd.f32 v62, v58  }
0x53d: {  	p0 =	sne.s32 s2, $0x4;
	v63 =	vmov s30  }
.Ltmp3:
0x53e: {  	v1 =	vadd.f32 v2, v1;
	v2 =	vadd.f32 v4, v3;
	(pc) =	sbr.rel @p0 .LBB2_8-.Ltmp3, $3  }
0x53f: {  	_ = 	snop  }
0x540: {  	v1 =	vadd.f32 v2, v1;
	_ =	sdelay $0x1  }
0x541: {  	s2 =	sadd.s32 $0x1, s2;
	[tilespmem:v63+s22+$0x0] =	vst.idx.add.f32.msk $0xffff, v1  }
0x542: {  	[hbm4b:s10+s5] =	stream.linear.scatter [tilespmem:s22], [sflag:$0x3], $0x50, $0x38;
	[tilespmem:$0x12100] =	vst v63  }
0x543: {  	s28 =	sadd.s32 $0x1, s28  }
0x544: {  	_ =	swait.ge [sflag:s25], $0x50;
	p0 =	sne.s32 s28, s11  }
.Ltmp4:
0x545: {  	[sflag:s25] =	ssyncset.done $0x0;
	(pc) =	sbr.rel @p0 .LBB2_1-.Ltmp4, $4  }
0x546: {  	[sflag:s25] =	ssyncadd.s32 $0xFFFFFFB0  }
0x547: {  	_ =	swait.ge [sflag:s26], $0x50  }
0x548: {  	[sflag:s26] =	ssyncset.done $0x0  }
0x549: {  	[sflag:s26] =	ssyncadd.s32 $0xFFFFFFB0  }
0x54a: {  	_ =	sfence.sel $0x180000  }
0x54b: {  	[bflag:$0x0] =	sbarrier.arrive $0xFFFF  }
0x54c: {  	_ =	strace $0x90000047  }
0x54d: {  	s0 =	stileid.u32;
	[bflag:$0x2] =	sbarrier.arrive $0xFFFF  }
0x54e: {  	p0 =	sne.s32 s0, $0x0;
	s0 =	rddreg [dreg:$0x4]  }
0x54f: {  	s0 =	sadd.s32 @!p0 $0x100000, s0  }
0x550: {  	[sflag:s0] =	ssyncadd.tile.s32 @!p0 $0x1;
	_ =	shalt  }
.Lfunc_end2:
_tile_overlayer_lowered:
.L_overlay_start_2:
0x551: {  	(tag) =	ssettag $0x2  }
0x552: {  	s0 =	rddreg [dreg:$0x0];
	s2 =	stileid.u32  }
0x553: {  	s1 =	rddreg [dreg:$0x1];
	p0 =	sne.s32 s2, $0x0  }
0x554: {  	s3 =	rddreg [dreg:$0x2];
	[bflag:$0x3] =	sbarrier.arrive $0xFFFF;
	s2 =	simm.s32 @!p0 $0x1C05  }
0x555: {  	[timem:s3], [sflag:s2] =	dma.local @!p0 [hbm:s0], s1  }
0x556: {  	s0 =	simm.s32 @!p0 $0x5  }
0x557: {  	_ =	swait.ge @!p0 [sflag:s0], s1  }
0x558: {  	s1 =	ssub.s32 @!p0 $0x0, s1;
	[sflag:s0] =	ssyncset.done @!p0 $0x0  }
0x559: {  	[sflag:s0] =	ssyncadd.s32 @!p0 s1  }
0x55a: {  	[bflag:$0x3] =	sbarrier.arrive $0xFFFF  }
0x55b: {  	_ =	shalt  }

</sc_bundles>
